<compile_context>
chip_gen: v7x
topology: tpu7x:2x2x1
jax: 0.10.2.dev20260603
libtpu: 0.0.44.dev20260713+nightly
codegen_flags: <defaults>
</compile_context>

<pallas_src>
import functools

import jax
import jax.numpy as jnp
import numpy as np
from jax import lax
from jax.experimental import pallas as pl
from jax.experimental.pallas import tpu as pltpu
from jax.experimental.pallas import tpu_sc as plsc

N_NODES = 10000
N_REL = 64
IN_DIM = 128
REL_DIM = 64
NHID = 16
NHEADS = 2
D1 = NHID * NHEADS
N_EDGES = 160000
BATCH = 8192
ALPHA = 0.2
EPS = 1e-5
FILT_W = 9
OUT_CH = 32
CONV_W = D1 - FILT_W + 1
NCR = OUT_CH * CONV_W

EB = 1280
NBE = N_EDGES // EB
PW = 128
TW = 128
NPAD = 10240
CH = 128
F32 = jnp.float32

_INTERPRET = False


def _leaky(x):
    return jnp.where(x > 0, x, ALPHA * x)


def _elu(x):
    return jnp.where(x > 0, x, jnp.exp(jnp.minimum(x, 0.0)) - 1.0)


def _pc(body, out_shape, **kw):
    return pl.pallas_call(body, out_shape=out_shape, interpret=_INTERPRET, **kw)


def _k1_body(e_ref, asrc_ref, adst_ref, we_ref, went_ref, rel_ref, arel_ref,
             w1_ref, oar_ref, tsrc_ref, tdst_ref, ew_ref, re_ref,
             r1p_ref):
    e = e_ref[...]
    nrm = jnp.sqrt(jnp.sum(e * e, axis=1, keepdims=True))
    ent = e / jnp.maximum(nrm, 1e-12)
    dot = functools.partial(jnp.dot, preferred_element_type=F32)
    ue = dot(ent, we_ref[...])
    pad = jnp.zeros((N_NODES, TW - 2 * D1), F32)
    tsrc_ref[...] = jnp.concatenate([dot(ent, asrc_ref[...]), ue, pad], axis=1)
    tdst_ref[...] = jnp.concatenate([dot(ent, adst_ref[...]), ue, pad], axis=1)
    ew_ref[...] = dot(ent, went_ref[...])
    rel = rel_ref[...]
    re_ref[...] = dot(rel, arel_ref[...])
    r1p_ref[...] = dot(dot(rel, w1_ref[...]), oar_ref[...])


def _k1(ent_emb, asrc, adst, we, went, rel, arel, w1, oar):
    outs = (
        jax.ShapeDtypeStruct((N_NODES, TW), F32),
        jax.ShapeDtypeStruct((N_NODES, TW), F32),
        jax.ShapeDtypeStruct((N_NODES, D1), F32),
        jax.ShapeDtypeStruct((N_REL, D1), F32),
        jax.ShapeDtypeStruct((N_REL, D1), F32),
    )
    return _pc(_k1_body, outs)(ent_emb, asrc, adst, we, went, rel, arel, w1,
                               oar)


def _att_edge_body(gs_ref, gd_ref, tf_ref, retab_ref, a2m_ref, hmap_ref,
                   pay_ref):
    em = gs_ref[:, :D1] + gd_ref[:, :D1]
    tf = tf_ref[...]
    oh = jnp.where(
        tf == lax.broadcasted_iota(jnp.int32, (EB, N_REL), 1).astype(F32),
        1.0, 0.0)
    dot = functools.partial(jnp.dot, preferred_element_type=F32)
    em = em + dot(oh, retab_ref[...])
    s = dot(em, a2m_ref[...])
    ee = jnp.exp(-_leaky(s))
    mult = dot(ee, hmap_ref[...])
    nh = ee.shape[1]
    pay_ref[...] = jnp.concatenate(
        [em * mult, ee, jnp.zeros((EB, PW - D1 - nh), F32)], axis=1)


def _att_edge(gs, gd, tf, retab, a2m, hmap):
    nh = a2m.shape[1]
    grid = (NBE,)
    return _pc(
        _att_edge_body,
        jax.ShapeDtypeStruct((N_EDGES, PW), F32),
        grid=grid,
        in_specs=[
            pl.BlockSpec((EB, TW), lambda i: (i, 0)),
            pl.BlockSpec((EB, TW), lambda i: (i, 0)),
            pl.BlockSpec((EB, 1), lambda i: (i, 0)),
            pl.BlockSpec((N_REL, D1), lambda i: (0, 0)),
            pl.BlockSpec((D1, nh), lambda i: (0, 0)),
            pl.BlockSpec((nh, D1), lambda i: (0, 0)),
        ],
        out_specs=pl.BlockSpec((EB, PW), lambda i: (i, 0)),
    )(gs, gd, tf, retab, a2m, hmap)


def _k4_body(acc_ref, oas_ref, oad_ref, xs_ref, xd_ref):
    a = acc_ref[0] + acc_ref[1]
    hp0 = a[:, :NHID] / (a[:, D1:D1 + 1] + 1e-12)
    hp1 = a[:, NHID:D1] / (a[:, D1 + 1:D1 + 2] + 1e-12)
    x = _elu(jnp.concatenate([hp0, hp1], axis=1))
    dot = functools.partial(jnp.dot, preferred_element_type=F32)
    pad = jnp.zeros((NPAD, TW - D1), F32)
    xs_ref[...] = jnp.concatenate([dot(x, oas_ref[...]), pad], axis=1)
    xd_ref[...] = jnp.concatenate([dot(x, oad_ref[...]), pad], axis=1)


def _k4(acc1, oas, oad):
    outs = (jax.ShapeDtypeStruct((NPAD, TW), F32),
            jax.ShapeDtypeStruct((NPAD, TW), F32))
    return _pc(_k4_body, outs)(acc1, oas, oad)


def _k8_body(acc_ref, ew_ref, out_ref):
    a = (acc_ref[0] + acc_ref[1])[:N_NODES]
    hp = a[:, :D1] / (a[:, D1:D1 + 1] + 1e-12)
    mask = jnp.minimum(a[:, 64:65], 1.0)
    oe = ew_ref[...] + mask * _elu(hp)
    nrm = jnp.sqrt(jnp.sum(oe * oe, axis=1, keepdims=True))
    out_ref[...] = oe / jnp.maximum(nrm, 1e-12)


def _k8(acc2, ew):
    return _pc(_k8_body, jax.ShapeDtypeStruct((N_NODES, D1), F32))(acc2, ew)


def _conv_t(gs, gd, i32eye, mp, bp):
    dot = functools.partial(jax.lax.dot_general,
                            preferred_element_type=F32)
    h = gs[:, D1:2 * D1]
    t = gd[:, D1:2 * D1]
    hT = dot(i32eye, h, dimension_numbers=(((1,), (1,)), ((), ())))
    kT = dot(mp, t, dimension_numbers=(((1,), (1,)), ((), ()))) + bp
    rows = []
    for o in range(OUT_CH):
        accum = None
        for w in range(FILT_W):
            term = hT[w:w + CONV_W, :] * kT[w * OUT_CH + o:w * OUT_CH + o + 1, :]
            accum = term if accum is None else accum + term
        rows.append(accum)
    crT = jnp.concatenate(rows, axis=0)
    return hT, kT, crT


def _ah1_body(gs_ref, gd_ref, tf_ref, retab_ref, a2m_ref, hmap_ref,
              i32_ref, mp_ref, bp_ref, s_ref,
              pay_ref, ht_ref, st768_ref, st32_ref, a768_ref, a32_ref):
    i = pl.program_id(0)

    @pl.when(i == 0)
    def _init():
        a768_ref[...] = jnp.zeros_like(a768_ref)
        a32_ref[...] = jnp.zeros_like(a32_ref)

    gs = gs_ref[...]
    gd = gd_ref[...]

    em = gs[:, :D1] + gd[:, :D1]
    tf = tf_ref[...]
    oh = jnp.where(
        tf == lax.broadcasted_iota(jnp.int32, (EB, N_REL), 1).astype(F32),
        1.0, 0.0)
    dotp = functools.partial(jnp.dot, preferred_element_type=F32)
    em = em + dotp(oh, retab_ref[...])
    s = dotp(em, a2m_ref[...])
    ee = jnp.exp(-_leaky(s))
    mult = dotp(ee, hmap_ref[...])
    nh = ee.shape[1]
    pay_ref[...] = jnp.concatenate(
        [em * mult, ee, jnp.zeros((EB, PW - D1 - nh), F32)], axis=1)

    ht_ref[...] = jnp.concatenate(
        [gs[:, D1:2 * D1], gd[:, D1:2 * D1]], axis=1)

    hT, kT, crT = _conv_t(gs, gd, i32_ref[...], mp_ref[...], bp_ref[...])
    dot = functools.partial(jax.lax.dot_general, preferred_element_type=F32)
    smat = s_ref[...]
    crj = dot(smat, crT, dimension_numbers=(((1,), (0,)), ((), ())))
    ksumT = jnp.zeros((OUT_CH, EB), F32)
    for w in range(FILT_W):
        ksumT = ksumT + kT[w * OUT_CH:(w + 1) * OUT_CH, :]
    a1 = jnp.sum(crj, axis=1, keepdims=True)
    a2v = jnp.sum(crT * crT, axis=1, keepdims=True)
    x1 = jnp.sum(crj * ksumT, axis=1, keepdims=True)
    k1v = jnp.sum(ksumT, axis=1, keepdims=True)
    k2v = jnp.sum(ksumT * ksumT, axis=1, keepdims=True)
    hs1 = jnp.sum(hT)
    hs2 = jnp.sum(hT * hT)
    riota = lax.broadcasted_iota(jnp.int32, (OUT_CH, 1), 0)
    hcol = jnp.where(riota == 0, hs1, jnp.where(riota == 1, hs2, 0.0))
    a768_ref[...] += jnp.concatenate(
        [jnp.zeros((NCR, 1), F32), a2v], axis=1)
    a32_ref[...] += jnp.concatenate([a1, x1, k1v, k2v, hcol], axis=1)

    @pl.when(i == NBE - 1)
    def _fin():
        st768_ref[...] = a768_ref[...]
        st32_ref[...] = a32_ref[...]


def _ah1(gs, gd, tf, retab, a2m, hmap, i32eye, mp, bp, smat):
    nh = a2m.shape[1]
    outs = (jax.ShapeDtypeStruct((N_EDGES, PW), F32),
            jax.ShapeDtypeStruct((N_EDGES, 2 * D1), F32),
            jax.ShapeDtypeStruct((NCR, 2), F32),
            jax.ShapeDtypeStruct((OUT_CH, 5), F32))
    return _pc(
        _ah1_body, outs,
        grid=(NBE,),
        in_specs=[
            pl.BlockSpec((EB, TW), lambda i: (i, 0)),
            pl.BlockSpec((EB, TW), lambda i: (i, 0)),
            pl.BlockSpec((EB, 1), lambda i: (i, 0)),
            pl.BlockSpec((N_REL, D1), lambda i: (0, 0)),
            pl.BlockSpec((D1, nh), lambda i: (0, 0)),
            pl.BlockSpec((nh, D1), lambda i: (0, 0)),
            pl.BlockSpec((D1, D1), lambda i: (0, 0)),
            pl.BlockSpec((FILT_W * OUT_CH, D1), lambda i: (0, 0)),
            pl.BlockSpec((FILT_W * OUT_CH, 1), lambda i: (0, 0)),
            pl.BlockSpec((OUT_CH, NCR), lambda i: (0, 0)),
        ],
        out_specs=(pl.BlockSpec((EB, PW), lambda i: (i, 0)),
                   pl.BlockSpec((EB, 2 * D1), lambda i: (i, 0)),
                   pl.BlockSpec((NCR, 2), lambda i: (0, 0)),
                   pl.BlockSpec((OUT_CH, 5), lambda i: (0, 0))),
        scratch_shapes=[pltpu.VMEM((NCR, 2), F32),
                        pltpu.VMEM((OUT_CH, 5), F32)],
    )(gs, gd, tf, retab, a2m, hmap, i32eye, mp, bp, smat)


def _kh0_body(st768_ref, st32_ref, s_ref, fr_ref, f1s_ref, jr_ref, fcbr_ref,
              bnp_ref, gm_ref):
    dot = functools.partial(jax.lax.dot_general, preferred_element_type=F32)
    smat = s_ref[...]
    a2 = dot(smat, st768_ref[:, 1:2], dimension_numbers=(((1,), (0,)), ((), ())))
    st32 = st32_ref[...]
    a1 = st32[:, 0:1]
    x1 = st32[:, 1:2]
    k1v = st32[:, 2:3]
    k2v = st32[:, 3:4]
    riota = lax.broadcasted_iota(jnp.int32, (OUT_CH, 1), 0)
    hs1 = jnp.sum(jnp.where(riota == 0, st32[:, 4:5], 0.0))
    hs2 = jnp.sum(jnp.where(riota == 1, st32[:, 4:5], 0.0))
    nh = float(N_EDGES * D1)
    mu0 = hs1 / nh
    v0 = hs2 / nh - mu0 * mu0
    bnp = bnp_ref[...]
    g1 = bnp[:, 0:1]
    b1 = bnp[:, 1:2]
    g0 = jnp.sum(jnp.where(riota == 0, bnp[:, 2:3], 0.0))
    b0 = jnp.sum(jnp.where(riota == 0, bnp[:, 3:4], 0.0))
    alpha = g0 / jnp.sqrt(v0 + EPS)
    beta0 = b0 - alpha * mu0
    m1 = float(N_EDGES * CONV_W)
    s1 = alpha * a1 + CONV_W * beta0 * k1v
    s2 = (alpha * alpha * a2 + 2.0 * alpha * beta0 * x1
          + CONV_W * beta0 * beta0 * k2v)
    mu1 = s1 / m1
    v1 = s2 / m1 - mu1 * mu1
    sc = g1 / jnp.sqrt(v1 + EPS)
    c1 = b1 - sc * mu1
    fr_sc = fr_ref[...] * sc
    gshift = jnp.zeros((D1 + 1, D1 * D1), F32)
    colsum = jnp.zeros((D1 + 1, NCR), F32)
    for w in range(FILT_W):
        term = dot(f1s_ref[pl.ds(w * (D1 + 1), D1 + 1), :], fr_sc,
                   dimension_numbers=(((1,), (0,)), ((), ())))
        colsum = colsum + term
        gshift = gshift + jnp.pad(
            term, ((0, 0), (D1 * w, D1 * D1 - NCR - D1 * w)))
    jred = dot(colsum, jr_ref[...],
               dimension_numbers=(((1,), (0,)), ((), ())))
    wjt2 = dot(fr_ref[...], jr_ref[...],
               dimension_numbers=(((1,), (0,)), ((), ())))
    cvrow = dot(c1, wjt2,
                dimension_numbers=(((0,), (0,)), ((), ()))) + fcbr_ref[...]
    citer = lax.broadcasted_iota(jnp.int32, (D1 + 1, 1), 0)
    cvblk = jnp.where(citer == D1, 1.0, 0.0) * cvrow
    gm_ref[...] = jnp.concatenate(
        [alpha * gshift, beta0 * jred + cvblk], axis=1)


def _kh0(st768, st32, smat, fr, f1s, jr, fcbr, bnp):
    return _pc(_kh0_body,
               jax.ShapeDtypeStruct((D1 + 1, D1 * (D1 + 1)), F32))(
        st768, st32, smat, fr, f1s, jr, fcbr, bnp)


def _h23_body(ht_ref, i32_ref, gm2_ref, tf_ref, bn2_ref, i64_ref, rel_ref,
              outT_s, st2_s, racc_ref, cacc_ref):
    i = pl.program_id(0)
    dot = functools.partial(jax.lax.dot_general, preferred_element_type=F32)

    @pl.when(i == 0)
    def _init():
        st2_s[...] = jnp.zeros_like(st2_s)
        racc_ref[...] = jnp.zeros_like(racc_ref)
        cacc_ref[...] = jnp.zeros_like(cacc_ref)

    @pl.when(i < NBE)
    def _apply():
        ht = ht_ref[...]
        eye = i32_ref[...]
        hT = dot(eye, ht[:, :D1], dimension_numbers=(((1,), (1,)), ((), ())))
        tT = dot(eye, ht[:, D1:], dimension_numbers=(((1,), (1,)), ((), ())))
        ones = jnp.ones((1, EB), F32)
        haT = jnp.concatenate([hT, ones], axis=0)
        taT = jnp.concatenate([tT, ones], axis=0)
        pt = jnp.concatenate(
            [taT * haT[m:m + 1, :] for m in range(D1 + 1)], axis=0)
        outT = dot(gm2_ref[...], pt,
                   dimension_numbers=(((0,), (0,)), ((), ())))
        outT_s[:, pl.ds(i * EB, EB)] = outT
        s1 = jnp.sum(outT, axis=1, keepdims=True)
        s2 = jnp.sum(outT * outT, axis=1, keepdims=True)
        st2_s[...] += jnp.concatenate([s1, s2], axis=1)

    @pl.when(i >= NBE)
    def _reduce():
        j = i - NBE
        st2 = st2_s[...]
        mu2 = st2[:, 0:1] / float(N_EDGES)
        v2 = st2[:, 1:2] / float(N_EDGES) - mu2 * mu2
        sc2 = bn2_ref[:, 0:1] / jnp.sqrt(v2 + EPS)
        b2 = bn2_ref[:, 1:2]
        outT = outT_s[:, pl.ds(j * EB, EB)]
        val = jnp.maximum((outT - mu2) * sc2 + b2, 0.0)
        tf = tf_ref[...]
        oh = jnp.where(
            tf == lax.broadcasted_iota(jnp.int32, (EB, N_REL), 1).astype(F32),
            1.0, 0.0)
        racc_ref[...] += dot(val, oh,
                             dimension_numbers=(((1,), (0,)), ((), ())))
        cacc_ref[0:1, :] += jnp.sum(oh, axis=0, keepdims=True)

    @pl.when(i == 2 * NBE - 1)
    def _fin():
        cnt = jnp.maximum(cacc_ref[0:1, :], 1.0)
        rm = racc_ref[...] / cnt
        nrm = jnp.sqrt(jnp.sum(rm * rm, axis=0, keepdims=True))
        rn = rm / jnp.maximum(nrm, 1e-12)
        rel_ref[...] = dot(i64_ref[...], rn,
                           dimension_numbers=(((1,), (1,)), ((), ())))


def _h23(ht, i32eye, gm2, tf, bn2, i64eye):
    return _pc(
        _h23_body,
        jax.ShapeDtypeStruct((N_REL, D1), F32),
        grid=(2 * NBE,),
        in_specs=[
            pl.BlockSpec((EB, 2 * D1), lambda i: (jnp.minimum(i, NBE - 1), 0)),
            pl.BlockSpec((D1, D1), lambda i: (0, 0)),
            pl.BlockSpec(((D1 + 1) * (D1 + 1), D1), lambda i: (0, 0)),
            pl.BlockSpec((EB, 1), lambda i: (jnp.maximum(i - NBE, 0), 0)),
            pl.BlockSpec((D1, 2), lambda i: (0, 0)),
            pl.BlockSpec((N_REL, N_REL), lambda i: (0, 0)),
        ],
        out_specs=pl.BlockSpec((N_REL, D1), lambda i: (0, 0)),
        scratch_shapes=[pltpu.VMEM((D1, N_EDGES), F32),
                        pltpu.VMEM((D1, 2), F32),
                        pltpu.VMEM((D1, N_REL), F32),
                        pltpu.VMEM((8, N_REL), F32)],
    )(ht, i32eye, gm2, tf, bn2, i64eye)


def _sc_gather(table, idx):
    n, d = table.shape
    e = idx.shape[0]
    nch = e // CH
    base_n = nch // 32
    rem = nch % 32
    mesh = plsc.VectorSubcoreMesh(core_axis_name="c", subcore_axis_name="s")

    @functools.partial(
        pl.kernel, mesh=mesh,
        out_type=jax.ShapeDtypeStruct((e, d), F32),
        scratch_types=[pltpu.VMEM((CH,), jnp.int32),
                       pltpu.VMEM((CH, d), F32),
                       pltpu.SemaphoreType.DMA],
    )
    def k(table_hbm, idx_hbm, out_hbm, idx_v, rows_v, sem):
        wid = lax.axis_index("s") * 2 + lax.axis_index("c")

        def chunk(c):
            off = c * CH
            pltpu.sync_copy(idx_hbm.at[pl.ds(off, CH)], idx_v)
            pltpu.async_copy(table_hbm.at[idx_v], rows_v, sem).wait()
            pltpu.sync_copy(rows_v, out_hbm.at[pl.ds(off, CH)])

        def body(t, carry):
            chunk(t * 32 + wid)
            return carry

        lax.fori_loop(0, base_n, body, 0)
        if rem:
            @pl.when(wid < rem)
            def _tail():
                chunk(base_n * 32 + wid)

    return k(table, idx)


def _sc_gather2(tab_a, idx_a, tab_b, idx_b):
    n, d = tab_a.shape
    e = idx_a.shape[0]
    nch = e // CH
    base_n = nch // 32
    rem = nch % 32
    mesh = plsc.VectorSubcoreMesh(core_axis_name="c", subcore_axis_name="s")

    @functools.partial(
        pl.kernel, mesh=mesh,
        out_type=(jax.ShapeDtypeStruct((e, d), F32),
                  jax.ShapeDtypeStruct((e, d), F32)),
        scratch_types=[pltpu.VMEM((CH,), jnp.int32),
                       pltpu.VMEM((CH, d), F32),
                       pltpu.SemaphoreType.DMA],
    )
    def k(ta_hbm, ia_hbm, tb_hbm, ib_hbm, oa_hbm, ob_hbm, idx_v, rows_v, sem):
        wid = lax.axis_index("s") * 2 + lax.axis_index("c")

        def one(t_hbm, i_hbm, o_hbm, off):
            pltpu.sync_copy(i_hbm.at[pl.ds(off, CH)], idx_v)
            pltpu.async_copy(t_hbm.at[idx_v], rows_v, sem).wait()
            pltpu.sync_copy(rows_v, o_hbm.at[pl.ds(off, CH)])

        def chunk(c):
            off = c * CH
            one(ta_hbm, ia_hbm, oa_hbm, off)
            one(tb_hbm, ib_hbm, ob_hbm, off)

        def body(t, carry):
            chunk(t * 32 + wid)
            return carry

        lax.fori_loop(0, base_n, body, 0)
        if rem:
            @pl.when(wid < rem)
            def _tail():
                chunk(base_n * 32 + wid)

    return k(tab_a, idx_a, tab_b, idx_b)


def _sc_scatter_add(vals, idx, n):
    e, d = vals.shape
    nch = e // CH
    base_n = nch // 32
    rem = nch % 32
    rows_t = n // 16
    mesh = plsc.VectorSubcoreMesh(core_axis_name="c", subcore_axis_name="s")
    zeros = jnp.zeros((n, d), F32)

    @functools.partial(
        pl.kernel, mesh=mesh,
        out_type=jax.ShapeDtypeStruct((2, n, d), F32),
        scratch_types=[pltpu.VMEM((CH,), jnp.int32),
                       pltpu.VMEM((CH, d), F32),
                       pltpu.VMEM_SHARED((n, d), F32)],
    )
    def k(vals_hbm, idx_hbm, zero_hbm, out_hbm, idx_v, rows_v, acc_sh):
        cid = lax.axis_index("c")
        sid = lax.axis_index("s")
        wid = sid * 2 + cid
        pltpu.sync_copy(zero_hbm.at[pl.ds(sid * rows_t, rows_t)],
                        acc_sh.at[pl.ds(sid * rows_t, rows_t)])
        plsc.subcore_barrier()

        def chunk(c):
            off = c * CH
            pltpu.sync_copy(idx_hbm.at[pl.ds(off, CH)], idx_v)
            pltpu.sync_copy(vals_hbm.at[pl.ds(off, CH)], rows_v)
            pltpu.sync_copy(rows_v, acc_sh.at[idx_v], add=True)

        def body(t, carry):
            chunk(t * 32 + wid)
            return carry

        lax.fori_loop(0, base_n, body, 0)
        if rem:
            @pl.when(wid < rem)
            def _tail():
                chunk(base_n * 32 + wid)

        plsc.subcore_barrier()
        pltpu.sync_copy(acc_sh.at[pl.ds(sid * rows_t, rows_t)],
                        out_hbm.at[cid].at[pl.ds(sid * rows_t, rows_t)])

    return k(vals, idx, zeros)


def _sc_scatter_add2(vals, idx, vals2, idx2, n):
    e, d = vals.shape
    nch = e // CH
    base_n = nch // 32
    rem = nch % 32
    e2 = vals2.shape[0]
    nch2 = e2 // CH
    base2 = nch2 // 32
    rem2 = nch2 % 32
    rows_t = n // 16
    mesh = plsc.VectorSubcoreMesh(core_axis_name="c", subcore_axis_name="s")
    zeros = jnp.zeros((n, d), F32)

    @functools.partial(
        pl.kernel, mesh=mesh,
        out_type=jax.ShapeDtypeStruct((2, n, d), F32),
        scratch_types=[pltpu.VMEM((CH,), jnp.int32),
                       pltpu.VMEM((CH, d), F32),
                       pltpu.VMEM_SHARED((n, d), F32)],
    )
    def k(vals_hbm, idx_hbm, v2_hbm, i2_hbm, zero_hbm, out_hbm,
          idx_v, rows_v, acc_sh):
        cid = lax.axis_index("c")
        sid = lax.axis_index("s")
        wid = sid * 2 + cid
        pltpu.sync_copy(zero_hbm.at[pl.ds(sid * rows_t, rows_t)],
                        acc_sh.at[pl.ds(sid * rows_t, rows_t)])
        plsc.subcore_barrier()

        def chunk(v_hbm, i_hbm, c):
            off = c * CH
            pltpu.sync_copy(i_hbm.at[pl.ds(off, CH)], idx_v)
            pltpu.sync_copy(v_hbm.at[pl.ds(off, CH)], rows_v)
            pltpu.sync_copy(rows_v, acc_sh.at[idx_v], add=True)

        def body(t, carry):
            chunk(vals_hbm, idx_hbm, t * 32 + wid)
            return carry

        lax.fori_loop(0, base_n, body, 0)
        if rem:
            @pl.when(wid < rem)
            def _tail():
                chunk(vals_hbm, idx_hbm, base_n * 32 + wid)

        def body2(t, carry):
            chunk(v2_hbm, i2_hbm, t * 32 + wid)
            return carry

        lax.fori_loop(0, base2, body2, 0)
        if rem2:
            @pl.when(wid < rem2)
            def _tail2():
                chunk(v2_hbm, i2_hbm, base2 * 32 + wid)

        plsc.subcore_barrier()
        pltpu.sync_copy(acc_sh.at[pl.ds(sid * rows_t, rows_t)],
                        out_hbm.at[cid].at[pl.ds(sid * rows_t, rows_t)])

    return k(vals, idx, vals2, idx2, zeros)


def _emu_scatter(vals, idx, n):
    out = jnp.zeros((2, n, vals.shape[1]), F32)
    return out.at[0].set(jax.ops.segment_sum(vals, idx, num_segments=n))


def kernel(edge_list, edge_type, batch_inputs, params):
    p = params
    src = edge_list[0].astype(jnp.int32)
    dst = edge_list[1].astype(jnp.int32)
    tf = edge_type.astype(F32).reshape(N_EDGES, 1)

    aa = p['att_a']
    asrc = jnp.concatenate([aa[0, :, :IN_DIM], aa[1, :, :IN_DIM]], 0).T
    adst = jnp.concatenate([aa[0, :, IN_DIM:2 * IN_DIM],
                            aa[1, :, IN_DIM:2 * IN_DIM]], 0).T
    arel = jnp.concatenate([aa[0, :, 2 * IN_DIM:], aa[1, :, 2 * IN_DIM:]], 0).T
    a2 = p['att_a2']
    a2m = jnp.zeros((D1, NHEADS), F32)
    a2m = a2m.at[:NHID, 0].set(a2[0, 0]).at[NHID:, 1].set(a2[1, 0])
    hmap = jnp.zeros((NHEADS, D1), F32)
    hmap = hmap.at[0, :NHID].set(1.0).at[1, NHID:].set(1.0)
    oa = p['out_a']
    oas, oad, oar = oa[:, :D1].T, oa[:, D1:2 * D1].T, oa[:, 2 * D1:].T
    oa2m = p['out_a2'].T
    h1map = jnp.ones((1, D1), F32)
    mp = p['fc1_w'].T.reshape(OUT_CH, FILT_W, D1).transpose(1, 0, 2) \
        .reshape(FILT_W * OUT_CH, D1)
    bp = p['fc1_b'].reshape(OUT_CH, FILT_W).T.reshape(FILT_W * OUT_CH, 1)
    i32eye = jnp.eye(D1, dtype=F32)
    i64eye = jnp.eye(N_REL, dtype=F32)
    smat = jnp.kron(jnp.eye(OUT_CH, dtype=F32), jnp.ones((1, CONV_W), F32))
    fr = p['fc_w'].reshape(OUT_CH, CONV_W * D1)
    f1aug = jnp.concatenate([p['fc1_w'], p['fc1_b'].reshape(1, -1)], axis=0)
    f1s = f1aug.reshape(D1 + 1, OUT_CH, FILT_W).transpose(2, 0, 1).reshape(
        FILT_W * (D1 + 1), OUT_CH)
    jr = jnp.tile(jnp.eye(D1, dtype=F32), (CONV_W, 1))
    fcbr = p['fc_b'].reshape(1, D1)
    bnp = jnp.concatenate([
        p['bn1_g'].reshape(OUT_CH, 1), p['bn1_b'].reshape(OUT_CH, 1),
        jnp.full((OUT_CH, 1), p['bn0_g'][0]),
        jnp.full((OUT_CH, 1), p['bn0_b'][0])], axis=1)
    bn2 = jnp.concatenate([p['bn2_g'].reshape(D1, 1),
                           p['bn2_b'].reshape(D1, 1)], axis=1)

    tsrc, tdst, ew, re, r1p = _k1(
        p['entity_embeddings'], asrc, adst, p['W_E'], p['W_entities'],
        p['relation_embeddings'], arel, p['W_1'], oar)

    gs, gd = _sc_gather2(tsrc, src, tdst, dst)

    pay1, ht, st768, st32 = _ah1(gs, gd, tf, re, a2m, hmap, i32eye, mp, bp,
                                 smat)
    acc1 = _sc_scatter_add(pay1, src, NPAD)
    xs, xd = _k4(acc1, oas, oad)

    gs2, gd2 = _sc_gather2(xs, src, xd, dst)
    pay2 = _att_edge(gs2, gd2, tf, r1p, oa2m, h1map)
    mones = jnp.zeros((BATCH, PW), F32).at[:, 64].set(1.0)
    tgt = batch_inputs[:, 2].astype(jnp.int32)
    acc2 = _sc_scatter_add2(pay2, src, mones, tgt, NPAD)

    out_entity = _k8(acc2, ew)

    gm = _kh0(st768, st32, smat, fr, f1s, jr, fcbr, bnp)
    gm2 = gm.reshape(D1 + 1, D1 + 1, D1).transpose(1, 0, 2).reshape(
        (D1 + 1) * (D1 + 1), D1)
    out_relation = _h23(ht, i32eye, gm2, tf, bn2, i64eye)

    return (out_entity, out_relation)

# --- scband reference (transcript-rebuilt; emitter-appended) ---
"""Pipeline reference for scband-sp-kbgatmodified-12730283066033 (READ-ONLY COPY).

The authoritative reference and input builder live on the scoring server;
editing this copy changes nothing except your own understanding.
"""

import jax, jax.numpy as jnp
import numpy as np

N_NODES = 10000
N_REL = 64
IN_DIM = 128
REL_DIM = 64
NHID = 16
NHEADS = 2
D1 = NHID * NHEADS
N_EDGES = 160000
BATCH = 8192
ALPHA = 0.2
EPS = 1e-5
FILT_W = 9
OUT_CH = 32
CONV_W = D1 - FILT_W + 1


def setup_inputs(seed: int = 0):
    key = jax.random.key(seed)
    ks = jax.random.split(key, 24)
    edge_list = jax.random.randint(ks[0], (2, N_EDGES), 0, N_NODES)
    edge_type = jax.random.randint(ks[1], (N_EDGES,), 0, N_REL)
    batch_inputs = jax.random.randint(ks[2], (BATCH, 3), 0, N_NODES)
    params = {
        'entity_embeddings': jax.random.normal(ks[3], (N_NODES, IN_DIM)) * 0.1,
        'relation_embeddings': jax.random.normal(ks[4], (N_REL, REL_DIM)) * 0.1,
        'att_a': jax.random.normal(ks[5], (NHEADS, NHID, 2 * IN_DIM + REL_DIM)) * 0.05,
        'att_a2': jax.random.normal(ks[6], (NHEADS, 1, NHID)) * 0.05,
        'out_a': jax.random.normal(ks[7], (D1, 3 * D1)) * 0.05,
        'out_a2': jax.random.normal(ks[8], (1, D1)) * 0.05,
        'W_1': jax.random.normal(ks[9], (REL_DIM, D1)) * 0.05,
        'W_entities': jax.random.normal(ks[10], (IN_DIM, D1)) * 0.05,
        'W_E': jax.random.normal(ks[11], (IN_DIM, D1)) * 0.05,
        'fc1_w': jax.random.normal(ks[12], (D1, OUT_CH * FILT_W)) * 0.05,
        'fc1_b': jnp.zeros((OUT_CH * FILT_W,)),
        'fc_w': jax.random.normal(ks[13], (CONV_W * OUT_CH, D1)) * 0.05,
        'fc_b': jnp.zeros((D1,)),
        'bn0_g': jnp.ones((1,)), 'bn0_b': jnp.zeros((1,)),
        'bn1_g': jnp.ones((OUT_CH,)), 'bn1_b': jnp.zeros((OUT_CH,)),
        'bn2_g': jnp.ones((D1,)), 'bn2_b': jnp.zeros((D1,)),
    }
    return {'edge_list': edge_list, 'edge_type': edge_type, 'batch_inputs': batch_inputs, 'params': params}


def _leaky(x):
    return jnp.where(x > 0, x, ALPHA * x)


def _l2norm(x):
    return x / jnp.maximum(jnp.linalg.norm(x, axis=1, keepdims=True), 1e-12)


def _sp_att(h, edge, edge_embed, a, a2, concat):
    # KBGAT SpGraphAttentionLayer: per-edge feature = [h_src, h_dst, rel], 1x1 conv (a),
    # scalar score (a2), exp(-leakyrelu), scatter-add softmax-style aggregation by edge[0].
    eh = jnp.concatenate([h[edge[0]], h[edge[1]], edge_embed], axis=1)
    em = eh @ a.T
    powers = -_leaky(em @ a2.T)
    ee = jnp.exp(powers[:, 0])
    rowsum = jax.ops.segment_sum(ee, edge[0], num_segments=h.shape[0])
    hp = jax.ops.segment_sum(ee[:, None] * em, edge[0], num_segments=h.shape[0])
    hp = hp / (rowsum[:, None] + 1e-12)
    return jax.nn.elu(hp) if concat else hp


def _hyper(ent, edge, p):
    # HypER: per-edge hypernetwork conv. head is convolved with a 1x9 kernel generated
    # from tail via fc1 (grouped conv with E groups), then BN + fc + BN + relu.
    ue = ent @ p['W_E']
    head = ue[edge[0]]
    tail = ue[edge[1]]
    mu0 = head.mean()
    v0 = head.var()
    x = (head - mu0) / jnp.sqrt(v0 + EPS) * p['bn0_g'][0] + p['bn0_b'][0]
    k = (tail @ p['fc1_w'] + p['fc1_b']).reshape(-1, OUT_CH, FILT_W)
    idx = jnp.arange(CONV_W)[:, None] + jnp.arange(FILT_W)[None, :]
    xw = x[:, idx]
    conv = jnp.einsum('ejw,eow->eoj', xw, k)
    mu1 = conv.mean(axis=(0, 2), keepdims=True)
    v1 = conv.var(axis=(0, 2), keepdims=True)
    conv = (conv - mu1) / jnp.sqrt(v1 + EPS) * p['bn1_g'][None, :, None] + p['bn1_b'][None, :, None]
    flat = conv.reshape(conv.shape[0], -1)
    out = flat @ p['fc_w'] + p['fc_b']
    mu2 = out.mean(axis=0)
    v2 = out.var(axis=0)
    out = (out - mu2) / jnp.sqrt(v2 + EPS) * p['bn2_g'] + p['bn2_b']
    return jax.nn.relu(out)


def _forward(edge_list, edge_type, batch_inputs, p):
    ent = _l2norm(p['entity_embeddings'])
    rel = p['relation_embeddings']
    edge_embed = rel[edge_type]
    heads = [_sp_att(ent, edge_list, edge_embed, p['att_a'][i], p['att_a2'][i], True) for i in range(NHEADS)]
    x = jnp.concatenate(heads, axis=1)
    rel1 = (rel @ p['W_1'])[edge_type]
    out_entity_1 = jax.nn.elu(_sp_att(x, edge_list, rel1, p['out_a'], p['out_a2'], False))
    hyper_out = _hyper(ent, edge_list, p)
    rel_sum = jax.ops.segment_sum(hyper_out, edge_type, num_segments=N_REL)
    counts = jnp.maximum(jnp.bincount(edge_type, length=N_REL), 1).astype(jnp.float32)
    out_relation = rel_sum / counts[:, None]
    mask = jnp.zeros((N_NODES,), jnp.float32).at[batch_inputs[:, 2]].set(1.0)
    out_entity = ent @ p['W_entities'] + mask[:, None] * out_entity_1
    return (_l2norm(out_entity), _l2norm(out_relation))


def reference(edge_list, edge_type, batch_inputs, params):
    return _forward(edge_list, edge_type, batch_inputs, params)

if __name__ == "__main__":
    import jax
    _d = setup_inputs()
    print(jax.jit(kernel)(*tuple(_d.values())))

</pallas_src>

<mosaic_0001>
#map = affine_map<(d0, d1) -> (0, 0)>
#map1 = affine_map<(d0, d1) -> (0)>
#map2 = affine_map<(d0, d1) -> (0, 0, 0)>
module attributes {stable_mosaic.version = 14 : i64} {
  func.func @k(%arg0: i32, %arg1: i32, %arg2: memref<160000x128xf32, #tpu.memory_space<hbm>>, %arg3: memref<160000xi32, #tpu.memory_space<hbm>>, %arg4: memref<8192x128xf32, #tpu.memory_space<hbm>>, %arg5: memref<8192xi32, #tpu.memory_space<hbm>>, %arg6: memref<10240x128xf32, #tpu.memory_space<hbm>>, %arg7: memref<2x10240x128xf32, #tpu.memory_space<hbm>>, %arg8: memref<128xi32, #tpu.memory_space<vmem>>, %arg9: memref<128x128xf32, #tpu.memory_space<vmem>>, %arg10: memref<10240x128xf32, #tpu.memory_space<vmem_shared>>) attributes {dimension_semantics = [#tpu.dimension_semantics<core_parallel>, #tpu.dimension_semantics<subcore_parallel>], iteration_bounds = array<i64: 2, 16>, scalar_prefetch = 0 : i64, scratch_operands = 3 : i64, tpu.core_type = #tpu.core_type<sc_vector_subcore>, window_params = [{transform_indices = #map}, {transform_indices = #map1}, {transform_indices = #map}, {transform_indices = #map1}, {transform_indices = #map}, {transform_indices = #map2}]} {
    %mul3A = arith.constant 2 : i32
    %mul3A_0 = arith.muli %arg1, %mul3A : i32
    %add3A = arith.addi %mul3A_0, %arg0 : i32
    %mul3A_1 = arith.constant 640 : i32
    %mul3A_2 = arith.muli %arg1, %mul3A_1 : i32
    %mul3A_3 = arith.constant 640 : i32
    %mul3A_4 = arith.muli %arg1, %mul3A_3 : i32
    "tpu.region"() ({
      %run_scoped3A = tpu.sem_alloc : memref<!tpu.dma_semaphore, #tpu.memory_space<semaphore_mem>>
      %dma_start3A = arith.constant 0 : i32
      %dma_start3A_23 = tpu.memref_slice %arg10[%mul3A_4, %dma_start3A] : memref<10240x128xf32, #tpu.memory_space<vmem_shared>> -> memref<640x128xf32, #tpu.memory_space<vmem_shared>>
      %dma_start3A_24 = arith.constant 0 : i32
      %dma_start3A_25 = tpu.memref_slice %arg6[%mul3A_2, %dma_start3A_24] : memref<10240x128xf32, #tpu.memory_space<hbm>> -> memref<640x128xf32, #tpu.memory_space<hbm>>
      tpu.enqueue_dma source(%dma_start3A_25 : memref<640x128xf32, #tpu.memory_space<hbm>>) target(%dma_start3A_23 : memref<640x128xf32, #tpu.memory_space<vmem_shared>>) target_semaphore(%run_scoped3A : memref<!tpu.dma_semaphore, #tpu.memory_space<semaphore_mem>>)
      %dma_wait3A = arith.constant 0 : i32
      %dma_wait3A_26 = tpu.memref_slice %arg10[%mul3A_4, %dma_wait3A] : memref<10240x128xf32, #tpu.memory_space<vmem_shared>> -> memref<640x128xf32, #tpu.memory_space<vmem_shared>>
      %dma_wait3A_27 = arith.constant 0 : i32
      %dma_wait3A_28 = tpu.memref_slice %arg6[%mul3A_2, %dma_wait3A_27] : memref<10240x128xf32, #tpu.memory_space<hbm>> -> memref<640x128xf32, #tpu.memory_space<hbm>>
      tpu.wait_dma2 semaphore(%run_scoped3A : memref<!tpu.dma_semaphore, #tpu.memory_space<semaphore_mem>>) src(%dma_wait3A_28 : memref<640x128xf32, #tpu.memory_space<hbm>>) dst(%dma_wait3A_26 : memref<640x128xf32, #tpu.memory_space<vmem_shared>>)
      tpu.yield
    }) : () -> ()
    %barrier3A = arith.constant 0 : index
    tpu.barrier barrier_id(%barrier3A)
    %scan3A = arith.constant 0 : i32
    %scan3A_5 = arith.constant 0 : i32
    %scan3A_6 = arith.constant 39 : i32
    %scan3A_7 = arith.addi %scan3A_5, %scan3A_6 : i32
    %scan3A_8 = arith.constant 1 : i32
    scf.for %scan3A_23 = %scan3A_5 to %scan3A_7 step %scan3A_8  : i32 {
      %mul3A_24 = arith.constant 32 : i32
      %mul3A_25 = arith.muli %scan3A_23, %mul3A_24 : i32
      %add3A_26 = arith.addi %mul3A_25, %add3A : i32
      %mul3A_27 = arith.constant 128 : i32
      %mul3A_28 = arith.muli %add3A_26, %mul3A_27 : i32
      "tpu.region"() ({
        %run_scoped3A = tpu.sem_alloc : memref<!tpu.dma_semaphore, #tpu.memory_space<semaphore_mem>>
        %dma_start3A = tpu.memref_slice %arg3[%mul3A_28] : memref<160000xi32, #tpu.memory_space<hbm>> -> memref<128xi32, #tpu.memory_space<hbm>>
        %dma_start3A_29 = tpu.memref_slice %arg3[%mul3A_28] : memref<160000xi32, #tpu.memory_space<hbm>> -> memref<128xi32, #tpu.memory_space<hbm>>
        tpu.enqueue_dma source(%dma_start3A_29 : memref<128xi32, #tpu.memory_space<hbm>>) target(%arg8 : memref<128xi32, #tpu.memory_space<vmem>>) target_semaphore(%run_scoped3A : memref<!tpu.dma_semaphore, #tpu.memory_space<semaphore_mem>>)
        %dma_wait3A = tpu.memref_slice %arg3[%mul3A_28] : memref<160000xi32, #tpu.memory_space<hbm>> -> memref<128xi32, #tpu.memory_space<hbm>>
        %dma_wait3A_30 = tpu.memref_slice %arg3[%mul3A_28] : memref<160000xi32, #tpu.memory_space<hbm>> -> memref<128xi32, #tpu.memory_space<hbm>>
        tpu.wait_dma2 semaphore(%run_scoped3A : memref<!tpu.dma_semaphore, #tpu.memory_space<semaphore_mem>>) src(%dma_wait3A_30 : memref<128xi32, #tpu.memory_space<hbm>>) dst(%arg8 : memref<128xi32, #tpu.memory_space<vmem>>)
        tpu.yield
      }) : () -> ()
      "tpu.region"() ({
        %run_scoped3A = tpu.sem_alloc : memref<!tpu.dma_semaphore, #tpu.memory_space<semaphore_mem>>
        %dma_start3A = arith.constant 0 : i32
        %dma_start3A_29 = tpu.memref_slice %arg2[%mul3A_28, %dma_start3A] : memref<160000x128xf32, #tpu.memory_space<hbm>> -> memref<128x128xf32, #tpu.memory_space<hbm>>
        %dma_start3A_30 = arith.constant 0 : i32
        %dma_start3A_31 = tpu.memref_slice %arg2[%mul3A_28, %dma_start3A_30] : memref<160000x128xf32, #tpu.memory_space<hbm>> -> memref<128x128xf32, #tpu.memory_space<hbm>>
        tpu.enqueue_dma source(%dma_start3A_31 : memref<128x128xf32, #tpu.memory_space<hbm>>) target(%arg9 : memref<128x128xf32, #tpu.memory_space<vmem>>) target_semaphore(%run_scoped3A : memref<!tpu.dma_semaphore, #tpu.memory_space<semaphore_mem>>)
        %dma_wait3A = arith.constant 0 : i32
        %dma_wait3A_32 = tpu.memref_slice %arg2[%mul3A_28, %dma_wait3A] : memref<160000x128xf32, #tpu.memory_space<hbm>> -> memref<128x128xf32, #tpu.memory_space<hbm>>
        %dma_wait3A_33 = arith.constant 0 : i32
        %dma_wait3A_34 = tpu.memref_slice %arg2[%mul3A_28, %dma_wait3A_33] : memref<160000x128xf32, #tpu.memory_space<hbm>> -> memref<128x128xf32, #tpu.memory_space<hbm>>
        tpu.wait_dma2 semaphore(%run_scoped3A : memref<!tpu.dma_semaphore, #tpu.memory_space<semaphore_mem>>) src(%dma_wait3A_34 : memref<128x128xf32, #tpu.memory_space<hbm>>) dst(%arg9 : memref<128x128xf32, #tpu.memory_space<vmem>>)
        tpu.yield
      }) : () -> ()
      "tpu.region"() ({
        %run_scoped3A = tpu.sem_alloc : memref<!tpu.dma_semaphore, #tpu.memory_space<semaphore_mem>>
        %dma_start3A = arith.constant 0 : i32
        %dma_start3A_29 = arith.constant 0 : i32
        %dma_start3A_30 = tpu.memref_slice %arg10[%dma_start3A, %dma_start3A_29] : memref<10240x128xf32, #tpu.memory_space<vmem_shared>> -> memref<10240x128xf32, #tpu.memory_space<vmem_shared>>
        tpu.enqueue_indirect_dma source(%arg9 : memref<128x128xf32, #tpu.memory_space<vmem>>) target(%dma_start3A_30 : memref<10240x128xf32, #tpu.memory_space<vmem_shared>>) offsets(%arg8 : memref<128xi32, #tpu.memory_space<vmem>>) semaphore(%run_scoped3A : memref<!tpu.dma_semaphore, #tpu.memory_space<semaphore_mem>>) {add = true}
        %dma_wait3A = arith.constant 0 : i32
        %dma_wait3A_31 = arith.constant 0 : i32
        %dma_wait3A_32 = tpu.memref_slice %arg10[%dma_wait3A, %dma_wait3A_31] : memref<10240x128xf32, #tpu.memory_space<vmem_shared>> -> memref<10240x128xf32, #tpu.memory_space<vmem_shared>>
        tpu.wait_indirect_dma semaphore(%run_scoped3A : memref<!tpu.dma_semaphore, #tpu.memory_space<semaphore_mem>>) src(%arg9 : memref<128x128xf32, #tpu.memory_space<vmem>>) dst(%dma_wait3A_32 : memref<10240x128xf32, #tpu.memory_space<vmem_shared>>)
        tpu.yield
      }) : () -> ()
    }
    %scan3A_9 = arith.constant 39 : i32
    %lt3A = arith.constant 2 : i32
    %lt3A_10 = arith.cmpi slt, %add3A, %lt3A : i32
    %convert_element_type3A = arith.extui %lt3A_10 : i1 to i32
    %cond3A = arith.constant 0 : i32
    %cond3A_11 = arith.cmpi ne, %convert_element_type3A, %cond3A : i32
    scf.if %cond3A_11 {
      %add3A_23 = arith.constant 1248 : i32
      %add3A_24 = arith.addi %add3A_23, %add3A : i32
      %mul3A_25 = arith.constant 128 : i32
      %mul3A_26 = arith.muli %add3A_24, %mul3A_25 : i32
      "tpu.region"() ({
        %run_scoped3A = tpu.sem_alloc : memref<!tpu.dma_semaphore, #tpu.memory_space<semaphore_mem>>
        %dma_start3A = tpu.memref_slice %arg3[%mul3A_26] : memref<160000xi32, #tpu.memory_space<hbm>> -> memref<128xi32, #tpu.memory_space<hbm>>
        %dma_start3A_27 = tpu.memref_slice %arg3[%mul3A_26] : memref<160000xi32, #tpu.memory_space<hbm>> -> memref<128xi32, #tpu.memory_space<hbm>>
        tpu.enqueue_dma source(%dma_start3A_27 : memref<128xi32, #tpu.memory_space<hbm>>) target(%arg8 : memref<128xi32, #tpu.memory_space<vmem>>) target_semaphore(%run_scoped3A : memref<!tpu.dma_semaphore, #tpu.memory_space<semaphore_mem>>)
        %dma_wait3A = tpu.memref_slice %arg3[%mul3A_26] : memref<160000xi32, #tpu.memory_space<hbm>> -> memref<128xi32, #tpu.memory_space<hbm>>
        %dma_wait3A_28 = tpu.memref_slice %arg3[%mul3A_26] : memref<160000xi32, #tpu.memory_space<hbm>> -> memref<128xi32, #tpu.memory_space<hbm>>
        tpu.wait_dma2 semaphore(%run_scoped3A : memref<!tpu.dma_semaphore, #tpu.memory_space<semaphore_mem>>) src(%dma_wait3A_28 : memref<128xi32, #tpu.memory_space<hbm>>) dst(%arg8 : memref<128xi32, #tpu.memory_space<vmem>>)
        tpu.yield
      }) : () -> ()
      "tpu.region"() ({
        %run_scoped3A = tpu.sem_alloc : memref<!tpu.dma_semaphore, #tpu.memory_space<semaphore_mem>>
        %dma_start3A = arith.constant 0 : i32
        %dma_start3A_27 = tpu.memref_slice %arg2[%mul3A_26, %dma_start3A] : memref<160000x128xf32, #tpu.memory_space<hbm>> -> memref<128x128xf32, #tpu.memory_space<hbm>>
        %dma_start3A_28 = arith.constant 0 : i32
        %dma_start3A_29 = tpu.memref_slice %arg2[%mul3A_26, %dma_start3A_28] : memref<160000x128xf32, #tpu.memory_space<hbm>> -> memref<128x128xf32, #tpu.memory_space<hbm>>
        tpu.enqueue_dma source(%dma_start3A_29 : memref<128x128xf32, #tpu.memory_space<hbm>>) target(%arg9 : memref<128x128xf32, #tpu.memory_space<vmem>>) target_semaphore(%run_scoped3A : memref<!tpu.dma_semaphore, #tpu.memory_space<semaphore_mem>>)
        %dma_wait3A = arith.constant 0 : i32
        %dma_wait3A_30 = tpu.memref_slice %arg2[%mul3A_26, %dma_wait3A] : memref<160000x128xf32, #tpu.memory_space<hbm>> -> memref<128x128xf32, #tpu.memory_space<hbm>>
        %dma_wait3A_31 = arith.constant 0 : i32
        %dma_wait3A_32 = tpu.memref_slice %arg2[%mul3A_26, %dma_wait3A_31] : memref<160000x128xf32, #tpu.memory_space<hbm>> -> memref<128x128xf32, #tpu.memory_space<hbm>>
        tpu.wait_dma2 semaphore(%run_scoped3A : memref<!tpu.dma_semaphore, #tpu.memory_space<semaphore_mem>>) src(%dma_wait3A_32 : memref<128x128xf32, #tpu.memory_space<hbm>>) dst(%arg9 : memref<128x128xf32, #tpu.memory_space<vmem>>)
        tpu.yield
      }) : () -> ()
      "tpu.region"() ({
        %run_scoped3A = tpu.sem_alloc : memref<!tpu.dma_semaphore, #tpu.memory_space<semaphore_mem>>
        %dma_start3A = arith.constant 0 : i32
        %dma_start3A_27 = arith.constant 0 : i32
        %dma_start3A_28 = tpu.memref_slice %arg10[%dma_start3A, %dma_start3A_27] : memref<10240x128xf32, #tpu.memory_space<vmem_shared>> -> memref<10240x128xf32, #tpu.memory_space<vmem_shared>>
        tpu.enqueue_indirect_dma source(%arg9 : memref<128x128xf32, #tpu.memory_space<vmem>>) target(%dma_start3A_28 : memref<10240x128xf32, #tpu.memory_space<vmem_shared>>) offsets(%arg8 : memref<128xi32, #tpu.memory_space<vmem>>) semaphore(%run_scoped3A : memref<!tpu.dma_semaphore, #tpu.memory_space<semaphore_mem>>) {add = true}
        %dma_wait3A = arith.constant 0 : i32
        %dma_wait3A_29 = arith.constant 0 : i32
        %dma_wait3A_30 = tpu.memref_slice %arg10[%dma_wait3A, %dma_wait3A_29] : memref<10240x128xf32, #tpu.memory_space<vmem_shared>> -> memref<10240x128xf32, #tpu.memory_space<vmem_shared>>
        tpu.wait_indirect_dma semaphore(%run_scoped3A : memref<!tpu.dma_semaphore, #tpu.memory_space<semaphore_mem>>) src(%arg9 : memref<128x128xf32, #tpu.memory_space<vmem>>) dst(%dma_wait3A_30 : memref<10240x128xf32, #tpu.memory_space<vmem_shared>>)
        tpu.yield
      }) : () -> ()
    } else {
    }
    %scan3A_12 = arith.constant 0 : i32
    %scan3A_13 = arith.constant 0 : i32
    %scan3A_14 = arith.constant 2 : i32
    %scan3A_15 = arith.addi %scan3A_13, %scan3A_14 : i32
    %scan3A_16 = arith.constant 1 : i32
    scf.for %scan3A_23 = %scan3A_13 to %scan3A_15 step %scan3A_16  : i32 {
      %mul3A_24 = arith.constant 32 : i32
      %mul3A_25 = arith.muli %scan3A_23, %mul3A_24 : i32
      %add3A_26 = arith.addi %mul3A_25, %add3A : i32
      %mul3A_27 = arith.constant 128 : i32
      %mul3A_28 = arith.muli %add3A_26, %mul3A_27 : i32
      "tpu.region"() ({
        %run_scoped3A = tpu.sem_alloc : memref<!tpu.dma_semaphore, #tpu.memory_space<semaphore_mem>>
        %dma_start3A = tpu.memref_slice %arg5[%mul3A_28] : memref<8192xi32, #tpu.memory_space<hbm>> -> memref<128xi32, #tpu.memory_space<hbm>>
        %dma_start3A_29 = tpu.memref_slice %arg5[%mul3A_28] : memref<8192xi32, #tpu.memory_space<hbm>> -> memref<128xi32, #tpu.memory_space<hbm>>
        tpu.enqueue_dma source(%dma_start3A_29 : memref<128xi32, #tpu.memory_space<hbm>>) target(%arg8 : memref<128xi32, #tpu.memory_space<vmem>>) target_semaphore(%run_scoped3A : memref<!tpu.dma_semaphore, #tpu.memory_space<semaphore_mem>>)
        %dma_wait3A = tpu.memref_slice %arg5[%mul3A_28] : memref<8192xi32, #tpu.memory_space<hbm>> -> memref<128xi32, #tpu.memory_space<hbm>>
        %dma_wait3A_30 = tpu.memref_slice %arg5[%mul3A_28] : memref<8192xi32, #tpu.memory_space<hbm>> -> memref<128xi32, #tpu.memory_space<hbm>>
        tpu.wait_dma2 semaphore(%run_scoped3A : memref<!tpu.dma_semaphore, #tpu.memory_space<semaphore_mem>>) src(%dma_wait3A_30 : memref<128xi32, #tpu.memory_space<hbm>>) dst(%arg8 : memref<128xi32, #tpu.memory_space<vmem>>)
        tpu.yield
      }) : () -> ()
      "tpu.region"() ({
        %run_scoped3A = tpu.sem_alloc : memref<!tpu.dma_semaphore, #tpu.memory_space<semaphore_mem>>
        %dma_start3A = arith.constant 0 : i32
        %dma_start3A_29 = tpu.memref_slice %arg4[%mul3A_28, %dma_start3A] : memref<8192x128xf32, #tpu.memory_space<hbm>> -> memref<128x128xf32, #tpu.memory_space<hbm>>
        %dma_start3A_30 = arith.constant 0 : i32
        %dma_start3A_31 = tpu.memref_slice %arg4[%mul3A_28, %dma_start3A_30] : memref<8192x128xf32, #tpu.memory_space<hbm>> -> memref<128x128xf32, #tpu.memory_space<hbm>>
        tpu.enqueue_dma source(%dma_start3A_31 : memref<128x128xf32, #tpu.memory_space<hbm>>) target(%arg9 : memref<128x128xf32, #tpu.memory_space<vmem>>) target_semaphore(%run_scoped3A : memref<!tpu.dma_semaphore, #tpu.memory_space<semaphore_mem>>)
        %dma_wait3A = arith.constant 0 : i32
        %dma_wait3A_32 = tpu.memref_slice %arg4[%mul3A_28, %dma_wait3A] : memref<8192x128xf32, #tpu.memory_space<hbm>> -> memref<128x128xf32, #tpu.memory_space<hbm>>
        %dma_wait3A_33 = arith.constant 0 : i32
        %dma_wait3A_34 = tpu.memref_slice %arg4[%mul3A_28, %dma_wait3A_33] : memref<8192x128xf32, #tpu.memory_space<hbm>> -> memref<128x128xf32, #tpu.memory_space<hbm>>
        tpu.wait_dma2 semaphore(%run_scoped3A : memref<!tpu.dma_semaphore, #tpu.memory_space<semaphore_mem>>) src(%dma_wait3A_34 : memref<128x128xf32, #tpu.memory_space<hbm>>) dst(%arg9 : memref<128x128xf32, #tpu.memory_space<vmem>>)
        tpu.yield
      }) : () -> ()
      "tpu.region"() ({
        %run_scoped3A = tpu.sem_alloc : memref<!tpu.dma_semaphore, #tpu.memory_space<semaphore_mem>>
        %dma_start3A = arith.constant 0 : i32
        %dma_start3A_29 = arith.constant 0 : i32
        %dma_start3A_30 = tpu.memref_slice %arg10[%dma_start3A, %dma_start3A_29] : memref<10240x128xf32, #tpu.memory_space<vmem_shared>> -> memref<10240x128xf32, #tpu.memory_space<vmem_shared>>
        tpu.enqueue_indirect_dma source(%arg9 : memref<128x128xf32, #tpu.memory_space<vmem>>) target(%dma_start3A_30 : memref<10240x128xf32, #tpu.memory_space<vmem_shared>>) offsets(%arg8 : memref<128xi32, #tpu.memory_space<vmem>>) semaphore(%run_scoped3A : memref<!tpu.dma_semaphore, #tpu.memory_space<semaphore_mem>>) {add = true}
        %dma_wait3A = arith.constant 0 : i32
        %dma_wait3A_31 = arith.constant 0 : i32
        %dma_wait3A_32 = tpu.memref_slice %arg10[%dma_wait3A, %dma_wait3A_31] : memref<10240x128xf32, #tpu.memory_space<vmem_shared>> -> memref<10240x128xf32, #tpu.memory_space<vmem_shared>>
        tpu.wait_indirect_dma semaphore(%run_scoped3A : memref<!tpu.dma_semaphore, #tpu.memory_space<semaphore_mem>>) src(%arg9 : memref<128x128xf32, #tpu.memory_space<vmem>>) dst(%dma_wait3A_32 : memref<10240x128xf32, #tpu.memory_space<vmem_shared>>)
        tpu.yield
      }) : () -> ()
    }
    %scan3A_17 = arith.constant 2 : i32
    %barrier3A_18 = arith.constant 0 : index
    tpu.barrier barrier_id(%barrier3A_18)
    %mul3A_19 = arith.constant 640 : i32
    %mul3A_20 = arith.muli %arg1, %mul3A_19 : i32
    %mul3A_21 = arith.constant 640 : i32
    %mul3A_22 = arith.muli %arg1, %mul3A_21 : i32
    "tpu.region"() ({
      %run_scoped3A = tpu.sem_alloc : memref<!tpu.dma_semaphore, #tpu.memory_space<semaphore_mem>>
      %dma_start3A = arith.constant 0 : i32
      %dma_start3A_23 = arith.constant 0 : i32
      %dma_start3A_24 = tpu.memref_slice %arg7[%arg0, %dma_start3A, %dma_start3A_23] : memref<2x10240x128xf32, #tpu.memory_space<hbm>> -> memref<1x10240x128xf32, #tpu.memory_space<hbm>>
      %dma_start3A_25 = tpu.memref_squeeze %dma_start3A_24 : memref<1x10240x128xf32, #tpu.memory_space<hbm>> -> memref<10240x128xf32, #tpu.memory_space<hbm>>
      %dma_start3A_26 = arith.constant 0 : i32
      %dma_start3A_27 = tpu.memref_slice %dma_start3A_25[%mul3A_22, %dma_start3A_26] : memref<10240x128xf32, #tpu.memory_space<hbm>> -> memref<640x128xf32, #tpu.memory_space<hbm>>
      %dma_start3A_28 = arith.constant 0 : i32
      %dma_start3A_29 = tpu.memref_slice %arg10[%mul3A_20, %dma_start3A_28] : memref<10240x128xf32, #tpu.memory_space<vmem_shared>> -> memref<640x128xf32, #tpu.memory_space<vmem_shared>>
      tpu.enqueue_dma source(%dma_start3A_29 : memref<640x128xf32, #tpu.memory_space<vmem_shared>>) target(%dma_start3A_27 : memref<640x128xf32, #tpu.memory_space<hbm>>) target_semaphore(%run_scoped3A : memref<!tpu.dma_semaphore, #tpu.memory_space<semaphore_mem>>)
      %dma_wait3A = arith.constant 0 : i32
      %dma_wait3A_30 = arith.constant 0 : i32
      %dma_wait3A_31 = tpu.memref_slice %arg7[%arg0, %dma_wait3A, %dma_wait3A_30] : memref<2x10240x128xf32, #tpu.memory_space<hbm>> -> memref<1x10240x128xf32, #tpu.memory_space<hbm>>
      %dma_wait3A_32 = tpu.memref_squeeze %dma_wait3A_31 : memref<1x10240x128xf32, #tpu.memory_space<hbm>> -> memref<10240x128xf32, #tpu.memory_space<hbm>>
      %dma_wait3A_33 = arith.constant 0 : i32
      %dma_wait3A_34 = tpu.memref_slice %dma_wait3A_32[%mul3A_22, %dma_wait3A_33] : memref<10240x128xf32, #tpu.memory_space<hbm>> -> memref<640x128xf32, #tpu.memory_space<hbm>>
      %dma_wait3A_35 = arith.constant 0 : i32
      %dma_wait3A_36 = tpu.memref_slice %arg10[%mul3A_20, %dma_wait3A_35] : memref<10240x128xf32, #tpu.memory_space<vmem_shared>> -> memref<640x128xf32, #tpu.memory_space<vmem_shared>>
      tpu.wait_dma2 semaphore(%run_scoped3A : memref<!tpu.dma_semaphore, #tpu.memory_space<semaphore_mem>>) src(%dma_wait3A_36 : memref<640x128xf32, #tpu.memory_space<vmem_shared>>) dst(%dma_wait3A_34 : memref<640x128xf32, #tpu.memory_space<hbm>>)
      tpu.yield
    }) : () -> ()
    return
  }
}

#map = affine_map<(d0, d1) -> (0, 0)>
#map1 = affine_map<(d0, d1) -> (0)>
#map2 = affine_map<(d0, d1) -> (0, 0, 0)>
module attributes {stable_mosaic.version = 14 : i64} {
  func.func @k(%arg0: i32, %arg1: i32, %arg2: memref<160000x128xf32, #tpu.memory_space<hbm>>, %arg3: memref<160000xi32, #tpu.memory_space<hbm>>, %arg4: memref<10240x128xf32, #tpu.memory_space<hbm>>, %arg5: memref<2x10240x128xf32, #tpu.memory_space<hbm>>, %arg6: memref<128xi32, #tpu.memory_space<vmem>>, %arg7: memref<128x128xf32, #tpu.memory_space<vmem>>, %arg8: memref<10240x128xf32, #tpu.memory_space<vmem_shared>>) attributes {dimension_semantics = [#tpu.dimension_semantics<core_parallel>, #tpu.dimension_semantics<subcore_parallel>], iteration_bounds = array<i64: 2, 16>, scalar_prefetch = 0 : i64, scratch_operands = 3 : i64, tpu.core_type = #tpu.core_type<sc_vector_subcore>, window_params = [{transform_indices = #map}, {transform_indices = #map1}, {transform_indices = #map}, {transform_indices = #map2}]} {
    %mul3A = arith.constant 2 : i32
    %mul3A_0 = arith.muli %arg1, %mul3A : i32
    %add3A = arith.addi %mul3A_0, %arg0 : i32
    %mul3A_1 = arith.constant 640 : i32
    %mul3A_2 = arith.muli %arg1, %mul3A_1 : i32
    %mul3A_3 = arith.constant 640 : i32
    %mul3A_4 = arith.muli %arg1, %mul3A_3 : i32
    "tpu.region"() ({
      %run_scoped3A = tpu.sem_alloc : memref<!tpu.dma_semaphore, #tpu.memory_space<semaphore_mem>>
      %dma_start3A = arith.constant 0 : i32
      %dma_start3A_17 = tpu.memref_slice %arg8[%mul3A_4, %dma_start3A] : memref<10240x128xf32, #tpu.memory_space<vmem_shared>> -> memref<640x128xf32, #tpu.memory_space<vmem_shared>>
      %dma_start3A_18 = arith.constant 0 : i32
      %dma_start3A_19 = tpu.memref_slice %arg4[%mul3A_2, %dma_start3A_18] : memref<10240x128xf32, #tpu.memory_space<hbm>> -> memref<640x128xf32, #tpu.memory_space<hbm>>
      tpu.enqueue_dma source(%dma_start3A_19 : memref<640x128xf32, #tpu.memory_space<hbm>>) target(%dma_start3A_17 : memref<640x128xf32, #tpu.memory_space<vmem_shared>>) target_semaphore(%run_scoped3A : memref<!tpu.dma_semaphore, #tpu.memory_space<semaphore_mem>>)
      %dma_wait3A = arith.constant 0 : i32
      %dma_wait3A_20 = tpu.memref_slice %arg8[%mul3A_4, %dma_wait3A] : memref<10240x128xf32, #tpu.memory_space<vmem_shared>> -> memref<640x128xf32, #tpu.memory_space<vmem_shared>>
      %dma_wait3A_21 = arith.constant 0 : i32
      %dma_wait3A_22 = tpu.memref_slice %arg4[%mul3A_2, %dma_wait3A_21] : memref<10240x128xf32, #tpu.memory_space<hbm>> -> memref<640x128xf32, #tpu.memory_space<hbm>>
      tpu.wait_dma2 semaphore(%run_scoped3A : memref<!tpu.dma_semaphore, #tpu.memory_space<semaphore_mem>>) src(%dma_wait3A_22 : memref<640x128xf32, #tpu.memory_space<hbm>>) dst(%dma_wait3A_20 : memref<640x128xf32, #tpu.memory_space<vmem_shared>>)
      tpu.yield
    }) : () -> ()
    %barrier3A = arith.constant 0 : index
    tpu.barrier barrier_id(%barrier3A)
    %scan3A = arith.constant 0 : i32
    %scan3A_5 = arith.constant 0 : i32
    %scan3A_6 = arith.constant 39 : i32
    %scan3A_7 = arith.addi %scan3A_5, %scan3A_6 : i32
    %scan3A_8 = arith.constant 1 : i32
    scf.for %scan3A_17 = %scan3A_5 to %scan3A_7 step %scan3A_8  : i32 {
      %mul3A_18 = arith.constant 32 : i32
      %mul3A_19 = arith.muli %scan3A_17, %mul3A_18 : i32
      %add3A_20 = arith.addi %mul3A_19, %add3A : i32
      %mul3A_21 = arith.constant 128 : i32
      %mul3A_22 = arith.muli %add3A_20, %mul3A_21 : i32
      "tpu.region"() ({
        %run_scoped3A = tpu.sem_alloc : memref<!tpu.dma_semaphore, #tpu.memory_space<semaphore_mem>>
        %dma_start3A = tpu.memref_slice %arg3[%mul3A_22] : memref<160000xi32, #tpu.memory_space<hbm>> -> memref<128xi32, #tpu.memory_space<hbm>>
        %dma_start3A_23 = tpu.memref_slice %arg3[%mul3A_22] : memref<160000xi32, #tpu.memory_space<hbm>> -> memref<128xi32, #tpu.memory_space<hbm>>
        tpu.enqueue_dma source(%dma_start3A_23 : memref<128xi32, #tpu.memory_space<hbm>>) target(%arg6 : memref<128xi32, #tpu.memory_space<vmem>>) target_semaphore(%run_scoped3A : memref<!tpu.dma_semaphore, #tpu.memory_space<semaphore_mem>>)
        %dma_wait3A = tpu.memref_slice %arg3[%mul3A_22] : memref<160000xi32, #tpu.memory_space<hbm>> -> memref<128xi32, #tpu.memory_space<hbm>>
        %dma_wait3A_24 = tpu.memref_slice %arg3[%mul3A_22] : memref<160000xi32, #tpu.memory_space<hbm>> -> memref<128xi32, #tpu.memory_space<hbm>>
        tpu.wait_dma2 semaphore(%run_scoped3A : memref<!tpu.dma_semaphore, #tpu.memory_space<semaphore_mem>>) src(%dma_wait3A_24 : memref<128xi32, #tpu.memory_space<hbm>>) dst(%arg6 : memref<128xi32, #tpu.memory_space<vmem>>)
        tpu.yield
      }) : () -> ()
      "tpu.region"() ({
        %run_scoped3A = tpu.sem_alloc : memref<!tpu.dma_semaphore, #tpu.memory_space<semaphore_mem>>
        %dma_start3A = arith.constant 0 : i32
        %dma_start3A_23 = tpu.memref_slice %arg2[%mul3A_22, %dma_start3A] : memref<160000x128xf32, #tpu.memory_space<hbm>> -> memref<128x128xf32, #tpu.memory_space<hbm>>
        %dma_start3A_24 = arith.constant 0 : i32
        %dma_start3A_25 = tpu.memref_slice %arg2[%mul3A_22, %dma_start3A_24] : memref<160000x128xf32, #tpu.memory_space<hbm>> -> memref<128x128xf32, #tpu.memory_space<hbm>>
        tpu.enqueue_dma source(%dma_start3A_25 : memref<128x128xf32, #tpu.memory_space<hbm>>) target(%arg7 : memref<128x128xf32, #tpu.memory_space<vmem>>) target_semaphore(%run_scoped3A : memref<!tpu.dma_semaphore, #tpu.memory_space<semaphore_mem>>)
        %dma_wait3A = arith.constant 0 : i32
        %dma_wait3A_26 = tpu.memref_slice %arg2[%mul3A_22, %dma_wait3A] : memref<160000x128xf32, #tpu.memory_space<hbm>> -> memref<128x128xf32, #tpu.memory_space<hbm>>
        %dma_wait3A_27 = arith.constant 0 : i32
        %dma_wait3A_28 = tpu.memref_slice %arg2[%mul3A_22, %dma_wait3A_27] : memref<160000x128xf32, #tpu.memory_space<hbm>> -> memref<128x128xf32, #tpu.memory_space<hbm>>
        tpu.wait_dma2 semaphore(%run_scoped3A : memref<!tpu.dma_semaphore, #tpu.memory_space<semaphore_mem>>) src(%dma_wait3A_28 : memref<128x128xf32, #tpu.memory_space<hbm>>) dst(%arg7 : memref<128x128xf32, #tpu.memory_space<vmem>>)
        tpu.yield
      }) : () -> ()
      "tpu.region"() ({
        %run_scoped3A = tpu.sem_alloc : memref<!tpu.dma_semaphore, #tpu.memory_space<semaphore_mem>>
        %dma_start3A = arith.constant 0 : i32
        %dma_start3A_23 = arith.constant 0 : i32
        %dma_start3A_24 = tpu.memref_slice %arg8[%dma_start3A, %dma_start3A_23] : memref<10240x128xf32, #tpu.memory_space<vmem_shared>> -> memref<10240x128xf32, #tpu.memory_space<vmem_shared>>
        tpu.enqueue_indirect_dma source(%arg7 : memref<128x128xf32, #tpu.memory_space<vmem>>) target(%dma_start3A_24 : memref<10240x128xf32, #tpu.memory_space<vmem_shared>>) offsets(%arg6 : memref<128xi32, #tpu.memory_space<vmem>>) semaphore(%run_scoped3A : memref<!tpu.dma_semaphore, #tpu.memory_space<semaphore_mem>>) {add = true}
        %dma_wait3A = arith.constant 0 : i32
        %dma_wait3A_25 = arith.constant 0 : i32
        %dma_wait3A_26 = tpu.memref_slice %arg8[%dma_wait3A, %dma_wait3A_25] : memref<10240x128xf32, #tpu.memory_space<vmem_shared>> -> memref<10240x128xf32, #tpu.memory_space<vmem_shared>>
        tpu.wait_indirect_dma semaphore(%run_scoped3A : memref<!tpu.dma_semaphore, #tpu.memory_space<semaphore_mem>>) src(%arg7 : memref<128x128xf32, #tpu.memory_space<vmem>>) dst(%dma_wait3A_26 : memref<10240x128xf32, #tpu.memory_space<vmem_shared>>)
        tpu.yield
      }) : () -> ()
    }
    %scan3A_9 = arith.constant 39 : i32
    %lt3A = arith.constant 2 : i32
    %lt3A_10 = arith.cmpi slt, %add3A, %lt3A : i32
    %convert_element_type3A = arith.extui %lt3A_10 : i1 to i32
    %cond3A = arith.constant 0 : i32
    %cond3A_11 = arith.cmpi ne, %convert_element_type3A, %cond3A : i32
    scf.if %cond3A_11 {
      %add3A_17 = arith.constant 1248 : i32
      %add3A_18 = arith.addi %add3A_17, %add3A : i32
      %mul3A_19 = arith.constant 128 : i32
      %mul3A_20 = arith.muli %add3A_18, %mul3A_19 : i32
      "tpu.region"() ({
        %run_scoped3A = tpu.sem_alloc : memref<!tpu.dma_semaphore, #tpu.memory_space<semaphore_mem>>
        %dma_start3A = tpu.memref_slice %arg3[%mul3A_20] : memref<160000xi32, #tpu.memory_space<hbm>> -> memref<128xi32, #tpu.memory_space<hbm>>
        %dma_start3A_21 = tpu.memref_slice %arg3[%mul3A_20] : memref<160000xi32, #tpu.memory_space<hbm>> -> memref<128xi32, #tpu.memory_space<hbm>>
        tpu.enqueue_dma source(%dma_start3A_21 : memref<128xi32, #tpu.memory_space<hbm>>) target(%arg6 : memref<128xi32, #tpu.memory_space<vmem>>) target_semaphore(%run_scoped3A : memref<!tpu.dma_semaphore, #tpu.memory_space<semaphore_mem>>)
        %dma_wait3A = tpu.memref_slice %arg3[%mul3A_20] : memref<160000xi32, #tpu.memory_space<hbm>> -> memref<128xi32, #tpu.memory_space<hbm>>
        %dma_wait3A_22 = tpu.memref_slice %arg3[%mul3A_20] : memref<160000xi32, #tpu.memory_space<hbm>> -> memref<128xi32, #tpu.memory_space<hbm>>
        tpu.wait_dma2 semaphore(%run_scoped3A : memref<!tpu.dma_semaphore, #tpu.memory_space<semaphore_mem>>) src(%dma_wait3A_22 : memref<128xi32, #tpu.memory_space<hbm>>) dst(%arg6 : memref<128xi32, #tpu.memory_space<vmem>>)
        tpu.yield
      }) : () -> ()
      "tpu.region"() ({
        %run_scoped3A = tpu.sem_alloc : memref<!tpu.dma_semaphore, #tpu.memory_space<semaphore_mem>>
        %dma_start3A = arith.constant 0 : i32
        %dma_start3A_21 = tpu.memref_slice %arg2[%mul3A_20, %dma_start3A] : memref<160000x128xf32, #tpu.memory_space<hbm>> -> memref<128x128xf32, #tpu.memory_space<hbm>>
        %dma_start3A_22 = arith.constant 0 : i32
        %dma_start3A_23 = tpu.memref_slice %arg2[%mul3A_20, %dma_start3A_22] : memref<160000x128xf32, #tpu.memory_space<hbm>> -> memref<128x128xf32, #tpu.memory_space<hbm>>
        tpu.enqueue_dma source(%dma_start3A_23 : memref<128x128xf32, #tpu.memory_space<hbm>>) target(%arg7 : memref<128x128xf32, #tpu.memory_space<vmem>>) target_semaphore(%run_scoped3A : memref<!tpu.dma_semaphore, #tpu.memory_space<semaphore_mem>>)
        %dma_wait3A = arith.constant 0 : i32
        %dma_wait3A_24 = tpu.memref_slice %arg2[%mul3A_20, %dma_wait3A] : memref<160000x128xf32, #tpu.memory_space<hbm>> -> memref<128x128xf32, #tpu.memory_space<hbm>>
        %dma_wait3A_25 = arith.constant 0 : i32
        %dma_wait3A_26 = tpu.memref_slice %arg2[%mul3A_20, %dma_wait3A_25] : memref<160000x128xf32, #tpu.memory_space<hbm>> -> memref<128x128xf32, #tpu.memory_space<hbm>>
        tpu.wait_dma2 semaphore(%run_scoped3A : memref<!tpu.dma_semaphore, #tpu.memory_space<semaphore_mem>>) src(%dma_wait3A_26 : memref<128x128xf32, #tpu.memory_space<hbm>>) dst(%arg7 : memref<128x128xf32, #tpu.memory_space<vmem>>)
        tpu.yield
      }) : () -> ()
      "tpu.region"() ({
        %run_scoped3A = tpu.sem_alloc : memref<!tpu.dma_semaphore, #tpu.memory_space<semaphore_mem>>
        %dma_start3A = arith.constant 0 : i32
        %dma_start3A_21 = arith.constant 0 : i32
        %dma_start3A_22 = tpu.memref_slice %arg8[%dma_start3A, %dma_start3A_21] : memref<10240x128xf32, #tpu.memory_space<vmem_shared>> -> memref<10240x128xf32, #tpu.memory_space<vmem_shared>>
        tpu.enqueue_indirect_dma source(%arg7 : memref<128x128xf32, #tpu.memory_space<vmem>>) target(%dma_start3A_22 : memref<10240x128xf32, #tpu.memory_space<vmem_shared>>) offsets(%arg6 : memref<128xi32, #tpu.memory_space<vmem>>) semaphore(%run_scoped3A : memref<!tpu.dma_semaphore, #tpu.memory_space<semaphore_mem>>) {add = true}
        %dma_wait3A = arith.constant 0 : i32
        %dma_wait3A_23 = arith.constant 0 : i32
        %dma_wait3A_24 = tpu.memref_slice %arg8[%dma_wait3A, %dma_wait3A_23] : memref<10240x128xf32, #tpu.memory_space<vmem_shared>> -> memref<10240x128xf32, #tpu.memory_space<vmem_shared>>
        tpu.wait_indirect_dma semaphore(%run_scoped3A : memref<!tpu.dma_semaphore, #tpu.memory_space<semaphore_mem>>) src(%arg7 : memref<128x128xf32, #tpu.memory_space<vmem>>) dst(%dma_wait3A_24 : memref<10240x128xf32, #tpu.memory_space<vmem_shared>>)
        tpu.yield
      }) : () -> ()
    } else {
    }
    %barrier3A_12 = arith.constant 0 : index
    tpu.barrier barrier_id(%barrier3A_12)
    %mul3A_13 = arith.constant 640 : i32
    %mul3A_14 = arith.muli %arg1, %mul3A_13 : i32
    %mul3A_15 = arith.constant 640 : i32
    %mul3A_16 = arith.muli %arg1, %mul3A_15 : i32
    "tpu.region"() ({
      %run_scoped3A = tpu.sem_alloc : memref<!tpu.dma_semaphore, #tpu.memory_space<semaphore_mem>>
      %dma_start3A = arith.constant 0 : i32
      %dma_start3A_17 = arith.constant 0 : i32
      %dma_start3A_18 = tpu.memref_slice %arg5[%arg0, %dma_start3A, %dma_start3A_17] : memref<2x10240x128xf32, #tpu.memory_space<hbm>> -> memref<1x10240x128xf32, #tpu.memory_space<hbm>>
      %dma_start3A_19 = tpu.memref_squeeze %dma_start3A_18 : memref<1x10240x128xf32, #tpu.memory_space<hbm>> -> memref<10240x128xf32, #tpu.memory_space<hbm>>
      %dma_start3A_20 = arith.constant 0 : i32
      %dma_start3A_21 = tpu.memref_slice %dma_start3A_19[%mul3A_16, %dma_start3A_20] : memref<10240x128xf32, #tpu.memory_space<hbm>> -> memref<640x128xf32, #tpu.memory_space<hbm>>
      %dma_start3A_22 = arith.constant 0 : i32
      %dma_start3A_23 = tpu.memref_slice %arg8[%mul3A_14, %dma_start3A_22] : memref<10240x128xf32, #tpu.memory_space<vmem_shared>> -> memref<640x128xf32, #tpu.memory_space<vmem_shared>>
      tpu.enqueue_dma source(%dma_start3A_23 : memref<640x128xf32, #tpu.memory_space<vmem_shared>>) target(%dma_start3A_21 : memref<640x128xf32, #tpu.memory_space<hbm>>) target_semaphore(%run_scoped3A : memref<!tpu.dma_semaphore, #tpu.memory_space<semaphore_mem>>)
      %dma_wait3A = arith.constant 0 : i32
      %dma_wait3A_24 = arith.constant 0 : i32
      %dma_wait3A_25 = tpu.memref_slice %arg5[%arg0, %dma_wait3A, %dma_wait3A_24] : memref<2x10240x128xf32, #tpu.memory_space<hbm>> -> memref<1x10240x128xf32, #tpu.memory_space<hbm>>
      %dma_wait3A_26 = tpu.memref_squeeze %dma_wait3A_25 : memref<1x10240x128xf32, #tpu.memory_space<hbm>> -> memref<10240x128xf32, #tpu.memory_space<hbm>>
      %dma_wait3A_27 = arith.constant 0 : i32
      %dma_wait3A_28 = tpu.memref_slice %dma_wait3A_26[%mul3A_16, %dma_wait3A_27] : memref<10240x128xf32, #tpu.memory_space<hbm>> -> memref<640x128xf32, #tpu.memory_space<hbm>>
      %dma_wait3A_29 = arith.constant 0 : i32
      %dma_wait3A_30 = tpu.memref_slice %arg8[%mul3A_14, %dma_wait3A_29] : memref<10240x128xf32, #tpu.memory_space<vmem_shared>> -> memref<640x128xf32, #tpu.memory_space<vmem_shared>>
      tpu.wait_dma2 semaphore(%run_scoped3A : memref<!tpu.dma_semaphore, #tpu.memory_space<semaphore_mem>>) src(%dma_wait3A_30 : memref<640x128xf32, #tpu.memory_space<vmem_shared>>) dst(%dma_wait3A_28 : memref<640x128xf32, #tpu.memory_space<hbm>>)
      tpu.yield
    }) : () -> ()
    return
  }
}

#map = affine_map<(d0, d1) -> (0, 0)>
#map1 = affine_map<(d0, d1) -> (0)>
module attributes {stable_mosaic.version = 14 : i64} {
  func.func @k(%arg0: i32, %arg1: i32, %arg2: memref<10000x128xf32, #tpu.memory_space<hbm>>, %arg3: memref<160000xi32, #tpu.memory_space<hbm>>, %arg4: memref<10000x128xf32, #tpu.memory_space<hbm>>, %arg5: memref<160000xi32, #tpu.memory_space<hbm>>, %arg6: memref<160000x128xf32, #tpu.memory_space<hbm>>, %arg7: memref<160000x128xf32, #tpu.memory_space<hbm>>, %arg8: memref<128xi32, #tpu.memory_space<vmem>>, %arg9: memref<128x128xf32, #tpu.memory_space<vmem>>, %arg10: memref<!tpu.dma_semaphore, #tpu.memory_space<semaphore_mem>>) attributes {dimension_semantics = [#tpu.dimension_semantics<core_parallel>, #tpu.dimension_semantics<subcore_parallel>], iteration_bounds = array<i64: 2, 16>, scalar_prefetch = 0 : i64, scratch_operands = 3 : i64, tpu.core_type = #tpu.core_type<sc_vector_subcore>, window_params = [{transform_indices = #map}, {transform_indices = #map1}, {transform_indices = #map}, {transform_indices = #map1}, {transform_indices = #map}, {transform_indices = #map}]} {
    %mul3A = arith.constant 2 : i32
    %mul3A_0 = arith.muli %arg1, %mul3A : i32
    %add3A = arith.addi %mul3A_0, %arg0 : i32
    %scan3A = arith.constant 0 : i32
    %scan3A_1 = arith.constant 0 : i32
    %scan3A_2 = arith.constant 39 : i32
    %scan3A_3 = arith.addi %scan3A_1, %scan3A_2 : i32
    %scan3A_4 = arith.constant 1 : i32
    scf.for %scan3A_8 = %scan3A_1 to %scan3A_3 step %scan3A_4  : i32 {
      %mul3A_9 = arith.constant 32 : i32
      %mul3A_10 = arith.muli %scan3A_8, %mul3A_9 : i32
      %add3A_11 = arith.addi %mul3A_10, %add3A : i32
      %mul3A_12 = arith.constant 128 : i32
      %mul3A_13 = arith.muli %add3A_11, %mul3A_12 : i32
      "tpu.region"() ({
        %run_scoped3A = tpu.sem_alloc : memref<!tpu.dma_semaphore, #tpu.memory_space<semaphore_mem>>
        %dma_start3A_24 = tpu.memref_slice %arg3[%mul3A_13] : memref<160000xi32, #tpu.memory_space<hbm>> -> memref<128xi32, #tpu.memory_space<hbm>>
        %dma_start3A_25 = tpu.memref_slice %arg3[%mul3A_13] : memref<160000xi32, #tpu.memory_space<hbm>> -> memref<128xi32, #tpu.memory_space<hbm>>
        tpu.enqueue_dma source(%dma_start3A_25 : memref<128xi32, #tpu.memory_space<hbm>>) target(%arg8 : memref<128xi32, #tpu.memory_space<vmem>>) target_semaphore(%run_scoped3A : memref<!tpu.dma_semaphore, #tpu.memory_space<semaphore_mem>>)
        %dma_wait3A_26 = tpu.memref_slice %arg3[%mul3A_13] : memref<160000xi32, #tpu.memory_space<hbm>> -> memref<128xi32, #tpu.memory_space<hbm>>
        %dma_wait3A_27 = tpu.memref_slice %arg3[%mul3A_13] : memref<160000xi32, #tpu.memory_space<hbm>> -> memref<128xi32, #tpu.memory_space<hbm>>
        tpu.wait_dma2 semaphore(%run_scoped3A : memref<!tpu.dma_semaphore, #tpu.memory_space<semaphore_mem>>) src(%dma_wait3A_27 : memref<128xi32, #tpu.memory_space<hbm>>) dst(%arg8 : memref<128xi32, #tpu.memory_space<vmem>>)
        tpu.yield
      }) : () -> ()
      %dma_start3A = arith.constant 0 : i32
      %dma_start3A_14 = arith.constant 0 : i32
      %dma_start3A_15 = tpu.memref_slice %arg2[%dma_start3A, %dma_start3A_14] : memref<10000x128xf32, #tpu.memory_space<hbm>> -> memref<10000x128xf32, #tpu.memory_space<hbm>>
      tpu.enqueue_indirect_dma source(%dma_start3A_15 : memref<10000x128xf32, #tpu.memory_space<hbm>>) target(%arg9 : memref<128x128xf32, #tpu.memory_space<vmem>>) offsets(%arg8 : memref<128xi32, #tpu.memory_space<vmem>>) semaphore(%arg10 : memref<!tpu.dma_semaphore, #tpu.memory_space<semaphore_mem>>)
      %dma_wait3A = arith.constant 0 : i32
      %dma_wait3A_16 = arith.constant 0 : i32
      %dma_wait3A_17 = tpu.memref_slice %arg2[%dma_wait3A, %dma_wait3A_16] : memref<10000x128xf32, #tpu.memory_space<hbm>> -> memref<10000x128xf32, #tpu.memory_space<hbm>>
      tpu.wait_indirect_dma semaphore(%arg10 : memref<!tpu.dma_semaphore, #tpu.memory_space<semaphore_mem>>) src(%dma_wait3A_17 : memref<10000x128xf32, #tpu.memory_space<hbm>>) dst(%arg9 : memref<128x128xf32, #tpu.memory_space<vmem>>)
      "tpu.region"() ({
        %run_scoped3A = tpu.sem_alloc : memref<!tpu.dma_semaphore, #tpu.memory_space<semaphore_mem>>
        %dma_start3A_24 = arith.constant 0 : i32
        %dma_start3A_25 = tpu.memref_slice %arg6[%mul3A_13, %dma_start3A_24] : memref<160000x128xf32, #tpu.memory_space<hbm>> -> memref<128x128xf32, #tpu.memory_space<hbm>>
        %dma_start3A_26 = arith.constant 0 : i32
        %dma_start3A_27 = tpu.memref_slice %arg6[%mul3A_13, %dma_start3A_26] : memref<160000x128xf32, #tpu.memory_space<hbm>> -> memref<128x128xf32, #tpu.memory_space<hbm>>
        tpu.enqueue_dma source(%arg9 : memref<128x128xf32, #tpu.memory_space<vmem>>) target(%dma_start3A_27 : memref<128x128xf32, #tpu.memory_space<hbm>>) target_semaphore(%run_scoped3A : memref<!tpu.dma_semaphore, #tpu.memory_space<semaphore_mem>>)
        %dma_wait3A_28 = arith.constant 0 : i32
        %dma_wait3A_29 = tpu.memref_slice %arg6[%mul3A_13, %dma_wait3A_28] : memref<160000x128xf32, #tpu.memory_space<hbm>> -> memref<128x128xf32, #tpu.memory_space<hbm>>
        %dma_wait3A_30 = arith.constant 0 : i32
        %dma_wait3A_31 = tpu.memref_slice %arg6[%mul3A_13, %dma_wait3A_30] : memref<160000x128xf32, #tpu.memory_space<hbm>> -> memref<128x128xf32, #tpu.memory_space<hbm>>
        tpu.wait_dma2 semaphore(%run_scoped3A : memref<!tpu.dma_semaphore, #tpu.memory_space<semaphore_mem>>) src(%arg9 : memref<128x128xf32, #tpu.memory_space<vmem>>) dst(%dma_wait3A_31 : memref<128x128xf32, #tpu.memory_space<hbm>>)
        tpu.yield
      }) : () -> ()
      "tpu.region"() ({
        %run_scoped3A = tpu.sem_alloc : memref<!tpu.dma_semaphore, #tpu.memory_space<semaphore_mem>>
        %dma_start3A_24 = tpu.memref_slice %arg5[%mul3A_13] : memref<160000xi32, #tpu.memory_space<hbm>> -> memref<128xi32, #tpu.memory_space<hbm>>
        %dma_start3A_25 = tpu.memref_slice %arg5[%mul3A_13] : memref<160000xi32, #tpu.memory_space<hbm>> -> memref<128xi32, #tpu.memory_space<hbm>>
        tpu.enqueue_dma source(%dma_start3A_25 : memref<128xi32, #tpu.memory_space<hbm>>) target(%arg8 : memref<128xi32, #tpu.memory_space<vmem>>) target_semaphore(%run_scoped3A : memref<!tpu.dma_semaphore, #tpu.memory_space<semaphore_mem>>)
        %dma_wait3A_26 = tpu.memref_slice %arg5[%mul3A_13] : memref<160000xi32, #tpu.memory_space<hbm>> -> memref<128xi32, #tpu.memory_space<hbm>>
        %dma_wait3A_27 = tpu.memref_slice %arg5[%mul3A_13] : memref<160000xi32, #tpu.memory_space<hbm>> -> memref<128xi32, #tpu.memory_space<hbm>>
        tpu.wait_dma2 semaphore(%run_scoped3A : memref<!tpu.dma_semaphore, #tpu.memory_space<semaphore_mem>>) src(%dma_wait3A_27 : memref<128xi32, #tpu.memory_space<hbm>>) dst(%arg8 : memref<128xi32, #tpu.memory_space<vmem>>)
        tpu.yield
      }) : () -> ()
      %dma_start3A_18 = arith.constant 0 : i32
      %dma_start3A_19 = arith.constant 0 : i32
      %dma_start3A_20 = tpu.memref_slice %arg4[%dma_start3A_18, %dma_start3A_19] : memref<10000x128xf32, #tpu.memory_space<hbm>> -> memref<10000x128xf32, #tpu.memory_space<hbm>>
      tpu.enqueue_indirect_dma source(%dma_start3A_20 : memref<10000x128xf32, #tpu.memory_space<hbm>>) target(%arg9 : memref<128x128xf32, #tpu.memory_space<vmem>>) offsets(%arg8 : memref<128xi32, #tpu.memory_space<vmem>>) semaphore(%arg10 : memref<!tpu.dma_semaphore, #tpu.memory_space<semaphore_mem>>)
      %dma_wait3A_21 = arith.constant 0 : i32
      %dma_wait3A_22 = arith.constant 0 : i32
      %dma_wait3A_23 = tpu.memref_slice %arg4[%dma_wait3A_21, %dma_wait3A_22] : memref<10000x128xf32, #tpu.memory_space<hbm>> -> memref<10000x128xf32, #tpu.memory_space<hbm>>
      tpu.wait_indirect_dma semaphore(%arg10 : memref<!tpu.dma_semaphore, #tpu.memory_space<semaphore_mem>>) src(%dma_wait3A_23 : memref<10000x128xf32, #tpu.memory_space<hbm>>) dst(%arg9 : memref<128x128xf32, #tpu.memory_space<vmem>>)
      "tpu.region"() ({
        %run_scoped3A = tpu.sem_alloc : memref<!tpu.dma_semaphore, #tpu.memory_space<semaphore_mem>>
        %dma_start3A_24 = arith.constant 0 : i32
        %dma_start3A_25 = tpu.memref_slice %arg7[%mul3A_13, %dma_start3A_24] : memref<160000x128xf32, #tpu.memory_space<hbm>> -> memref<128x128xf32, #tpu.memory_space<hbm>>
        %dma_start3A_26 = arith.constant 0 : i32
        %dma_start3A_27 = tpu.memref_slice %arg7[%mul3A_13, %dma_start3A_26] : memref<160000x128xf32, #tpu.memory_space<hbm>> -> memref<128x128xf32, #tpu.memory_space<hbm>>
        tpu.enqueue_dma source(%arg9 : memref<128x128xf32, #tpu.memory_space<vmem>>) target(%dma_start3A_27 : memref<128x128xf32, #tpu.memory_space<hbm>>) target_semaphore(%run_scoped3A : memref<!tpu.dma_semaphore, #tpu.memory_space<semaphore_mem>>)
        %dma_wait3A_28 = arith.constant 0 : i32
        %dma_wait3A_29 = tpu.memref_slice %arg7[%mul3A_13, %dma_wait3A_28] : memref<160000x128xf32, #tpu.memory_space<hbm>> -> memref<128x128xf32, #tpu.memory_space<hbm>>
        %dma_wait3A_30 = arith.constant 0 : i32
        %dma_wait3A_31 = tpu.memref_slice %arg7[%mul3A_13, %dma_wait3A_30] : memref<160000x128xf32, #tpu.memory_space<hbm>> -> memref<128x128xf32, #tpu.memory_space<hbm>>
        tpu.wait_dma2 semaphore(%run_scoped3A : memref<!tpu.dma_semaphore, #tpu.memory_space<semaphore_mem>>) src(%arg9 : memref<128x128xf32, #tpu.memory_space<vmem>>) dst(%dma_wait3A_31 : memref<128x128xf32, #tpu.memory_space<hbm>>)
        tpu.yield
      }) : () -> ()
    }
    %scan3A_5 = arith.constant 39 : i32
    %lt3A = arith.constant 2 : i32
    %lt3A_6 = arith.cmpi slt, %add3A, %lt3A : i32
    %convert_element_type3A = arith.extui %lt3A_6 : i1 to i32
    %cond3A = arith.constant 0 : i32
    %cond3A_7 = arith.cmpi ne, %convert_element_type3A, %cond3A : i32
    scf.if %cond3A_7 {
      %add3A_8 = arith.constant 1248 : i32
      %add3A_9 = arith.addi %add3A_8, %add3A : i32
      %mul3A_10 = arith.constant 128 : i32
      %mul3A_11 = arith.muli %add3A_9, %mul3A_10 : i32
      "tpu.region"() ({
        %run_scoped3A = tpu.sem_alloc : memref<!tpu.dma_semaphore, #tpu.memory_space<semaphore_mem>>
        %dma_start3A_22 = tpu.memref_slice %arg3[%mul3A_11] : memref<160000xi32, #tpu.memory_space<hbm>> -> memref<128xi32, #tpu.memory_space<hbm>>
        %dma_start3A_23 = tpu.memref_slice %arg3[%mul3A_11] : memref<160000xi32, #tpu.memory_space<hbm>> -> memref<128xi32, #tpu.memory_space<hbm>>
        tpu.enqueue_dma source(%dma_start3A_23 : memref<128xi32, #tpu.memory_space<hbm>>) target(%arg8 : memref<128xi32, #tpu.memory_space<vmem>>) target_semaphore(%run_scoped3A : memref<!tpu.dma_semaphore, #tpu.memory_space<semaphore_mem>>)
        %dma_wait3A_24 = tpu.memref_slice %arg3[%mul3A_11] : memref<160000xi32, #tpu.memory_space<hbm>> -> memref<128xi32, #tpu.memory_space<hbm>>
        %dma_wait3A_25 = tpu.memref_slice %arg3[%mul3A_11] : memref<160000xi32, #tpu.memory_space<hbm>> -> memref<128xi32, #tpu.memory_space<hbm>>
        tpu.wait_dma2 semaphore(%run_scoped3A : memref<!tpu.dma_semaphore, #tpu.memory_space<semaphore_mem>>) src(%dma_wait3A_25 : memref<128xi32, #tpu.memory_space<hbm>>) dst(%arg8 : memref<128xi32, #tpu.memory_space<vmem>>)
        tpu.yield
      }) : () -> ()
      %dma_start3A = arith.constant 0 : i32
      %dma_start3A_12 = arith.constant 0 : i32
      %dma_start3A_13 = tpu.memref_slice %arg2[%dma_start3A, %dma_start3A_12] : memref<10000x128xf32, #tpu.memory_space<hbm>> -> memref<10000x128xf32, #tpu.memory_space<hbm>>
      tpu.enqueue_indirect_dma source(%dma_start3A_13 : memref<10000x128xf32, #tpu.memory_space<hbm>>) target(%arg9 : memref<128x128xf32, #tpu.memory_space<vmem>>) offsets(%arg8 : memref<128xi32, #tpu.memory_space<vmem>>) semaphore(%arg10 : memref<!tpu.dma_semaphore, #tpu.memory_space<semaphore_mem>>)
      %dma_wait3A = arith.constant 0 : i32
      %dma_wait3A_14 = arith.constant 0 : i32
      %dma_wait3A_15 = tpu.memref_slice %arg2[%dma_wait3A, %dma_wait3A_14] : memref<10000x128xf32, #tpu.memory_space<hbm>> -> memref<10000x128xf32, #tpu.memory_space<hbm>>
      tpu.wait_indirect_dma semaphore(%arg10 : memref<!tpu.dma_semaphore, #tpu.memory_space<semaphore_mem>>) src(%dma_wait3A_15 : memref<10000x128xf32, #tpu.memory_space<hbm>>) dst(%arg9 : memref<128x128xf32, #tpu.memory_space<vmem>>)
      "tpu.region"() ({
        %run_scoped3A = tpu.sem_alloc : memref<!tpu.dma_semaphore, #tpu.memory_space<semaphore_mem>>
        %dma_start3A_22 = arith.constant 0 : i32
        %dma_start3A_23 = tpu.memref_slice %arg6[%mul3A_11, %dma_start3A_22] : memref<160000x128xf32, #tpu.memory_space<hbm>> -> memref<128x128xf32, #tpu.memory_space<hbm>>
        %dma_start3A_24 = arith.constant 0 : i32
        %dma_start3A_25 = tpu.memref_slice %arg6[%mul3A_11, %dma_start3A_24] : memref<160000x128xf32, #tpu.memory_space<hbm>> -> memref<128x128xf32, #tpu.memory_space<hbm>>
        tpu.enqueue_dma source(%arg9 : memref<128x128xf32, #tpu.memory_space<vmem>>) target(%dma_start3A_25 : memref<128x128xf32, #tpu.memory_space<hbm>>) target_semaphore(%run_scoped3A : memref<!tpu.dma_semaphore, #tpu.memory_space<semaphore_mem>>)
        %dma_wait3A_26 = arith.constant 0 : i32
        %dma_wait3A_27 = tpu.memref_slice %arg6[%mul3A_11, %dma_wait3A_26] : memref<160000x128xf32, #tpu.memory_space<hbm>> -> memref<128x128xf32, #tpu.memory_space<hbm>>
        %dma_wait3A_28 = arith.constant 0 : i32
        %dma_wait3A_29 = tpu.memref_slice %arg6[%mul3A_11, %dma_wait3A_28] : memref<160000x128xf32, #tpu.memory_space<hbm>> -> memref<128x128xf32, #tpu.memory_space<hbm>>
        tpu.wait_dma2 semaphore(%run_scoped3A : memref<!tpu.dma_semaphore, #tpu.memory_space<semaphore_mem>>) src(%arg9 : memref<128x128xf32, #tpu.memory_space<vmem>>) dst(%dma_wait3A_29 : memref<128x128xf32, #tpu.memory_space<hbm>>)
        tpu.yield
      }) : () -> ()
      "tpu.region"() ({
        %run_scoped3A = tpu.sem_alloc : memref<!tpu.dma_semaphore, #tpu.memory_space<semaphore_mem>>
        %dma_start3A_22 = tpu.memref_slice %arg5[%mul3A_11] : memref<160000xi32, #tpu.memory_space<hbm>> -> memref<128xi32, #tpu.memory_space<hbm>>
        %dma_start3A_23 = tpu.memref_slice %arg5[%mul3A_11] : memref<160000xi32, #tpu.memory_space<hbm>> -> memref<128xi32, #tpu.memory_space<hbm>>
        tpu.enqueue_dma source(%dma_start3A_23 : memref<128xi32, #tpu.memory_space<hbm>>) target(%arg8 : memref<128xi32, #tpu.memory_space<vmem>>) target_semaphore(%run_scoped3A : memref<!tpu.dma_semaphore, #tpu.memory_space<semaphore_mem>>)
        %dma_wait3A_24 = tpu.memref_slice %arg5[%mul3A_11] : memref<160000xi32, #tpu.memory_space<hbm>> -> memref<128xi32, #tpu.memory_space<hbm>>
        %dma_wait3A_25 = tpu.memref_slice %arg5[%mul3A_11] : memref<160000xi32, #tpu.memory_space<hbm>> -> memref<128xi32, #tpu.memory_space<hbm>>
        tpu.wait_dma2 semaphore(%run_scoped3A : memref<!tpu.dma_semaphore, #tpu.memory_space<semaphore_mem>>) src(%dma_wait3A_25 : memref<128xi32, #tpu.memory_space<hbm>>) dst(%arg8 : memref<128xi32, #tpu.memory_space<vmem>>)
        tpu.yield
      }) : () -> ()
      %dma_start3A_16 = arith.constant 0 : i32
      %dma_start3A_17 = arith.constant 0 : i32
      %dma_start3A_18 = tpu.memref_slice %arg4[%dma_start3A_16, %dma_start3A_17] : memref<10000x128xf32, #tpu.memory_space<hbm>> -> memref<10000x128xf32, #tpu.memory_space<hbm>>
      tpu.enqueue_indirect_dma source(%dma_start3A_18 : memref<10000x128xf32, #tpu.memory_space<hbm>>) target(%arg9 : memref<128x128xf32, #tpu.memory_space<vmem>>) offsets(%arg8 : memref<128xi32, #tpu.memory_space<vmem>>) semaphore(%arg10 : memref<!tpu.dma_semaphore, #tpu.memory_space<semaphore_mem>>)
      %dma_wait3A_19 = arith.constant 0 : i32
      %dma_wait3A_20 = arith.constant 0 : i32
      %dma_wait3A_21 = tpu.memref_slice %arg4[%dma_wait3A_19, %dma_wait3A_20] : memref<10000x128xf32, #tpu.memory_space<hbm>> -> memref<10000x128xf32, #tpu.memory_space<hbm>>
      tpu.wait_indirect_dma semaphore(%arg10 : memref<!tpu.dma_semaphore, #tpu.memory_space<semaphore_mem>>) src(%dma_wait3A_21 : memref<10000x128xf32, #tpu.memory_space<hbm>>) dst(%arg9 : memref<128x128xf32, #tpu.memory_space<vmem>>)
      "tpu.region"() ({
        %run_scoped3A = tpu.sem_alloc : memref<!tpu.dma_semaphore, #tpu.memory_space<semaphore_mem>>
        %dma_start3A_22 = arith.constant 0 : i32
        %dma_start3A_23 = tpu.memref_slice %arg7[%mul3A_11, %dma_start3A_22] : memref<160000x128xf32, #tpu.memory_space<hbm>> -> memref<128x128xf32, #tpu.memory_space<hbm>>
        %dma_start3A_24 = arith.constant 0 : i32
        %dma_start3A_25 = tpu.memref_slice %arg7[%mul3A_11, %dma_start3A_24] : memref<160000x128xf32, #tpu.memory_space<hbm>> -> memref<128x128xf32, #tpu.memory_space<hbm>>
        tpu.enqueue_dma source(%arg9 : memref<128x128xf32, #tpu.memory_space<vmem>>) target(%dma_start3A_25 : memref<128x128xf32, #tpu.memory_space<hbm>>) target_semaphore(%run_scoped3A : memref<!tpu.dma_semaphore, #tpu.memory_space<semaphore_mem>>)
        %dma_wait3A_26 = arith.constant 0 : i32
        %dma_wait3A_27 = tpu.memref_slice %arg7[%mul3A_11, %dma_wait3A_26] : memref<160000x128xf32, #tpu.memory_space<hbm>> -> memref<128x128xf32, #tpu.memory_space<hbm>>
        %dma_wait3A_28 = arith.constant 0 : i32
        %dma_wait3A_29 = tpu.memref_slice %arg7[%mul3A_11, %dma_wait3A_28] : memref<160000x128xf32, #tpu.memory_space<hbm>> -> memref<128x128xf32, #tpu.memory_space<hbm>>
        tpu.wait_dma2 semaphore(%run_scoped3A : memref<!tpu.dma_semaphore, #tpu.memory_space<semaphore_mem>>) src(%arg9 : memref<128x128xf32, #tpu.memory_space<vmem>>) dst(%dma_wait3A_29 : memref<128x128xf32, #tpu.memory_space<hbm>>)
        tpu.yield
      }) : () -> ()
    } else {
    }
    return
  }
}

#map = affine_map<(d0, d1) -> (0, 0)>
#map1 = affine_map<(d0, d1) -> (0)>
module attributes {stable_mosaic.version = 14 : i64} {
  func.func @k(%arg0: i32, %arg1: i32, %arg2: memref<10240x128xf32, #tpu.memory_space<hbm>>, %arg3: memref<160000xi32, #tpu.memory_space<hbm>>, %arg4: memref<10240x128xf32, #tpu.memory_space<hbm>>, %arg5: memref<160000xi32, #tpu.memory_space<hbm>>, %arg6: memref<160000x128xf32, #tpu.memory_space<hbm>>, %arg7: memref<160000x128xf32, #tpu.memory_space<hbm>>, %arg8: memref<128xi32, #tpu.memory_space<vmem>>, %arg9: memref<128x128xf32, #tpu.memory_space<vmem>>, %arg10: memref<!tpu.dma_semaphore, #tpu.memory_space<semaphore_mem>>) attributes {dimension_semantics = [#tpu.dimension_semantics<core_parallel>, #tpu.dimension_semantics<subcore_parallel>], iteration_bounds = array<i64: 2, 16>, scalar_prefetch = 0 : i64, scratch_operands = 3 : i64, tpu.core_type = #tpu.core_type<sc_vector_subcore>, window_params = [{transform_indices = #map}, {transform_indices = #map1}, {transform_indices = #map}, {transform_indices = #map1}, {transform_indices = #map}, {transform_indices = #map}]} {
    %mul3A = arith.constant 2 : i32
    %mul3A_0 = arith.muli %arg1, %mul3A : i32
    %add3A = arith.addi %mul3A_0, %arg0 : i32
    %scan3A = arith.constant 0 : i32
    %scan3A_1 = arith.constant 0 : i32
    %scan3A_2 = arith.constant 39 : i32
    %scan3A_3 = arith.addi %scan3A_1, %scan3A_2 : i32
    %scan3A_4 = arith.constant 1 : i32
    scf.for %scan3A_8 = %scan3A_1 to %scan3A_3 step %scan3A_4  : i32 {
      %mul3A_9 = arith.constant 32 : i32
      %mul3A_10 = arith.muli %scan3A_8, %mul3A_9 : i32
      %add3A_11 = arith.addi %mul3A_10, %add3A : i32
      %mul3A_12 = arith.constant 128 : i32
      %mul3A_13 = arith.muli %add3A_11, %mul3A_12 : i32
      "tpu.region"() ({
        %run_scoped3A = tpu.sem_alloc : memref<!tpu.dma_semaphore, #tpu.memory_space<semaphore_mem>>
        %dma_start3A_24 = tpu.memref_slice %arg3[%mul3A_13] : memref<160000xi32, #tpu.memory_space<hbm>> -> memref<128xi32, #tpu.memory_space<hbm>>
        %dma_start3A_25 = tpu.memref_slice %arg3[%mul3A_13] : memref<160000xi32, #tpu.memory_space<hbm>> -> memref<128xi32, #tpu.memory_space<hbm>>
        tpu.enqueue_dma source(%dma_start3A_25 : memref<128xi32, #tpu.memory_space<hbm>>) target(%arg8 : memref<128xi32, #tpu.memory_space<vmem>>) target_semaphore(%run_scoped3A : memref<!tpu.dma_semaphore, #tpu.memory_space<semaphore_mem>>)
        %dma_wait3A_26 = tpu.memref_slice %arg3[%mul3A_13] : memref<160000xi32, #tpu.memory_space<hbm>> -> memref<128xi32, #tpu.memory_space<hbm>>
        %dma_wait3A_27 = tpu.memref_slice %arg3[%mul3A_13] : memref<160000xi32, #tpu.memory_space<hbm>> -> memref<128xi32, #tpu.memory_space<hbm>>
        tpu.wait_dma2 semaphore(%run_scoped3A : memref<!tpu.dma_semaphore, #tpu.memory_space<semaphore_mem>>) src(%dma_wait3A_27 : memref<128xi32, #tpu.memory_space<hbm>>) dst(%arg8 : memref<128xi32, #tpu.memory_space<vmem>>)
        tpu.yield
      }) : () -> ()
      %dma_start3A = arith.constant 0 : i32
      %dma_start3A_14 = arith.constant 0 : i32
      %dma_start3A_15 = tpu.memref_slice %arg2[%dma_start3A, %dma_start3A_14] : memref<10240x128xf32, #tpu.memory_space<hbm>> -> memref<10240x128xf32, #tpu.memory_space<hbm>>
      tpu.enqueue_indirect_dma source(%dma_start3A_15 : memref<10240x128xf32, #tpu.memory_space<hbm>>) target(%arg9 : memref<128x128xf32, #tpu.memory_space<vmem>>) offsets(%arg8 : memref<128xi32, #tpu.memory_space<vmem>>) semaphore(%arg10 : memref<!tpu.dma_semaphore, #tpu.memory_space<semaphore_mem>>)
      %dma_wait3A = arith.constant 0 : i32
      %dma_wait3A_16 = arith.constant 0 : i32
      %dma_wait3A_17 = tpu.memref_slice %arg2[%dma_wait3A, %dma_wait3A_16] : memref<10240x128xf32, #tpu.memory_space<hbm>> -> memref<10240x128xf32, #tpu.memory_space<hbm>>
      tpu.wait_indirect_dma semaphore(%arg10 : memref<!tpu.dma_semaphore, #tpu.memory_space<semaphore_mem>>) src(%dma_wait3A_17 : memref<10240x128xf32, #tpu.memory_space<hbm>>) dst(%arg9 : memref<128x128xf32, #tpu.memory_space<vmem>>)
      "tpu.region"() ({
        %run_scoped3A = tpu.sem_alloc : memref<!tpu.dma_semaphore, #tpu.memory_space<semaphore_mem>>
        %dma_start3A_24 = arith.constant 0 : i32
        %dma_start3A_25 = tpu.memref_slice %arg6[%mul3A_13, %dma_start3A_24] : memref<160000x128xf32, #tpu.memory_space<hbm>> -> memref<128x128xf32, #tpu.memory_space<hbm>>
        %dma_start3A_26 = arith.constant 0 : i32
        %dma_start3A_27 = tpu.memref_slice %arg6[%mul3A_13, %dma_start3A_26] : memref<160000x128xf32, #tpu.memory_space<hbm>> -> memref<128x128xf32, #tpu.memory_space<hbm>>
        tpu.enqueue_dma source(%arg9 : memref<128x128xf32, #tpu.memory_space<vmem>>) target(%dma_start3A_27 : memref<128x128xf32, #tpu.memory_space<hbm>>) target_semaphore(%run_scoped3A : memref<!tpu.dma_semaphore, #tpu.memory_space<semaphore_mem>>)
        %dma_wait3A_28 = arith.constant 0 : i32
        %dma_wait3A_29 = tpu.memref_slice %arg6[%mul3A_13, %dma_wait3A_28] : memref<160000x128xf32, #tpu.memory_space<hbm>> -> memref<128x128xf32, #tpu.memory_space<hbm>>
        %dma_wait3A_30 = arith.constant 0 : i32
        %dma_wait3A_31 = tpu.memref_slice %arg6[%mul3A_13, %dma_wait3A_30] : memref<160000x128xf32, #tpu.memory_space<hbm>> -> memref<128x128xf32, #tpu.memory_space<hbm>>
        tpu.wait_dma2 semaphore(%run_scoped3A : memref<!tpu.dma_semaphore, #tpu.memory_space<semaphore_mem>>) src(%arg9 : memref<128x128xf32, #tpu.memory_space<vmem>>) dst(%dma_wait3A_31 : memref<128x128xf32, #tpu.memory_space<hbm>>)
        tpu.yield
      }) : () -> ()
      "tpu.region"() ({
        %run_scoped3A = tpu.sem_alloc : memref<!tpu.dma_semaphore, #tpu.memory_space<semaphore_mem>>
        %dma_start3A_24 = tpu.memref_slice %arg5[%mul3A_13] : memref<160000xi32, #tpu.memory_space<hbm>> -> memref<128xi32, #tpu.memory_space<hbm>>
        %dma_start3A_25 = tpu.memref_slice %arg5[%mul3A_13] : memref<160000xi32, #tpu.memory_space<hbm>> -> memref<128xi32, #tpu.memory_space<hbm>>
        tpu.enqueue_dma source(%dma_start3A_25 : memref<128xi32, #tpu.memory_space<hbm>>) target(%arg8 : memref<128xi32, #tpu.memory_space<vmem>>) target_semaphore(%run_scoped3A : memref<!tpu.dma_semaphore, #tpu.memory_space<semaphore_mem>>)
        %dma_wait3A_26 = tpu.memref_slice %arg5[%mul3A_13] : memref<160000xi32, #tpu.memory_space<hbm>> -> memref<128xi32, #tpu.memory_space<hbm>>
        %dma_wait3A_27 = tpu.memref_slice %arg5[%mul3A_13] : memref<160000xi32, #tpu.memory_space<hbm>> -> memref<128xi32, #tpu.memory_space<hbm>>
        tpu.wait_dma2 semaphore(%run_scoped3A : memref<!tpu.dma_semaphore, #tpu.memory_space<semaphore_mem>>) src(%dma_wait3A_27 : memref<128xi32, #tpu.memory_space<hbm>>) dst(%arg8 : memref<128xi32, #tpu.memory_space<vmem>>)
        tpu.yield
      }) : () -> ()
      %dma_start3A_18 = arith.constant 0 : i32
      %dma_start3A_19 = arith.constant 0 : i32
      %dma_start3A_20 = tpu.memref_slice %arg4[%dma_start3A_18, %dma_start3A_19] : memref<10240x128xf32, #tpu.memory_space<hbm>> -> memref<10240x128xf32, #tpu.memory_space<hbm>>
      tpu.enqueue_indirect_dma source(%dma_start3A_20 : memref<10240x128xf32, #tpu.memory_space<hbm>>) target(%arg9 : memref<128x128xf32, #tpu.memory_space<vmem>>) offsets(%arg8 : memref<128xi32, #tpu.memory_space<vmem>>) semaphore(%arg10 : memref<!tpu.dma_semaphore, #tpu.memory_space<semaphore_mem>>)
      %dma_wait3A_21 = arith.constant 0 : i32
      %dma_wait3A_22 = arith.constant 0 : i32
      %dma_wait3A_23 = tpu.memref_slice %arg4[%dma_wait3A_21, %dma_wait3A_22] : memref<10240x128xf32, #tpu.memory_space<hbm>> -> memref<10240x128xf32, #tpu.memory_space<hbm>>
      tpu.wait_indirect_dma semaphore(%arg10 : memref<!tpu.dma_semaphore, #tpu.memory_space<semaphore_mem>>) src(%dma_wait3A_23 : memref<10240x128xf32, #tpu.memory_space<hbm>>) dst(%arg9 : memref<128x128xf32, #tpu.memory_space<vmem>>)
      "tpu.region"() ({
        %run_scoped3A = tpu.sem_alloc : memref<!tpu.dma_semaphore, #tpu.memory_space<semaphore_mem>>
        %dma_start3A_24 = arith.constant 0 : i32
        %dma_start3A_25 = tpu.memref_slice %arg7[%mul3A_13, %dma_start3A_24] : memref<160000x128xf32, #tpu.memory_space<hbm>> -> memref<128x128xf32, #tpu.memory_space<hbm>>
        %dma_start3A_26 = arith.constant 0 : i32
        %dma_start3A_27 = tpu.memref_slice %arg7[%mul3A_13, %dma_start3A_26] : memref<160000x128xf32, #tpu.memory_space<hbm>> -> memref<128x128xf32, #tpu.memory_space<hbm>>
        tpu.enqueue_dma source(%arg9 : memref<128x128xf32, #tpu.memory_space<vmem>>) target(%dma_start3A_27 : memref<128x128xf32, #tpu.memory_space<hbm>>) target_semaphore(%run_scoped3A : memref<!tpu.dma_semaphore, #tpu.memory_space<semaphore_mem>>)
        %dma_wait3A_28 = arith.constant 0 : i32
        %dma_wait3A_29 = tpu.memref_slice %arg7[%mul3A_13, %dma_wait3A_28] : memref<160000x128xf32, #tpu.memory_space<hbm>> -> memref<128x128xf32, #tpu.memory_space<hbm>>
        %dma_wait3A_30 = arith.constant 0 : i32
        %dma_wait3A_31 = tpu.memref_slice %arg7[%mul3A_13, %dma_wait3A_30] : memref<160000x128xf32, #tpu.memory_space<hbm>> -> memref<128x128xf32, #tpu.memory_space<hbm>>
        tpu.wait_dma2 semaphore(%run_scoped3A : memref<!tpu.dma_semaphore, #tpu.memory_space<semaphore_mem>>) src(%arg9 : memref<128x128xf32, #tpu.memory_space<vmem>>) dst(%dma_wait3A_31 : memref<128x128xf32, #tpu.memory_space<hbm>>)
        tpu.yield
      }) : () -> ()
    }
    %scan3A_5 = arith.constant 39 : i32
    %lt3A = arith.constant 2 : i32
    %lt3A_6 = arith.cmpi slt, %add3A, %lt3A : i32
    %convert_element_type3A = arith.extui %lt3A_6 : i1 to i32
    %cond3A = arith.constant 0 : i32
    %cond3A_7 = arith.cmpi ne, %convert_element_type3A, %cond3A : i32
    scf.if %cond3A_7 {
      %add3A_8 = arith.constant 1248 : i32
      %add3A_9 = arith.addi %add3A_8, %add3A : i32
      %mul3A_10 = arith.constant 128 : i32
      %mul3A_11 = arith.muli %add3A_9, %mul3A_10 : i32
      "tpu.region"() ({
        %run_scoped3A = tpu.sem_alloc : memref<!tpu.dma_semaphore, #tpu.memory_space<semaphore_mem>>
        %dma_start3A_22 = tpu.memref_slice %arg3[%mul3A_11] : memref<160000xi32, #tpu.memory_space<hbm>> -> memref<128xi32, #tpu.memory_space<hbm>>
        %dma_start3A_23 = tpu.memref_slice %arg3[%mul3A_11] : memref<160000xi32, #tpu.memory_space<hbm>> -> memref<128xi32, #tpu.memory_space<hbm>>
        tpu.enqueue_dma source(%dma_start3A_23 : memref<128xi32, #tpu.memory_space<hbm>>) target(%arg8 : memref<128xi32, #tpu.memory_space<vmem>>) target_semaphore(%run_scoped3A : memref<!tpu.dma_semaphore, #tpu.memory_space<semaphore_mem>>)
        %dma_wait3A_24 = tpu.memref_slice %arg3[%mul3A_11] : memref<160000xi32, #tpu.memory_space<hbm>> -> memref<128xi32, #tpu.memory_space<hbm>>
        %dma_wait3A_25 = tpu.memref_slice %arg3[%mul3A_11] : memref<160000xi32, #tpu.memory_space<hbm>> -> memref<128xi32, #tpu.memory_space<hbm>>
        tpu.wait_dma2 semaphore(%run_scoped3A : memref<!tpu.dma_semaphore, #tpu.memory_space<semaphore_mem>>) src(%dma_wait3A_25 : memref<128xi32, #tpu.memory_space<hbm>>) dst(%arg8 : memref<128xi32, #tpu.memory_space<vmem>>)
        tpu.yield
      }) : () -> ()
      %dma_start3A = arith.constant 0 : i32
      %dma_start3A_12 = arith.constant 0 : i32
      %dma_start3A_13 = tpu.memref_slice %arg2[%dma_start3A, %dma_start3A_12] : memref<10240x128xf32, #tpu.memory_space<hbm>> -> memref<10240x128xf32, #tpu.memory_space<hbm>>
      tpu.enqueue_indirect_dma source(%dma_start3A_13 : memref<10240x128xf32, #tpu.memory_space<hbm>>) target(%arg9 : memref<128x128xf32, #tpu.memory_space<vmem>>) offsets(%arg8 : memref<128xi32, #tpu.memory_space<vmem>>) semaphore(%arg10 : memref<!tpu.dma_semaphore, #tpu.memory_space<semaphore_mem>>)
      %dma_wait3A = arith.constant 0 : i32
      %dma_wait3A_14 = arith.constant 0 : i32
      %dma_wait3A_15 = tpu.memref_slice %arg2[%dma_wait3A, %dma_wait3A_14] : memref<10240x128xf32, #tpu.memory_space<hbm>> -> memref<10240x128xf32, #tpu.memory_space<hbm>>
      tpu.wait_indirect_dma semaphore(%arg10 : memref<!tpu.dma_semaphore, #tpu.memory_space<semaphore_mem>>) src(%dma_wait3A_15 : memref<10240x128xf32, #tpu.memory_space<hbm>>) dst(%arg9 : memref<128x128xf32, #tpu.memory_space<vmem>>)
      "tpu.region"() ({
        %run_scoped3A = tpu.sem_alloc : memref<!tpu.dma_semaphore, #tpu.memory_space<semaphore_mem>>
        %dma_start3A_22 = arith.constant 0 : i32
        %dma_start3A_23 = tpu.memref_slice %arg6[%mul3A_11, %dma_start3A_22] : memref<160000x128xf32, #tpu.memory_space<hbm>> -> memref<128x128xf32, #tpu.memory_space<hbm>>
        %dma_start3A_24 = arith.constant 0 : i32
        %dma_start3A_25 = tpu.memref_slice %arg6[%mul3A_11, %dma_start3A_24] : memref<160000x128xf32, #tpu.memory_space<hbm>> -> memref<128x128xf32, #tpu.memory_space<hbm>>
        tpu.enqueue_dma source(%arg9 : memref<128x128xf32, #tpu.memory_space<vmem>>) target(%dma_start3A_25 : memref<128x128xf32, #tpu.memory_space<hbm>>) target_semaphore(%run_scoped3A : memref<!tpu.dma_semaphore, #tpu.memory_space<semaphore_mem>>)
        %dma_wait3A_26 = arith.constant 0 : i32
        %dma_wait3A_27 = tpu.memref_slice %arg6[%mul3A_11, %dma_wait3A_26] : memref<160000x128xf32, #tpu.memory_space<hbm>> -> memref<128x128xf32, #tpu.memory_space<hbm>>
        %dma_wait3A_28 = arith.constant 0 : i32
        %dma_wait3A_29 = tpu.memref_slice %arg6[%mul3A_11, %dma_wait3A_28] : memref<160000x128xf32, #tpu.memory_space<hbm>> -> memref<128x128xf32, #tpu.memory_space<hbm>>
        tpu.wait_dma2 semaphore(%run_scoped3A : memref<!tpu.dma_semaphore, #tpu.memory_space<semaphore_mem>>) src(%arg9 : memref<128x128xf32, #tpu.memory_space<vmem>>) dst(%dma_wait3A_29 : memref<128x128xf32, #tpu.memory_space<hbm>>)
        tpu.yield
      }) : () -> ()
      "tpu.region"() ({
        %run_scoped3A = tpu.sem_alloc : memref<!tpu.dma_semaphore, #tpu.memory_space<semaphore_mem>>
        %dma_start3A_22 = tpu.memref_slice %arg5[%mul3A_11] : memref<160000xi32, #tpu.memory_space<hbm>> -> memref<128xi32, #tpu.memory_space<hbm>>
        %dma_start3A_23 = tpu.memref_slice %arg5[%mul3A_11] : memref<160000xi32, #tpu.memory_space<hbm>> -> memref<128xi32, #tpu.memory_space<hbm>>
        tpu.enqueue_dma source(%dma_start3A_23 : memref<128xi32, #tpu.memory_space<hbm>>) target(%arg8 : memref<128xi32, #tpu.memory_space<vmem>>) target_semaphore(%run_scoped3A : memref<!tpu.dma_semaphore, #tpu.memory_space<semaphore_mem>>)
        %dma_wait3A_24 = tpu.memref_slice %arg5[%mul3A_11] : memref<160000xi32, #tpu.memory_space<hbm>> -> memref<128xi32, #tpu.memory_space<hbm>>
        %dma_wait3A_25 = tpu.memref_slice %arg5[%mul3A_11] : memref<160000xi32, #tpu.memory_space<hbm>> -> memref<128xi32, #tpu.memory_space<hbm>>
        tpu.wait_dma2 semaphore(%run_scoped3A : memref<!tpu.dma_semaphore, #tpu.memory_space<semaphore_mem>>) src(%dma_wait3A_25 : memref<128xi32, #tpu.memory_space<hbm>>) dst(%arg8 : memref<128xi32, #tpu.memory_space<vmem>>)
        tpu.yield
      }) : () -> ()
      %dma_start3A_16 = arith.constant 0 : i32
      %dma_start3A_17 = arith.constant 0 : i32
      %dma_start3A_18 = tpu.memref_slice %arg4[%dma_start3A_16, %dma_start3A_17] : memref<10240x128xf32, #tpu.memory_space<hbm>> -> memref<10240x128xf32, #tpu.memory_space<hbm>>
      tpu.enqueue_indirect_dma source(%dma_start3A_18 : memref<10240x128xf32, #tpu.memory_space<hbm>>) target(%arg9 : memref<128x128xf32, #tpu.memory_space<vmem>>) offsets(%arg8 : memref<128xi32, #tpu.memory_space<vmem>>) semaphore(%arg10 : memref<!tpu.dma_semaphore, #tpu.memory_space<semaphore_mem>>)
      %dma_wait3A_19 = arith.constant 0 : i32
      %dma_wait3A_20 = arith.constant 0 : i32
      %dma_wait3A_21 = tpu.memref_slice %arg4[%dma_wait3A_19, %dma_wait3A_20] : memref<10240x128xf32, #tpu.memory_space<hbm>> -> memref<10240x128xf32, #tpu.memory_space<hbm>>
      tpu.wait_indirect_dma semaphore(%arg10 : memref<!tpu.dma_semaphore, #tpu.memory_space<semaphore_mem>>) src(%dma_wait3A_21 : memref<10240x128xf32, #tpu.memory_space<hbm>>) dst(%arg9 : memref<128x128xf32, #tpu.memory_space<vmem>>)
      "tpu.region"() ({
        %run_scoped3A = tpu.sem_alloc : memref<!tpu.dma_semaphore, #tpu.memory_space<semaphore_mem>>
        %dma_start3A_22 = arith.constant 0 : i32
        %dma_start3A_23 = tpu.memref_slice %arg7[%mul3A_11, %dma_start3A_22] : memref<160000x128xf32, #tpu.memory_space<hbm>> -> memref<128x128xf32, #tpu.memory_space<hbm>>
        %dma_start3A_24 = arith.constant 0 : i32
        %dma_start3A_25 = tpu.memref_slice %arg7[%mul3A_11, %dma_start3A_24] : memref<160000x128xf32, #tpu.memory_space<hbm>> -> memref<128x128xf32, #tpu.memory_space<hbm>>
        tpu.enqueue_dma source(%arg9 : memref<128x128xf32, #tpu.memory_space<vmem>>) target(%dma_start3A_25 : memref<128x128xf32, #tpu.memory_space<hbm>>) target_semaphore(%run_scoped3A : memref<!tpu.dma_semaphore, #tpu.memory_space<semaphore_mem>>)
        %dma_wait3A_26 = arith.constant 0 : i32
        %dma_wait3A_27 = tpu.memref_slice %arg7[%mul3A_11, %dma_wait3A_26] : memref<160000x128xf32, #tpu.memory_space<hbm>> -> memref<128x128xf32, #tpu.memory_space<hbm>>
        %dma_wait3A_28 = arith.constant 0 : i32
        %dma_wait3A_29 = tpu.memref_slice %arg7[%mul3A_11, %dma_wait3A_28] : memref<160000x128xf32, #tpu.memory_space<hbm>> -> memref<128x128xf32, #tpu.memory_space<hbm>>
        tpu.wait_dma2 semaphore(%run_scoped3A : memref<!tpu.dma_semaphore, #tpu.memory_space<semaphore_mem>>) src(%arg9 : memref<128x128xf32, #tpu.memory_space<vmem>>) dst(%dma_wait3A_29 : memref<128x128xf32, #tpu.memory_space<hbm>>)
        tpu.yield
      }) : () -> ()
    } else {
    }
    return
  }
}

module attributes {stable_mosaic.version = 14 : i64} {
  func.func @_k1_body(%arg0: memref<10000x128xf32, #tpu.memory_space<vmem>>, %arg1: memref<128x32xf32, #tpu.memory_space<vmem>>, %arg2: memref<128x32xf32, #tpu.memory_space<vmem>>, %arg3: memref<128x32xf32, #tpu.memory_space<vmem>>, %arg4: memref<128x32xf32, #tpu.memory_space<vmem>>, %arg5: memref<64x64xf32, #tpu.memory_space<vmem>>, %arg6: memref<64x32xf32, #tpu.memory_space<vmem>>, %arg7: memref<64x32xf32, #tpu.memory_space<vmem>>, %arg8: memref<32x32xf32, #tpu.memory_space<vmem>>, %arg9: memref<10000x128xf32, #tpu.memory_space<vmem>>, %arg10: memref<10000x128xf32, #tpu.memory_space<vmem>>, %arg11: memref<10000x32xf32, #tpu.memory_space<vmem>>, %arg12: memref<64x32xf32, #tpu.memory_space<vmem>>, %arg13: memref<64x32xf32, #tpu.memory_space<vmem>>) attributes {dimension_semantics = [], scalar_prefetch = 0 : i64, scratch_operands = 0 : i64, tpu.core_type = #tpu.core_type<tc>} {
    %get3A = arith.constant 0 : index
    %get3A_0 = arith.constant 0 : index
    %get3A_1 = vector.load %arg0[%get3A, %get3A_0] : memref<10000x128xf32, #tpu.memory_space<vmem>>, vector<10000x128xf32>
    %mul3A = arith.mulf %get3A_1, %get3A_1 : vector<10000x128xf32>
    %reduce_sum3A = arith.constant dense<0.000000e+00> : vector<10000xf32>
    %reduce_sum3A_2 = vector.multi_reduction <add>, %mul3A, %reduce_sum3A [1] : vector<10000x128xf32> to vector<10000xf32>
    %broadcast_in_dim3A = vector.shape_cast %reduce_sum3A_2 : vector<10000xf32> to vector<10000x1xf32>
    %sqrt3A = math.sqrt %broadcast_in_dim3A : vector<10000x1xf32>
    %max3A = arith.constant 9.99999996E-13 : f32
    %max3A_3 = vector.broadcast %max3A : f32 to vector<10000x1xf32>
    %max3A_4 = arith.maximumf %sqrt3A, %max3A_3 : vector<10000x1xf32>
    %div3A = vector.broadcast %max3A_4 : vector<10000x1xf32> to vector<10000x128xf32>
    %div3A_5 = arith.divf %get3A_1, %div3A : vector<10000x128xf32>
    %get3A_6 = arith.constant 0 : index
    %get3A_7 = arith.constant 0 : index
    %get3A_8 = vector.load %arg3[%get3A_6, %get3A_7] : memref<128x32xf32, #tpu.memory_space<vmem>>, vector<128x32xf32>
    %dot_general3A = arith.constant dense<0.000000e+00> : vector<10000x32xf32>
    %dot_general3A_9 = tpu.matmul %div3A_5, %get3A_8, %dot_general3A {dimension_numbers = #tpu.dot_dimension_numbers<[1], [0], [0], [1], [0, 0, 1, 1], [], []>, transpose_lhs_hint = false} : vector<10000x128xf32>, vector<128x32xf32>, vector<10000x32xf32> -> vector<10000x32xf32>
    %broadcast_in_dim3A_10 = arith.constant 0.000000e+00 : f32
    %broadcast_in_dim3A_11 = vector.broadcast %broadcast_in_dim3A_10 : f32 to vector<10000x64xf32>
    %get3A_12 = arith.constant 0 : index
    %get3A_13 = arith.constant 0 : index
    %get3A_14 = vector.load %arg1[%get3A_12, %get3A_13] : memref<128x32xf32, #tpu.memory_space<vmem>>, vector<128x32xf32>
    %dot_general3A_15 = arith.constant dense<0.000000e+00> : vector<10000x32xf32>
    %dot_general3A_16 = tpu.matmul %div3A_5, %get3A_14, %dot_general3A_15 {dimension_numbers = #tpu.dot_dimension_numbers<[1], [0], [0], [1], [0, 0, 1, 1], [], []>, transpose_lhs_hint = false} : vector<10000x128xf32>, vector<128x32xf32>, vector<10000x32xf32> -> vector<10000x32xf32>
    %concatenate3A = tpu.concatenate %dot_general3A_16, %dot_general3A_9, %broadcast_in_dim3A_11 in 1 : vector<10000x32xf32>, vector<10000x32xf32>, vector<10000x64xf32> -> vector<10000x128xf32>
    %swap3A = arith.constant 0 : index
    %swap3A_17 = arith.constant 0 : index
    %swap3A_18 = vector.load %arg9[%swap3A, %swap3A_17] : memref<10000x128xf32, #tpu.memory_space<vmem>>, vector<10000x128xf32>
    tpu.vector_store %arg9[%swap3A, %swap3A_17], %concatenate3A {strides = array<i32>} : memref<10000x128xf32, #tpu.memory_space<vmem>>, vector<10000x128xf32>,
    %get3A_19 = arith.constant 0 : index
    %get3A_20 = arith.constant 0 : index
    %get3A_21 = vector.load %arg2[%get3A_19, %get3A_20] : memref<128x32xf32, #tpu.memory_space<vmem>>, vector<128x32xf32>
    %dot_general3A_22 = arith.constant dense<0.000000e+00> : vector<10000x32xf32>
    %dot_general3A_23 = tpu.matmul %div3A_5, %get3A_21, %dot_general3A_22 {dimension_numbers = #tpu.dot_dimension_numbers<[1], [0], [0], [1], [0, 0, 1, 1], [], []>, transpose_lhs_hint = false} : vector<10000x128xf32>, vector<128x32xf32>, vector<10000x32xf32> -> vector<10000x32xf32>
    %concatenate3A_24 = tpu.concatenate %dot_general3A_23, %dot_general3A_9, %broadcast_in_dim3A_11 in 1 : vector<10000x32xf32>, vector<10000x32xf32>, vector<10000x64xf32> -> vector<10000x128xf32>
    %swap3A_25 = arith.constant 0 : index
    %swap3A_26 = arith.constant 0 : index
    %swap3A_27 = vector.load %arg10[%swap3A_25, %swap3A_26] : memref<10000x128xf32, #tpu.memory_space<vmem>>, vector<10000x128xf32>
    tpu.vector_store %arg10[%swap3A_25, %swap3A_26], %concatenate3A_24 {strides = array<i32>} : memref<10000x128xf32, #tpu.memory_space<vmem>>, vector<10000x128xf32>,
    %get3A_28 = arith.constant 0 : index
    %get3A_29 = arith.constant 0 : index
    %get3A_30 = vector.load %arg4[%get3A_28, %get3A_29] : memref<128x32xf32, #tpu.memory_space<vmem>>, vector<128x32xf32>
    %dot_general3A_31 = arith.constant dense<0.000000e+00> : vector<10000x32xf32>
    %dot_general3A_32 = tpu.matmul %div3A_5, %get3A_30, %dot_general3A_31 {dimension_numbers = #tpu.dot_dimension_numbers<[1], [0], [0], [1], [0, 0, 1, 1], [], []>, transpose_lhs_hint = false} : vector<10000x128xf32>, vector<128x32xf32>, vector<10000x32xf32> -> vector<10000x32xf32>
    %swap3A_33 = arith.constant 0 : index
    %swap3A_34 = arith.constant 0 : index
    %swap3A_35 = vector.load %arg11[%swap3A_33, %swap3A_34] : memref<10000x32xf32, #tpu.memory_space<vmem>>, vector<10000x32xf32>
    tpu.vector_store %arg11[%swap3A_33, %swap3A_34], %dot_general3A_32 {strides = array<i32>} : memref<10000x32xf32, #tpu.memory_space<vmem>>, vector<10000x32xf32>,
    %get3A_36 = arith.constant 0 : index
    %get3A_37 = arith.constant 0 : index
    %get3A_38 = vector.load %arg5[%get3A_36, %get3A_37] : memref<64x64xf32, #tpu.memory_space<vmem>>, vector<64x64xf32>
    %get3A_39 = arith.constant 0 : index
    %get3A_40 = arith.constant 0 : index
    %get3A_41 = vector.load %arg6[%get3A_39, %get3A_40] : memref<64x32xf32, #tpu.memory_space<vmem>>, vector<64x32xf32>
    %dot_general3A_42 = arith.constant dense<0.000000e+00> : vector<64x32xf32>
    %dot_general3A_43 = tpu.matmul %get3A_38, %get3A_41, %dot_general3A_42 {dimension_numbers = #tpu.dot_dimension_numbers<[1], [0], [0], [1], [0, 0, 1, 1], [], []>, transpose_lhs_hint = false} : vector<64x64xf32>, vector<64x32xf32>, vector<64x32xf32> -> vector<64x32xf32>
    %swap3A_44 = arith.constant 0 : index
    %swap3A_45 = arith.constant 0 : index
    %swap3A_46 = vector.load %arg12[%swap3A_44, %swap3A_45] : memref<64x32xf32, #tpu.memory_space<vmem>>, vector<64x32xf32>
    tpu.vector_store %arg12[%swap3A_44, %swap3A_45], %dot_general3A_43 {strides = array<i32>} : memref<64x32xf32, #tpu.memory_space<vmem>>, vector<64x32xf32>,
    %get3A_47 = arith.constant 0 : index
    %get3A_48 = arith.constant 0 : index
    %get3A_49 = vector.load %arg7[%get3A_47, %get3A_48] : memref<64x32xf32, #tpu.memory_space<vmem>>, vector<64x32xf32>
    %dot_general3A_50 = arith.constant dense<0.000000e+00> : vector<64x32xf32>
    %dot_general3A_51 = tpu.matmul %get3A_38, %get3A_49, %dot_general3A_50 {dimension_numbers = #tpu.dot_dimension_numbers<[1], [0], [0], [1], [0, 0, 1, 1], [], []>, transpose_lhs_hint = false} : vector<64x64xf32>, vector<64x32xf32>, vector<64x32xf32> -> vector<64x32xf32>
    %get3A_52 = arith.constant 0 : index
    %get3A_53 = arith.constant 0 : index
    %get3A_54 = vector.load %arg8[%get3A_52, %get3A_53] : memref<32x32xf32, #tpu.memory_space<vmem>>, vector<32x32xf32>
    %dot_general3A_55 = arith.constant dense<0.000000e+00> : vector<64x32xf32>
    %dot_general3A_56 = tpu.matmul %dot_general3A_51, %get3A_54, %dot_general3A_55 {dimension_numbers = #tpu.dot_dimension_numbers<[1], [0], [0], [1], [0, 0, 1, 1], [], []>, transpose_lhs_hint = false} : vector<64x32xf32>, vector<32x32xf32>, vector<64x32xf32> -> vector<64x32xf32>
    %swap3A_57 = arith.constant 0 : index
    %swap3A_58 = arith.constant 0 : index
    %swap3A_59 = vector.load %arg13[%swap3A_57, %swap3A_58] : memref<64x32xf32, #tpu.memory_space<vmem>>, vector<64x32xf32>
    tpu.vector_store %arg13[%swap3A_57, %swap3A_58], %dot_general3A_56 {strides = array<i32>} : memref<64x32xf32, #tpu.memory_space<vmem>>, vector<64x32xf32>,
    return
  }
}

module attributes {stable_mosaic.version = 14 : i64} {
  func.func @_ah1_body(%arg0: i32, %arg1: memref<1280x128xf32, #tpu.memory_space<vmem>>, %arg2: memref<1280x128xf32, #tpu.memory_space<vmem>>, %arg3: memref<1280x1xf32, #tpu.memory_space<vmem>>, %arg4: memref<64x32xf32, #tpu.memory_space<vmem>>, %arg5: memref<32x2xf32, #tpu.memory_space<vmem>>, %arg6: memref<2x32xf32, #tpu.memory_space<vmem>>, %arg7: memref<32x32xf32, #tpu.memory_space<vmem>>, %arg8: memref<288x32xf32, #tpu.memory_space<vmem>>, %arg9: memref<288x1xf32, #tpu.memory_space<vmem>>, %arg10: memref<32x768xf32, #tpu.memory_space<vmem>>, %arg11: memref<1280x128xf32, #tpu.memory_space<vmem>>, %arg12: memref<1280x64xf32, #tpu.memory_space<vmem>>, %arg13: memref<768x2xf32, #tpu.memory_space<vmem>>, %arg14: memref<32x5xf32, #tpu.memory_space<vmem>>, %arg15: memref<768x2xf32, #tpu.memory_space<vmem>>, %arg16: memref<32x5xf32, #tpu.memory_space<vmem>>) attributes {dimension_semantics = [#tpu.dimension_semantics<arbitrary>], iteration_bounds = array<i64: 125>, scalar_prefetch = 0 : i64, scratch_operands = 2 : i64, tpu.core_type = #tpu.core_type<tc>, window_params = [{transform_indices = @transform_0, window_bounds = array<i64: 1280, 128>}, {transform_indices = @transform_1, window_bounds = array<i64: 1280, 128>}, {transform_indices = @transform_2, window_bounds = array<i64: 1280, 1>}, {pipeline_mode = #tpu.pipeline_mode<synchronous>, transform_indices = @transform_3, window_bounds = array<i64: 64, 32>}, {pipeline_mode = #tpu.pipeline_mode<synchronous>, transform_indices = @transform_4, window_bounds = array<i64: 32, 2>}, {pipeline_mode = #tpu.pipeline_mode<synchronous>, transform_indices = @transform_5, window_bounds = array<i64: 2, 32>}, {pipeline_mode = #tpu.pipeline_mode<synchronous>, transform_indices = @transform_6, window_bounds = array<i64: 32, 32>}, {pipeline_mode = #tpu.pipeline_mode<synchronous>, transform_indices = @transform_7, window_bounds = array<i64: 288, 32>}, {pipeline_mode = #tpu.pipeline_mode<synchronous>, transform_indices = @transform_8, window_bounds = array<i64: 288, 1>}, {pipeline_mode = #tpu.pipeline_mode<synchronous>, transform_indices = @transform_9, window_bounds = array<i64: 32, 768>}, {transform_indices = @transform_10, window_bounds = array<i64: 1280, 128>}, {transform_indices = @transform_11, window_bounds = array<i64: 1280, 64>}, {pipeline_mode = #tpu.pipeline_mode<synchronous>, transform_indices = @transform_12, window_bounds = array<i64: 768, 2>}, {pipeline_mode = #tpu.pipeline_mode<synchronous>, transform_indices = @transform_13, window_bounds = array<i64: 32, 5>}]} {
    %eq3A = arith.constant 0 : i32
    %eq3A_0 = arith.cmpi eq, %arg0, %eq3A : i32
    %convert_element_type3A = arith.extui %eq3A_0 : i1 to i32
    %cond3A = arith.constant 0 : i32
    %cond3A_1 = arith.cmpi ne, %convert_element_type3A, %cond3A : i32
    scf.if %cond3A_1 {
      %broadcast_in_dim3A_1564 = arith.constant 0.000000e+00 : f32
      %broadcast_in_dim3A_1565 = vector.broadcast %broadcast_in_dim3A_1564 : f32 to vector<768x2xf32>
      %swap3A_1566 = arith.constant 0 : index
      %swap3A_1567 = arith.constant 0 : index
      %swap3A_1568 = vector.load %arg15[%swap3A_1566, %swap3A_1567] : memref<768x2xf32, #tpu.memory_space<vmem>>, vector<768x2xf32>
      tpu.vector_store %arg15[%swap3A_1566, %swap3A_1567], %broadcast_in_dim3A_1565 {strides = array<i32>} : memref<768x2xf32, #tpu.memory_space<vmem>>, vector<768x2xf32>,
      %broadcast_in_dim3A_1569 = arith.constant 0.000000e+00 : f32
      %broadcast_in_dim3A_1570 = vector.broadcast %broadcast_in_dim3A_1569 : f32 to vector<32x5xf32>
      %swap3A_1571 = arith.constant 0 : index
      %swap3A_1572 = arith.constant 0 : index
      %swap3A_1573 = vector.load %arg16[%swap3A_1571, %swap3A_1572] : memref<32x5xf32, #tpu.memory_space<vmem>>, vector<32x5xf32>
      tpu.vector_store %arg16[%swap3A_1571, %swap3A_1572], %broadcast_in_dim3A_1570 {strides = array<i32>} : memref<32x5xf32, #tpu.memory_space<vmem>>, vector<32x5xf32>,
    } else {
    }
    %get3A = arith.constant 0 : index
    %get3A_2 = arith.constant 0 : index
    %get3A_3 = vector.load %arg1[%get3A, %get3A_2] : memref<1280x128xf32, #tpu.memory_space<vmem>>, vector<1280x128xf32>
    %get3A_4 = arith.constant 0 : index
    %get3A_5 = arith.constant 0 : index
    %get3A_6 = vector.load %arg2[%get3A_4, %get3A_5] : memref<1280x128xf32, #tpu.memory_space<vmem>>, vector<1280x128xf32>
    %slice3A = vector.extract_strided_slice %get3A_3 {offsets = [0, 0], sizes = [1280, 32], strides = [1, 1]} : vector<1280x128xf32> to vector<1280x32xf32>
    %slice3A_7 = vector.extract_strided_slice %get3A_6 {offsets = [0, 0], sizes = [1280, 32], strides = [1, 1]} : vector<1280x128xf32> to vector<1280x32xf32>
    %add3A = arith.addf %slice3A, %slice3A_7 : vector<1280x32xf32>
    %get3A_8 = arith.constant 0 : index
    %get3A_9 = arith.constant 0 : index
    %get3A_10 = vector.load %arg3[%get3A_8, %get3A_9] : memref<1280x1xf32, #tpu.memory_space<vmem>>, vector<1280x1xf32>
    %iota3A = tpu.iota {dimensions = array<i32: 1>} : vector<1280x64xi32>
    %convert_element_type3A_11 = arith.sitofp %iota3A : vector<1280x64xi32> to vector<1280x64xf32>
    %eq3A_12 = vector.broadcast %get3A_10 : vector<1280x1xf32> to vector<1280x64xf32>
    %eq3A_13 = arith.cmpf oeq, %eq3A_12, %convert_element_type3A_11 : vector<1280x64xf32>
    %jit3A = arith.constant 1.000000e+00 : f32
    %jit3A_14 = arith.constant 0.000000e+00 : f32
    %broadcast_in_dim3A = vector.broadcast %jit3A : f32 to vector<1280x64xf32>
    %broadcast_in_dim3A_15 = vector.broadcast %jit3A_14 : f32 to vector<1280x64xf32>
    %select_n3A = arith.select %eq3A_13, %broadcast_in_dim3A, %broadcast_in_dim3A_15 : vector<1280x64xi1>, vector<1280x64xf32>
    %get3A_16 = arith.constant 0 : index
    %get3A_17 = arith.constant 0 : index
    %get3A_18 = vector.load %arg4[%get3A_16, %get3A_17] : memref<64x32xf32, #tpu.memory_space<vmem>>, vector<64x32xf32>
    %dot_general3A = arith.constant dense<0.000000e+00> : vector<1280x32xf32>
    %dot_general3A_19 = tpu.matmul %select_n3A, %get3A_18, %dot_general3A {dimension_numbers = #tpu.dot_dimension_numbers<[1], [0], [0], [1], [0, 0, 1, 1], [], []>, transpose_lhs_hint = false} : vector<1280x64xf32>, vector<64x32xf32>, vector<1280x32xf32> -> vector<1280x32xf32>
    %add3A_20 = arith.addf %add3A, %dot_general3A_19 : vector<1280x32xf32>
    %get3A_21 = arith.constant 0 : index
    %get3A_22 = arith.constant 0 : index
    %get3A_23 = vector.load %arg5[%get3A_21, %get3A_22] : memref<32x2xf32, #tpu.memory_space<vmem>>, vector<32x2xf32>
    %dot_general3A_24 = arith.constant dense<0.000000e+00> : vector<1280x2xf32>
    %dot_general3A_25 = tpu.matmul %add3A_20, %get3A_23, %dot_general3A_24 {dimension_numbers = #tpu.dot_dimension_numbers<[1], [0], [0], [1], [0, 0, 1, 1], [], []>, transpose_lhs_hint = false} : vector<1280x32xf32>, vector<32x2xf32>, vector<1280x2xf32> -> vector<1280x2xf32>
    %gt3A = arith.constant 0.000000e+00 : f32
    %gt3A_26 = vector.broadcast %gt3A : f32 to vector<1280x2xf32>
    %gt3A_27 = arith.cmpf ogt, %dot_general3A_25, %gt3A_26 : vector<1280x2xf32>
    %mul3A = arith.constant 2.000000e-01 : f32
    %mul3A_28 = vector.broadcast %mul3A : f32 to vector<1280x2xf32>
    %mul3A_29 = arith.mulf %mul3A_28, %dot_general3A_25 : vector<1280x2xf32>
    %select_n3A_30 = arith.select %gt3A_27, %dot_general3A_25, %mul3A_29 : vector<1280x2xi1>, vector<1280x2xf32>
    %neg3A = arith.constant 0.000000e+00 : f32
    %neg3A_31 = vector.broadcast %neg3A : f32 to vector<1280x2xf32>
    %neg3A_32 = arith.subf %neg3A_31, %select_n3A_30 : vector<1280x2xf32>
    %exp3A = math.exp %neg3A_32 : vector<1280x2xf32>
    %get3A_33 = arith.constant 0 : index
    %get3A_34 = arith.constant 0 : index
    %get3A_35 = vector.load %arg6[%get3A_33, %get3A_34] : memref<2x32xf32, #tpu.memory_space<vmem>>, vector<2x32xf32>
    %dot_general3A_36 = arith.constant dense<0.000000e+00> : vector<1280x32xf32>
    %dot_general3A_37 = tpu.matmul %exp3A, %get3A_35, %dot_general3A_36 {dimension_numbers = #tpu.dot_dimension_numbers<[1], [0], [0], [1], [0, 0, 1, 1], [], []>, transpose_lhs_hint = false} : vector<1280x2xf32>, vector<2x32xf32>, vector<1280x32xf32> -> vector<1280x32xf32>
    %mul3A_38 = arith.mulf %add3A_20, %dot_general3A_37 : vector<1280x32xf32>
    %broadcast_in_dim3A_39 = arith.constant 0.000000e+00 : f32
    %broadcast_in_dim3A_40 = vector.broadcast %broadcast_in_dim3A_39 : f32 to vector<1280x94xf32>
    %concatenate3A = tpu.concatenate %mul3A_38, %exp3A, %broadcast_in_dim3A_40 in 1 : vector<1280x32xf32>, vector<1280x2xf32>, vector<1280x94xf32> -> vector<1280x128xf32>
    %swap3A = arith.constant 0 : index
    %swap3A_41 = arith.constant 0 : index
    %swap3A_42 = vector.load %arg11[%swap3A, %swap3A_41] : memref<1280x128xf32, #tpu.memory_space<vmem>>, vector<1280x128xf32>
    tpu.vector_store %arg11[%swap3A, %swap3A_41], %concatenate3A {strides = array<i32>} : memref<1280x128xf32, #tpu.memory_space<vmem>>, vector<1280x128xf32>,
    %slice3A_43 = vector.extract_strided_slice %get3A_3 {offsets = [0, 32], sizes = [1280, 32], strides = [1, 1]} : vector<1280x128xf32> to vector<1280x32xf32>
    %slice3A_44 = vector.extract_strided_slice %get3A_6 {offsets = [0, 32], sizes = [1280, 32], strides = [1, 1]} : vector<1280x128xf32> to vector<1280x32xf32>
    %concatenate3A_45 = tpu.concatenate %slice3A_43, %slice3A_44 in 1 : vector<1280x32xf32>, vector<1280x32xf32> -> vector<1280x64xf32>
    %swap3A_46 = arith.constant 0 : index
    %swap3A_47 = arith.constant 0 : index
    %swap3A_48 = vector.load %arg12[%swap3A_46, %swap3A_47] : memref<1280x64xf32, #tpu.memory_space<vmem>>, vector<1280x64xf32>
    tpu.vector_store %arg12[%swap3A_46, %swap3A_47], %concatenate3A_45 {strides = array<i32>} : memref<1280x64xf32, #tpu.memory_space<vmem>>, vector<1280x64xf32>,
    %get3A_49 = arith.constant 0 : index
    %get3A_50 = arith.constant 0 : index
    %get3A_51 = vector.load %arg7[%get3A_49, %get3A_50] : memref<32x32xf32, #tpu.memory_space<vmem>>, vector<32x32xf32>
    %get3A_52 = arith.constant 0 : index
    %get3A_53 = arith.constant 0 : index
    %get3A_54 = vector.load %arg8[%get3A_52, %get3A_53] : memref<288x32xf32, #tpu.memory_space<vmem>>, vector<288x32xf32>
    %get3A_55 = arith.constant 0 : index
    %get3A_56 = arith.constant 0 : index
    %get3A_57 = vector.load %arg9[%get3A_55, %get3A_56] : memref<288x1xf32, #tpu.memory_space<vmem>>, vector<288x1xf32>
    %slice3A_58 = vector.extract_strided_slice %get3A_3 {offsets = [0, 32], sizes = [1280, 32], strides = [1, 1]} : vector<1280x128xf32> to vector<1280x32xf32>
    %slice3A_59 = vector.extract_strided_slice %get3A_6 {offsets = [0, 32], sizes = [1280, 32], strides = [1, 1]} : vector<1280x128xf32> to vector<1280x32xf32>
    %dot_general3A_60 = arith.constant dense<0.000000e+00> : vector<32x1280xf32>
    %dot_general3A_61 = tpu.matmul %get3A_51, %slice3A_58, %dot_general3A_60 {dimension_numbers = #tpu.dot_dimension_numbers<[1], [1], [0], [0], [0, 0, 1, 0], [], []>, transpose_lhs_hint = false} : vector<32x32xf32>, vector<1280x32xf32>, vector<32x1280xf32> -> vector<32x1280xf32>
    %dot_general3A_62 = arith.constant dense<0.000000e+00> : vector<288x1280xf32>
    %dot_general3A_63 = tpu.matmul %get3A_54, %slice3A_59, %dot_general3A_62 {dimension_numbers = #tpu.dot_dimension_numbers<[1], [1], [0], [0], [0, 0, 1, 0], [], []>, transpose_lhs_hint = false} : vector<288x32xf32>, vector<1280x32xf32>, vector<288x1280xf32> -> vector<288x1280xf32>
    %add3A_64 = vector.broadcast %get3A_57 : vector<288x1xf32> to vector<288x1280xf32>
    %add3A_65 = arith.addf %dot_general3A_63, %add3A_64 : vector<288x1280xf32>
    %slice3A_66 = vector.extract_strided_slice %dot_general3A_61 {offsets = [0, 0], sizes = [24, 1280], strides = [1, 1]} : vector<32x1280xf32> to vector<24x1280xf32>
    %slice3A_67 = vector.extract_strided_slice %add3A_65 {offsets = [0, 0], sizes = [1, 1280], strides = [1, 1]} : vector<288x1280xf32> to vector<1x1280xf32>
    %mul3A_68 = vector.broadcast %slice3A_67 : vector<1x1280xf32> to vector<24x1280xf32>
    %mul3A_69 = arith.mulf %slice3A_66, %mul3A_68 : vector<24x1280xf32>
    %slice3A_70 = vector.extract_strided_slice %dot_general3A_61 {offsets = [1, 0], sizes = [24, 1280], strides = [1, 1]} : vector<32x1280xf32> to vector<24x1280xf32>
    %slice3A_71 = vector.extract_strided_slice %add3A_65 {offsets = [32, 0], sizes = [1, 1280], strides = [1, 1]} : vector<288x1280xf32> to vector<1x1280xf32>
    %mul3A_72 = vector.broadcast %slice3A_71 : vector<1x1280xf32> to vector<24x1280xf32>
    %mul3A_73 = arith.mulf %slice3A_70, %mul3A_72 : vector<24x1280xf32>
    %add3A_74 = arith.addf %mul3A_69, %mul3A_73 : vector<24x1280xf32>
    %slice3A_75 = vector.extract_strided_slice %dot_general3A_61 {offsets = [2, 0], sizes = [24, 1280], strides = [1, 1]} : vector<32x1280xf32> to vector<24x1280xf32>
    %slice3A_76 = vector.extract_strided_slice %add3A_65 {offsets = [64, 0], sizes = [1, 1280], strides = [1, 1]} : vector<288x1280xf32> to vector<1x1280xf32>
    %mul3A_77 = vector.broadcast %slice3A_76 : vector<1x1280xf32> to vector<24x1280xf32>
    %mul3A_78 = arith.mulf %slice3A_75, %mul3A_77 : vector<24x1280xf32>
    %add3A_79 = arith.addf %add3A_74, %mul3A_78 : vector<24x1280xf32>
    %slice3A_80 = vector.extract_strided_slice %dot_general3A_61 {offsets = [3, 0], sizes = [24, 1280], strides = [1, 1]} : vector<32x1280xf32> to vector<24x1280xf32>
    %slice3A_81 = vector.extract_strided_slice %add3A_65 {offsets = [96, 0], sizes = [1, 1280], strides = [1, 1]} : vector<288x1280xf32> to vector<1x1280xf32>
    %mul3A_82 = vector.broadcast %slice3A_81 : vector<1x1280xf32> to vector<24x1280xf32>
    %mul3A_83 = arith.mulf %slice3A_80, %mul3A_82 : vector<24x1280xf32>
    %add3A_84 = arith.addf %add3A_79, %mul3A_83 : vector<24x1280xf32>
    %slice3A_85 = vector.extract_strided_slice %dot_general3A_61 {offsets = [4, 0], sizes = [24, 1280], strides = [1, 1]} : vector<32x1280xf32> to vector<24x1280xf32>
    %slice3A_86 = vector.extract_strided_slice %add3A_65 {offsets = [128, 0], sizes = [1, 1280], strides = [1, 1]} : vector<288x1280xf32> to vector<1x1280xf32>
    %mul3A_87 = vector.broadcast %slice3A_86 : vector<1x1280xf32> to vector<24x1280xf32>
    %mul3A_88 = arith.mulf %slice3A_85, %mul3A_87 : vector<24x1280xf32>
    %add3A_89 = arith.addf %add3A_84, %mul3A_88 : vector<24x1280xf32>
    %slice3A_90 = vector.extract_strided_slice %dot_general3A_61 {offsets = [5, 0], sizes = [24, 1280], strides = [1, 1]} : vector<32x1280xf32> to vector<24x1280xf32>
    %slice3A_91 = vector.extract_strided_slice %add3A_65 {offsets = [160, 0], sizes = [1, 1280], strides = [1, 1]} : vector<288x1280xf32> to vector<1x1280xf32>
    %mul3A_92 = vector.broadcast %slice3A_91 : vector<1x1280xf32> to vector<24x1280xf32>
    %mul3A_93 = arith.mulf %slice3A_90, %mul3A_92 : vector<24x1280xf32>
    %add3A_94 = arith.addf %add3A_89, %mul3A_93 : vector<24x1280xf32>
    %slice3A_95 = vector.extract_strided_slice %dot_general3A_61 {offsets = [6, 0], sizes = [24, 1280], strides = [1, 1]} : vector<32x1280xf32> to vector<24x1280xf32>
    %slice3A_96 = vector.extract_strided_slice %add3A_65 {offsets = [192, 0], sizes = [1, 1280], strides = [1, 1]} : vector<288x1280xf32> to vector<1x1280xf32>
    %mul3A_97 = vector.broadcast %slice3A_96 : vector<1x1280xf32> to vector<24x1280xf32>
    %mul3A_98 = arith.mulf %slice3A_95, %mul3A_97 : vector<24x1280xf32>
    %add3A_99 = arith.addf %add3A_94, %mul3A_98 : vector<24x1280xf32>
    %slice3A_100 = vector.extract_strided_slice %dot_general3A_61 {offsets = [7, 0], sizes = [24, 1280], strides = [1, 1]} : vector<32x1280xf32> to vector<24x1280xf32>
    %slice3A_101 = vector.extract_strided_slice %add3A_65 {offsets = [224, 0], sizes = [1, 1280], strides = [1, 1]} : vector<288x1280xf32> to vector<1x1280xf32>
    %mul3A_102 = vector.broadcast %slice3A_101 : vector<1x1280xf32> to vector<24x1280xf32>
    %mul3A_103 = arith.mulf %slice3A_100, %mul3A_102 : vector<24x1280xf32>
    %add3A_104 = arith.addf %add3A_99, %mul3A_103 : vector<24x1280xf32>
    %slice3A_105 = vector.extract_strided_slice %dot_general3A_61 {offsets = [8, 0], sizes = [24, 1280], strides = [1, 1]} : vector<32x1280xf32> to vector<24x1280xf32>
    %slice3A_106 = vector.extract_strided_slice %add3A_65 {offsets = [256, 0], sizes = [1, 1280], strides = [1, 1]} : vector<288x1280xf32> to vector<1x1280xf32>
    %mul3A_107 = vector.broadcast %slice3A_106 : vector<1x1280xf32> to vector<24x1280xf32>
    %mul3A_108 = arith.mulf %slice3A_105, %mul3A_107 : vector<24x1280xf32>
    %add3A_109 = arith.addf %add3A_104, %mul3A_108 : vector<24x1280xf32>
    %slice3A_110 = vector.extract_strided_slice %dot_general3A_61 {offsets = [0, 0], sizes = [24, 1280], strides = [1, 1]} : vector<32x1280xf32> to vector<24x1280xf32>
    %slice3A_111 = vector.extract_strided_slice %add3A_65 {offsets = [1, 0], sizes = [1, 1280], strides = [1, 1]} : vector<288x1280xf32> to vector<1x1280xf32>
    %mul3A_112 = vector.broadcast %slice3A_111 : vector<1x1280xf32> to vector<24x1280xf32>
    %mul3A_113 = arith.mulf %slice3A_110, %mul3A_112 : vector<24x1280xf32>
    %slice3A_114 = vector.extract_strided_slice %dot_general3A_61 {offsets = [1, 0], sizes = [24, 1280], strides = [1, 1]} : vector<32x1280xf32> to vector<24x1280xf32>
    %slice3A_115 = vector.extract_strided_slice %add3A_65 {offsets = [33, 0], sizes = [1, 1280], strides = [1, 1]} : vector<288x1280xf32> to vector<1x1280xf32>
    %mul3A_116 = vector.broadcast %slice3A_115 : vector<1x1280xf32> to vector<24x1280xf32>
    %mul3A_117 = arith.mulf %slice3A_114, %mul3A_116 : vector<24x1280xf32>
    %add3A_118 = arith.addf %mul3A_113, %mul3A_117 : vector<24x1280xf32>
    %slice3A_119 = vector.extract_strided_slice %dot_general3A_61 {offsets = [2, 0], sizes = [24, 1280], strides = [1, 1]} : vector<32x1280xf32> to vector<24x1280xf32>
    %slice3A_120 = vector.extract_strided_slice %add3A_65 {offsets = [65, 0], sizes = [1, 1280], strides = [1, 1]} : vector<288x1280xf32> to vector<1x1280xf32>
    %mul3A_121 = vector.broadcast %slice3A_120 : vector<1x1280xf32> to vector<24x1280xf32>
    %mul3A_122 = arith.mulf %slice3A_119, %mul3A_121 : vector<24x1280xf32>
    %add3A_123 = arith.addf %add3A_118, %mul3A_122 : vector<24x1280xf32>
    %slice3A_124 = vector.extract_strided_slice %dot_general3A_61 {offsets = [3, 0], sizes = [24, 1280], strides = [1, 1]} : vector<32x1280xf32> to vector<24x1280xf32>
    %slice3A_125 = vector.extract_strided_slice %add3A_65 {offsets = [97, 0], sizes = [1, 1280], strides = [1, 1]} : vector<288x1280xf32> to vector<1x1280xf32>
    %mul3A_126 = vector.broadcast %slice3A_125 : vector<1x1280xf32> to vector<24x1280xf32>
    %mul3A_127 = arith.mulf %slice3A_124, %mul3A_126 : vector<24x1280xf32>
    %add3A_128 = arith.addf %add3A_123, %mul3A_127 : vector<24x1280xf32>
    %slice3A_129 = vector.extract_strided_slice %dot_general3A_61 {offsets = [4, 0], sizes = [24, 1280], strides = [1, 1]} : vector<32x1280xf32> to vector<24x1280xf32>
    %slice3A_130 = vector.extract_strided_slice %add3A_65 {offsets = [129, 0], sizes = [1, 1280], strides = [1, 1]} : vector<288x1280xf32> to vector<1x1280xf32>
    %mul3A_131 = vector.broadcast %slice3A_130 : vector<1x1280xf32> to vector<24x1280xf32>
    %mul3A_132 = arith.mulf %slice3A_129, %mul3A_131 : vector<24x1280xf32>
    %add3A_133 = arith.addf %add3A_128, %mul3A_132 : vector<24x1280xf32>
    %slice3A_134 = vector.extract_strided_slice %dot_general3A_61 {offsets = [5, 0], sizes = [24, 1280], strides = [1, 1]} : vector<32x1280xf32> to vector<24x1280xf32>
    %slice3A_135 = vector.extract_strided_slice %add3A_65 {offsets = [161, 0], sizes = [1, 1280], strides = [1, 1]} : vector<288x1280xf32> to vector<1x1280xf32>
    %mul3A_136 = vector.broadcast %slice3A_135 : vector<1x1280xf32> to vector<24x1280xf32>
    %mul3A_137 = arith.mulf %slice3A_134, %mul3A_136 : vector<24x1280xf32>
    %add3A_138 = arith.addf %add3A_133, %mul3A_137 : vector<24x1280xf32>
    %slice3A_139 = vector.extract_strided_slice %dot_general3A_61 {offsets = [6, 0], sizes = [24, 1280], strides = [1, 1]} : vector<32x1280xf32> to vector<24x1280xf32>
    %slice3A_140 = vector.extract_strided_slice %add3A_65 {offsets = [193, 0], sizes = [1, 1280], strides = [1, 1]} : vector<288x1280xf32> to vector<1x1280xf32>
    %mul3A_141 = vector.broadcast %slice3A_140 : vector<1x1280xf32> to vector<24x1280xf32>
    %mul3A_142 = arith.mulf %slice3A_139, %mul3A_141 : vector<24x1280xf32>
    %add3A_143 = arith.addf %add3A_138, %mul3A_142 : vector<24x1280xf32>
    %slice3A_144 = vector.extract_strided_slice %dot_general3A_61 {offsets = [7, 0], sizes = [24, 1280], strides = [1, 1]} : vector<32x1280xf32> to vector<24x1280xf32>
    %slice3A_145 = vector.extract_strided_slice %add3A_65 {offsets = [225, 0], sizes = [1, 1280], strides = [1, 1]} : vector<288x1280xf32> to vector<1x1280xf32>
    %mul3A_146 = vector.broadcast %slice3A_145 : vector<1x1280xf32> to vector<24x1280xf32>
    %mul3A_147 = arith.mulf %slice3A_144, %mul3A_146 : vector<24x1280xf32>
    %add3A_148 = arith.addf %add3A_143, %mul3A_147 : vector<24x1280xf32>
    %slice3A_149 = vector.extract_strided_slice %dot_general3A_61 {offsets = [8, 0], sizes = [24, 1280], strides = [1, 1]} : vector<32x1280xf32> to vector<24x1280xf32>
    %slice3A_150 = vector.extract_strided_slice %add3A_65 {offsets = [257, 0], sizes = [1, 1280], strides = [1, 1]} : vector<288x1280xf32> to vector<1x1280xf32>
    %mul3A_151 = vector.broadcast %slice3A_150 : vector<1x1280xf32> to vector<24x1280xf32>
    %mul3A_152 = arith.mulf %slice3A_149, %mul3A_151 : vector<24x1280xf32>
    %add3A_153 = arith.addf %add3A_148, %mul3A_152 : vector<24x1280xf32>
    %slice3A_154 = vector.extract_strided_slice %dot_general3A_61 {offsets = [0, 0], sizes = [24, 1280], strides = [1, 1]} : vector<32x1280xf32> to vector<24x1280xf32>
    %slice3A_155 = vector.extract_strided_slice %add3A_65 {offsets = [2, 0], sizes = [1, 1280], strides = [1, 1]} : vector<288x1280xf32> to vector<1x1280xf32>
    %mul3A_156 = vector.broadcast %slice3A_155 : vector<1x1280xf32> to vector<24x1280xf32>
    %mul3A_157 = arith.mulf %slice3A_154, %mul3A_156 : vector<24x1280xf32>
    %slice3A_158 = vector.extract_strided_slice %dot_general3A_61 {offsets = [1, 0], sizes = [24, 1280], strides = [1, 1]} : vector<32x1280xf32> to vector<24x1280xf32>
    %slice3A_159 = vector.extract_strided_slice %add3A_65 {offsets = [34, 0], sizes = [1, 1280], strides = [1, 1]} : vector<288x1280xf32> to vector<1x1280xf32>
    %mul3A_160 = vector.broadcast %slice3A_159 : vector<1x1280xf32> to vector<24x1280xf32>
    %mul3A_161 = arith.mulf %slice3A_158, %mul3A_160 : vector<24x1280xf32>
    %add3A_162 = arith.addf %mul3A_157, %mul3A_161 : vector<24x1280xf32>
    %slice3A_163 = vector.extract_strided_slice %dot_general3A_61 {offsets = [2, 0], sizes = [24, 1280], strides = [1, 1]} : vector<32x1280xf32> to vector<24x1280xf32>
    %slice3A_164 = vector.extract_strided_slice %add3A_65 {offsets = [66, 0], sizes = [1, 1280], strides = [1, 1]} : vector<288x1280xf32> to vector<1x1280xf32>
    %mul3A_165 = vector.broadcast %slice3A_164 : vector<1x1280xf32> to vector<24x1280xf32>
    %mul3A_166 = arith.mulf %slice3A_163, %mul3A_165 : vector<24x1280xf32>
    %add3A_167 = arith.addf %add3A_162, %mul3A_166 : vector<24x1280xf32>
    %slice3A_168 = vector.extract_strided_slice %dot_general3A_61 {offsets = [3, 0], sizes = [24, 1280], strides = [1, 1]} : vector<32x1280xf32> to vector<24x1280xf32>
    %slice3A_169 = vector.extract_strided_slice %add3A_65 {offsets = [98, 0], sizes = [1, 1280], strides = [1, 1]} : vector<288x1280xf32> to vector<1x1280xf32>
    %mul3A_170 = vector.broadcast %slice3A_169 : vector<1x1280xf32> to vector<24x1280xf32>
    %mul3A_171 = arith.mulf %slice3A_168, %mul3A_170 : vector<24x1280xf32>
    %add3A_172 = arith.addf %add3A_167, %mul3A_171 : vector<24x1280xf32>
    %slice3A_173 = vector.extract_strided_slice %dot_general3A_61 {offsets = [4, 0], sizes = [24, 1280], strides = [1, 1]} : vector<32x1280xf32> to vector<24x1280xf32>
    %slice3A_174 = vector.extract_strided_slice %add3A_65 {offsets = [130, 0], sizes = [1, 1280], strides = [1, 1]} : vector<288x1280xf32> to vector<1x1280xf32>
    %mul3A_175 = vector.broadcast %slice3A_174 : vector<1x1280xf32> to vector<24x1280xf32>
    %mul3A_176 = arith.mulf %slice3A_173, %mul3A_175 : vector<24x1280xf32>
    %add3A_177 = arith.addf %add3A_172, %mul3A_176 : vector<24x1280xf32>
    %slice3A_178 = vector.extract_strided_slice %dot_general3A_61 {offsets = [5, 0], sizes = [24, 1280], strides = [1, 1]} : vector<32x1280xf32> to vector<24x1280xf32>
    %slice3A_179 = vector.extract_strided_slice %add3A_65 {offsets = [162, 0], sizes = [1, 1280], strides = [1, 1]} : vector<288x1280xf32> to vector<1x1280xf32>
    %mul3A_180 = vector.broadcast %slice3A_179 : vector<1x1280xf32> to vector<24x1280xf32>
    %mul3A_181 = arith.mulf %slice3A_178, %mul3A_180 : vector<24x1280xf32>
    %add3A_182 = arith.addf %add3A_177, %mul3A_181 : vector<24x1280xf32>
    %slice3A_183 = vector.extract_strided_slice %dot_general3A_61 {offsets = [6, 0], sizes = [24, 1280], strides = [1, 1]} : vector<32x1280xf32> to vector<24x1280xf32>
    %slice3A_184 = vector.extract_strided_slice %add3A_65 {offsets = [194, 0], sizes = [1, 1280], strides = [1, 1]} : vector<288x1280xf32> to vector<1x1280xf32>
    %mul3A_185 = vector.broadcast %slice3A_184 : vector<1x1280xf32> to vector<24x1280xf32>
    %mul3A_186 = arith.mulf %slice3A_183, %mul3A_185 : vector<24x1280xf32>
    %add3A_187 = arith.addf %add3A_182, %mul3A_186 : vector<24x1280xf32>
    %slice3A_188 = vector.extract_strided_slice %dot_general3A_61 {offsets = [7, 0], sizes = [24, 1280], strides = [1, 1]} : vector<32x1280xf32> to vector<24x1280xf32>
    %slice3A_189 = vector.extract_strided_slice %add3A_65 {offsets = [226, 0], sizes = [1, 1280], strides = [1, 1]} : vector<288x1280xf32> to vector<1x1280xf32>
    %mul3A_190 = vector.broadcast %slice3A_189 : vector<1x1280xf32> to vector<24x1280xf32>
    %mul3A_191 = arith.mulf %slice3A_188, %mul3A_190 : vector<24x1280xf32>
    %add3A_192 = arith.addf %add3A_187, %mul3A_191 : vector<24x1280xf32>
    %slice3A_193 = vector.extract_strided_slice %dot_general3A_61 {offsets = [8, 0], sizes = [24, 1280], strides = [1, 1]} : vector<32x1280xf32> to vector<24x1280xf32>
    %slice3A_194 = vector.extract_strided_slice %add3A_65 {offsets = [258, 0], sizes = [1, 1280], strides = [1, 1]} : vector<288x1280xf32> to vector<1x1280xf32>
    %mul3A_195 = vector.broadcast %slice3A_194 : vector<1x1280xf32> to vector<24x1280xf32>
    %mul3A_196 = arith.mulf %slice3A_193, %mul3A_195 : vector<24x1280xf32>
    %add3A_197 = arith.addf %add3A_192, %mul3A_196 : vector<24x1280xf32>
    %slice3A_198 = vector.extract_strided_slice %dot_general3A_61 {offsets = [0, 0], sizes = [24, 1280], strides = [1, 1]} : vector<32x1280xf32> to vector<24x1280xf32>
    %slice3A_199 = vector.extract_strided_slice %add3A_65 {offsets = [3, 0], sizes = [1, 1280], strides = [1, 1]} : vector<288x1280xf32> to vector<1x1280xf32>
    %mul3A_200 = vector.broadcast %slice3A_199 : vector<1x1280xf32> to vector<24x1280xf32>
    %mul3A_201 = arith.mulf %slice3A_198, %mul3A_200 : vector<24x1280xf32>
    %slice3A_202 = vector.extract_strided_slice %dot_general3A_61 {offsets = [1, 0], sizes = [24, 1280], strides = [1, 1]} : vector<32x1280xf32> to vector<24x1280xf32>
    %slice3A_203 = vector.extract_strided_slice %add3A_65 {offsets = [35, 0], sizes = [1, 1280], strides = [1, 1]} : vector<288x1280xf32> to vector<1x1280xf32>
    %mul3A_204 = vector.broadcast %slice3A_203 : vector<1x1280xf32> to vector<24x1280xf32>
    %mul3A_205 = arith.mulf %slice3A_202, %mul3A_204 : vector<24x1280xf32>
    %add3A_206 = arith.addf %mul3A_201, %mul3A_205 : vector<24x1280xf32>
    %slice3A_207 = vector.extract_strided_slice %dot_general3A_61 {offsets = [2, 0], sizes = [24, 1280], strides = [1, 1]} : vector<32x1280xf32> to vector<24x1280xf32>
    %slice3A_208 = vector.extract_strided_slice %add3A_65 {offsets = [67, 0], sizes = [1, 1280], strides = [1, 1]} : vector<288x1280xf32> to vector<1x1280xf32>
    %mul3A_209 = vector.broadcast %slice3A_208 : vector<1x1280xf32> to vector<24x1280xf32>
    %mul3A_210 = arith.mulf %slice3A_207, %mul3A_209 : vector<24x1280xf32>
    %add3A_211 = arith.addf %add3A_206, %mul3A_210 : vector<24x1280xf32>
    %slice3A_212 = vector.extract_strided_slice %dot_general3A_61 {offsets = [3, 0], sizes = [24, 1280], strides = [1, 1]} : vector<32x1280xf32> to vector<24x1280xf32>
    %slice3A_213 = vector.extract_strided_slice %add3A_65 {offsets = [99, 0], sizes = [1, 1280], strides = [1, 1]} : vector<288x1280xf32> to vector<1x1280xf32>
    %mul3A_214 = vector.broadcast %slice3A_213 : vector<1x1280xf32> to vector<24x1280xf32>
    %mul3A_215 = arith.mulf %slice3A_212, %mul3A_214 : vector<24x1280xf32>
    %add3A_216 = arith.addf %add3A_211, %mul3A_215 : vector<24x1280xf32>
    %slice3A_217 = vector.extract_strided_slice %dot_general3A_61 {offsets = [4, 0], sizes = [24, 1280], strides = [1, 1]} : vector<32x1280xf32> to vector<24x1280xf32>
    %slice3A_218 = vector.extract_strided_slice %add3A_65 {offsets = [131, 0], sizes = [1, 1280], strides = [1, 1]} : vector<288x1280xf32> to vector<1x1280xf32>
    %mul3A_219 = vector.broadcast %slice3A_218 : vector<1x1280xf32> to vector<24x1280xf32>
    %mul3A_220 = arith.mulf %slice3A_217, %mul3A_219 : vector<24x1280xf32>
    %add3A_221 = arith.addf %add3A_216, %mul3A_220 : vector<24x1280xf32>
    %slice3A_222 = vector.extract_strided_slice %dot_general3A_61 {offsets = [5, 0], sizes = [24, 1280], strides = [1, 1]} : vector<32x1280xf32> to vector<24x1280xf32>
    %slice3A_223 = vector.extract_strided_slice %add3A_65 {offsets = [163, 0], sizes = [1, 1280], strides = [1, 1]} : vector<288x1280xf32> to vector<1x1280xf32>
    %mul3A_224 = vector.broadcast %slice3A_223 : vector<1x1280xf32> to vector<24x1280xf32>
    %mul3A_225 = arith.mulf %slice3A_222, %mul3A_224 : vector<24x1280xf32>
    %add3A_226 = arith.addf %add3A_221, %mul3A_225 : vector<24x1280xf32>
    %slice3A_227 = vector.extract_strided_slice %dot_general3A_61 {offsets = [6, 0], sizes = [24, 1280], strides = [1, 1]} : vector<32x1280xf32> to vector<24x1280xf32>
    %slice3A_228 = vector.extract_strided_slice %add3A_65 {offsets = [195, 0], sizes = [1, 1280], strides = [1, 1]} : vector<288x1280xf32> to vector<1x1280xf32>
    %mul3A_229 = vector.broadcast %slice3A_228 : vector<1x1280xf32> to vector<24x1280xf32>
    %mul3A_230 = arith.mulf %slice3A_227, %mul3A_229 : vector<24x1280xf32>
    %add3A_231 = arith.addf %add3A_226, %mul3A_230 : vector<24x1280xf32>
    %slice3A_232 = vector.extract_strided_slice %dot_general3A_61 {offsets = [7, 0], sizes = [24, 1280], strides = [1, 1]} : vector<32x1280xf32> to vector<24x1280xf32>
    %slice3A_233 = vector.extract_strided_slice %add3A_65 {offsets = [227, 0], sizes = [1, 1280], strides = [1, 1]} : vector<288x1280xf32> to vector<1x1280xf32>
    %mul3A_234 = vector.broadcast %slice3A_233 : vector<1x1280xf32> to vector<24x1280xf32>
    %mul3A_235 = arith.mulf %slice3A_232, %mul3A_234 : vector<24x1280xf32>
    %add3A_236 = arith.addf %add3A_231, %mul3A_235 : vector<24x1280xf32>
    %slice3A_237 = vector.extract_strided_slice %dot_general3A_61 {offsets = [8, 0], sizes = [24, 1280], strides = [1, 1]} : vector<32x1280xf32> to vector<24x1280xf32>
    %slice3A_238 = vector.extract_strided_slice %add3A_65 {offsets = [259, 0], sizes = [1, 1280], strides = [1, 1]} : vector<288x1280xf32> to vector<1x1280xf32>
    %mul3A_239 = vector.broadcast %slice3A_238 : vector<1x1280xf32> to vector<24x1280xf32>
    %mul3A_240 = arith.mulf %slice3A_237, %mul3A_239 : vector<24x1280xf32>
    %add3A_241 = arith.addf %add3A_236, %mul3A_240 : vector<24x1280xf32>
    %slice3A_242 = vector.extract_strided_slice %dot_general3A_61 {offsets = [0, 0], sizes = [24, 1280], strides = [1, 1]} : vector<32x1280xf32> to vector<24x1280xf32>
    %slice3A_243 = vector.extract_strided_slice %add3A_65 {offsets = [4, 0], sizes = [1, 1280], strides = [1, 1]} : vector<288x1280xf32> to vector<1x1280xf32>
    %mul3A_244 = vector.broadcast %slice3A_243 : vector<1x1280xf32> to vector<24x1280xf32>
    %mul3A_245 = arith.mulf %slice3A_242, %mul3A_244 : vector<24x1280xf32>
    %slice3A_246 = vector.extract_strided_slice %dot_general3A_61 {offsets = [1, 0], sizes = [24, 1280], strides = [1, 1]} : vector<32x1280xf32> to vector<24x1280xf32>
    %slice3A_247 = vector.extract_strided_slice %add3A_65 {offsets = [36, 0], sizes = [1, 1280], strides = [1, 1]} : vector<288x1280xf32> to vector<1x1280xf32>
    %mul3A_248 = vector.broadcast %slice3A_247 : vector<1x1280xf32> to vector<24x1280xf32>
    %mul3A_249 = arith.mulf %slice3A_246, %mul3A_248 : vector<24x1280xf32>
    %add3A_250 = arith.addf %mul3A_245, %mul3A_249 : vector<24x1280xf32>
    %slice3A_251 = vector.extract_strided_slice %dot_general3A_61 {offsets = [2, 0], sizes = [24, 1280], strides = [1, 1]} : vector<32x1280xf32> to vector<24x1280xf32>
    %slice3A_252 = vector.extract_strided_slice %add3A_65 {offsets = [68, 0], sizes = [1, 1280], strides = [1, 1]} : vector<288x1280xf32> to vector<1x1280xf32>
    %mul3A_253 = vector.broadcast %slice3A_252 : vector<1x1280xf32> to vector<24x1280xf32>
    %mul3A_254 = arith.mulf %slice3A_251, %mul3A_253 : vector<24x1280xf32>
    %add3A_255 = arith.addf %add3A_250, %mul3A_254 : vector<24x1280xf32>
    %slice3A_256 = vector.extract_strided_slice %dot_general3A_61 {offsets = [3, 0], sizes = [24, 1280], strides = [1, 1]} : vector<32x1280xf32> to vector<24x1280xf32>
    %slice3A_257 = vector.extract_strided_slice %add3A_65 {offsets = [100, 0], sizes = [1, 1280], strides = [1, 1]} : vector<288x1280xf32> to vector<1x1280xf32>
    %mul3A_258 = vector.broadcast %slice3A_257 : vector<1x1280xf32> to vector<24x1280xf32>
    %mul3A_259 = arith.mulf %slice3A_256, %mul3A_258 : vector<24x1280xf32>
    %add3A_260 = arith.addf %add3A_255, %mul3A_259 : vector<24x1280xf32>
    %slice3A_261 = vector.extract_strided_slice %dot_general3A_61 {offsets = [4, 0], sizes = [24, 1280], strides = [1, 1]} : vector<32x1280xf32> to vector<24x1280xf32>
    %slice3A_262 = vector.extract_strided_slice %add3A_65 {offsets = [132, 0], sizes = [1, 1280], strides = [1, 1]} : vector<288x1280xf32> to vector<1x1280xf32>
    %mul3A_263 = vector.broadcast %slice3A_262 : vector<1x1280xf32> to vector<24x1280xf32>
    %mul3A_264 = arith.mulf %slice3A_261, %mul3A_263 : vector<24x1280xf32>
    %add3A_265 = arith.addf %add3A_260, %mul3A_264 : vector<24x1280xf32>
    %slice3A_266 = vector.extract_strided_slice %dot_general3A_61 {offsets = [5, 0], sizes = [24, 1280], strides = [1, 1]} : vector<32x1280xf32> to vector<24x1280xf32>
    %slice3A_267 = vector.extract_strided_slice %add3A_65 {offsets = [164, 0], sizes = [1, 1280], strides = [1, 1]} : vector<288x1280xf32> to vector<1x1280xf32>
    %mul3A_268 = vector.broadcast %slice3A_267 : vector<1x1280xf32> to vector<24x1280xf32>
    %mul3A_269 = arith.mulf %slice3A_266, %mul3A_268 : vector<24x1280xf32>
    %add3A_270 = arith.addf %add3A_265, %mul3A_269 : vector<24x1280xf32>
    %slice3A_271 = vector.extract_strided_slice %dot_general3A_61 {offsets = [6, 0], sizes = [24, 1280], strides = [1, 1]} : vector<32x1280xf32> to vector<24x1280xf32>
    %slice3A_272 = vector.extract_strided_slice %add3A_65 {offsets = [196, 0], sizes = [1, 1280], strides = [1, 1]} : vector<288x1280xf32> to vector<1x1280xf32>
    %mul3A_273 = vector.broadcast %slice3A_272 : vector<1x1280xf32> to vector<24x1280xf32>
    %mul3A_274 = arith.mulf %slice3A_271, %mul3A_273 : vector<24x1280xf32>
    %add3A_275 = arith.addf %add3A_270, %mul3A_274 : vector<24x1280xf32>
    %slice3A_276 = vector.extract_strided_slice %dot_general3A_61 {offsets = [7, 0], sizes = [24, 1280], strides = [1, 1]} : vector<32x1280xf32> to vector<24x1280xf32>
    %slice3A_277 = vector.extract_strided_slice %add3A_65 {offsets = [228, 0], sizes = [1, 1280], strides = [1, 1]} : vector<288x1280xf32> to vector<1x1280xf32>
    %mul3A_278 = vector.broadcast %slice3A_277 : vector<1x1280xf32> to vector<24x1280xf32>
    %mul3A_279 = arith.mulf %slice3A_276, %mul3A_278 : vector<24x1280xf32>
    %add3A_280 = arith.addf %add3A_275, %mul3A_279 : vector<24x1280xf32>
    %slice3A_281 = vector.extract_strided_slice %dot_general3A_61 {offsets = [8, 0], sizes = [24, 1280], strides = [1, 1]} : vector<32x1280xf32> to vector<24x1280xf32>
    %slice3A_282 = vector.extract_strided_slice %add3A_65 {offsets = [260, 0], sizes = [1, 1280], strides = [1, 1]} : vector<288x1280xf32> to vector<1x1280xf32>
    %mul3A_283 = vector.broadcast %slice3A_282 : vector<1x1280xf32> to vector<24x1280xf32>
    %mul3A_284 = arith.mulf %slice3A_281, %mul3A_283 : vector<24x1280xf32>
    %add3A_285 = arith.addf %add3A_280, %mul3A_284 : vector<24x1280xf32>
    %slice3A_286 = vector.extract_strided_slice %dot_general3A_61 {offsets = [0, 0], sizes = [24, 1280], strides = [1, 1]} : vector<32x1280xf32> to vector<24x1280xf32>
    %slice3A_287 = vector.extract_strided_slice %add3A_65 {offsets = [5, 0], sizes = [1, 1280], strides = [1, 1]} : vector<288x1280xf32> to vector<1x1280xf32>
    %mul3A_288 = vector.broadcast %slice3A_287 : vector<1x1280xf32> to vector<24x1280xf32>
    %mul3A_289 = arith.mulf %slice3A_286, %mul3A_288 : vector<24x1280xf32>
    %slice3A_290 = vector.extract_strided_slice %dot_general3A_61 {offsets = [1, 0], sizes = [24, 1280], strides = [1, 1]} : vector<32x1280xf32> to vector<24x1280xf32>
    %slice3A_291 = vector.extract_strided_slice %add3A_65 {offsets = [37, 0], sizes = [1, 1280], strides = [1, 1]} : vector<288x1280xf32> to vector<1x1280xf32>
    %mul3A_292 = vector.broadcast %slice3A_291 : vector<1x1280xf32> to vector<24x1280xf32>
    %mul3A_293 = arith.mulf %slice3A_290, %mul3A_292 : vector<24x1280xf32>
    %add3A_294 = arith.addf %mul3A_289, %mul3A_293 : vector<24x1280xf32>
    %slice3A_295 = vector.extract_strided_slice %dot_general3A_61 {offsets = [2, 0], sizes = [24, 1280], strides = [1, 1]} : vector<32x1280xf32> to vector<24x1280xf32>
    %slice3A_296 = vector.extract_strided_slice %add3A_65 {offsets = [69, 0], sizes = [1, 1280], strides = [1, 1]} : vector<288x1280xf32> to vector<1x1280xf32>
    %mul3A_297 = vector.broadcast %slice3A_296 : vector<1x1280xf32> to vector<24x1280xf32>
    %mul3A_298 = arith.mulf %slice3A_295, %mul3A_297 : vector<24x1280xf32>
    %add3A_299 = arith.addf %add3A_294, %mul3A_298 : vector<24x1280xf32>
    %slice3A_300 = vector.extract_strided_slice %dot_general3A_61 {offsets = [3, 0], sizes = [24, 1280], strides = [1, 1]} : vector<32x1280xf32> to vector<24x1280xf32>
    %slice3A_301 = vector.extract_strided_slice %add3A_65 {offsets = [101, 0], sizes = [1, 1280], strides = [1, 1]} : vector<288x1280xf32> to vector<1x1280xf32>
    %mul3A_302 = vector.broadcast %slice3A_301 : vector<1x1280xf32> to vector<24x1280xf32>
    %mul3A_303 = arith.mulf %slice3A_300, %mul3A_302 : vector<24x1280xf32>
    %add3A_304 = arith.addf %add3A_299, %mul3A_303 : vector<24x1280xf32>
    %slice3A_305 = vector.extract_strided_slice %dot_general3A_61 {offsets = [4, 0], sizes = [24, 1280], strides = [1, 1]} : vector<32x1280xf32> to vector<24x1280xf32>
    %slice3A_306 = vector.extract_strided_slice %add3A_65 {offsets = [133, 0], sizes = [1, 1280], strides = [1, 1]} : vector<288x1280xf32> to vector<1x1280xf32>
    %mul3A_307 = vector.broadcast %slice3A_306 : vector<1x1280xf32> to vector<24x1280xf32>
    %mul3A_308 = arith.mulf %slice3A_305, %mul3A_307 : vector<24x1280xf32>
    %add3A_309 = arith.addf %add3A_304, %mul3A_308 : vector<24x1280xf32>
    %slice3A_310 = vector.extract_strided_slice %dot_general3A_61 {offsets = [5, 0], sizes = [24, 1280], strides = [1, 1]} : vector<32x1280xf32> to vector<24x1280xf32>
    %slice3A_311 = vector.extract_strided_slice %add3A_65 {offsets = [165, 0], sizes = [1, 1280], strides = [1, 1]} : vector<288x1280xf32> to vector<1x1280xf32>
    %mul3A_312 = vector.broadcast %slice3A_311 : vector<1x1280xf32> to vector<24x1280xf32>
    %mul3A_313 = arith.mulf %slice3A_310, %mul3A_312 : vector<24x1280xf32>
    %add3A_314 = arith.addf %add3A_309, %mul3A_313 : vector<24x1280xf32>
    %slice3A_315 = vector.extract_strided_slice %dot_general3A_61 {offsets = [6, 0], sizes = [24, 1280], strides = [1, 1]} : vector<32x1280xf32> to vector<24x1280xf32>
    %slice3A_316 = vector.extract_strided_slice %add3A_65 {offsets = [197, 0], sizes = [1, 1280], strides = [1, 1]} : vector<288x1280xf32> to vector<1x1280xf32>
    %mul3A_317 = vector.broadcast %slice3A_316 : vector<1x1280xf32> to vector<24x1280xf32>
    %mul3A_318 = arith.mulf %slice3A_315, %mul3A_317 : vector<24x1280xf32>
    %add3A_319 = arith.addf %add3A_314, %mul3A_318 : vector<24x1280xf32>
    %slice3A_320 = vector.extract_strided_slice %dot_general3A_61 {offsets = [7, 0], sizes = [24, 1280], strides = [1, 1]} : vector<32x1280xf32> to vector<24x1280xf32>
    %slice3A_321 = vector.extract_strided_slice %add3A_65 {offsets = [229, 0], sizes = [1, 1280], strides = [1, 1]} : vector<288x1280xf32> to vector<1x1280xf32>
    %mul3A_322 = vector.broadcast %slice3A_321 : vector<1x1280xf32> to vector<24x1280xf32>
    %mul3A_323 = arith.mulf %slice3A_320, %mul3A_322 : vector<24x1280xf32>
    %add3A_324 = arith.addf %add3A_319, %mul3A_323 : vector<24x1280xf32>
    %slice3A_325 = vector.extract_strided_slice %dot_general3A_61 {offsets = [8, 0], sizes = [24, 1280], strides = [1, 1]} : vector<32x1280xf32> to vector<24x1280xf32>
    %slice3A_326 = vector.extract_strided_slice %add3A_65 {offsets = [261, 0], sizes = [1, 1280], strides = [1, 1]} : vector<288x1280xf32> to vector<1x1280xf32>
    %mul3A_327 = vector.broadcast %slice3A_326 : vector<1x1280xf32> to vector<24x1280xf32>
    %mul3A_328 = arith.mulf %slice3A_325, %mul3A_327 : vector<24x1280xf32>
    %add3A_329 = arith.addf %add3A_324, %mul3A_328 : vector<24x1280xf32>
    %slice3A_330 = vector.extract_strided_slice %dot_general3A_61 {offsets = [0, 0], sizes = [24, 1280], strides = [1, 1]} : vector<32x1280xf32> to vector<24x1280xf32>
    %slice3A_331 = vector.extract_strided_slice %add3A_65 {offsets = [6, 0], sizes = [1, 1280], strides = [1, 1]} : vector<288x1280xf32> to vector<1x1280xf32>
    %mul3A_332 = vector.broadcast %slice3A_331 : vector<1x1280xf32> to vector<24x1280xf32>
    %mul3A_333 = arith.mulf %slice3A_330, %mul3A_332 : vector<24x1280xf32>
    %slice3A_334 = vector.extract_strided_slice %dot_general3A_61 {offsets = [1, 0], sizes = [24, 1280], strides = [1, 1]} : vector<32x1280xf32> to vector<24x1280xf32>
    %slice3A_335 = vector.extract_strided_slice %add3A_65 {offsets = [38, 0], sizes = [1, 1280], strides = [1, 1]} : vector<288x1280xf32> to vector<1x1280xf32>
    %mul3A_336 = vector.broadcast %slice3A_335 : vector<1x1280xf32> to vector<24x1280xf32>
    %mul3A_337 = arith.mulf %slice3A_334, %mul3A_336 : vector<24x1280xf32>
    %add3A_338 = arith.addf %mul3A_333, %mul3A_337 : vector<24x1280xf32>
    %slice3A_339 = vector.extract_strided_slice %dot_general3A_61 {offsets = [2, 0], sizes = [24, 1280], strides = [1, 1]} : vector<32x1280xf32> to vector<24x1280xf32>
    %slice3A_340 = vector.extract_strided_slice %add3A_65 {offsets = [70, 0], sizes = [1, 1280], strides = [1, 1]} : vector<288x1280xf32> to vector<1x1280xf32>
    %mul3A_341 = vector.broadcast %slice3A_340 : vector<1x1280xf32> to vector<24x1280xf32>
    %mul3A_342 = arith.mulf %slice3A_339, %mul3A_341 : vector<24x1280xf32>
    %add3A_343 = arith.addf %add3A_338, %mul3A_342 : vector<24x1280xf32>
    %slice3A_344 = vector.extract_strided_slice %dot_general3A_61 {offsets = [3, 0], sizes = [24, 1280], strides = [1, 1]} : vector<32x1280xf32> to vector<24x1280xf32>
    %slice3A_345 = vector.extract_strided_slice %add3A_65 {offsets = [102, 0], sizes = [1, 1280], strides = [1, 1]} : vector<288x1280xf32> to vector<1x1280xf32>
    %mul3A_346 = vector.broadcast %slice3A_345 : vector<1x1280xf32> to vector<24x1280xf32>
    %mul3A_347 = arith.mulf %slice3A_344, %mul3A_346 : vector<24x1280xf32>
    %add3A_348 = arith.addf %add3A_343, %mul3A_347 : vector<24x1280xf32>
    %slice3A_349 = vector.extract_strided_slice %dot_general3A_61 {offsets = [4, 0], sizes = [24, 1280], strides = [1, 1]} : vector<32x1280xf32> to vector<24x1280xf32>
    %slice3A_350 = vector.extract_strided_slice %add3A_65 {offsets = [134, 0], sizes = [1, 1280], strides = [1, 1]} : vector<288x1280xf32> to vector<1x1280xf32>
    %mul3A_351 = vector.broadcast %slice3A_350 : vector<1x1280xf32> to vector<24x1280xf32>
    %mul3A_352 = arith.mulf %slice3A_349, %mul3A_351 : vector<24x1280xf32>
    %add3A_353 = arith.addf %add3A_348, %mul3A_352 : vector<24x1280xf32>
    %slice3A_354 = vector.extract_strided_slice %dot_general3A_61 {offsets = [5, 0], sizes = [24, 1280], strides = [1, 1]} : vector<32x1280xf32> to vector<24x1280xf32>
    %slice3A_355 = vector.extract_strided_slice %add3A_65 {offsets = [166, 0], sizes = [1, 1280], strides = [1, 1]} : vector<288x1280xf32> to vector<1x1280xf32>
    %mul3A_356 = vector.broadcast %slice3A_355 : vector<1x1280xf32> to vector<24x1280xf32>
    %mul3A_357 = arith.mulf %slice3A_354, %mul3A_356 : vector<24x1280xf32>
    %add3A_358 = arith.addf %add3A_353, %mul3A_357 : vector<24x1280xf32>
    %slice3A_359 = vector.extract_strided_slice %dot_general3A_61 {offsets = [6, 0], sizes = [24, 1280], strides = [1, 1]} : vector<32x1280xf32> to vector<24x1280xf32>
    %slice3A_360 = vector.extract_strided_slice %add3A_65 {offsets = [198, 0], sizes = [1, 1280], strides = [1, 1]} : vector<288x1280xf32> to vector<1x1280xf32>
    %mul3A_361 = vector.broadcast %slice3A_360 : vector<1x1280xf32> to vector<24x1280xf32>
    %mul3A_362 = arith.mulf %slice3A_359, %mul3A_361 : vector<24x1280xf32>
    %add3A_363 = arith.addf %add3A_358, %mul3A_362 : vector<24x1280xf32>
    %slice3A_364 = vector.extract_strided_slice %dot_general3A_61 {offsets = [7, 0], sizes = [24, 1280], strides = [1, 1]} : vector<32x1280xf32> to vector<24x1280xf32>
    %slice3A_365 = vector.extract_strided_slice %add3A_65 {offsets = [230, 0], sizes = [1, 1280], strides = [1, 1]} : vector<288x1280xf32> to vector<1x1280xf32>
    %mul3A_366 = vector.broadcast %slice3A_365 : vector<1x1280xf32> to vector<24x1280xf32>
    %mul3A_367 = arith.mulf %slice3A_364, %mul3A_366 : vector<24x1280xf32>
    %add3A_368 = arith.addf %add3A_363, %mul3A_367 : vector<24x1280xf32>
    %slice3A_369 = vector.extract_strided_slice %dot_general3A_61 {offsets = [8, 0], sizes = [24, 1280], strides = [1, 1]} : vector<32x1280xf32> to vector<24x1280xf32>
    %slice3A_370 = vector.extract_strided_slice %add3A_65 {offsets = [262, 0], sizes = [1, 1280], strides = [1, 1]} : vector<288x1280xf32> to vector<1x1280xf32>
    %mul3A_371 = vector.broadcast %slice3A_370 : vector<1x1280xf32> to vector<24x1280xf32>
    %mul3A_372 = arith.mulf %slice3A_369, %mul3A_371 : vector<24x1280xf32>
    %add3A_373 = arith.addf %add3A_368, %mul3A_372 : vector<24x1280xf32>
    %slice3A_374 = vector.extract_strided_slice %dot_general3A_61 {offsets = [0, 0], sizes = [24, 1280], strides = [1, 1]} : vector<32x1280xf32> to vector<24x1280xf32>
    %slice3A_375 = vector.extract_strided_slice %add3A_65 {offsets = [7, 0], sizes = [1, 1280], strides = [1, 1]} : vector<288x1280xf32> to vector<1x1280xf32>
    %mul3A_376 = vector.broadcast %slice3A_375 : vector<1x1280xf32> to vector<24x1280xf32>
    %mul3A_377 = arith.mulf %slice3A_374, %mul3A_376 : vector<24x1280xf32>
    %slice3A_378 = vector.extract_strided_slice %dot_general3A_61 {offsets = [1, 0], sizes = [24, 1280], strides = [1, 1]} : vector<32x1280xf32> to vector<24x1280xf32>
    %slice3A_379 = vector.extract_strided_slice %add3A_65 {offsets = [39, 0], sizes = [1, 1280], strides = [1, 1]} : vector<288x1280xf32> to vector<1x1280xf32>
    %mul3A_380 = vector.broadcast %slice3A_379 : vector<1x1280xf32> to vector<24x1280xf32>
    %mul3A_381 = arith.mulf %slice3A_378, %mul3A_380 : vector<24x1280xf32>
    %add3A_382 = arith.addf %mul3A_377, %mul3A_381 : vector<24x1280xf32>
    %slice3A_383 = vector.extract_strided_slice %dot_general3A_61 {offsets = [2, 0], sizes = [24, 1280], strides = [1, 1]} : vector<32x1280xf32> to vector<24x1280xf32>
    %slice3A_384 = vector.extract_strided_slice %add3A_65 {offsets = [71, 0], sizes = [1, 1280], strides = [1, 1]} : vector<288x1280xf32> to vector<1x1280xf32>
    %mul3A_385 = vector.broadcast %slice3A_384 : vector<1x1280xf32> to vector<24x1280xf32>
    %mul3A_386 = arith.mulf %slice3A_383, %mul3A_385 : vector<24x1280xf32>
    %add3A_387 = arith.addf %add3A_382, %mul3A_386 : vector<24x1280xf32>
    %slice3A_388 = vector.extract_strided_slice %dot_general3A_61 {offsets = [3, 0], sizes = [24, 1280], strides = [1, 1]} : vector<32x1280xf32> to vector<24x1280xf32>
    %slice3A_389 = vector.extract_strided_slice %add3A_65 {offsets = [103, 0], sizes = [1, 1280], strides = [1, 1]} : vector<288x1280xf32> to vector<1x1280xf32>
    %mul3A_390 = vector.broadcast %slice3A_389 : vector<1x1280xf32> to vector<24x1280xf32>
    %mul3A_391 = arith.mulf %slice3A_388, %mul3A_390 : vector<24x1280xf32>
    %add3A_392 = arith.addf %add3A_387, %mul3A_391 : vector<24x1280xf32>
    %slice3A_393 = vector.extract_strided_slice %dot_general3A_61 {offsets = [4, 0], sizes = [24, 1280], strides = [1, 1]} : vector<32x1280xf32> to vector<24x1280xf32>
    %slice3A_394 = vector.extract_strided_slice %add3A_65 {offsets = [135, 0], sizes = [1, 1280], strides = [1, 1]} : vector<288x1280xf32> to vector<1x1280xf32>
    %mul3A_395 = vector.broadcast %slice3A_394 : vector<1x1280xf32> to vector<24x1280xf32>
    %mul3A_396 = arith.mulf %slice3A_393, %mul3A_395 : vector<24x1280xf32>
    %add3A_397 = arith.addf %add3A_392, %mul3A_396 : vector<24x1280xf32>
    %slice3A_398 = vector.extract_strided_slice %dot_general3A_61 {offsets = [5, 0], sizes = [24, 1280], strides = [1, 1]} : vector<32x1280xf32> to vector<24x1280xf32>
    %slice3A_399 = vector.extract_strided_slice %add3A_65 {offsets = [167, 0], sizes = [1, 1280], strides = [1, 1]} : vector<288x1280xf32> to vector<1x1280xf32>
    %mul3A_400 = vector.broadcast %slice3A_399 : vector<1x1280xf32> to vector<24x1280xf32>
    %mul3A_401 = arith.mulf %slice3A_398, %mul3A_400 : vector<24x1280xf32>
    %add3A_402 = arith.addf %add3A_397, %mul3A_401 : vector<24x1280xf32>
    %slice3A_403 = vector.extract_strided_slice %dot_general3A_61 {offsets = [6, 0], sizes = [24, 1280], strides = [1, 1]} : vector<32x1280xf32> to vector<24x1280xf32>
    %slice3A_404 = vector.extract_strided_slice %add3A_65 {offsets = [199, 0], sizes = [1, 1280], strides = [1, 1]} : vector<288x1280xf32> to vector<1x1280xf32>
    %mul3A_405 = vector.broadcast %slice3A_404 : vector<1x1280xf32> to vector<24x1280xf32>
    %mul3A_406 = arith.mulf %slice3A_403, %mul3A_405 : vector<24x1280xf32>
    %add3A_407 = arith.addf %add3A_402, %mul3A_406 : vector<24x1280xf32>
    %slice3A_408 = vector.extract_strided_slice %dot_general3A_61 {offsets = [7, 0], sizes = [24, 1280], strides = [1, 1]} : vector<32x1280xf32> to vector<24x1280xf32>
    %slice3A_409 = vector.extract_strided_slice %add3A_65 {offsets = [231, 0], sizes = [1, 1280], strides = [1, 1]} : vector<288x1280xf32> to vector<1x1280xf32>
    %mul3A_410 = vector.broadcast %slice3A_409 : vector<1x1280xf32> to vector<24x1280xf32>
    %mul3A_411 = arith.mulf %slice3A_408, %mul3A_410 : vector<24x1280xf32>
    %add3A_412 = arith.addf %add3A_407, %mul3A_411 : vector<24x1280xf32>
    %slice3A_413 = vector.extract_strided_slice %dot_general3A_61 {offsets = [8, 0], sizes = [24, 1280], strides = [1, 1]} : vector<32x1280xf32> to vector<24x1280xf32>
    %slice3A_414 = vector.extract_strided_slice %add3A_65 {offsets = [263, 0], sizes = [1, 1280], strides = [1, 1]} : vector<288x1280xf32> to vector<1x1280xf32>
    %mul3A_415 = vector.broadcast %slice3A_414 : vector<1x1280xf32> to vector<24x1280xf32>
    %mul3A_416 = arith.mulf %slice3A_413, %mul3A_415 : vector<24x1280xf32>
    %add3A_417 = arith.addf %add3A_412, %mul3A_416 : vector<24x1280xf32>
    %slice3A_418 = vector.extract_strided_slice %dot_general3A_61 {offsets = [0, 0], sizes = [24, 1280], strides = [1, 1]} : vector<32x1280xf32> to vector<24x1280xf32>
    %slice3A_419 = vector.extract_strided_slice %add3A_65 {offsets = [8, 0], sizes = [1, 1280], strides = [1, 1]} : vector<288x1280xf32> to vector<1x1280xf32>
    %mul3A_420 = vector.broadcast %slice3A_419 : vector<1x1280xf32> to vector<24x1280xf32>
    %mul3A_421 = arith.mulf %slice3A_418, %mul3A_420 : vector<24x1280xf32>
    %slice3A_422 = vector.extract_strided_slice %dot_general3A_61 {offsets = [1, 0], sizes = [24, 1280], strides = [1, 1]} : vector<32x1280xf32> to vector<24x1280xf32>
    %slice3A_423 = vector.extract_strided_slice %add3A_65 {offsets = [40, 0], sizes = [1, 1280], strides = [1, 1]} : vector<288x1280xf32> to vector<1x1280xf32>
    %mul3A_424 = vector.broadcast %slice3A_423 : vector<1x1280xf32> to vector<24x1280xf32>
    %mul3A_425 = arith.mulf %slice3A_422, %mul3A_424 : vector<24x1280xf32>
    %add3A_426 = arith.addf %mul3A_421, %mul3A_425 : vector<24x1280xf32>
    %slice3A_427 = vector.extract_strided_slice %dot_general3A_61 {offsets = [2, 0], sizes = [24, 1280], strides = [1, 1]} : vector<32x1280xf32> to vector<24x1280xf32>
    %slice3A_428 = vector.extract_strided_slice %add3A_65 {offsets = [72, 0], sizes = [1, 1280], strides = [1, 1]} : vector<288x1280xf32> to vector<1x1280xf32>
    %mul3A_429 = vector.broadcast %slice3A_428 : vector<1x1280xf32> to vector<24x1280xf32>
    %mul3A_430 = arith.mulf %slice3A_427, %mul3A_429 : vector<24x1280xf32>
    %add3A_431 = arith.addf %add3A_426, %mul3A_430 : vector<24x1280xf32>
    %slice3A_432 = vector.extract_strided_slice %dot_general3A_61 {offsets = [3, 0], sizes = [24, 1280], strides = [1, 1]} : vector<32x1280xf32> to vector<24x1280xf32>
    %slice3A_433 = vector.extract_strided_slice %add3A_65 {offsets = [104, 0], sizes = [1, 1280], strides = [1, 1]} : vector<288x1280xf32> to vector<1x1280xf32>
    %mul3A_434 = vector.broadcast %slice3A_433 : vector<1x1280xf32> to vector<24x1280xf32>
    %mul3A_435 = arith.mulf %slice3A_432, %mul3A_434 : vector<24x1280xf32>
    %add3A_436 = arith.addf %add3A_431, %mul3A_435 : vector<24x1280xf32>
    %slice3A_437 = vector.extract_strided_slice %dot_general3A_61 {offsets = [4, 0], sizes = [24, 1280], strides = [1, 1]} : vector<32x1280xf32> to vector<24x1280xf32>
    %slice3A_438 = vector.extract_strided_slice %add3A_65 {offsets = [136, 0], sizes = [1, 1280], strides = [1, 1]} : vector<288x1280xf32> to vector<1x1280xf32>
    %mul3A_439 = vector.broadcast %slice3A_438 : vector<1x1280xf32> to vector<24x1280xf32>
    %mul3A_440 = arith.mulf %slice3A_437, %mul3A_439 : vector<24x1280xf32>
    %add3A_441 = arith.addf %add3A_436, %mul3A_440 : vector<24x1280xf32>
    %slice3A_442 = vector.extract_strided_slice %dot_general3A_61 {offsets = [5, 0], sizes = [24, 1280], strides = [1, 1]} : vector<32x1280xf32> to vector<24x1280xf32>
    %slice3A_443 = vector.extract_strided_slice %add3A_65 {offsets = [168, 0], sizes = [1, 1280], strides = [1, 1]} : vector<288x1280xf32> to vector<1x1280xf32>
    %mul3A_444 = vector.broadcast %slice3A_443 : vector<1x1280xf32> to vector<24x1280xf32>
    %mul3A_445 = arith.mulf %slice3A_442, %mul3A_444 : vector<24x1280xf32>
    %add3A_446 = arith.addf %add3A_441, %mul3A_445 : vector<24x1280xf32>
    %slice3A_447 = vector.extract_strided_slice %dot_general3A_61 {offsets = [6, 0], sizes = [24, 1280], strides = [1, 1]} : vector<32x1280xf32> to vector<24x1280xf32>
    %slice3A_448 = vector.extract_strided_slice %add3A_65 {offsets = [200, 0], sizes = [1, 1280], strides = [1, 1]} : vector<288x1280xf32> to vector<1x1280xf32>
    %mul3A_449 = vector.broadcast %slice3A_448 : vector<1x1280xf32> to vector<24x1280xf32>
    %mul3A_450 = arith.mulf %slice3A_447, %mul3A_449 : vector<24x1280xf32>
    %add3A_451 = arith.addf %add3A_446, %mul3A_450 : vector<24x1280xf32>
    %slice3A_452 = vector.extract_strided_slice %dot_general3A_61 {offsets = [7, 0], sizes = [24, 1280], strides = [1, 1]} : vector<32x1280xf32> to vector<24x1280xf32>
    %slice3A_453 = vector.extract_strided_slice %add3A_65 {offsets = [232, 0], sizes = [1, 1280], strides = [1, 1]} : vector<288x1280xf32> to vector<1x1280xf32>
    %mul3A_454 = vector.broadcast %slice3A_453 : vector<1x1280xf32> to vector<24x1280xf32>
    %mul3A_455 = arith.mulf %slice3A_452, %mul3A_454 : vector<24x1280xf32>
    %add3A_456 = arith.addf %add3A_451, %mul3A_455 : vector<24x1280xf32>
    %slice3A_457 = vector.extract_strided_slice %dot_general3A_61 {offsets = [8, 0], sizes = [24, 1280], strides = [1, 1]} : vector<32x1280xf32> to vector<24x1280xf32>
    %slice3A_458 = vector.extract_strided_slice %add3A_65 {offsets = [264, 0], sizes = [1, 1280], strides = [1, 1]} : vector<288x1280xf32> to vector<1x1280xf32>
    %mul3A_459 = vector.broadcast %slice3A_458 : vector<1x1280xf32> to vector<24x1280xf32>
    %mul3A_460 = arith.mulf %slice3A_457, %mul3A_459 : vector<24x1280xf32>
    %add3A_461 = arith.addf %add3A_456, %mul3A_460 : vector<24x1280xf32>
    %slice3A_462 = vector.extract_strided_slice %dot_general3A_61 {offsets = [0, 0], sizes = [24, 1280], strides = [1, 1]} : vector<32x1280xf32> to vector<24x1280xf32>
    %slice3A_463 = vector.extract_strided_slice %add3A_65 {offsets = [9, 0], sizes = [1, 1280], strides = [1, 1]} : vector<288x1280xf32> to vector<1x1280xf32>
    %mul3A_464 = vector.broadcast %slice3A_463 : vector<1x1280xf32> to vector<24x1280xf32>
    %mul3A_465 = arith.mulf %slice3A_462, %mul3A_464 : vector<24x1280xf32>
    %slice3A_466 = vector.extract_strided_slice %dot_general3A_61 {offsets = [1, 0], sizes = [24, 1280], strides = [1, 1]} : vector<32x1280xf32> to vector<24x1280xf32>
    %slice3A_467 = vector.extract_strided_slice %add3A_65 {offsets = [41, 0], sizes = [1, 1280], strides = [1, 1]} : vector<288x1280xf32> to vector<1x1280xf32>
    %mul3A_468 = vector.broadcast %slice3A_467 : vector<1x1280xf32> to vector<24x1280xf32>
    %mul3A_469 = arith.mulf %slice3A_466, %mul3A_468 : vector<24x1280xf32>
    %add3A_470 = arith.addf %mul3A_465, %mul3A_469 : vector<24x1280xf32>
    %slice3A_471 = vector.extract_strided_slice %dot_general3A_61 {offsets = [2, 0], sizes = [24, 1280], strides = [1, 1]} : vector<32x1280xf32> to vector<24x1280xf32>
    %slice3A_472 = vector.extract_strided_slice %add3A_65 {offsets = [73, 0], sizes = [1, 1280], strides = [1, 1]} : vector<288x1280xf32> to vector<1x1280xf32>
    %mul3A_473 = vector.broadcast %slice3A_472 : vector<1x1280xf32> to vector<24x1280xf32>
    %mul3A_474 = arith.mulf %slice3A_471, %mul3A_473 : vector<24x1280xf32>
    %add3A_475 = arith.addf %add3A_470, %mul3A_474 : vector<24x1280xf32>
    %slice3A_476 = vector.extract_strided_slice %dot_general3A_61 {offsets = [3, 0], sizes = [24, 1280], strides = [1, 1]} : vector<32x1280xf32> to vector<24x1280xf32>
    %slice3A_477 = vector.extract_strided_slice %add3A_65 {offsets = [105, 0], sizes = [1, 1280], strides = [1, 1]} : vector<288x1280xf32> to vector<1x1280xf32>
    %mul3A_478 = vector.broadcast %slice3A_477 : vector<1x1280xf32> to vector<24x1280xf32>
    %mul3A_479 = arith.mulf %slice3A_476, %mul3A_478 : vector<24x1280xf32>
    %add3A_480 = arith.addf %add3A_475, %mul3A_479 : vector<24x1280xf32>
    %slice3A_481 = vector.extract_strided_slice %dot_general3A_61 {offsets = [4, 0], sizes = [24, 1280], strides = [1, 1]} : vector<32x1280xf32> to vector<24x1280xf32>
    %slice3A_482 = vector.extract_strided_slice %add3A_65 {offsets = [137, 0], sizes = [1, 1280], strides = [1, 1]} : vector<288x1280xf32> to vector<1x1280xf32>
    %mul3A_483 = vector.broadcast %slice3A_482 : vector<1x1280xf32> to vector<24x1280xf32>
    %mul3A_484 = arith.mulf %slice3A_481, %mul3A_483 : vector<24x1280xf32>
    %add3A_485 = arith.addf %add3A_480, %mul3A_484 : vector<24x1280xf32>
    %slice3A_486 = vector.extract_strided_slice %dot_general3A_61 {offsets = [5, 0], sizes = [24, 1280], strides = [1, 1]} : vector<32x1280xf32> to vector<24x1280xf32>
    %slice3A_487 = vector.extract_strided_slice %add3A_65 {offsets = [169, 0], sizes = [1, 1280], strides = [1, 1]} : vector<288x1280xf32> to vector<1x1280xf32>
    %mul3A_488 = vector.broadcast %slice3A_487 : vector<1x1280xf32> to vector<24x1280xf32>
    %mul3A_489 = arith.mulf %slice3A_486, %mul3A_488 : vector<24x1280xf32>
    %add3A_490 = arith.addf %add3A_485, %mul3A_489 : vector<24x1280xf32>
    %slice3A_491 = vector.extract_strided_slice %dot_general3A_61 {offsets = [6, 0], sizes = [24, 1280], strides = [1, 1]} : vector<32x1280xf32> to vector<24x1280xf32>
    %slice3A_492 = vector.extract_strided_slice %add3A_65 {offsets = [201, 0], sizes = [1, 1280], strides = [1, 1]} : vector<288x1280xf32> to vector<1x1280xf32>
    %mul3A_493 = vector.broadcast %slice3A_492 : vector<1x1280xf32> to vector<24x1280xf32>
    %mul3A_494 = arith.mulf %slice3A_491, %mul3A_493 : vector<24x1280xf32>
    %add3A_495 = arith.addf %add3A_490, %mul3A_494 : vector<24x1280xf32>
    %slice3A_496 = vector.extract_strided_slice %dot_general3A_61 {offsets = [7, 0], sizes = [24, 1280], strides = [1, 1]} : vector<32x1280xf32> to vector<24x1280xf32>
    %slice3A_497 = vector.extract_strided_slice %add3A_65 {offsets = [233, 0], sizes = [1, 1280], strides = [1, 1]} : vector<288x1280xf32> to vector<1x1280xf32>
    %mul3A_498 = vector.broadcast %slice3A_497 : vector<1x1280xf32> to vector<24x1280xf32>
    %mul3A_499 = arith.mulf %slice3A_496, %mul3A_498 : vector<24x1280xf32>
    %add3A_500 = arith.addf %add3A_495, %mul3A_499 : vector<24x1280xf32>
    %slice3A_501 = vector.extract_strided_slice %dot_general3A_61 {offsets = [8, 0], sizes = [24, 1280], strides = [1, 1]} : vector<32x1280xf32> to vector<24x1280xf32>
    %slice3A_502 = vector.extract_strided_slice %add3A_65 {offsets = [265, 0], sizes = [1, 1280], strides = [1, 1]} : vector<288x1280xf32> to vector<1x1280xf32>
    %mul3A_503 = vector.broadcast %slice3A_502 : vector<1x1280xf32> to vector<24x1280xf32>
    %mul3A_504 = arith.mulf %slice3A_501, %mul3A_503 : vector<24x1280xf32>
    %add3A_505 = arith.addf %add3A_500, %mul3A_504 : vector<24x1280xf32>
    %slice3A_506 = vector.extract_strided_slice %dot_general3A_61 {offsets = [0, 0], sizes = [24, 1280], strides = [1, 1]} : vector<32x1280xf32> to vector<24x1280xf32>
    %slice3A_507 = vector.extract_strided_slice %add3A_65 {offsets = [10, 0], sizes = [1, 1280], strides = [1, 1]} : vector<288x1280xf32> to vector<1x1280xf32>
    %mul3A_508 = vector.broadcast %slice3A_507 : vector<1x1280xf32> to vector<24x1280xf32>
    %mul3A_509 = arith.mulf %slice3A_506, %mul3A_508 : vector<24x1280xf32>
    %slice3A_510 = vector.extract_strided_slice %dot_general3A_61 {offsets = [1, 0], sizes = [24, 1280], strides = [1, 1]} : vector<32x1280xf32> to vector<24x1280xf32>
    %slice3A_511 = vector.extract_strided_slice %add3A_65 {offsets = [42, 0], sizes = [1, 1280], strides = [1, 1]} : vector<288x1280xf32> to vector<1x1280xf32>
    %mul3A_512 = vector.broadcast %slice3A_511 : vector<1x1280xf32> to vector<24x1280xf32>
    %mul3A_513 = arith.mulf %slice3A_510, %mul3A_512 : vector<24x1280xf32>
    %add3A_514 = arith.addf %mul3A_509, %mul3A_513 : vector<24x1280xf32>
    %slice3A_515 = vector.extract_strided_slice %dot_general3A_61 {offsets = [2, 0], sizes = [24, 1280], strides = [1, 1]} : vector<32x1280xf32> to vector<24x1280xf32>
    %slice3A_516 = vector.extract_strided_slice %add3A_65 {offsets = [74, 0], sizes = [1, 1280], strides = [1, 1]} : vector<288x1280xf32> to vector<1x1280xf32>
    %mul3A_517 = vector.broadcast %slice3A_516 : vector<1x1280xf32> to vector<24x1280xf32>
    %mul3A_518 = arith.mulf %slice3A_515, %mul3A_517 : vector<24x1280xf32>
    %add3A_519 = arith.addf %add3A_514, %mul3A_518 : vector<24x1280xf32>
    %slice3A_520 = vector.extract_strided_slice %dot_general3A_61 {offsets = [3, 0], sizes = [24, 1280], strides = [1, 1]} : vector<32x1280xf32> to vector<24x1280xf32>
    %slice3A_521 = vector.extract_strided_slice %add3A_65 {offsets = [106, 0], sizes = [1, 1280], strides = [1, 1]} : vector<288x1280xf32> to vector<1x1280xf32>
    %mul3A_522 = vector.broadcast %slice3A_521 : vector<1x1280xf32> to vector<24x1280xf32>
    %mul3A_523 = arith.mulf %slice3A_520, %mul3A_522 : vector<24x1280xf32>
    %add3A_524 = arith.addf %add3A_519, %mul3A_523 : vector<24x1280xf32>
    %slice3A_525 = vector.extract_strided_slice %dot_general3A_61 {offsets = [4, 0], sizes = [24, 1280], strides = [1, 1]} : vector<32x1280xf32> to vector<24x1280xf32>
    %slice3A_526 = vector.extract_strided_slice %add3A_65 {offsets = [138, 0], sizes = [1, 1280], strides = [1, 1]} : vector<288x1280xf32> to vector<1x1280xf32>
    %mul3A_527 = vector.broadcast %slice3A_526 : vector<1x1280xf32> to vector<24x1280xf32>
    %mul3A_528 = arith.mulf %slice3A_525, %mul3A_527 : vector<24x1280xf32>
    %add3A_529 = arith.addf %add3A_524, %mul3A_528 : vector<24x1280xf32>
    %slice3A_530 = vector.extract_strided_slice %dot_general3A_61 {offsets = [5, 0], sizes = [24, 1280], strides = [1, 1]} : vector<32x1280xf32> to vector<24x1280xf32>
    %slice3A_531 = vector.extract_strided_slice %add3A_65 {offsets = [170, 0], sizes = [1, 1280], strides = [1, 1]} : vector<288x1280xf32> to vector<1x1280xf32>
    %mul3A_532 = vector.broadcast %slice3A_531 : vector<1x1280xf32> to vector<24x1280xf32>
    %mul3A_533 = arith.mulf %slice3A_530, %mul3A_532 : vector<24x1280xf32>
    %add3A_534 = arith.addf %add3A_529, %mul3A_533 : vector<24x1280xf32>
    %slice3A_535 = vector.extract_strided_slice %dot_general3A_61 {offsets = [6, 0], sizes = [24, 1280], strides = [1, 1]} : vector<32x1280xf32> to vector<24x1280xf32>
    %slice3A_536 = vector.extract_strided_slice %add3A_65 {offsets = [202, 0], sizes = [1, 1280], strides = [1, 1]} : vector<288x1280xf32> to vector<1x1280xf32>
    %mul3A_537 = vector.broadcast %slice3A_536 : vector<1x1280xf32> to vector<24x1280xf32>
    %mul3A_538 = arith.mulf %slice3A_535, %mul3A_537 : vector<24x1280xf32>
    %add3A_539 = arith.addf %add3A_534, %mul3A_538 : vector<24x1280xf32>
    %slice3A_540 = vector.extract_strided_slice %dot_general3A_61 {offsets = [7, 0], sizes = [24, 1280], strides = [1, 1]} : vector<32x1280xf32> to vector<24x1280xf32>
    %slice3A_541 = vector.extract_strided_slice %add3A_65 {offsets = [234, 0], sizes = [1, 1280], strides = [1, 1]} : vector<288x1280xf32> to vector<1x1280xf32>
    %mul3A_542 = vector.broadcast %slice3A_541 : vector<1x1280xf32> to vector<24x1280xf32>
    %mul3A_543 = arith.mulf %slice3A_540, %mul3A_542 : vector<24x1280xf32>
    %add3A_544 = arith.addf %add3A_539, %mul3A_543 : vector<24x1280xf32>
    %slice3A_545 = vector.extract_strided_slice %dot_general3A_61 {offsets = [8, 0], sizes = [24, 1280], strides = [1, 1]} : vector<32x1280xf32> to vector<24x1280xf32>
    %slice3A_546 = vector.extract_strided_slice %add3A_65 {offsets = [266, 0], sizes = [1, 1280], strides = [1, 1]} : vector<288x1280xf32> to vector<1x1280xf32>
    %mul3A_547 = vector.broadcast %slice3A_546 : vector<1x1280xf32> to vector<24x1280xf32>
    %mul3A_548 = arith.mulf %slice3A_545, %mul3A_547 : vector<24x1280xf32>
    %add3A_549 = arith.addf %add3A_544, %mul3A_548 : vector<24x1280xf32>
    %slice3A_550 = vector.extract_strided_slice %dot_general3A_61 {offsets = [0, 0], sizes = [24, 1280], strides = [1, 1]} : vector<32x1280xf32> to vector<24x1280xf32>
    %slice3A_551 = vector.extract_strided_slice %add3A_65 {offsets = [11, 0], sizes = [1, 1280], strides = [1, 1]} : vector<288x1280xf32> to vector<1x1280xf32>
    %mul3A_552 = vector.broadcast %slice3A_551 : vector<1x1280xf32> to vector<24x1280xf32>
    %mul3A_553 = arith.mulf %slice3A_550, %mul3A_552 : vector<24x1280xf32>
    %slice3A_554 = vector.extract_strided_slice %dot_general3A_61 {offsets = [1, 0], sizes = [24, 1280], strides = [1, 1]} : vector<32x1280xf32> to vector<24x1280xf32>
    %slice3A_555 = vector.extract_strided_slice %add3A_65 {offsets = [43, 0], sizes = [1, 1280], strides = [1, 1]} : vector<288x1280xf32> to vector<1x1280xf32>
    %mul3A_556 = vector.broadcast %slice3A_555 : vector<1x1280xf32> to vector<24x1280xf32>
    %mul3A_557 = arith.mulf %slice3A_554, %mul3A_556 : vector<24x1280xf32>
    %add3A_558 = arith.addf %mul3A_553, %mul3A_557 : vector<24x1280xf32>
    %slice3A_559 = vector.extract_strided_slice %dot_general3A_61 {offsets = [2, 0], sizes = [24, 1280], strides = [1, 1]} : vector<32x1280xf32> to vector<24x1280xf32>
    %slice3A_560 = vector.extract_strided_slice %add3A_65 {offsets = [75, 0], sizes = [1, 1280], strides = [1, 1]} : vector<288x1280xf32> to vector<1x1280xf32>
    %mul3A_561 = vector.broadcast %slice3A_560 : vector<1x1280xf32> to vector<24x1280xf32>
    %mul3A_562 = arith.mulf %slice3A_559, %mul3A_561 : vector<24x1280xf32>
    %add3A_563 = arith.addf %add3A_558, %mul3A_562 : vector<24x1280xf32>
    %slice3A_564 = vector.extract_strided_slice %dot_general3A_61 {offsets = [3, 0], sizes = [24, 1280], strides = [1, 1]} : vector<32x1280xf32> to vector<24x1280xf32>
    %slice3A_565 = vector.extract_strided_slice %add3A_65 {offsets = [107, 0], sizes = [1, 1280], strides = [1, 1]} : vector<288x1280xf32> to vector<1x1280xf32>
    %mul3A_566 = vector.broadcast %slice3A_565 : vector<1x1280xf32> to vector<24x1280xf32>
    %mul3A_567 = arith.mulf %slice3A_564, %mul3A_566 : vector<24x1280xf32>
    %add3A_568 = arith.addf %add3A_563, %mul3A_567 : vector<24x1280xf32>
    %slice3A_569 = vector.extract_strided_slice %dot_general3A_61 {offsets = [4, 0], sizes = [24, 1280], strides = [1, 1]} : vector<32x1280xf32> to vector<24x1280xf32>
    %slice3A_570 = vector.extract_strided_slice %add3A_65 {offsets = [139, 0], sizes = [1, 1280], strides = [1, 1]} : vector<288x1280xf32> to vector<1x1280xf32>
    %mul3A_571 = vector.broadcast %slice3A_570 : vector<1x1280xf32> to vector<24x1280xf32>
    %mul3A_572 = arith.mulf %slice3A_569, %mul3A_571 : vector<24x1280xf32>
    %add3A_573 = arith.addf %add3A_568, %mul3A_572 : vector<24x1280xf32>
    %slice3A_574 = vector.extract_strided_slice %dot_general3A_61 {offsets = [5, 0], sizes = [24, 1280], strides = [1, 1]} : vector<32x1280xf32> to vector<24x1280xf32>
    %slice3A_575 = vector.extract_strided_slice %add3A_65 {offsets = [171, 0], sizes = [1, 1280], strides = [1, 1]} : vector<288x1280xf32> to vector<1x1280xf32>
    %mul3A_576 = vector.broadcast %slice3A_575 : vector<1x1280xf32> to vector<24x1280xf32>
    %mul3A_577 = arith.mulf %slice3A_574, %mul3A_576 : vector<24x1280xf32>
    %add3A_578 = arith.addf %add3A_573, %mul3A_577 : vector<24x1280xf32>
    %slice3A_579 = vector.extract_strided_slice %dot_general3A_61 {offsets = [6, 0], sizes = [24, 1280], strides = [1, 1]} : vector<32x1280xf32> to vector<24x1280xf32>
    %slice3A_580 = vector.extract_strided_slice %add3A_65 {offsets = [203, 0], sizes = [1, 1280], strides = [1, 1]} : vector<288x1280xf32> to vector<1x1280xf32>
    %mul3A_581 = vector.broadcast %slice3A_580 : vector<1x1280xf32> to vector<24x1280xf32>
    %mul3A_582 = arith.mulf %slice3A_579, %mul3A_581 : vector<24x1280xf32>
    %add3A_583 = arith.addf %add3A_578, %mul3A_582 : vector<24x1280xf32>
    %slice3A_584 = vector.extract_strided_slice %dot_general3A_61 {offsets = [7, 0], sizes = [24, 1280], strides = [1, 1]} : vector<32x1280xf32> to vector<24x1280xf32>
    %slice3A_585 = vector.extract_strided_slice %add3A_65 {offsets = [235, 0], sizes = [1, 1280], strides = [1, 1]} : vector<288x1280xf32> to vector<1x1280xf32>
    %mul3A_586 = vector.broadcast %slice3A_585 : vector<1x1280xf32> to vector<24x1280xf32>
    %mul3A_587 = arith.mulf %slice3A_584, %mul3A_586 : vector<24x1280xf32>
    %add3A_588 = arith.addf %add3A_583, %mul3A_587 : vector<24x1280xf32>
    %slice3A_589 = vector.extract_strided_slice %dot_general3A_61 {offsets = [8, 0], sizes = [24, 1280], strides = [1, 1]} : vector<32x1280xf32> to vector<24x1280xf32>
    %slice3A_590 = vector.extract_strided_slice %add3A_65 {offsets = [267, 0], sizes = [1, 1280], strides = [1, 1]} : vector<288x1280xf32> to vector<1x1280xf32>
    %mul3A_591 = vector.broadcast %slice3A_590 : vector<1x1280xf32> to vector<24x1280xf32>
    %mul3A_592 = arith.mulf %slice3A_589, %mul3A_591 : vector<24x1280xf32>
    %add3A_593 = arith.addf %add3A_588, %mul3A_592 : vector<24x1280xf32>
    %slice3A_594 = vector.extract_strided_slice %dot_general3A_61 {offsets = [0, 0], sizes = [24, 1280], strides = [1, 1]} : vector<32x1280xf32> to vector<24x1280xf32>
    %slice3A_595 = vector.extract_strided_slice %add3A_65 {offsets = [12, 0], sizes = [1, 1280], strides = [1, 1]} : vector<288x1280xf32> to vector<1x1280xf32>
    %mul3A_596 = vector.broadcast %slice3A_595 : vector<1x1280xf32> to vector<24x1280xf32>
    %mul3A_597 = arith.mulf %slice3A_594, %mul3A_596 : vector<24x1280xf32>
    %slice3A_598 = vector.extract_strided_slice %dot_general3A_61 {offsets = [1, 0], sizes = [24, 1280], strides = [1, 1]} : vector<32x1280xf32> to vector<24x1280xf32>
    %slice3A_599 = vector.extract_strided_slice %add3A_65 {offsets = [44, 0], sizes = [1, 1280], strides = [1, 1]} : vector<288x1280xf32> to vector<1x1280xf32>
    %mul3A_600 = vector.broadcast %slice3A_599 : vector<1x1280xf32> to vector<24x1280xf32>
    %mul3A_601 = arith.mulf %slice3A_598, %mul3A_600 : vector<24x1280xf32>
    %add3A_602 = arith.addf %mul3A_597, %mul3A_601 : vector<24x1280xf32>
    %slice3A_603 = vector.extract_strided_slice %dot_general3A_61 {offsets = [2, 0], sizes = [24, 1280], strides = [1, 1]} : vector<32x1280xf32> to vector<24x1280xf32>
    %slice3A_604 = vector.extract_strided_slice %add3A_65 {offsets = [76, 0], sizes = [1, 1280], strides = [1, 1]} : vector<288x1280xf32> to vector<1x1280xf32>
    %mul3A_605 = vector.broadcast %slice3A_604 : vector<1x1280xf32> to vector<24x1280xf32>
    %mul3A_606 = arith.mulf %slice3A_603, %mul3A_605 : vector<24x1280xf32>
    %add3A_607 = arith.addf %add3A_602, %mul3A_606 : vector<24x1280xf32>
    %slice3A_608 = vector.extract_strided_slice %dot_general3A_61 {offsets = [3, 0], sizes = [24, 1280], strides = [1, 1]} : vector<32x1280xf32> to vector<24x1280xf32>
    %slice3A_609 = vector.extract_strided_slice %add3A_65 {offsets = [108, 0], sizes = [1, 1280], strides = [1, 1]} : vector<288x1280xf32> to vector<1x1280xf32>
    %mul3A_610 = vector.broadcast %slice3A_609 : vector<1x1280xf32> to vector<24x1280xf32>
    %mul3A_611 = arith.mulf %slice3A_608, %mul3A_610 : vector<24x1280xf32>
    %add3A_612 = arith.addf %add3A_607, %mul3A_611 : vector<24x1280xf32>
    %slice3A_613 = vector.extract_strided_slice %dot_general3A_61 {offsets = [4, 0], sizes = [24, 1280], strides = [1, 1]} : vector<32x1280xf32> to vector<24x1280xf32>
    %slice3A_614 = vector.extract_strided_slice %add3A_65 {offsets = [140, 0], sizes = [1, 1280], strides = [1, 1]} : vector<288x1280xf32> to vector<1x1280xf32>
    %mul3A_615 = vector.broadcast %slice3A_614 : vector<1x1280xf32> to vector<24x1280xf32>
    %mul3A_616 = arith.mulf %slice3A_613, %mul3A_615 : vector<24x1280xf32>
    %add3A_617 = arith.addf %add3A_612, %mul3A_616 : vector<24x1280xf32>
    %slice3A_618 = vector.extract_strided_slice %dot_general3A_61 {offsets = [5, 0], sizes = [24, 1280], strides = [1, 1]} : vector<32x1280xf32> to vector<24x1280xf32>
    %slice3A_619 = vector.extract_strided_slice %add3A_65 {offsets = [172, 0], sizes = [1, 1280], strides = [1, 1]} : vector<288x1280xf32> to vector<1x1280xf32>
    %mul3A_620 = vector.broadcast %slice3A_619 : vector<1x1280xf32> to vector<24x1280xf32>
    %mul3A_621 = arith.mulf %slice3A_618, %mul3A_620 : vector<24x1280xf32>
    %add3A_622 = arith.addf %add3A_617, %mul3A_621 : vector<24x1280xf32>
    %slice3A_623 = vector.extract_strided_slice %dot_general3A_61 {offsets = [6, 0], sizes = [24, 1280], strides = [1, 1]} : vector<32x1280xf32> to vector<24x1280xf32>
    %slice3A_624 = vector.extract_strided_slice %add3A_65 {offsets = [204, 0], sizes = [1, 1280], strides = [1, 1]} : vector<288x1280xf32> to vector<1x1280xf32>
    %mul3A_625 = vector.broadcast %slice3A_624 : vector<1x1280xf32> to vector<24x1280xf32>
    %mul3A_626 = arith.mulf %slice3A_623, %mul3A_625 : vector<24x1280xf32>
    %add3A_627 = arith.addf %add3A_622, %mul3A_626 : vector<24x1280xf32>
    %slice3A_628 = vector.extract_strided_slice %dot_general3A_61 {offsets = [7, 0], sizes = [24, 1280], strides = [1, 1]} : vector<32x1280xf32> to vector<24x1280xf32>
    %slice3A_629 = vector.extract_strided_slice %add3A_65 {offsets = [236, 0], sizes = [1, 1280], strides = [1, 1]} : vector<288x1280xf32> to vector<1x1280xf32>
    %mul3A_630 = vector.broadcast %slice3A_629 : vector<1x1280xf32> to vector<24x1280xf32>
    %mul3A_631 = arith.mulf %slice3A_628, %mul3A_630 : vector<24x1280xf32>
    %add3A_632 = arith.addf %add3A_627, %mul3A_631 : vector<24x1280xf32>
    %slice3A_633 = vector.extract_strided_slice %dot_general3A_61 {offsets = [8, 0], sizes = [24, 1280], strides = [1, 1]} : vector<32x1280xf32> to vector<24x1280xf32>
    %slice3A_634 = vector.extract_strided_slice %add3A_65 {offsets = [268, 0], sizes = [1, 1280], strides = [1, 1]} : vector<288x1280xf32> to vector<1x1280xf32>
    %mul3A_635 = vector.broadcast %slice3A_634 : vector<1x1280xf32> to vector<24x1280xf32>
    %mul3A_636 = arith.mulf %slice3A_633, %mul3A_635 : vector<24x1280xf32>
    %add3A_637 = arith.addf %add3A_632, %mul3A_636 : vector<24x1280xf32>
    %slice3A_638 = vector.extract_strided_slice %dot_general3A_61 {offsets = [0, 0], sizes = [24, 1280], strides = [1, 1]} : vector<32x1280xf32> to vector<24x1280xf32>
    %slice3A_639 = vector.extract_strided_slice %add3A_65 {offsets = [13, 0], sizes = [1, 1280], strides = [1, 1]} : vector<288x1280xf32> to vector<1x1280xf32>
    %mul3A_640 = vector.broadcast %slice3A_639 : vector<1x1280xf32> to vector<24x1280xf32>
    %mul3A_641 = arith.mulf %slice3A_638, %mul3A_640 : vector<24x1280xf32>
    %slice3A_642 = vector.extract_strided_slice %dot_general3A_61 {offsets = [1, 0], sizes = [24, 1280], strides = [1, 1]} : vector<32x1280xf32> to vector<24x1280xf32>
    %slice3A_643 = vector.extract_strided_slice %add3A_65 {offsets = [45, 0], sizes = [1, 1280], strides = [1, 1]} : vector<288x1280xf32> to vector<1x1280xf32>
    %mul3A_644 = vector.broadcast %slice3A_643 : vector<1x1280xf32> to vector<24x1280xf32>
    %mul3A_645 = arith.mulf %slice3A_642, %mul3A_644 : vector<24x1280xf32>
    %add3A_646 = arith.addf %mul3A_641, %mul3A_645 : vector<24x1280xf32>
    %slice3A_647 = vector.extract_strided_slice %dot_general3A_61 {offsets = [2, 0], sizes = [24, 1280], strides = [1, 1]} : vector<32x1280xf32> to vector<24x1280xf32>
    %slice3A_648 = vector.extract_strided_slice %add3A_65 {offsets = [77, 0], sizes = [1, 1280], strides = [1, 1]} : vector<288x1280xf32> to vector<1x1280xf32>
    %mul3A_649 = vector.broadcast %slice3A_648 : vector<1x1280xf32> to vector<24x1280xf32>
    %mul3A_650 = arith.mulf %slice3A_647, %mul3A_649 : vector<24x1280xf32>
    %add3A_651 = arith.addf %add3A_646, %mul3A_650 : vector<24x1280xf32>
    %slice3A_652 = vector.extract_strided_slice %dot_general3A_61 {offsets = [3, 0], sizes = [24, 1280], strides = [1, 1]} : vector<32x1280xf32> to vector<24x1280xf32>
    %slice3A_653 = vector.extract_strided_slice %add3A_65 {offsets = [109, 0], sizes = [1, 1280], strides = [1, 1]} : vector<288x1280xf32> to vector<1x1280xf32>
    %mul3A_654 = vector.broadcast %slice3A_653 : vector<1x1280xf32> to vector<24x1280xf32>
    %mul3A_655 = arith.mulf %slice3A_652, %mul3A_654 : vector<24x1280xf32>
    %add3A_656 = arith.addf %add3A_651, %mul3A_655 : vector<24x1280xf32>
    %slice3A_657 = vector.extract_strided_slice %dot_general3A_61 {offsets = [4, 0], sizes = [24, 1280], strides = [1, 1]} : vector<32x1280xf32> to vector<24x1280xf32>
    %slice3A_658 = vector.extract_strided_slice %add3A_65 {offsets = [141, 0], sizes = [1, 1280], strides = [1, 1]} : vector<288x1280xf32> to vector<1x1280xf32>
    %mul3A_659 = vector.broadcast %slice3A_658 : vector<1x1280xf32> to vector<24x1280xf32>
    %mul3A_660 = arith.mulf %slice3A_657, %mul3A_659 : vector<24x1280xf32>
    %add3A_661 = arith.addf %add3A_656, %mul3A_660 : vector<24x1280xf32>
    %slice3A_662 = vector.extract_strided_slice %dot_general3A_61 {offsets = [5, 0], sizes = [24, 1280], strides = [1, 1]} : vector<32x1280xf32> to vector<24x1280xf32>
    %slice3A_663 = vector.extract_strided_slice %add3A_65 {offsets = [173, 0], sizes = [1, 1280], strides = [1, 1]} : vector<288x1280xf32> to vector<1x1280xf32>
    %mul3A_664 = vector.broadcast %slice3A_663 : vector<1x1280xf32> to vector<24x1280xf32>
    %mul3A_665 = arith.mulf %slice3A_662, %mul3A_664 : vector<24x1280xf32>
    %add3A_666 = arith.addf %add3A_661, %mul3A_665 : vector<24x1280xf32>
    %slice3A_667 = vector.extract_strided_slice %dot_general3A_61 {offsets = [6, 0], sizes = [24, 1280], strides = [1, 1]} : vector<32x1280xf32> to vector<24x1280xf32>
    %slice3A_668 = vector.extract_strided_slice %add3A_65 {offsets = [205, 0], sizes = [1, 1280], strides = [1, 1]} : vector<288x1280xf32> to vector<1x1280xf32>
    %mul3A_669 = vector.broadcast %slice3A_668 : vector<1x1280xf32> to vector<24x1280xf32>
    %mul3A_670 = arith.mulf %slice3A_667, %mul3A_669 : vector<24x1280xf32>
    %add3A_671 = arith.addf %add3A_666, %mul3A_670 : vector<24x1280xf32>
    %slice3A_672 = vector.extract_strided_slice %dot_general3A_61 {offsets = [7, 0], sizes = [24, 1280], strides = [1, 1]} : vector<32x1280xf32> to vector<24x1280xf32>
    %slice3A_673 = vector.extract_strided_slice %add3A_65 {offsets = [237, 0], sizes = [1, 1280], strides = [1, 1]} : vector<288x1280xf32> to vector<1x1280xf32>
    %mul3A_674 = vector.broadcast %slice3A_673 : vector<1x1280xf32> to vector<24x1280xf32>
    %mul3A_675 = arith.mulf %slice3A_672, %mul3A_674 : vector<24x1280xf32>
    %add3A_676 = arith.addf %add3A_671, %mul3A_675 : vector<24x1280xf32>
    %slice3A_677 = vector.extract_strided_slice %dot_general3A_61 {offsets = [8, 0], sizes = [24, 1280], strides = [1, 1]} : vector<32x1280xf32> to vector<24x1280xf32>
    %slice3A_678 = vector.extract_strided_slice %add3A_65 {offsets = [269, 0], sizes = [1, 1280], strides = [1, 1]} : vector<288x1280xf32> to vector<1x1280xf32>
    %mul3A_679 = vector.broadcast %slice3A_678 : vector<1x1280xf32> to vector<24x1280xf32>
    %mul3A_680 = arith.mulf %slice3A_677, %mul3A_679 : vector<24x1280xf32>
    %add3A_681 = arith.addf %add3A_676, %mul3A_680 : vector<24x1280xf32>
    %slice3A_682 = vector.extract_strided_slice %dot_general3A_61 {offsets = [0, 0], sizes = [24, 1280], strides = [1, 1]} : vector<32x1280xf32> to vector<24x1280xf32>
    %slice3A_683 = vector.extract_strided_slice %add3A_65 {offsets = [14, 0], sizes = [1, 1280], strides = [1, 1]} : vector<288x1280xf32> to vector<1x1280xf32>
    %mul3A_684 = vector.broadcast %slice3A_683 : vector<1x1280xf32> to vector<24x1280xf32>
    %mul3A_685 = arith.mulf %slice3A_682, %mul3A_684 : vector<24x1280xf32>
    %slice3A_686 = vector.extract_strided_slice %dot_general3A_61 {offsets = [1, 0], sizes = [24, 1280], strides = [1, 1]} : vector<32x1280xf32> to vector<24x1280xf32>
    %slice3A_687 = vector.extract_strided_slice %add3A_65 {offsets = [46, 0], sizes = [1, 1280], strides = [1, 1]} : vector<288x1280xf32> to vector<1x1280xf32>
    %mul3A_688 = vector.broadcast %slice3A_687 : vector<1x1280xf32> to vector<24x1280xf32>
    %mul3A_689 = arith.mulf %slice3A_686, %mul3A_688 : vector<24x1280xf32>
    %add3A_690 = arith.addf %mul3A_685, %mul3A_689 : vector<24x1280xf32>
    %slice3A_691 = vector.extract_strided_slice %dot_general3A_61 {offsets = [2, 0], sizes = [24, 1280], strides = [1, 1]} : vector<32x1280xf32> to vector<24x1280xf32>
    %slice3A_692 = vector.extract_strided_slice %add3A_65 {offsets = [78, 0], sizes = [1, 1280], strides = [1, 1]} : vector<288x1280xf32> to vector<1x1280xf32>
    %mul3A_693 = vector.broadcast %slice3A_692 : vector<1x1280xf32> to vector<24x1280xf32>
    %mul3A_694 = arith.mulf %slice3A_691, %mul3A_693 : vector<24x1280xf32>
    %add3A_695 = arith.addf %add3A_690, %mul3A_694 : vector<24x1280xf32>
    %slice3A_696 = vector.extract_strided_slice %dot_general3A_61 {offsets = [3, 0], sizes = [24, 1280], strides = [1, 1]} : vector<32x1280xf32> to vector<24x1280xf32>
    %slice3A_697 = vector.extract_strided_slice %add3A_65 {offsets = [110, 0], sizes = [1, 1280], strides = [1, 1]} : vector<288x1280xf32> to vector<1x1280xf32>
    %mul3A_698 = vector.broadcast %slice3A_697 : vector<1x1280xf32> to vector<24x1280xf32>
    %mul3A_699 = arith.mulf %slice3A_696, %mul3A_698 : vector<24x1280xf32>
    %add3A_700 = arith.addf %add3A_695, %mul3A_699 : vector<24x1280xf32>
    %slice3A_701 = vector.extract_strided_slice %dot_general3A_61 {offsets = [4, 0], sizes = [24, 1280], strides = [1, 1]} : vector<32x1280xf32> to vector<24x1280xf32>
    %slice3A_702 = vector.extract_strided_slice %add3A_65 {offsets = [142, 0], sizes = [1, 1280], strides = [1, 1]} : vector<288x1280xf32> to vector<1x1280xf32>
    %mul3A_703 = vector.broadcast %slice3A_702 : vector<1x1280xf32> to vector<24x1280xf32>
    %mul3A_704 = arith.mulf %slice3A_701, %mul3A_703 : vector<24x1280xf32>
    %add3A_705 = arith.addf %add3A_700, %mul3A_704 : vector<24x1280xf32>
    %slice3A_706 = vector.extract_strided_slice %dot_general3A_61 {offsets = [5, 0], sizes = [24, 1280], strides = [1, 1]} : vector<32x1280xf32> to vector<24x1280xf32>
    %slice3A_707 = vector.extract_strided_slice %add3A_65 {offsets = [174, 0], sizes = [1, 1280], strides = [1, 1]} : vector<288x1280xf32> to vector<1x1280xf32>
    %mul3A_708 = vector.broadcast %slice3A_707 : vector<1x1280xf32> to vector<24x1280xf32>
    %mul3A_709 = arith.mulf %slice3A_706, %mul3A_708 : vector<24x1280xf32>
    %add3A_710 = arith.addf %add3A_705, %mul3A_709 : vector<24x1280xf32>
    %slice3A_711 = vector.extract_strided_slice %dot_general3A_61 {offsets = [6, 0], sizes = [24, 1280], strides = [1, 1]} : vector<32x1280xf32> to vector<24x1280xf32>
    %slice3A_712 = vector.extract_strided_slice %add3A_65 {offsets = [206, 0], sizes = [1, 1280], strides = [1, 1]} : vector<288x1280xf32> to vector<1x1280xf32>
    %mul3A_713 = vector.broadcast %slice3A_712 : vector<1x1280xf32> to vector<24x1280xf32>
    %mul3A_714 = arith.mulf %slice3A_711, %mul3A_713 : vector<24x1280xf32>
    %add3A_715 = arith.addf %add3A_710, %mul3A_714 : vector<24x1280xf32>
    %slice3A_716 = vector.extract_strided_slice %dot_general3A_61 {offsets = [7, 0], sizes = [24, 1280], strides = [1, 1]} : vector<32x1280xf32> to vector<24x1280xf32>
    %slice3A_717 = vector.extract_strided_slice %add3A_65 {offsets = [238, 0], sizes = [1, 1280], strides = [1, 1]} : vector<288x1280xf32> to vector<1x1280xf32>
    %mul3A_718 = vector.broadcast %slice3A_717 : vector<1x1280xf32> to vector<24x1280xf32>
    %mul3A_719 = arith.mulf %slice3A_716, %mul3A_718 : vector<24x1280xf32>
    %add3A_720 = arith.addf %add3A_715, %mul3A_719 : vector<24x1280xf32>
    %slice3A_721 = vector.extract_strided_slice %dot_general3A_61 {offsets = [8, 0], sizes = [24, 1280], strides = [1, 1]} : vector<32x1280xf32> to vector<24x1280xf32>
    %slice3A_722 = vector.extract_strided_slice %add3A_65 {offsets = [270, 0], sizes = [1, 1280], strides = [1, 1]} : vector<288x1280xf32> to vector<1x1280xf32>
    %mul3A_723 = vector.broadcast %slice3A_722 : vector<1x1280xf32> to vector<24x1280xf32>
    %mul3A_724 = arith.mulf %slice3A_721, %mul3A_723 : vector<24x1280xf32>
    %add3A_725 = arith.addf %add3A_720, %mul3A_724 : vector<24x1280xf32>
    %slice3A_726 = vector.extract_strided_slice %dot_general3A_61 {offsets = [0, 0], sizes = [24, 1280], strides = [1, 1]} : vector<32x1280xf32> to vector<24x1280xf32>
    %slice3A_727 = vector.extract_strided_slice %add3A_65 {offsets = [15, 0], sizes = [1, 1280], strides = [1, 1]} : vector<288x1280xf32> to vector<1x1280xf32>
    %mul3A_728 = vector.broadcast %slice3A_727 : vector<1x1280xf32> to vector<24x1280xf32>
    %mul3A_729 = arith.mulf %slice3A_726, %mul3A_728 : vector<24x1280xf32>
    %slice3A_730 = vector.extract_strided_slice %dot_general3A_61 {offsets = [1, 0], sizes = [24, 1280], strides = [1, 1]} : vector<32x1280xf32> to vector<24x1280xf32>
    %slice3A_731 = vector.extract_strided_slice %add3A_65 {offsets = [47, 0], sizes = [1, 1280], strides = [1, 1]} : vector<288x1280xf32> to vector<1x1280xf32>
    %mul3A_732 = vector.broadcast %slice3A_731 : vector<1x1280xf32> to vector<24x1280xf32>
    %mul3A_733 = arith.mulf %slice3A_730, %mul3A_732 : vector<24x1280xf32>
    %add3A_734 = arith.addf %mul3A_729, %mul3A_733 : vector<24x1280xf32>
    %slice3A_735 = vector.extract_strided_slice %dot_general3A_61 {offsets = [2, 0], sizes = [24, 1280], strides = [1, 1]} : vector<32x1280xf32> to vector<24x1280xf32>
    %slice3A_736 = vector.extract_strided_slice %add3A_65 {offsets = [79, 0], sizes = [1, 1280], strides = [1, 1]} : vector<288x1280xf32> to vector<1x1280xf32>
    %mul3A_737 = vector.broadcast %slice3A_736 : vector<1x1280xf32> to vector<24x1280xf32>
    %mul3A_738 = arith.mulf %slice3A_735, %mul3A_737 : vector<24x1280xf32>
    %add3A_739 = arith.addf %add3A_734, %mul3A_738 : vector<24x1280xf32>
    %slice3A_740 = vector.extract_strided_slice %dot_general3A_61 {offsets = [3, 0], sizes = [24, 1280], strides = [1, 1]} : vector<32x1280xf32> to vector<24x1280xf32>
    %slice3A_741 = vector.extract_strided_slice %add3A_65 {offsets = [111, 0], sizes = [1, 1280], strides = [1, 1]} : vector<288x1280xf32> to vector<1x1280xf32>
    %mul3A_742 = vector.broadcast %slice3A_741 : vector<1x1280xf32> to vector<24x1280xf32>
    %mul3A_743 = arith.mulf %slice3A_740, %mul3A_742 : vector<24x1280xf32>
    %add3A_744 = arith.addf %add3A_739, %mul3A_743 : vector<24x1280xf32>
    %slice3A_745 = vector.extract_strided_slice %dot_general3A_61 {offsets = [4, 0], sizes = [24, 1280], strides = [1, 1]} : vector<32x1280xf32> to vector<24x1280xf32>
    %slice3A_746 = vector.extract_strided_slice %add3A_65 {offsets = [143, 0], sizes = [1, 1280], strides = [1, 1]} : vector<288x1280xf32> to vector<1x1280xf32>
    %mul3A_747 = vector.broadcast %slice3A_746 : vector<1x1280xf32> to vector<24x1280xf32>
    %mul3A_748 = arith.mulf %slice3A_745, %mul3A_747 : vector<24x1280xf32>
    %add3A_749 = arith.addf %add3A_744, %mul3A_748 : vector<24x1280xf32>
    %slice3A_750 = vector.extract_strided_slice %dot_general3A_61 {offsets = [5, 0], sizes = [24, 1280], strides = [1, 1]} : vector<32x1280xf32> to vector<24x1280xf32>
    %slice3A_751 = vector.extract_strided_slice %add3A_65 {offsets = [175, 0], sizes = [1, 1280], strides = [1, 1]} : vector<288x1280xf32> to vector<1x1280xf32>
    %mul3A_752 = vector.broadcast %slice3A_751 : vector<1x1280xf32> to vector<24x1280xf32>
    %mul3A_753 = arith.mulf %slice3A_750, %mul3A_752 : vector<24x1280xf32>
    %add3A_754 = arith.addf %add3A_749, %mul3A_753 : vector<24x1280xf32>
    %slice3A_755 = vector.extract_strided_slice %dot_general3A_61 {offsets = [6, 0], sizes = [24, 1280], strides = [1, 1]} : vector<32x1280xf32> to vector<24x1280xf32>
    %slice3A_756 = vector.extract_strided_slice %add3A_65 {offsets = [207, 0], sizes = [1, 1280], strides = [1, 1]} : vector<288x1280xf32> to vector<1x1280xf32>
    %mul3A_757 = vector.broadcast %slice3A_756 : vector<1x1280xf32> to vector<24x1280xf32>
    %mul3A_758 = arith.mulf %slice3A_755, %mul3A_757 : vector<24x1280xf32>
    %add3A_759 = arith.addf %add3A_754, %mul3A_758 : vector<24x1280xf32>
    %slice3A_760 = vector.extract_strided_slice %dot_general3A_61 {offsets = [7, 0], sizes = [24, 1280], strides = [1, 1]} : vector<32x1280xf32> to vector<24x1280xf32>
    %slice3A_761 = vector.extract_strided_slice %add3A_65 {offsets = [239, 0], sizes = [1, 1280], strides = [1, 1]} : vector<288x1280xf32> to vector<1x1280xf32>
    %mul3A_762 = vector.broadcast %slice3A_761 : vector<1x1280xf32> to vector<24x1280xf32>
    %mul3A_763 = arith.mulf %slice3A_760, %mul3A_762 : vector<24x1280xf32>
    %add3A_764 = arith.addf %add3A_759, %mul3A_763 : vector<24x1280xf32>
    %slice3A_765 = vector.extract_strided_slice %dot_general3A_61 {offsets = [8, 0], sizes = [24, 1280], strides = [1, 1]} : vector<32x1280xf32> to vector<24x1280xf32>
    %slice3A_766 = vector.extract_strided_slice %add3A_65 {offsets = [271, 0], sizes = [1, 1280], strides = [1, 1]} : vector<288x1280xf32> to vector<1x1280xf32>
    %mul3A_767 = vector.broadcast %slice3A_766 : vector<1x1280xf32> to vector<24x1280xf32>
    %mul3A_768 = arith.mulf %slice3A_765, %mul3A_767 : vector<24x1280xf32>
    %add3A_769 = arith.addf %add3A_764, %mul3A_768 : vector<24x1280xf32>
    %slice3A_770 = vector.extract_strided_slice %dot_general3A_61 {offsets = [0, 0], sizes = [24, 1280], strides = [1, 1]} : vector<32x1280xf32> to vector<24x1280xf32>
    %slice3A_771 = vector.extract_strided_slice %add3A_65 {offsets = [16, 0], sizes = [1, 1280], strides = [1, 1]} : vector<288x1280xf32> to vector<1x1280xf32>
    %mul3A_772 = vector.broadcast %slice3A_771 : vector<1x1280xf32> to vector<24x1280xf32>
    %mul3A_773 = arith.mulf %slice3A_770, %mul3A_772 : vector<24x1280xf32>
    %slice3A_774 = vector.extract_strided_slice %dot_general3A_61 {offsets = [1, 0], sizes = [24, 1280], strides = [1, 1]} : vector<32x1280xf32> to vector<24x1280xf32>
    %slice3A_775 = vector.extract_strided_slice %add3A_65 {offsets = [48, 0], sizes = [1, 1280], strides = [1, 1]} : vector<288x1280xf32> to vector<1x1280xf32>
    %mul3A_776 = vector.broadcast %slice3A_775 : vector<1x1280xf32> to vector<24x1280xf32>
    %mul3A_777 = arith.mulf %slice3A_774, %mul3A_776 : vector<24x1280xf32>
    %add3A_778 = arith.addf %mul3A_773, %mul3A_777 : vector<24x1280xf32>
    %slice3A_779 = vector.extract_strided_slice %dot_general3A_61 {offsets = [2, 0], sizes = [24, 1280], strides = [1, 1]} : vector<32x1280xf32> to vector<24x1280xf32>
    %slice3A_780 = vector.extract_strided_slice %add3A_65 {offsets = [80, 0], sizes = [1, 1280], strides = [1, 1]} : vector<288x1280xf32> to vector<1x1280xf32>
    %mul3A_781 = vector.broadcast %slice3A_780 : vector<1x1280xf32> to vector<24x1280xf32>
    %mul3A_782 = arith.mulf %slice3A_779, %mul3A_781 : vector<24x1280xf32>
    %add3A_783 = arith.addf %add3A_778, %mul3A_782 : vector<24x1280xf32>
    %slice3A_784 = vector.extract_strided_slice %dot_general3A_61 {offsets = [3, 0], sizes = [24, 1280], strides = [1, 1]} : vector<32x1280xf32> to vector<24x1280xf32>
    %slice3A_785 = vector.extract_strided_slice %add3A_65 {offsets = [112, 0], sizes = [1, 1280], strides = [1, 1]} : vector<288x1280xf32> to vector<1x1280xf32>
    %mul3A_786 = vector.broadcast %slice3A_785 : vector<1x1280xf32> to vector<24x1280xf32>
    %mul3A_787 = arith.mulf %slice3A_784, %mul3A_786 : vector<24x1280xf32>
    %add3A_788 = arith.addf %add3A_783, %mul3A_787 : vector<24x1280xf32>
    %slice3A_789 = vector.extract_strided_slice %dot_general3A_61 {offsets = [4, 0], sizes = [24, 1280], strides = [1, 1]} : vector<32x1280xf32> to vector<24x1280xf32>
    %slice3A_790 = vector.extract_strided_slice %add3A_65 {offsets = [144, 0], sizes = [1, 1280], strides = [1, 1]} : vector<288x1280xf32> to vector<1x1280xf32>
    %mul3A_791 = vector.broadcast %slice3A_790 : vector<1x1280xf32> to vector<24x1280xf32>
    %mul3A_792 = arith.mulf %slice3A_789, %mul3A_791 : vector<24x1280xf32>
    %add3A_793 = arith.addf %add3A_788, %mul3A_792 : vector<24x1280xf32>
    %slice3A_794 = vector.extract_strided_slice %dot_general3A_61 {offsets = [5, 0], sizes = [24, 1280], strides = [1, 1]} : vector<32x1280xf32> to vector<24x1280xf32>
    %slice3A_795 = vector.extract_strided_slice %add3A_65 {offsets = [176, 0], sizes = [1, 1280], strides = [1, 1]} : vector<288x1280xf32> to vector<1x1280xf32>
    %mul3A_796 = vector.broadcast %slice3A_795 : vector<1x1280xf32> to vector<24x1280xf32>
    %mul3A_797 = arith.mulf %slice3A_794, %mul3A_796 : vector<24x1280xf32>
    %add3A_798 = arith.addf %add3A_793, %mul3A_797 : vector<24x1280xf32>
    %slice3A_799 = vector.extract_strided_slice %dot_general3A_61 {offsets = [6, 0], sizes = [24, 1280], strides = [1, 1]} : vector<32x1280xf32> to vector<24x1280xf32>
    %slice3A_800 = vector.extract_strided_slice %add3A_65 {offsets = [208, 0], sizes = [1, 1280], strides = [1, 1]} : vector<288x1280xf32> to vector<1x1280xf32>
    %mul3A_801 = vector.broadcast %slice3A_800 : vector<1x1280xf32> to vector<24x1280xf32>
    %mul3A_802 = arith.mulf %slice3A_799, %mul3A_801 : vector<24x1280xf32>
    %add3A_803 = arith.addf %add3A_798, %mul3A_802 : vector<24x1280xf32>
    %slice3A_804 = vector.extract_strided_slice %dot_general3A_61 {offsets = [7, 0], sizes = [24, 1280], strides = [1, 1]} : vector<32x1280xf32> to vector<24x1280xf32>
    %slice3A_805 = vector.extract_strided_slice %add3A_65 {offsets = [240, 0], sizes = [1, 1280], strides = [1, 1]} : vector<288x1280xf32> to vector<1x1280xf32>
    %mul3A_806 = vector.broadcast %slice3A_805 : vector<1x1280xf32> to vector<24x1280xf32>
    %mul3A_807 = arith.mulf %slice3A_804, %mul3A_806 : vector<24x1280xf32>
    %add3A_808 = arith.addf %add3A_803, %mul3A_807 : vector<24x1280xf32>
    %slice3A_809 = vector.extract_strided_slice %dot_general3A_61 {offsets = [8, 0], sizes = [24, 1280], strides = [1, 1]} : vector<32x1280xf32> to vector<24x1280xf32>
    %slice3A_810 = vector.extract_strided_slice %add3A_65 {offsets = [272, 0], sizes = [1, 1280], strides = [1, 1]} : vector<288x1280xf32> to vector<1x1280xf32>
    %mul3A_811 = vector.broadcast %slice3A_810 : vector<1x1280xf32> to vector<24x1280xf32>
    %mul3A_812 = arith.mulf %slice3A_809, %mul3A_811 : vector<24x1280xf32>
    %add3A_813 = arith.addf %add3A_808, %mul3A_812 : vector<24x1280xf32>
    %slice3A_814 = vector.extract_strided_slice %dot_general3A_61 {offsets = [0, 0], sizes = [24, 1280], strides = [1, 1]} : vector<32x1280xf32> to vector<24x1280xf32>
    %slice3A_815 = vector.extract_strided_slice %add3A_65 {offsets = [17, 0], sizes = [1, 1280], strides = [1, 1]} : vector<288x1280xf32> to vector<1x1280xf32>
    %mul3A_816 = vector.broadcast %slice3A_815 : vector<1x1280xf32> to vector<24x1280xf32>
    %mul3A_817 = arith.mulf %slice3A_814, %mul3A_816 : vector<24x1280xf32>
    %slice3A_818 = vector.extract_strided_slice %dot_general3A_61 {offsets = [1, 0], sizes = [24, 1280], strides = [1, 1]} : vector<32x1280xf32> to vector<24x1280xf32>
    %slice3A_819 = vector.extract_strided_slice %add3A_65 {offsets = [49, 0], sizes = [1, 1280], strides = [1, 1]} : vector<288x1280xf32> to vector<1x1280xf32>
    %mul3A_820 = vector.broadcast %slice3A_819 : vector<1x1280xf32> to vector<24x1280xf32>
    %mul3A_821 = arith.mulf %slice3A_818, %mul3A_820 : vector<24x1280xf32>
    %add3A_822 = arith.addf %mul3A_817, %mul3A_821 : vector<24x1280xf32>
    %slice3A_823 = vector.extract_strided_slice %dot_general3A_61 {offsets = [2, 0], sizes = [24, 1280], strides = [1, 1]} : vector<32x1280xf32> to vector<24x1280xf32>
    %slice3A_824 = vector.extract_strided_slice %add3A_65 {offsets = [81, 0], sizes = [1, 1280], strides = [1, 1]} : vector<288x1280xf32> to vector<1x1280xf32>
    %mul3A_825 = vector.broadcast %slice3A_824 : vector<1x1280xf32> to vector<24x1280xf32>
    %mul3A_826 = arith.mulf %slice3A_823, %mul3A_825 : vector<24x1280xf32>
    %add3A_827 = arith.addf %add3A_822, %mul3A_826 : vector<24x1280xf32>
    %slice3A_828 = vector.extract_strided_slice %dot_general3A_61 {offsets = [3, 0], sizes = [24, 1280], strides = [1, 1]} : vector<32x1280xf32> to vector<24x1280xf32>
    %slice3A_829 = vector.extract_strided_slice %add3A_65 {offsets = [113, 0], sizes = [1, 1280], strides = [1, 1]} : vector<288x1280xf32> to vector<1x1280xf32>
    %mul3A_830 = vector.broadcast %slice3A_829 : vector<1x1280xf32> to vector<24x1280xf32>
    %mul3A_831 = arith.mulf %slice3A_828, %mul3A_830 : vector<24x1280xf32>
    %add3A_832 = arith.addf %add3A_827, %mul3A_831 : vector<24x1280xf32>
    %slice3A_833 = vector.extract_strided_slice %dot_general3A_61 {offsets = [4, 0], sizes = [24, 1280], strides = [1, 1]} : vector<32x1280xf32> to vector<24x1280xf32>
    %slice3A_834 = vector.extract_strided_slice %add3A_65 {offsets = [145, 0], sizes = [1, 1280], strides = [1, 1]} : vector<288x1280xf32> to vector<1x1280xf32>
    %mul3A_835 = vector.broadcast %slice3A_834 : vector<1x1280xf32> to vector<24x1280xf32>
    %mul3A_836 = arith.mulf %slice3A_833, %mul3A_835 : vector<24x1280xf32>
    %add3A_837 = arith.addf %add3A_832, %mul3A_836 : vector<24x1280xf32>
    %slice3A_838 = vector.extract_strided_slice %dot_general3A_61 {offsets = [5, 0], sizes = [24, 1280], strides = [1, 1]} : vector<32x1280xf32> to vector<24x1280xf32>
    %slice3A_839 = vector.extract_strided_slice %add3A_65 {offsets = [177, 0], sizes = [1, 1280], strides = [1, 1]} : vector<288x1280xf32> to vector<1x1280xf32>
    %mul3A_840 = vector.broadcast %slice3A_839 : vector<1x1280xf32> to vector<24x1280xf32>
    %mul3A_841 = arith.mulf %slice3A_838, %mul3A_840 : vector<24x1280xf32>
    %add3A_842 = arith.addf %add3A_837, %mul3A_841 : vector<24x1280xf32>
    %slice3A_843 = vector.extract_strided_slice %dot_general3A_61 {offsets = [6, 0], sizes = [24, 1280], strides = [1, 1]} : vector<32x1280xf32> to vector<24x1280xf32>
    %slice3A_844 = vector.extract_strided_slice %add3A_65 {offsets = [209, 0], sizes = [1, 1280], strides = [1, 1]} : vector<288x1280xf32> to vector<1x1280xf32>
    %mul3A_845 = vector.broadcast %slice3A_844 : vector<1x1280xf32> to vector<24x1280xf32>
    %mul3A_846 = arith.mulf %slice3A_843, %mul3A_845 : vector<24x1280xf32>
    %add3A_847 = arith.addf %add3A_842, %mul3A_846 : vector<24x1280xf32>
    %slice3A_848 = vector.extract_strided_slice %dot_general3A_61 {offsets = [7, 0], sizes = [24, 1280], strides = [1, 1]} : vector<32x1280xf32> to vector<24x1280xf32>
    %slice3A_849 = vector.extract_strided_slice %add3A_65 {offsets = [241, 0], sizes = [1, 1280], strides = [1, 1]} : vector<288x1280xf32> to vector<1x1280xf32>
    %mul3A_850 = vector.broadcast %slice3A_849 : vector<1x1280xf32> to vector<24x1280xf32>
    %mul3A_851 = arith.mulf %slice3A_848, %mul3A_850 : vector<24x1280xf32>
    %add3A_852 = arith.addf %add3A_847, %mul3A_851 : vector<24x1280xf32>
    %slice3A_853 = vector.extract_strided_slice %dot_general3A_61 {offsets = [8, 0], sizes = [24, 1280], strides = [1, 1]} : vector<32x1280xf32> to vector<24x1280xf32>
    %slice3A_854 = vector.extract_strided_slice %add3A_65 {offsets = [273, 0], sizes = [1, 1280], strides = [1, 1]} : vector<288x1280xf32> to vector<1x1280xf32>
    %mul3A_855 = vector.broadcast %slice3A_854 : vector<1x1280xf32> to vector<24x1280xf32>
    %mul3A_856 = arith.mulf %slice3A_853, %mul3A_855 : vector<24x1280xf32>
    %add3A_857 = arith.addf %add3A_852, %mul3A_856 : vector<24x1280xf32>
    %slice3A_858 = vector.extract_strided_slice %dot_general3A_61 {offsets = [0, 0], sizes = [24, 1280], strides = [1, 1]} : vector<32x1280xf32> to vector<24x1280xf32>
    %slice3A_859 = vector.extract_strided_slice %add3A_65 {offsets = [18, 0], sizes = [1, 1280], strides = [1, 1]} : vector<288x1280xf32> to vector<1x1280xf32>
    %mul3A_860 = vector.broadcast %slice3A_859 : vector<1x1280xf32> to vector<24x1280xf32>
    %mul3A_861 = arith.mulf %slice3A_858, %mul3A_860 : vector<24x1280xf32>
    %slice3A_862 = vector.extract_strided_slice %dot_general3A_61 {offsets = [1, 0], sizes = [24, 1280], strides = [1, 1]} : vector<32x1280xf32> to vector<24x1280xf32>
    %slice3A_863 = vector.extract_strided_slice %add3A_65 {offsets = [50, 0], sizes = [1, 1280], strides = [1, 1]} : vector<288x1280xf32> to vector<1x1280xf32>
    %mul3A_864 = vector.broadcast %slice3A_863 : vector<1x1280xf32> to vector<24x1280xf32>
    %mul3A_865 = arith.mulf %slice3A_862, %mul3A_864 : vector<24x1280xf32>
    %add3A_866 = arith.addf %mul3A_861, %mul3A_865 : vector<24x1280xf32>
    %slice3A_867 = vector.extract_strided_slice %dot_general3A_61 {offsets = [2, 0], sizes = [24, 1280], strides = [1, 1]} : vector<32x1280xf32> to vector<24x1280xf32>
    %slice3A_868 = vector.extract_strided_slice %add3A_65 {offsets = [82, 0], sizes = [1, 1280], strides = [1, 1]} : vector<288x1280xf32> to vector<1x1280xf32>
    %mul3A_869 = vector.broadcast %slice3A_868 : vector<1x1280xf32> to vector<24x1280xf32>
    %mul3A_870 = arith.mulf %slice3A_867, %mul3A_869 : vector<24x1280xf32>
    %add3A_871 = arith.addf %add3A_866, %mul3A_870 : vector<24x1280xf32>
    %slice3A_872 = vector.extract_strided_slice %dot_general3A_61 {offsets = [3, 0], sizes = [24, 1280], strides = [1, 1]} : vector<32x1280xf32> to vector<24x1280xf32>
    %slice3A_873 = vector.extract_strided_slice %add3A_65 {offsets = [114, 0], sizes = [1, 1280], strides = [1, 1]} : vector<288x1280xf32> to vector<1x1280xf32>
    %mul3A_874 = vector.broadcast %slice3A_873 : vector<1x1280xf32> to vector<24x1280xf32>
    %mul3A_875 = arith.mulf %slice3A_872, %mul3A_874 : vector<24x1280xf32>
    %add3A_876 = arith.addf %add3A_871, %mul3A_875 : vector<24x1280xf32>
    %slice3A_877 = vector.extract_strided_slice %dot_general3A_61 {offsets = [4, 0], sizes = [24, 1280], strides = [1, 1]} : vector<32x1280xf32> to vector<24x1280xf32>
    %slice3A_878 = vector.extract_strided_slice %add3A_65 {offsets = [146, 0], sizes = [1, 1280], strides = [1, 1]} : vector<288x1280xf32> to vector<1x1280xf32>
    %mul3A_879 = vector.broadcast %slice3A_878 : vector<1x1280xf32> to vector<24x1280xf32>
    %mul3A_880 = arith.mulf %slice3A_877, %mul3A_879 : vector<24x1280xf32>
    %add3A_881 = arith.addf %add3A_876, %mul3A_880 : vector<24x1280xf32>
    %slice3A_882 = vector.extract_strided_slice %dot_general3A_61 {offsets = [5, 0], sizes = [24, 1280], strides = [1, 1]} : vector<32x1280xf32> to vector<24x1280xf32>
    %slice3A_883 = vector.extract_strided_slice %add3A_65 {offsets = [178, 0], sizes = [1, 1280], strides = [1, 1]} : vector<288x1280xf32> to vector<1x1280xf32>
    %mul3A_884 = vector.broadcast %slice3A_883 : vector<1x1280xf32> to vector<24x1280xf32>
    %mul3A_885 = arith.mulf %slice3A_882, %mul3A_884 : vector<24x1280xf32>
    %add3A_886 = arith.addf %add3A_881, %mul3A_885 : vector<24x1280xf32>
    %slice3A_887 = vector.extract_strided_slice %dot_general3A_61 {offsets = [6, 0], sizes = [24, 1280], strides = [1, 1]} : vector<32x1280xf32> to vector<24x1280xf32>
    %slice3A_888 = vector.extract_strided_slice %add3A_65 {offsets = [210, 0], sizes = [1, 1280], strides = [1, 1]} : vector<288x1280xf32> to vector<1x1280xf32>
    %mul3A_889 = vector.broadcast %slice3A_888 : vector<1x1280xf32> to vector<24x1280xf32>
    %mul3A_890 = arith.mulf %slice3A_887, %mul3A_889 : vector<24x1280xf32>
    %add3A_891 = arith.addf %add3A_886, %mul3A_890 : vector<24x1280xf32>
    %slice3A_892 = vector.extract_strided_slice %dot_general3A_61 {offsets = [7, 0], sizes = [24, 1280], strides = [1, 1]} : vector<32x1280xf32> to vector<24x1280xf32>
    %slice3A_893 = vector.extract_strided_slice %add3A_65 {offsets = [242, 0], sizes = [1, 1280], strides = [1, 1]} : vector<288x1280xf32> to vector<1x1280xf32>
    %mul3A_894 = vector.broadcast %slice3A_893 : vector<1x1280xf32> to vector<24x1280xf32>
    %mul3A_895 = arith.mulf %slice3A_892, %mul3A_894 : vector<24x1280xf32>
    %add3A_896 = arith.addf %add3A_891, %mul3A_895 : vector<24x1280xf32>
    %slice3A_897 = vector.extract_strided_slice %dot_general3A_61 {offsets = [8, 0], sizes = [24, 1280], strides = [1, 1]} : vector<32x1280xf32> to vector<24x1280xf32>
    %slice3A_898 = vector.extract_strided_slice %add3A_65 {offsets = [274, 0], sizes = [1, 1280], strides = [1, 1]} : vector<288x1280xf32> to vector<1x1280xf32>
    %mul3A_899 = vector.broadcast %slice3A_898 : vector<1x1280xf32> to vector<24x1280xf32>
    %mul3A_900 = arith.mulf %slice3A_897, %mul3A_899 : vector<24x1280xf32>
    %add3A_901 = arith.addf %add3A_896, %mul3A_900 : vector<24x1280xf32>
    %slice3A_902 = vector.extract_strided_slice %dot_general3A_61 {offsets = [0, 0], sizes = [24, 1280], strides = [1, 1]} : vector<32x1280xf32> to vector<24x1280xf32>
    %slice3A_903 = vector.extract_strided_slice %add3A_65 {offsets = [19, 0], sizes = [1, 1280], strides = [1, 1]} : vector<288x1280xf32> to vector<1x1280xf32>
    %mul3A_904 = vector.broadcast %slice3A_903 : vector<1x1280xf32> to vector<24x1280xf32>
    %mul3A_905 = arith.mulf %slice3A_902, %mul3A_904 : vector<24x1280xf32>
    %slice3A_906 = vector.extract_strided_slice %dot_general3A_61 {offsets = [1, 0], sizes = [24, 1280], strides = [1, 1]} : vector<32x1280xf32> to vector<24x1280xf32>
    %slice3A_907 = vector.extract_strided_slice %add3A_65 {offsets = [51, 0], sizes = [1, 1280], strides = [1, 1]} : vector<288x1280xf32> to vector<1x1280xf32>
    %mul3A_908 = vector.broadcast %slice3A_907 : vector<1x1280xf32> to vector<24x1280xf32>
    %mul3A_909 = arith.mulf %slice3A_906, %mul3A_908 : vector<24x1280xf32>
    %add3A_910 = arith.addf %mul3A_905, %mul3A_909 : vector<24x1280xf32>
    %slice3A_911 = vector.extract_strided_slice %dot_general3A_61 {offsets = [2, 0], sizes = [24, 1280], strides = [1, 1]} : vector<32x1280xf32> to vector<24x1280xf32>
    %slice3A_912 = vector.extract_strided_slice %add3A_65 {offsets = [83, 0], sizes = [1, 1280], strides = [1, 1]} : vector<288x1280xf32> to vector<1x1280xf32>
    %mul3A_913 = vector.broadcast %slice3A_912 : vector<1x1280xf32> to vector<24x1280xf32>
    %mul3A_914 = arith.mulf %slice3A_911, %mul3A_913 : vector<24x1280xf32>
    %add3A_915 = arith.addf %add3A_910, %mul3A_914 : vector<24x1280xf32>
    %slice3A_916 = vector.extract_strided_slice %dot_general3A_61 {offsets = [3, 0], sizes = [24, 1280], strides = [1, 1]} : vector<32x1280xf32> to vector<24x1280xf32>
    %slice3A_917 = vector.extract_strided_slice %add3A_65 {offsets = [115, 0], sizes = [1, 1280], strides = [1, 1]} : vector<288x1280xf32> to vector<1x1280xf32>
    %mul3A_918 = vector.broadcast %slice3A_917 : vector<1x1280xf32> to vector<24x1280xf32>
    %mul3A_919 = arith.mulf %slice3A_916, %mul3A_918 : vector<24x1280xf32>
    %add3A_920 = arith.addf %add3A_915, %mul3A_919 : vector<24x1280xf32>
    %slice3A_921 = vector.extract_strided_slice %dot_general3A_61 {offsets = [4, 0], sizes = [24, 1280], strides = [1, 1]} : vector<32x1280xf32> to vector<24x1280xf32>
    %slice3A_922 = vector.extract_strided_slice %add3A_65 {offsets = [147, 0], sizes = [1, 1280], strides = [1, 1]} : vector<288x1280xf32> to vector<1x1280xf32>
    %mul3A_923 = vector.broadcast %slice3A_922 : vector<1x1280xf32> to vector<24x1280xf32>
    %mul3A_924 = arith.mulf %slice3A_921, %mul3A_923 : vector<24x1280xf32>
    %add3A_925 = arith.addf %add3A_920, %mul3A_924 : vector<24x1280xf32>
    %slice3A_926 = vector.extract_strided_slice %dot_general3A_61 {offsets = [5, 0], sizes = [24, 1280], strides = [1, 1]} : vector<32x1280xf32> to vector<24x1280xf32>
    %slice3A_927 = vector.extract_strided_slice %add3A_65 {offsets = [179, 0], sizes = [1, 1280], strides = [1, 1]} : vector<288x1280xf32> to vector<1x1280xf32>
    %mul3A_928 = vector.broadcast %slice3A_927 : vector<1x1280xf32> to vector<24x1280xf32>
    %mul3A_929 = arith.mulf %slice3A_926, %mul3A_928 : vector<24x1280xf32>
    %add3A_930 = arith.addf %add3A_925, %mul3A_929 : vector<24x1280xf32>
    %slice3A_931 = vector.extract_strided_slice %dot_general3A_61 {offsets = [6, 0], sizes = [24, 1280], strides = [1, 1]} : vector<32x1280xf32> to vector<24x1280xf32>
    %slice3A_932 = vector.extract_strided_slice %add3A_65 {offsets = [211, 0], sizes = [1, 1280], strides = [1, 1]} : vector<288x1280xf32> to vector<1x1280xf32>
    %mul3A_933 = vector.broadcast %slice3A_932 : vector<1x1280xf32> to vector<24x1280xf32>
    %mul3A_934 = arith.mulf %slice3A_931, %mul3A_933 : vector<24x1280xf32>
    %add3A_935 = arith.addf %add3A_930, %mul3A_934 : vector<24x1280xf32>
    %slice3A_936 = vector.extract_strided_slice %dot_general3A_61 {offsets = [7, 0], sizes = [24, 1280], strides = [1, 1]} : vector<32x1280xf32> to vector<24x1280xf32>
    %slice3A_937 = vector.extract_strided_slice %add3A_65 {offsets = [243, 0], sizes = [1, 1280], strides = [1, 1]} : vector<288x1280xf32> to vector<1x1280xf32>
    %mul3A_938 = vector.broadcast %slice3A_937 : vector<1x1280xf32> to vector<24x1280xf32>
    %mul3A_939 = arith.mulf %slice3A_936, %mul3A_938 : vector<24x1280xf32>
    %add3A_940 = arith.addf %add3A_935, %mul3A_939 : vector<24x1280xf32>
    %slice3A_941 = vector.extract_strided_slice %dot_general3A_61 {offsets = [8, 0], sizes = [24, 1280], strides = [1, 1]} : vector<32x1280xf32> to vector<24x1280xf32>
    %slice3A_942 = vector.extract_strided_slice %add3A_65 {offsets = [275, 0], sizes = [1, 1280], strides = [1, 1]} : vector<288x1280xf32> to vector<1x1280xf32>
    %mul3A_943 = vector.broadcast %slice3A_942 : vector<1x1280xf32> to vector<24x1280xf32>
    %mul3A_944 = arith.mulf %slice3A_941, %mul3A_943 : vector<24x1280xf32>
    %add3A_945 = arith.addf %add3A_940, %mul3A_944 : vector<24x1280xf32>
    %slice3A_946 = vector.extract_strided_slice %dot_general3A_61 {offsets = [0, 0], sizes = [24, 1280], strides = [1, 1]} : vector<32x1280xf32> to vector<24x1280xf32>
    %slice3A_947 = vector.extract_strided_slice %add3A_65 {offsets = [20, 0], sizes = [1, 1280], strides = [1, 1]} : vector<288x1280xf32> to vector<1x1280xf32>
    %mul3A_948 = vector.broadcast %slice3A_947 : vector<1x1280xf32> to vector<24x1280xf32>
    %mul3A_949 = arith.mulf %slice3A_946, %mul3A_948 : vector<24x1280xf32>
    %slice3A_950 = vector.extract_strided_slice %dot_general3A_61 {offsets = [1, 0], sizes = [24, 1280], strides = [1, 1]} : vector<32x1280xf32> to vector<24x1280xf32>
    %slice3A_951 = vector.extract_strided_slice %add3A_65 {offsets = [52, 0], sizes = [1, 1280], strides = [1, 1]} : vector<288x1280xf32> to vector<1x1280xf32>
    %mul3A_952 = vector.broadcast %slice3A_951 : vector<1x1280xf32> to vector<24x1280xf32>
    %mul3A_953 = arith.mulf %slice3A_950, %mul3A_952 : vector<24x1280xf32>
    %add3A_954 = arith.addf %mul3A_949, %mul3A_953 : vector<24x1280xf32>
    %slice3A_955 = vector.extract_strided_slice %dot_general3A_61 {offsets = [2, 0], sizes = [24, 1280], strides = [1, 1]} : vector<32x1280xf32> to vector<24x1280xf32>
    %slice3A_956 = vector.extract_strided_slice %add3A_65 {offsets = [84, 0], sizes = [1, 1280], strides = [1, 1]} : vector<288x1280xf32> to vector<1x1280xf32>
    %mul3A_957 = vector.broadcast %slice3A_956 : vector<1x1280xf32> to vector<24x1280xf32>
    %mul3A_958 = arith.mulf %slice3A_955, %mul3A_957 : vector<24x1280xf32>
    %add3A_959 = arith.addf %add3A_954, %mul3A_958 : vector<24x1280xf32>
    %slice3A_960 = vector.extract_strided_slice %dot_general3A_61 {offsets = [3, 0], sizes = [24, 1280], strides = [1, 1]} : vector<32x1280xf32> to vector<24x1280xf32>
    %slice3A_961 = vector.extract_strided_slice %add3A_65 {offsets = [116, 0], sizes = [1, 1280], strides = [1, 1]} : vector<288x1280xf32> to vector<1x1280xf32>
    %mul3A_962 = vector.broadcast %slice3A_961 : vector<1x1280xf32> to vector<24x1280xf32>
    %mul3A_963 = arith.mulf %slice3A_960, %mul3A_962 : vector<24x1280xf32>
    %add3A_964 = arith.addf %add3A_959, %mul3A_963 : vector<24x1280xf32>
    %slice3A_965 = vector.extract_strided_slice %dot_general3A_61 {offsets = [4, 0], sizes = [24, 1280], strides = [1, 1]} : vector<32x1280xf32> to vector<24x1280xf32>
    %slice3A_966 = vector.extract_strided_slice %add3A_65 {offsets = [148, 0], sizes = [1, 1280], strides = [1, 1]} : vector<288x1280xf32> to vector<1x1280xf32>
    %mul3A_967 = vector.broadcast %slice3A_966 : vector<1x1280xf32> to vector<24x1280xf32>
    %mul3A_968 = arith.mulf %slice3A_965, %mul3A_967 : vector<24x1280xf32>
    %add3A_969 = arith.addf %add3A_964, %mul3A_968 : vector<24x1280xf32>
    %slice3A_970 = vector.extract_strided_slice %dot_general3A_61 {offsets = [5, 0], sizes = [24, 1280], strides = [1, 1]} : vector<32x1280xf32> to vector<24x1280xf32>
    %slice3A_971 = vector.extract_strided_slice %add3A_65 {offsets = [180, 0], sizes = [1, 1280], strides = [1, 1]} : vector<288x1280xf32> to vector<1x1280xf32>
    %mul3A_972 = vector.broadcast %slice3A_971 : vector<1x1280xf32> to vector<24x1280xf32>
    %mul3A_973 = arith.mulf %slice3A_970, %mul3A_972 : vector<24x1280xf32>
    %add3A_974 = arith.addf %add3A_969, %mul3A_973 : vector<24x1280xf32>
    %slice3A_975 = vector.extract_strided_slice %dot_general3A_61 {offsets = [6, 0], sizes = [24, 1280], strides = [1, 1]} : vector<32x1280xf32> to vector<24x1280xf32>
    %slice3A_976 = vector.extract_strided_slice %add3A_65 {offsets = [212, 0], sizes = [1, 1280], strides = [1, 1]} : vector<288x1280xf32> to vector<1x1280xf32>
    %mul3A_977 = vector.broadcast %slice3A_976 : vector<1x1280xf32> to vector<24x1280xf32>
    %mul3A_978 = arith.mulf %slice3A_975, %mul3A_977 : vector<24x1280xf32>
    %add3A_979 = arith.addf %add3A_974, %mul3A_978 : vector<24x1280xf32>
    %slice3A_980 = vector.extract_strided_slice %dot_general3A_61 {offsets = [7, 0], sizes = [24, 1280], strides = [1, 1]} : vector<32x1280xf32> to vector<24x1280xf32>
    %slice3A_981 = vector.extract_strided_slice %add3A_65 {offsets = [244, 0], sizes = [1, 1280], strides = [1, 1]} : vector<288x1280xf32> to vector<1x1280xf32>
    %mul3A_982 = vector.broadcast %slice3A_981 : vector<1x1280xf32> to vector<24x1280xf32>
    %mul3A_983 = arith.mulf %slice3A_980, %mul3A_982 : vector<24x1280xf32>
    %add3A_984 = arith.addf %add3A_979, %mul3A_983 : vector<24x1280xf32>
    %slice3A_985 = vector.extract_strided_slice %dot_general3A_61 {offsets = [8, 0], sizes = [24, 1280], strides = [1, 1]} : vector<32x1280xf32> to vector<24x1280xf32>
    %slice3A_986 = vector.extract_strided_slice %add3A_65 {offsets = [276, 0], sizes = [1, 1280], strides = [1, 1]} : vector<288x1280xf32> to vector<1x1280xf32>
    %mul3A_987 = vector.broadcast %slice3A_986 : vector<1x1280xf32> to vector<24x1280xf32>
    %mul3A_988 = arith.mulf %slice3A_985, %mul3A_987 : vector<24x1280xf32>
    %add3A_989 = arith.addf %add3A_984, %mul3A_988 : vector<24x1280xf32>
    %slice3A_990 = vector.extract_strided_slice %dot_general3A_61 {offsets = [0, 0], sizes = [24, 1280], strides = [1, 1]} : vector<32x1280xf32> to vector<24x1280xf32>
    %slice3A_991 = vector.extract_strided_slice %add3A_65 {offsets = [21, 0], sizes = [1, 1280], strides = [1, 1]} : vector<288x1280xf32> to vector<1x1280xf32>
    %mul3A_992 = vector.broadcast %slice3A_991 : vector<1x1280xf32> to vector<24x1280xf32>
    %mul3A_993 = arith.mulf %slice3A_990, %mul3A_992 : vector<24x1280xf32>
    %slice3A_994 = vector.extract_strided_slice %dot_general3A_61 {offsets = [1, 0], sizes = [24, 1280], strides = [1, 1]} : vector<32x1280xf32> to vector<24x1280xf32>
    %slice3A_995 = vector.extract_strided_slice %add3A_65 {offsets = [53, 0], sizes = [1, 1280], strides = [1, 1]} : vector<288x1280xf32> to vector<1x1280xf32>
    %mul3A_996 = vector.broadcast %slice3A_995 : vector<1x1280xf32> to vector<24x1280xf32>
    %mul3A_997 = arith.mulf %slice3A_994, %mul3A_996 : vector<24x1280xf32>
    %add3A_998 = arith.addf %mul3A_993, %mul3A_997 : vector<24x1280xf32>
    %slice3A_999 = vector.extract_strided_slice %dot_general3A_61 {offsets = [2, 0], sizes = [24, 1280], strides = [1, 1]} : vector<32x1280xf32> to vector<24x1280xf32>
    %slice3A_1000 = vector.extract_strided_slice %add3A_65 {offsets = [85, 0], sizes = [1, 1280], strides = [1, 1]} : vector<288x1280xf32> to vector<1x1280xf32>
    %mul3A_1001 = vector.broadcast %slice3A_1000 : vector<1x1280xf32> to vector<24x1280xf32>
    %mul3A_1002 = arith.mulf %slice3A_999, %mul3A_1001 : vector<24x1280xf32>
    %add3A_1003 = arith.addf %add3A_998, %mul3A_1002 : vector<24x1280xf32>
    %slice3A_1004 = vector.extract_strided_slice %dot_general3A_61 {offsets = [3, 0], sizes = [24, 1280], strides = [1, 1]} : vector<32x1280xf32> to vector<24x1280xf32>
    %slice3A_1005 = vector.extract_strided_slice %add3A_65 {offsets = [117, 0], sizes = [1, 1280], strides = [1, 1]} : vector<288x1280xf32> to vector<1x1280xf32>
    %mul3A_1006 = vector.broadcast %slice3A_1005 : vector<1x1280xf32> to vector<24x1280xf32>
    %mul3A_1007 = arith.mulf %slice3A_1004, %mul3A_1006 : vector<24x1280xf32>
    %add3A_1008 = arith.addf %add3A_1003, %mul3A_1007 : vector<24x1280xf32>
    %slice3A_1009 = vector.extract_strided_slice %dot_general3A_61 {offsets = [4, 0], sizes = [24, 1280], strides = [1, 1]} : vector<32x1280xf32> to vector<24x1280xf32>
    %slice3A_1010 = vector.extract_strided_slice %add3A_65 {offsets = [149, 0], sizes = [1, 1280], strides = [1, 1]} : vector<288x1280xf32> to vector<1x1280xf32>
    %mul3A_1011 = vector.broadcast %slice3A_1010 : vector<1x1280xf32> to vector<24x1280xf32>
    %mul3A_1012 = arith.mulf %slice3A_1009, %mul3A_1011 : vector<24x1280xf32>
    %add3A_1013 = arith.addf %add3A_1008, %mul3A_1012 : vector<24x1280xf32>
    %slice3A_1014 = vector.extract_strided_slice %dot_general3A_61 {offsets = [5, 0], sizes = [24, 1280], strides = [1, 1]} : vector<32x1280xf32> to vector<24x1280xf32>
    %slice3A_1015 = vector.extract_strided_slice %add3A_65 {offsets = [181, 0], sizes = [1, 1280], strides = [1, 1]} : vector<288x1280xf32> to vector<1x1280xf32>
    %mul3A_1016 = vector.broadcast %slice3A_1015 : vector<1x1280xf32> to vector<24x1280xf32>
    %mul3A_1017 = arith.mulf %slice3A_1014, %mul3A_1016 : vector<24x1280xf32>
    %add3A_1018 = arith.addf %add3A_1013, %mul3A_1017 : vector<24x1280xf32>
    %slice3A_1019 = vector.extract_strided_slice %dot_general3A_61 {offsets = [6, 0], sizes = [24, 1280], strides = [1, 1]} : vector<32x1280xf32> to vector<24x1280xf32>
    %slice3A_1020 = vector.extract_strided_slice %add3A_65 {offsets = [213, 0], sizes = [1, 1280], strides = [1, 1]} : vector<288x1280xf32> to vector<1x1280xf32>
    %mul3A_1021 = vector.broadcast %slice3A_1020 : vector<1x1280xf32> to vector<24x1280xf32>
    %mul3A_1022 = arith.mulf %slice3A_1019, %mul3A_1021 : vector<24x1280xf32>
    %add3A_1023 = arith.addf %add3A_1018, %mul3A_1022 : vector<24x1280xf32>
    %slice3A_1024 = vector.extract_strided_slice %dot_general3A_61 {offsets = [7, 0], sizes = [24, 1280], strides = [1, 1]} : vector<32x1280xf32> to vector<24x1280xf32>
    %slice3A_1025 = vector.extract_strided_slice %add3A_65 {offsets = [245, 0], sizes = [1, 1280], strides = [1, 1]} : vector<288x1280xf32> to vector<1x1280xf32>
    %mul3A_1026 = vector.broadcast %slice3A_1025 : vector<1x1280xf32> to vector<24x1280xf32>
    %mul3A_1027 = arith.mulf %slice3A_1024, %mul3A_1026 : vector<24x1280xf32>
    %add3A_1028 = arith.addf %add3A_1023, %mul3A_1027 : vector<24x1280xf32>
    %slice3A_1029 = vector.extract_strided_slice %dot_general3A_61 {offsets = [8, 0], sizes = [24, 1280], strides = [1, 1]} : vector<32x1280xf32> to vector<24x1280xf32>
    %slice3A_1030 = vector.extract_strided_slice %add3A_65 {offsets = [277, 0], sizes = [1, 1280], strides = [1, 1]} : vector<288x1280xf32> to vector<1x1280xf32>
    %mul3A_1031 = vector.broadcast %slice3A_1030 : vector<1x1280xf32> to vector<24x1280xf32>
    %mul3A_1032 = arith.mulf %slice3A_1029, %mul3A_1031 : vector<24x1280xf32>
    %add3A_1033 = arith.addf %add3A_1028, %mul3A_1032 : vector<24x1280xf32>
    %slice3A_1034 = vector.extract_strided_slice %dot_general3A_61 {offsets = [0, 0], sizes = [24, 1280], strides = [1, 1]} : vector<32x1280xf32> to vector<24x1280xf32>
    %slice3A_1035 = vector.extract_strided_slice %add3A_65 {offsets = [22, 0], sizes = [1, 1280], strides = [1, 1]} : vector<288x1280xf32> to vector<1x1280xf32>
    %mul3A_1036 = vector.broadcast %slice3A_1035 : vector<1x1280xf32> to vector<24x1280xf32>
    %mul3A_1037 = arith.mulf %slice3A_1034, %mul3A_1036 : vector<24x1280xf32>
    %slice3A_1038 = vector.extract_strided_slice %dot_general3A_61 {offsets = [1, 0], sizes = [24, 1280], strides = [1, 1]} : vector<32x1280xf32> to vector<24x1280xf32>
    %slice3A_1039 = vector.extract_strided_slice %add3A_65 {offsets = [54, 0], sizes = [1, 1280], strides = [1, 1]} : vector<288x1280xf32> to vector<1x1280xf32>
    %mul3A_1040 = vector.broadcast %slice3A_1039 : vector<1x1280xf32> to vector<24x1280xf32>
    %mul3A_1041 = arith.mulf %slice3A_1038, %mul3A_1040 : vector<24x1280xf32>
    %add3A_1042 = arith.addf %mul3A_1037, %mul3A_1041 : vector<24x1280xf32>
    %slice3A_1043 = vector.extract_strided_slice %dot_general3A_61 {offsets = [2, 0], sizes = [24, 1280], strides = [1, 1]} : vector<32x1280xf32> to vector<24x1280xf32>
    %slice3A_1044 = vector.extract_strided_slice %add3A_65 {offsets = [86, 0], sizes = [1, 1280], strides = [1, 1]} : vector<288x1280xf32> to vector<1x1280xf32>
    %mul3A_1045 = vector.broadcast %slice3A_1044 : vector<1x1280xf32> to vector<24x1280xf32>
    %mul3A_1046 = arith.mulf %slice3A_1043, %mul3A_1045 : vector<24x1280xf32>
    %add3A_1047 = arith.addf %add3A_1042, %mul3A_1046 : vector<24x1280xf32>
    %slice3A_1048 = vector.extract_strided_slice %dot_general3A_61 {offsets = [3, 0], sizes = [24, 1280], strides = [1, 1]} : vector<32x1280xf32> to vector<24x1280xf32>
    %slice3A_1049 = vector.extract_strided_slice %add3A_65 {offsets = [118, 0], sizes = [1, 1280], strides = [1, 1]} : vector<288x1280xf32> to vector<1x1280xf32>
    %mul3A_1050 = vector.broadcast %slice3A_1049 : vector<1x1280xf32> to vector<24x1280xf32>
    %mul3A_1051 = arith.mulf %slice3A_1048, %mul3A_1050 : vector<24x1280xf32>
    %add3A_1052 = arith.addf %add3A_1047, %mul3A_1051 : vector<24x1280xf32>
    %slice3A_1053 = vector.extract_strided_slice %dot_general3A_61 {offsets = [4, 0], sizes = [24, 1280], strides = [1, 1]} : vector<32x1280xf32> to vector<24x1280xf32>
    %slice3A_1054 = vector.extract_strided_slice %add3A_65 {offsets = [150, 0], sizes = [1, 1280], strides = [1, 1]} : vector<288x1280xf32> to vector<1x1280xf32>
    %mul3A_1055 = vector.broadcast %slice3A_1054 : vector<1x1280xf32> to vector<24x1280xf32>
    %mul3A_1056 = arith.mulf %slice3A_1053, %mul3A_1055 : vector<24x1280xf32>
    %add3A_1057 = arith.addf %add3A_1052, %mul3A_1056 : vector<24x1280xf32>
    %slice3A_1058 = vector.extract_strided_slice %dot_general3A_61 {offsets = [5, 0], sizes = [24, 1280], strides = [1, 1]} : vector<32x1280xf32> to vector<24x1280xf32>
    %slice3A_1059 = vector.extract_strided_slice %add3A_65 {offsets = [182, 0], sizes = [1, 1280], strides = [1, 1]} : vector<288x1280xf32> to vector<1x1280xf32>
    %mul3A_1060 = vector.broadcast %slice3A_1059 : vector<1x1280xf32> to vector<24x1280xf32>
    %mul3A_1061 = arith.mulf %slice3A_1058, %mul3A_1060 : vector<24x1280xf32>
    %add3A_1062 = arith.addf %add3A_1057, %mul3A_1061 : vector<24x1280xf32>
    %slice3A_1063 = vector.extract_strided_slice %dot_general3A_61 {offsets = [6, 0], sizes = [24, 1280], strides = [1, 1]} : vector<32x1280xf32> to vector<24x1280xf32>
    %slice3A_1064 = vector.extract_strided_slice %add3A_65 {offsets = [214, 0], sizes = [1, 1280], strides = [1, 1]} : vector<288x1280xf32> to vector<1x1280xf32>
    %mul3A_1065 = vector.broadcast %slice3A_1064 : vector<1x1280xf32> to vector<24x1280xf32>
    %mul3A_1066 = arith.mulf %slice3A_1063, %mul3A_1065 : vector<24x1280xf32>
    %add3A_1067 = arith.addf %add3A_1062, %mul3A_1066 : vector<24x1280xf32>
    %slice3A_1068 = vector.extract_strided_slice %dot_general3A_61 {offsets = [7, 0], sizes = [24, 1280], strides = [1, 1]} : vector<32x1280xf32> to vector<24x1280xf32>
    %slice3A_1069 = vector.extract_strided_slice %add3A_65 {offsets = [246, 0], sizes = [1, 1280], strides = [1, 1]} : vector<288x1280xf32> to vector<1x1280xf32>
    %mul3A_1070 = vector.broadcast %slice3A_1069 : vector<1x1280xf32> to vector<24x1280xf32>
    %mul3A_1071 = arith.mulf %slice3A_1068, %mul3A_1070 : vector<24x1280xf32>
    %add3A_1072 = arith.addf %add3A_1067, %mul3A_1071 : vector<24x1280xf32>
    %slice3A_1073 = vector.extract_strided_slice %dot_general3A_61 {offsets = [8, 0], sizes = [24, 1280], strides = [1, 1]} : vector<32x1280xf32> to vector<24x1280xf32>
    %slice3A_1074 = vector.extract_strided_slice %add3A_65 {offsets = [278, 0], sizes = [1, 1280], strides = [1, 1]} : vector<288x1280xf32> to vector<1x1280xf32>
    %mul3A_1075 = vector.broadcast %slice3A_1074 : vector<1x1280xf32> to vector<24x1280xf32>
    %mul3A_1076 = arith.mulf %slice3A_1073, %mul3A_1075 : vector<24x1280xf32>
    %add3A_1077 = arith.addf %add3A_1072, %mul3A_1076 : vector<24x1280xf32>
    %slice3A_1078 = vector.extract_strided_slice %dot_general3A_61 {offsets = [0, 0], sizes = [24, 1280], strides = [1, 1]} : vector<32x1280xf32> to vector<24x1280xf32>
    %slice3A_1079 = vector.extract_strided_slice %add3A_65 {offsets = [23, 0], sizes = [1, 1280], strides = [1, 1]} : vector<288x1280xf32> to vector<1x1280xf32>
    %mul3A_1080 = vector.broadcast %slice3A_1079 : vector<1x1280xf32> to vector<24x1280xf32>
    %mul3A_1081 = arith.mulf %slice3A_1078, %mul3A_1080 : vector<24x1280xf32>
    %slice3A_1082 = vector.extract_strided_slice %dot_general3A_61 {offsets = [1, 0], sizes = [24, 1280], strides = [1, 1]} : vector<32x1280xf32> to vector<24x1280xf32>
    %slice3A_1083 = vector.extract_strided_slice %add3A_65 {offsets = [55, 0], sizes = [1, 1280], strides = [1, 1]} : vector<288x1280xf32> to vector<1x1280xf32>
    %mul3A_1084 = vector.broadcast %slice3A_1083 : vector<1x1280xf32> to vector<24x1280xf32>
    %mul3A_1085 = arith.mulf %slice3A_1082, %mul3A_1084 : vector<24x1280xf32>
    %add3A_1086 = arith.addf %mul3A_1081, %mul3A_1085 : vector<24x1280xf32>
    %slice3A_1087 = vector.extract_strided_slice %dot_general3A_61 {offsets = [2, 0], sizes = [24, 1280], strides = [1, 1]} : vector<32x1280xf32> to vector<24x1280xf32>
    %slice3A_1088 = vector.extract_strided_slice %add3A_65 {offsets = [87, 0], sizes = [1, 1280], strides = [1, 1]} : vector<288x1280xf32> to vector<1x1280xf32>
    %mul3A_1089 = vector.broadcast %slice3A_1088 : vector<1x1280xf32> to vector<24x1280xf32>
    %mul3A_1090 = arith.mulf %slice3A_1087, %mul3A_1089 : vector<24x1280xf32>
    %add3A_1091 = arith.addf %add3A_1086, %mul3A_1090 : vector<24x1280xf32>
    %slice3A_1092 = vector.extract_strided_slice %dot_general3A_61 {offsets = [3, 0], sizes = [24, 1280], strides = [1, 1]} : vector<32x1280xf32> to vector<24x1280xf32>
    %slice3A_1093 = vector.extract_strided_slice %add3A_65 {offsets = [119, 0], sizes = [1, 1280], strides = [1, 1]} : vector<288x1280xf32> to vector<1x1280xf32>
    %mul3A_1094 = vector.broadcast %slice3A_1093 : vector<1x1280xf32> to vector<24x1280xf32>
    %mul3A_1095 = arith.mulf %slice3A_1092, %mul3A_1094 : vector<24x1280xf32>
    %add3A_1096 = arith.addf %add3A_1091, %mul3A_1095 : vector<24x1280xf32>
    %slice3A_1097 = vector.extract_strided_slice %dot_general3A_61 {offsets = [4, 0], sizes = [24, 1280], strides = [1, 1]} : vector<32x1280xf32> to vector<24x1280xf32>
    %slice3A_1098 = vector.extract_strided_slice %add3A_65 {offsets = [151, 0], sizes = [1, 1280], strides = [1, 1]} : vector<288x1280xf32> to vector<1x1280xf32>
    %mul3A_1099 = vector.broadcast %slice3A_1098 : vector<1x1280xf32> to vector<24x1280xf32>
    %mul3A_1100 = arith.mulf %slice3A_1097, %mul3A_1099 : vector<24x1280xf32>
    %add3A_1101 = arith.addf %add3A_1096, %mul3A_1100 : vector<24x1280xf32>
    %slice3A_1102 = vector.extract_strided_slice %dot_general3A_61 {offsets = [5, 0], sizes = [24, 1280], strides = [1, 1]} : vector<32x1280xf32> to vector<24x1280xf32>
    %slice3A_1103 = vector.extract_strided_slice %add3A_65 {offsets = [183, 0], sizes = [1, 1280], strides = [1, 1]} : vector<288x1280xf32> to vector<1x1280xf32>
    %mul3A_1104 = vector.broadcast %slice3A_1103 : vector<1x1280xf32> to vector<24x1280xf32>
    %mul3A_1105 = arith.mulf %slice3A_1102, %mul3A_1104 : vector<24x1280xf32>
    %add3A_1106 = arith.addf %add3A_1101, %mul3A_1105 : vector<24x1280xf32>
    %slice3A_1107 = vector.extract_strided_slice %dot_general3A_61 {offsets = [6, 0], sizes = [24, 1280], strides = [1, 1]} : vector<32x1280xf32> to vector<24x1280xf32>
    %slice3A_1108 = vector.extract_strided_slice %add3A_65 {offsets = [215, 0], sizes = [1, 1280], strides = [1, 1]} : vector<288x1280xf32> to vector<1x1280xf32>
    %mul3A_1109 = vector.broadcast %slice3A_1108 : vector<1x1280xf32> to vector<24x1280xf32>
    %mul3A_1110 = arith.mulf %slice3A_1107, %mul3A_1109 : vector<24x1280xf32>
    %add3A_1111 = arith.addf %add3A_1106, %mul3A_1110 : vector<24x1280xf32>
    %slice3A_1112 = vector.extract_strided_slice %dot_general3A_61 {offsets = [7, 0], sizes = [24, 1280], strides = [1, 1]} : vector<32x1280xf32> to vector<24x1280xf32>
    %slice3A_1113 = vector.extract_strided_slice %add3A_65 {offsets = [247, 0], sizes = [1, 1280], strides = [1, 1]} : vector<288x1280xf32> to vector<1x1280xf32>
    %mul3A_1114 = vector.broadcast %slice3A_1113 : vector<1x1280xf32> to vector<24x1280xf32>
    %mul3A_1115 = arith.mulf %slice3A_1112, %mul3A_1114 : vector<24x1280xf32>
    %add3A_1116 = arith.addf %add3A_1111, %mul3A_1115 : vector<24x1280xf32>
    %slice3A_1117 = vector.extract_strided_slice %dot_general3A_61 {offsets = [8, 0], sizes = [24, 1280], strides = [1, 1]} : vector<32x1280xf32> to vector<24x1280xf32>
    %slice3A_1118 = vector.extract_strided_slice %add3A_65 {offsets = [279, 0], sizes = [1, 1280], strides = [1, 1]} : vector<288x1280xf32> to vector<1x1280xf32>
    %mul3A_1119 = vector.broadcast %slice3A_1118 : vector<1x1280xf32> to vector<24x1280xf32>
    %mul3A_1120 = arith.mulf %slice3A_1117, %mul3A_1119 : vector<24x1280xf32>
    %add3A_1121 = arith.addf %add3A_1116, %mul3A_1120 : vector<24x1280xf32>
    %slice3A_1122 = vector.extract_strided_slice %dot_general3A_61 {offsets = [0, 0], sizes = [24, 1280], strides = [1, 1]} : vector<32x1280xf32> to vector<24x1280xf32>
    %slice3A_1123 = vector.extract_strided_slice %add3A_65 {offsets = [24, 0], sizes = [1, 1280], strides = [1, 1]} : vector<288x1280xf32> to vector<1x1280xf32>
    %mul3A_1124 = vector.broadcast %slice3A_1123 : vector<1x1280xf32> to vector<24x1280xf32>
    %mul3A_1125 = arith.mulf %slice3A_1122, %mul3A_1124 : vector<24x1280xf32>
    %slice3A_1126 = vector.extract_strided_slice %dot_general3A_61 {offsets = [1, 0], sizes = [24, 1280], strides = [1, 1]} : vector<32x1280xf32> to vector<24x1280xf32>
    %slice3A_1127 = vector.extract_strided_slice %add3A_65 {offsets = [56, 0], sizes = [1, 1280], strides = [1, 1]} : vector<288x1280xf32> to vector<1x1280xf32>
    %mul3A_1128 = vector.broadcast %slice3A_1127 : vector<1x1280xf32> to vector<24x1280xf32>
    %mul3A_1129 = arith.mulf %slice3A_1126, %mul3A_1128 : vector<24x1280xf32>
    %add3A_1130 = arith.addf %mul3A_1125, %mul3A_1129 : vector<24x1280xf32>
    %slice3A_1131 = vector.extract_strided_slice %dot_general3A_61 {offsets = [2, 0], sizes = [24, 1280], strides = [1, 1]} : vector<32x1280xf32> to vector<24x1280xf32>
    %slice3A_1132 = vector.extract_strided_slice %add3A_65 {offsets = [88, 0], sizes = [1, 1280], strides = [1, 1]} : vector<288x1280xf32> to vector<1x1280xf32>
    %mul3A_1133 = vector.broadcast %slice3A_1132 : vector<1x1280xf32> to vector<24x1280xf32>
    %mul3A_1134 = arith.mulf %slice3A_1131, %mul3A_1133 : vector<24x1280xf32>
    %add3A_1135 = arith.addf %add3A_1130, %mul3A_1134 : vector<24x1280xf32>
    %slice3A_1136 = vector.extract_strided_slice %dot_general3A_61 {offsets = [3, 0], sizes = [24, 1280], strides = [1, 1]} : vector<32x1280xf32> to vector<24x1280xf32>
    %slice3A_1137 = vector.extract_strided_slice %add3A_65 {offsets = [120, 0], sizes = [1, 1280], strides = [1, 1]} : vector<288x1280xf32> to vector<1x1280xf32>
    %mul3A_1138 = vector.broadcast %slice3A_1137 : vector<1x1280xf32> to vector<24x1280xf32>
    %mul3A_1139 = arith.mulf %slice3A_1136, %mul3A_1138 : vector<24x1280xf32>
    %add3A_1140 = arith.addf %add3A_1135, %mul3A_1139 : vector<24x1280xf32>
    %slice3A_1141 = vector.extract_strided_slice %dot_general3A_61 {offsets = [4, 0], sizes = [24, 1280], strides = [1, 1]} : vector<32x1280xf32> to vector<24x1280xf32>
    %slice3A_1142 = vector.extract_strided_slice %add3A_65 {offsets = [152, 0], sizes = [1, 1280], strides = [1, 1]} : vector<288x1280xf32> to vector<1x1280xf32>
    %mul3A_1143 = vector.broadcast %slice3A_1142 : vector<1x1280xf32> to vector<24x1280xf32>
    %mul3A_1144 = arith.mulf %slice3A_1141, %mul3A_1143 : vector<24x1280xf32>
    %add3A_1145 = arith.addf %add3A_1140, %mul3A_1144 : vector<24x1280xf32>
    %slice3A_1146 = vector.extract_strided_slice %dot_general3A_61 {offsets = [5, 0], sizes = [24, 1280], strides = [1, 1]} : vector<32x1280xf32> to vector<24x1280xf32>
    %slice3A_1147 = vector.extract_strided_slice %add3A_65 {offsets = [184, 0], sizes = [1, 1280], strides = [1, 1]} : vector<288x1280xf32> to vector<1x1280xf32>
    %mul3A_1148 = vector.broadcast %slice3A_1147 : vector<1x1280xf32> to vector<24x1280xf32>
    %mul3A_1149 = arith.mulf %slice3A_1146, %mul3A_1148 : vector<24x1280xf32>
    %add3A_1150 = arith.addf %add3A_1145, %mul3A_1149 : vector<24x1280xf32>
    %slice3A_1151 = vector.extract_strided_slice %dot_general3A_61 {offsets = [6, 0], sizes = [24, 1280], strides = [1, 1]} : vector<32x1280xf32> to vector<24x1280xf32>
    %slice3A_1152 = vector.extract_strided_slice %add3A_65 {offsets = [216, 0], sizes = [1, 1280], strides = [1, 1]} : vector<288x1280xf32> to vector<1x1280xf32>
    %mul3A_1153 = vector.broadcast %slice3A_1152 : vector<1x1280xf32> to vector<24x1280xf32>
    %mul3A_1154 = arith.mulf %slice3A_1151, %mul3A_1153 : vector<24x1280xf32>
    %add3A_1155 = arith.addf %add3A_1150, %mul3A_1154 : vector<24x1280xf32>
    %slice3A_1156 = vector.extract_strided_slice %dot_general3A_61 {offsets = [7, 0], sizes = [24, 1280], strides = [1, 1]} : vector<32x1280xf32> to vector<24x1280xf32>
    %slice3A_1157 = vector.extract_strided_slice %add3A_65 {offsets = [248, 0], sizes = [1, 1280], strides = [1, 1]} : vector<288x1280xf32> to vector<1x1280xf32>
    %mul3A_1158 = vector.broadcast %slice3A_1157 : vector<1x1280xf32> to vector<24x1280xf32>
    %mul3A_1159 = arith.mulf %slice3A_1156, %mul3A_1158 : vector<24x1280xf32>
    %add3A_1160 = arith.addf %add3A_1155, %mul3A_1159 : vector<24x1280xf32>
    %slice3A_1161 = vector.extract_strided_slice %dot_general3A_61 {offsets = [8, 0], sizes = [24, 1280], strides = [1, 1]} : vector<32x1280xf32> to vector<24x1280xf32>
    %slice3A_1162 = vector.extract_strided_slice %add3A_65 {offsets = [280, 0], sizes = [1, 1280], strides = [1, 1]} : vector<288x1280xf32> to vector<1x1280xf32>
    %mul3A_1163 = vector.broadcast %slice3A_1162 : vector<1x1280xf32> to vector<24x1280xf32>
    %mul3A_1164 = arith.mulf %slice3A_1161, %mul3A_1163 : vector<24x1280xf32>
    %add3A_1165 = arith.addf %add3A_1160, %mul3A_1164 : vector<24x1280xf32>
    %slice3A_1166 = vector.extract_strided_slice %dot_general3A_61 {offsets = [0, 0], sizes = [24, 1280], strides = [1, 1]} : vector<32x1280xf32> to vector<24x1280xf32>
    %slice3A_1167 = vector.extract_strided_slice %add3A_65 {offsets = [25, 0], sizes = [1, 1280], strides = [1, 1]} : vector<288x1280xf32> to vector<1x1280xf32>
    %mul3A_1168 = vector.broadcast %slice3A_1167 : vector<1x1280xf32> to vector<24x1280xf32>
    %mul3A_1169 = arith.mulf %slice3A_1166, %mul3A_1168 : vector<24x1280xf32>
    %slice3A_1170 = vector.extract_strided_slice %dot_general3A_61 {offsets = [1, 0], sizes = [24, 1280], strides = [1, 1]} : vector<32x1280xf32> to vector<24x1280xf32>
    %slice3A_1171 = vector.extract_strided_slice %add3A_65 {offsets = [57, 0], sizes = [1, 1280], strides = [1, 1]} : vector<288x1280xf32> to vector<1x1280xf32>
    %mul3A_1172 = vector.broadcast %slice3A_1171 : vector<1x1280xf32> to vector<24x1280xf32>
    %mul3A_1173 = arith.mulf %slice3A_1170, %mul3A_1172 : vector<24x1280xf32>
    %add3A_1174 = arith.addf %mul3A_1169, %mul3A_1173 : vector<24x1280xf32>
    %slice3A_1175 = vector.extract_strided_slice %dot_general3A_61 {offsets = [2, 0], sizes = [24, 1280], strides = [1, 1]} : vector<32x1280xf32> to vector<24x1280xf32>
    %slice3A_1176 = vector.extract_strided_slice %add3A_65 {offsets = [89, 0], sizes = [1, 1280], strides = [1, 1]} : vector<288x1280xf32> to vector<1x1280xf32>
    %mul3A_1177 = vector.broadcast %slice3A_1176 : vector<1x1280xf32> to vector<24x1280xf32>
    %mul3A_1178 = arith.mulf %slice3A_1175, %mul3A_1177 : vector<24x1280xf32>
    %add3A_1179 = arith.addf %add3A_1174, %mul3A_1178 : vector<24x1280xf32>
    %slice3A_1180 = vector.extract_strided_slice %dot_general3A_61 {offsets = [3, 0], sizes = [24, 1280], strides = [1, 1]} : vector<32x1280xf32> to vector<24x1280xf32>
    %slice3A_1181 = vector.extract_strided_slice %add3A_65 {offsets = [121, 0], sizes = [1, 1280], strides = [1, 1]} : vector<288x1280xf32> to vector<1x1280xf32>
    %mul3A_1182 = vector.broadcast %slice3A_1181 : vector<1x1280xf32> to vector<24x1280xf32>
    %mul3A_1183 = arith.mulf %slice3A_1180, %mul3A_1182 : vector<24x1280xf32>
    %add3A_1184 = arith.addf %add3A_1179, %mul3A_1183 : vector<24x1280xf32>
    %slice3A_1185 = vector.extract_strided_slice %dot_general3A_61 {offsets = [4, 0], sizes = [24, 1280], strides = [1, 1]} : vector<32x1280xf32> to vector<24x1280xf32>
    %slice3A_1186 = vector.extract_strided_slice %add3A_65 {offsets = [153, 0], sizes = [1, 1280], strides = [1, 1]} : vector<288x1280xf32> to vector<1x1280xf32>
    %mul3A_1187 = vector.broadcast %slice3A_1186 : vector<1x1280xf32> to vector<24x1280xf32>
    %mul3A_1188 = arith.mulf %slice3A_1185, %mul3A_1187 : vector<24x1280xf32>
    %add3A_1189 = arith.addf %add3A_1184, %mul3A_1188 : vector<24x1280xf32>
    %slice3A_1190 = vector.extract_strided_slice %dot_general3A_61 {offsets = [5, 0], sizes = [24, 1280], strides = [1, 1]} : vector<32x1280xf32> to vector<24x1280xf32>
    %slice3A_1191 = vector.extract_strided_slice %add3A_65 {offsets = [185, 0], sizes = [1, 1280], strides = [1, 1]} : vector<288x1280xf32> to vector<1x1280xf32>
    %mul3A_1192 = vector.broadcast %slice3A_1191 : vector<1x1280xf32> to vector<24x1280xf32>
    %mul3A_1193 = arith.mulf %slice3A_1190, %mul3A_1192 : vector<24x1280xf32>
    %add3A_1194 = arith.addf %add3A_1189, %mul3A_1193 : vector<24x1280xf32>
    %slice3A_1195 = vector.extract_strided_slice %dot_general3A_61 {offsets = [6, 0], sizes = [24, 1280], strides = [1, 1]} : vector<32x1280xf32> to vector<24x1280xf32>
    %slice3A_1196 = vector.extract_strided_slice %add3A_65 {offsets = [217, 0], sizes = [1, 1280], strides = [1, 1]} : vector<288x1280xf32> to vector<1x1280xf32>
    %mul3A_1197 = vector.broadcast %slice3A_1196 : vector<1x1280xf32> to vector<24x1280xf32>
    %mul3A_1198 = arith.mulf %slice3A_1195, %mul3A_1197 : vector<24x1280xf32>
    %add3A_1199 = arith.addf %add3A_1194, %mul3A_1198 : vector<24x1280xf32>
    %slice3A_1200 = vector.extract_strided_slice %dot_general3A_61 {offsets = [7, 0], sizes = [24, 1280], strides = [1, 1]} : vector<32x1280xf32> to vector<24x1280xf32>
    %slice3A_1201 = vector.extract_strided_slice %add3A_65 {offsets = [249, 0], sizes = [1, 1280], strides = [1, 1]} : vector<288x1280xf32> to vector<1x1280xf32>
    %mul3A_1202 = vector.broadcast %slice3A_1201 : vector<1x1280xf32> to vector<24x1280xf32>
    %mul3A_1203 = arith.mulf %slice3A_1200, %mul3A_1202 : vector<24x1280xf32>
    %add3A_1204 = arith.addf %add3A_1199, %mul3A_1203 : vector<24x1280xf32>
    %slice3A_1205 = vector.extract_strided_slice %dot_general3A_61 {offsets = [8, 0], sizes = [24, 1280], strides = [1, 1]} : vector<32x1280xf32> to vector<24x1280xf32>
    %slice3A_1206 = vector.extract_strided_slice %add3A_65 {offsets = [281, 0], sizes = [1, 1280], strides = [1, 1]} : vector<288x1280xf32> to vector<1x1280xf32>
    %mul3A_1207 = vector.broadcast %slice3A_1206 : vector<1x1280xf32> to vector<24x1280xf32>
    %mul3A_1208 = arith.mulf %slice3A_1205, %mul3A_1207 : vector<24x1280xf32>
    %add3A_1209 = arith.addf %add3A_1204, %mul3A_1208 : vector<24x1280xf32>
    %slice3A_1210 = vector.extract_strided_slice %dot_general3A_61 {offsets = [0, 0], sizes = [24, 1280], strides = [1, 1]} : vector<32x1280xf32> to vector<24x1280xf32>
    %slice3A_1211 = vector.extract_strided_slice %add3A_65 {offsets = [26, 0], sizes = [1, 1280], strides = [1, 1]} : vector<288x1280xf32> to vector<1x1280xf32>
    %mul3A_1212 = vector.broadcast %slice3A_1211 : vector<1x1280xf32> to vector<24x1280xf32>
    %mul3A_1213 = arith.mulf %slice3A_1210, %mul3A_1212 : vector<24x1280xf32>
    %slice3A_1214 = vector.extract_strided_slice %dot_general3A_61 {offsets = [1, 0], sizes = [24, 1280], strides = [1, 1]} : vector<32x1280xf32> to vector<24x1280xf32>
    %slice3A_1215 = vector.extract_strided_slice %add3A_65 {offsets = [58, 0], sizes = [1, 1280], strides = [1, 1]} : vector<288x1280xf32> to vector<1x1280xf32>
    %mul3A_1216 = vector.broadcast %slice3A_1215 : vector<1x1280xf32> to vector<24x1280xf32>
    %mul3A_1217 = arith.mulf %slice3A_1214, %mul3A_1216 : vector<24x1280xf32>
    %add3A_1218 = arith.addf %mul3A_1213, %mul3A_1217 : vector<24x1280xf32>
    %slice3A_1219 = vector.extract_strided_slice %dot_general3A_61 {offsets = [2, 0], sizes = [24, 1280], strides = [1, 1]} : vector<32x1280xf32> to vector<24x1280xf32>
    %slice3A_1220 = vector.extract_strided_slice %add3A_65 {offsets = [90, 0], sizes = [1, 1280], strides = [1, 1]} : vector<288x1280xf32> to vector<1x1280xf32>
    %mul3A_1221 = vector.broadcast %slice3A_1220 : vector<1x1280xf32> to vector<24x1280xf32>
    %mul3A_1222 = arith.mulf %slice3A_1219, %mul3A_1221 : vector<24x1280xf32>
    %add3A_1223 = arith.addf %add3A_1218, %mul3A_1222 : vector<24x1280xf32>
    %slice3A_1224 = vector.extract_strided_slice %dot_general3A_61 {offsets = [3, 0], sizes = [24, 1280], strides = [1, 1]} : vector<32x1280xf32> to vector<24x1280xf32>
    %slice3A_1225 = vector.extract_strided_slice %add3A_65 {offsets = [122, 0], sizes = [1, 1280], strides = [1, 1]} : vector<288x1280xf32> to vector<1x1280xf32>
    %mul3A_1226 = vector.broadcast %slice3A_1225 : vector<1x1280xf32> to vector<24x1280xf32>
    %mul3A_1227 = arith.mulf %slice3A_1224, %mul3A_1226 : vector<24x1280xf32>
    %add3A_1228 = arith.addf %add3A_1223, %mul3A_1227 : vector<24x1280xf32>
    %slice3A_1229 = vector.extract_strided_slice %dot_general3A_61 {offsets = [4, 0], sizes = [24, 1280], strides = [1, 1]} : vector<32x1280xf32> to vector<24x1280xf32>
    %slice3A_1230 = vector.extract_strided_slice %add3A_65 {offsets = [154, 0], sizes = [1, 1280], strides = [1, 1]} : vector<288x1280xf32> to vector<1x1280xf32>
    %mul3A_1231 = vector.broadcast %slice3A_1230 : vector<1x1280xf32> to vector<24x1280xf32>
    %mul3A_1232 = arith.mulf %slice3A_1229, %mul3A_1231 : vector<24x1280xf32>
    %add3A_1233 = arith.addf %add3A_1228, %mul3A_1232 : vector<24x1280xf32>
    %slice3A_1234 = vector.extract_strided_slice %dot_general3A_61 {offsets = [5, 0], sizes = [24, 1280], strides = [1, 1]} : vector<32x1280xf32> to vector<24x1280xf32>
    %slice3A_1235 = vector.extract_strided_slice %add3A_65 {offsets = [186, 0], sizes = [1, 1280], strides = [1, 1]} : vector<288x1280xf32> to vector<1x1280xf32>
    %mul3A_1236 = vector.broadcast %slice3A_1235 : vector<1x1280xf32> to vector<24x1280xf32>
    %mul3A_1237 = arith.mulf %slice3A_1234, %mul3A_1236 : vector<24x1280xf32>
    %add3A_1238 = arith.addf %add3A_1233, %mul3A_1237 : vector<24x1280xf32>
    %slice3A_1239 = vector.extract_strided_slice %dot_general3A_61 {offsets = [6, 0], sizes = [24, 1280], strides = [1, 1]} : vector<32x1280xf32> to vector<24x1280xf32>
    %slice3A_1240 = vector.extract_strided_slice %add3A_65 {offsets = [218, 0], sizes = [1, 1280], strides = [1, 1]} : vector<288x1280xf32> to vector<1x1280xf32>
    %mul3A_1241 = vector.broadcast %slice3A_1240 : vector<1x1280xf32> to vector<24x1280xf32>
    %mul3A_1242 = arith.mulf %slice3A_1239, %mul3A_1241 : vector<24x1280xf32>
    %add3A_1243 = arith.addf %add3A_1238, %mul3A_1242 : vector<24x1280xf32>
    %slice3A_1244 = vector.extract_strided_slice %dot_general3A_61 {offsets = [7, 0], sizes = [24, 1280], strides = [1, 1]} : vector<32x1280xf32> to vector<24x1280xf32>
    %slice3A_1245 = vector.extract_strided_slice %add3A_65 {offsets = [250, 0], sizes = [1, 1280], strides = [1, 1]} : vector<288x1280xf32> to vector<1x1280xf32>
    %mul3A_1246 = vector.broadcast %slice3A_1245 : vector<1x1280xf32> to vector<24x1280xf32>
    %mul3A_1247 = arith.mulf %slice3A_1244, %mul3A_1246 : vector<24x1280xf32>
    %add3A_1248 = arith.addf %add3A_1243, %mul3A_1247 : vector<24x1280xf32>
    %slice3A_1249 = vector.extract_strided_slice %dot_general3A_61 {offsets = [8, 0], sizes = [24, 1280], strides = [1, 1]} : vector<32x1280xf32> to vector<24x1280xf32>
    %slice3A_1250 = vector.extract_strided_slice %add3A_65 {offsets = [282, 0], sizes = [1, 1280], strides = [1, 1]} : vector<288x1280xf32> to vector<1x1280xf32>
    %mul3A_1251 = vector.broadcast %slice3A_1250 : vector<1x1280xf32> to vector<24x1280xf32>
    %mul3A_1252 = arith.mulf %slice3A_1249, %mul3A_1251 : vector<24x1280xf32>
    %add3A_1253 = arith.addf %add3A_1248, %mul3A_1252 : vector<24x1280xf32>
    %slice3A_1254 = vector.extract_strided_slice %dot_general3A_61 {offsets = [0, 0], sizes = [24, 1280], strides = [1, 1]} : vector<32x1280xf32> to vector<24x1280xf32>
    %slice3A_1255 = vector.extract_strided_slice %add3A_65 {offsets = [27, 0], sizes = [1, 1280], strides = [1, 1]} : vector<288x1280xf32> to vector<1x1280xf32>
    %mul3A_1256 = vector.broadcast %slice3A_1255 : vector<1x1280xf32> to vector<24x1280xf32>
    %mul3A_1257 = arith.mulf %slice3A_1254, %mul3A_1256 : vector<24x1280xf32>
    %slice3A_1258 = vector.extract_strided_slice %dot_general3A_61 {offsets = [1, 0], sizes = [24, 1280], strides = [1, 1]} : vector<32x1280xf32> to vector<24x1280xf32>
    %slice3A_1259 = vector.extract_strided_slice %add3A_65 {offsets = [59, 0], sizes = [1, 1280], strides = [1, 1]} : vector<288x1280xf32> to vector<1x1280xf32>
    %mul3A_1260 = vector.broadcast %slice3A_1259 : vector<1x1280xf32> to vector<24x1280xf32>
    %mul3A_1261 = arith.mulf %slice3A_1258, %mul3A_1260 : vector<24x1280xf32>
    %add3A_1262 = arith.addf %mul3A_1257, %mul3A_1261 : vector<24x1280xf32>
    %slice3A_1263 = vector.extract_strided_slice %dot_general3A_61 {offsets = [2, 0], sizes = [24, 1280], strides = [1, 1]} : vector<32x1280xf32> to vector<24x1280xf32>
    %slice3A_1264 = vector.extract_strided_slice %add3A_65 {offsets = [91, 0], sizes = [1, 1280], strides = [1, 1]} : vector<288x1280xf32> to vector<1x1280xf32>
    %mul3A_1265 = vector.broadcast %slice3A_1264 : vector<1x1280xf32> to vector<24x1280xf32>
    %mul3A_1266 = arith.mulf %slice3A_1263, %mul3A_1265 : vector<24x1280xf32>
    %add3A_1267 = arith.addf %add3A_1262, %mul3A_1266 : vector<24x1280xf32>
    %slice3A_1268 = vector.extract_strided_slice %dot_general3A_61 {offsets = [3, 0], sizes = [24, 1280], strides = [1, 1]} : vector<32x1280xf32> to vector<24x1280xf32>
    %slice3A_1269 = vector.extract_strided_slice %add3A_65 {offsets = [123, 0], sizes = [1, 1280], strides = [1, 1]} : vector<288x1280xf32> to vector<1x1280xf32>
    %mul3A_1270 = vector.broadcast %slice3A_1269 : vector<1x1280xf32> to vector<24x1280xf32>
    %mul3A_1271 = arith.mulf %slice3A_1268, %mul3A_1270 : vector<24x1280xf32>
    %add3A_1272 = arith.addf %add3A_1267, %mul3A_1271 : vector<24x1280xf32>
    %slice3A_1273 = vector.extract_strided_slice %dot_general3A_61 {offsets = [4, 0], sizes = [24, 1280], strides = [1, 1]} : vector<32x1280xf32> to vector<24x1280xf32>
    %slice3A_1274 = vector.extract_strided_slice %add3A_65 {offsets = [155, 0], sizes = [1, 1280], strides = [1, 1]} : vector<288x1280xf32> to vector<1x1280xf32>
    %mul3A_1275 = vector.broadcast %slice3A_1274 : vector<1x1280xf32> to vector<24x1280xf32>
    %mul3A_1276 = arith.mulf %slice3A_1273, %mul3A_1275 : vector<24x1280xf32>
    %add3A_1277 = arith.addf %add3A_1272, %mul3A_1276 : vector<24x1280xf32>
    %slice3A_1278 = vector.extract_strided_slice %dot_general3A_61 {offsets = [5, 0], sizes = [24, 1280], strides = [1, 1]} : vector<32x1280xf32> to vector<24x1280xf32>
    %slice3A_1279 = vector.extract_strided_slice %add3A_65 {offsets = [187, 0], sizes = [1, 1280], strides = [1, 1]} : vector<288x1280xf32> to vector<1x1280xf32>
    %mul3A_1280 = vector.broadcast %slice3A_1279 : vector<1x1280xf32> to vector<24x1280xf32>
    %mul3A_1281 = arith.mulf %slice3A_1278, %mul3A_1280 : vector<24x1280xf32>
    %add3A_1282 = arith.addf %add3A_1277, %mul3A_1281 : vector<24x1280xf32>
    %slice3A_1283 = vector.extract_strided_slice %dot_general3A_61 {offsets = [6, 0], sizes = [24, 1280], strides = [1, 1]} : vector<32x1280xf32> to vector<24x1280xf32>
    %slice3A_1284 = vector.extract_strided_slice %add3A_65 {offsets = [219, 0], sizes = [1, 1280], strides = [1, 1]} : vector<288x1280xf32> to vector<1x1280xf32>
    %mul3A_1285 = vector.broadcast %slice3A_1284 : vector<1x1280xf32> to vector<24x1280xf32>
    %mul3A_1286 = arith.mulf %slice3A_1283, %mul3A_1285 : vector<24x1280xf32>
    %add3A_1287 = arith.addf %add3A_1282, %mul3A_1286 : vector<24x1280xf32>
    %slice3A_1288 = vector.extract_strided_slice %dot_general3A_61 {offsets = [7, 0], sizes = [24, 1280], strides = [1, 1]} : vector<32x1280xf32> to vector<24x1280xf32>
    %slice3A_1289 = vector.extract_strided_slice %add3A_65 {offsets = [251, 0], sizes = [1, 1280], strides = [1, 1]} : vector<288x1280xf32> to vector<1x1280xf32>
    %mul3A_1290 = vector.broadcast %slice3A_1289 : vector<1x1280xf32> to vector<24x1280xf32>
    %mul3A_1291 = arith.mulf %slice3A_1288, %mul3A_1290 : vector<24x1280xf32>
    %add3A_1292 = arith.addf %add3A_1287, %mul3A_1291 : vector<24x1280xf32>
    %slice3A_1293 = vector.extract_strided_slice %dot_general3A_61 {offsets = [8, 0], sizes = [24, 1280], strides = [1, 1]} : vector<32x1280xf32> to vector<24x1280xf32>
    %slice3A_1294 = vector.extract_strided_slice %add3A_65 {offsets = [283, 0], sizes = [1, 1280], strides = [1, 1]} : vector<288x1280xf32> to vector<1x1280xf32>
    %mul3A_1295 = vector.broadcast %slice3A_1294 : vector<1x1280xf32> to vector<24x1280xf32>
    %mul3A_1296 = arith.mulf %slice3A_1293, %mul3A_1295 : vector<24x1280xf32>
    %add3A_1297 = arith.addf %add3A_1292, %mul3A_1296 : vector<24x1280xf32>
    %slice3A_1298 = vector.extract_strided_slice %dot_general3A_61 {offsets = [0, 0], sizes = [24, 1280], strides = [1, 1]} : vector<32x1280xf32> to vector<24x1280xf32>
    %slice3A_1299 = vector.extract_strided_slice %add3A_65 {offsets = [28, 0], sizes = [1, 1280], strides = [1, 1]} : vector<288x1280xf32> to vector<1x1280xf32>
    %mul3A_1300 = vector.broadcast %slice3A_1299 : vector<1x1280xf32> to vector<24x1280xf32>
    %mul3A_1301 = arith.mulf %slice3A_1298, %mul3A_1300 : vector<24x1280xf32>
    %slice3A_1302 = vector.extract_strided_slice %dot_general3A_61 {offsets = [1, 0], sizes = [24, 1280], strides = [1, 1]} : vector<32x1280xf32> to vector<24x1280xf32>
    %slice3A_1303 = vector.extract_strided_slice %add3A_65 {offsets = [60, 0], sizes = [1, 1280], strides = [1, 1]} : vector<288x1280xf32> to vector<1x1280xf32>
    %mul3A_1304 = vector.broadcast %slice3A_1303 : vector<1x1280xf32> to vector<24x1280xf32>
    %mul3A_1305 = arith.mulf %slice3A_1302, %mul3A_1304 : vector<24x1280xf32>
    %add3A_1306 = arith.addf %mul3A_1301, %mul3A_1305 : vector<24x1280xf32>
    %slice3A_1307 = vector.extract_strided_slice %dot_general3A_61 {offsets = [2, 0], sizes = [24, 1280], strides = [1, 1]} : vector<32x1280xf32> to vector<24x1280xf32>
    %slice3A_1308 = vector.extract_strided_slice %add3A_65 {offsets = [92, 0], sizes = [1, 1280], strides = [1, 1]} : vector<288x1280xf32> to vector<1x1280xf32>
    %mul3A_1309 = vector.broadcast %slice3A_1308 : vector<1x1280xf32> to vector<24x1280xf32>
    %mul3A_1310 = arith.mulf %slice3A_1307, %mul3A_1309 : vector<24x1280xf32>
    %add3A_1311 = arith.addf %add3A_1306, %mul3A_1310 : vector<24x1280xf32>
    %slice3A_1312 = vector.extract_strided_slice %dot_general3A_61 {offsets = [3, 0], sizes = [24, 1280], strides = [1, 1]} : vector<32x1280xf32> to vector<24x1280xf32>
    %slice3A_1313 = vector.extract_strided_slice %add3A_65 {offsets = [124, 0], sizes = [1, 1280], strides = [1, 1]} : vector<288x1280xf32> to vector<1x1280xf32>
    %mul3A_1314 = vector.broadcast %slice3A_1313 : vector<1x1280xf32> to vector<24x1280xf32>
    %mul3A_1315 = arith.mulf %slice3A_1312, %mul3A_1314 : vector<24x1280xf32>
    %add3A_1316 = arith.addf %add3A_1311, %mul3A_1315 : vector<24x1280xf32>
    %slice3A_1317 = vector.extract_strided_slice %dot_general3A_61 {offsets = [4, 0], sizes = [24, 1280], strides = [1, 1]} : vector<32x1280xf32> to vector<24x1280xf32>
    %slice3A_1318 = vector.extract_strided_slice %add3A_65 {offsets = [156, 0], sizes = [1, 1280], strides = [1, 1]} : vector<288x1280xf32> to vector<1x1280xf32>
    %mul3A_1319 = vector.broadcast %slice3A_1318 : vector<1x1280xf32> to vector<24x1280xf32>
    %mul3A_1320 = arith.mulf %slice3A_1317, %mul3A_1319 : vector<24x1280xf32>
    %add3A_1321 = arith.addf %add3A_1316, %mul3A_1320 : vector<24x1280xf32>
    %slice3A_1322 = vector.extract_strided_slice %dot_general3A_61 {offsets = [5, 0], sizes = [24, 1280], strides = [1, 1]} : vector<32x1280xf32> to vector<24x1280xf32>
    %slice3A_1323 = vector.extract_strided_slice %add3A_65 {offsets = [188, 0], sizes = [1, 1280], strides = [1, 1]} : vector<288x1280xf32> to vector<1x1280xf32>
    %mul3A_1324 = vector.broadcast %slice3A_1323 : vector<1x1280xf32> to vector<24x1280xf32>
    %mul3A_1325 = arith.mulf %slice3A_1322, %mul3A_1324 : vector<24x1280xf32>
    %add3A_1326 = arith.addf %add3A_1321, %mul3A_1325 : vector<24x1280xf32>
    %slice3A_1327 = vector.extract_strided_slice %dot_general3A_61 {offsets = [6, 0], sizes = [24, 1280], strides = [1, 1]} : vector<32x1280xf32> to vector<24x1280xf32>
    %slice3A_1328 = vector.extract_strided_slice %add3A_65 {offsets = [220, 0], sizes = [1, 1280], strides = [1, 1]} : vector<288x1280xf32> to vector<1x1280xf32>
    %mul3A_1329 = vector.broadcast %slice3A_1328 : vector<1x1280xf32> to vector<24x1280xf32>
    %mul3A_1330 = arith.mulf %slice3A_1327, %mul3A_1329 : vector<24x1280xf32>
    %add3A_1331 = arith.addf %add3A_1326, %mul3A_1330 : vector<24x1280xf32>
    %slice3A_1332 = vector.extract_strided_slice %dot_general3A_61 {offsets = [7, 0], sizes = [24, 1280], strides = [1, 1]} : vector<32x1280xf32> to vector<24x1280xf32>
    %slice3A_1333 = vector.extract_strided_slice %add3A_65 {offsets = [252, 0], sizes = [1, 1280], strides = [1, 1]} : vector<288x1280xf32> to vector<1x1280xf32>
    %mul3A_1334 = vector.broadcast %slice3A_1333 : vector<1x1280xf32> to vector<24x1280xf32>
    %mul3A_1335 = arith.mulf %slice3A_1332, %mul3A_1334 : vector<24x1280xf32>
    %add3A_1336 = arith.addf %add3A_1331, %mul3A_1335 : vector<24x1280xf32>
    %slice3A_1337 = vector.extract_strided_slice %dot_general3A_61 {offsets = [8, 0], sizes = [24, 1280], strides = [1, 1]} : vector<32x1280xf32> to vector<24x1280xf32>
    %slice3A_1338 = vector.extract_strided_slice %add3A_65 {offsets = [284, 0], sizes = [1, 1280], strides = [1, 1]} : vector<288x1280xf32> to vector<1x1280xf32>
    %mul3A_1339 = vector.broadcast %slice3A_1338 : vector<1x1280xf32> to vector<24x1280xf32>
    %mul3A_1340 = arith.mulf %slice3A_1337, %mul3A_1339 : vector<24x1280xf32>
    %add3A_1341 = arith.addf %add3A_1336, %mul3A_1340 : vector<24x1280xf32>
    %slice3A_1342 = vector.extract_strided_slice %dot_general3A_61 {offsets = [0, 0], sizes = [24, 1280], strides = [1, 1]} : vector<32x1280xf32> to vector<24x1280xf32>
    %slice3A_1343 = vector.extract_strided_slice %add3A_65 {offsets = [29, 0], sizes = [1, 1280], strides = [1, 1]} : vector<288x1280xf32> to vector<1x1280xf32>
    %mul3A_1344 = vector.broadcast %slice3A_1343 : vector<1x1280xf32> to vector<24x1280xf32>
    %mul3A_1345 = arith.mulf %slice3A_1342, %mul3A_1344 : vector<24x1280xf32>
    %slice3A_1346 = vector.extract_strided_slice %dot_general3A_61 {offsets = [1, 0], sizes = [24, 1280], strides = [1, 1]} : vector<32x1280xf32> to vector<24x1280xf32>
    %slice3A_1347 = vector.extract_strided_slice %add3A_65 {offsets = [61, 0], sizes = [1, 1280], strides = [1, 1]} : vector<288x1280xf32> to vector<1x1280xf32>
    %mul3A_1348 = vector.broadcast %slice3A_1347 : vector<1x1280xf32> to vector<24x1280xf32>
    %mul3A_1349 = arith.mulf %slice3A_1346, %mul3A_1348 : vector<24x1280xf32>
    %add3A_1350 = arith.addf %mul3A_1345, %mul3A_1349 : vector<24x1280xf32>
    %slice3A_1351 = vector.extract_strided_slice %dot_general3A_61 {offsets = [2, 0], sizes = [24, 1280], strides = [1, 1]} : vector<32x1280xf32> to vector<24x1280xf32>
    %slice3A_1352 = vector.extract_strided_slice %add3A_65 {offsets = [93, 0], sizes = [1, 1280], strides = [1, 1]} : vector<288x1280xf32> to vector<1x1280xf32>
    %mul3A_1353 = vector.broadcast %slice3A_1352 : vector<1x1280xf32> to vector<24x1280xf32>
    %mul3A_1354 = arith.mulf %slice3A_1351, %mul3A_1353 : vector<24x1280xf32>
    %add3A_1355 = arith.addf %add3A_1350, %mul3A_1354 : vector<24x1280xf32>
    %slice3A_1356 = vector.extract_strided_slice %dot_general3A_61 {offsets = [3, 0], sizes = [24, 1280], strides = [1, 1]} : vector<32x1280xf32> to vector<24x1280xf32>
    %slice3A_1357 = vector.extract_strided_slice %add3A_65 {offsets = [125, 0], sizes = [1, 1280], strides = [1, 1]} : vector<288x1280xf32> to vector<1x1280xf32>
    %mul3A_1358 = vector.broadcast %slice3A_1357 : vector<1x1280xf32> to vector<24x1280xf32>
    %mul3A_1359 = arith.mulf %slice3A_1356, %mul3A_1358 : vector<24x1280xf32>
    %add3A_1360 = arith.addf %add3A_1355, %mul3A_1359 : vector<24x1280xf32>
    %slice3A_1361 = vector.extract_strided_slice %dot_general3A_61 {offsets = [4, 0], sizes = [24, 1280], strides = [1, 1]} : vector<32x1280xf32> to vector<24x1280xf32>
    %slice3A_1362 = vector.extract_strided_slice %add3A_65 {offsets = [157, 0], sizes = [1, 1280], strides = [1, 1]} : vector<288x1280xf32> to vector<1x1280xf32>
    %mul3A_1363 = vector.broadcast %slice3A_1362 : vector<1x1280xf32> to vector<24x1280xf32>
    %mul3A_1364 = arith.mulf %slice3A_1361, %mul3A_1363 : vector<24x1280xf32>
    %add3A_1365 = arith.addf %add3A_1360, %mul3A_1364 : vector<24x1280xf32>
    %slice3A_1366 = vector.extract_strided_slice %dot_general3A_61 {offsets = [5, 0], sizes = [24, 1280], strides = [1, 1]} : vector<32x1280xf32> to vector<24x1280xf32>
    %slice3A_1367 = vector.extract_strided_slice %add3A_65 {offsets = [189, 0], sizes = [1, 1280], strides = [1, 1]} : vector<288x1280xf32> to vector<1x1280xf32>
    %mul3A_1368 = vector.broadcast %slice3A_1367 : vector<1x1280xf32> to vector<24x1280xf32>
    %mul3A_1369 = arith.mulf %slice3A_1366, %mul3A_1368 : vector<24x1280xf32>
    %add3A_1370 = arith.addf %add3A_1365, %mul3A_1369 : vector<24x1280xf32>
    %slice3A_1371 = vector.extract_strided_slice %dot_general3A_61 {offsets = [6, 0], sizes = [24, 1280], strides = [1, 1]} : vector<32x1280xf32> to vector<24x1280xf32>
    %slice3A_1372 = vector.extract_strided_slice %add3A_65 {offsets = [221, 0], sizes = [1, 1280], strides = [1, 1]} : vector<288x1280xf32> to vector<1x1280xf32>
    %mul3A_1373 = vector.broadcast %slice3A_1372 : vector<1x1280xf32> to vector<24x1280xf32>
    %mul3A_1374 = arith.mulf %slice3A_1371, %mul3A_1373 : vector<24x1280xf32>
    %add3A_1375 = arith.addf %add3A_1370, %mul3A_1374 : vector<24x1280xf32>
    %slice3A_1376 = vector.extract_strided_slice %dot_general3A_61 {offsets = [7, 0], sizes = [24, 1280], strides = [1, 1]} : vector<32x1280xf32> to vector<24x1280xf32>
    %slice3A_1377 = vector.extract_strided_slice %add3A_65 {offsets = [253, 0], sizes = [1, 1280], strides = [1, 1]} : vector<288x1280xf32> to vector<1x1280xf32>
    %mul3A_1378 = vector.broadcast %slice3A_1377 : vector<1x1280xf32> to vector<24x1280xf32>
    %mul3A_1379 = arith.mulf %slice3A_1376, %mul3A_1378 : vector<24x1280xf32>
    %add3A_1380 = arith.addf %add3A_1375, %mul3A_1379 : vector<24x1280xf32>
    %slice3A_1381 = vector.extract_strided_slice %dot_general3A_61 {offsets = [8, 0], sizes = [24, 1280], strides = [1, 1]} : vector<32x1280xf32> to vector<24x1280xf32>
    %slice3A_1382 = vector.extract_strided_slice %add3A_65 {offsets = [285, 0], sizes = [1, 1280], strides = [1, 1]} : vector<288x1280xf32> to vector<1x1280xf32>
    %mul3A_1383 = vector.broadcast %slice3A_1382 : vector<1x1280xf32> to vector<24x1280xf32>
    %mul3A_1384 = arith.mulf %slice3A_1381, %mul3A_1383 : vector<24x1280xf32>
    %add3A_1385 = arith.addf %add3A_1380, %mul3A_1384 : vector<24x1280xf32>
    %slice3A_1386 = vector.extract_strided_slice %dot_general3A_61 {offsets = [0, 0], sizes = [24, 1280], strides = [1, 1]} : vector<32x1280xf32> to vector<24x1280xf32>
    %slice3A_1387 = vector.extract_strided_slice %add3A_65 {offsets = [30, 0], sizes = [1, 1280], strides = [1, 1]} : vector<288x1280xf32> to vector<1x1280xf32>
    %mul3A_1388 = vector.broadcast %slice3A_1387 : vector<1x1280xf32> to vector<24x1280xf32>
    %mul3A_1389 = arith.mulf %slice3A_1386, %mul3A_1388 : vector<24x1280xf32>
    %slice3A_1390 = vector.extract_strided_slice %dot_general3A_61 {offsets = [1, 0], sizes = [24, 1280], strides = [1, 1]} : vector<32x1280xf32> to vector<24x1280xf32>
    %slice3A_1391 = vector.extract_strided_slice %add3A_65 {offsets = [62, 0], sizes = [1, 1280], strides = [1, 1]} : vector<288x1280xf32> to vector<1x1280xf32>
    %mul3A_1392 = vector.broadcast %slice3A_1391 : vector<1x1280xf32> to vector<24x1280xf32>
    %mul3A_1393 = arith.mulf %slice3A_1390, %mul3A_1392 : vector<24x1280xf32>
    %add3A_1394 = arith.addf %mul3A_1389, %mul3A_1393 : vector<24x1280xf32>
    %slice3A_1395 = vector.extract_strided_slice %dot_general3A_61 {offsets = [2, 0], sizes = [24, 1280], strides = [1, 1]} : vector<32x1280xf32> to vector<24x1280xf32>
    %slice3A_1396 = vector.extract_strided_slice %add3A_65 {offsets = [94, 0], sizes = [1, 1280], strides = [1, 1]} : vector<288x1280xf32> to vector<1x1280xf32>
    %mul3A_1397 = vector.broadcast %slice3A_1396 : vector<1x1280xf32> to vector<24x1280xf32>
    %mul3A_1398 = arith.mulf %slice3A_1395, %mul3A_1397 : vector<24x1280xf32>
    %add3A_1399 = arith.addf %add3A_1394, %mul3A_1398 : vector<24x1280xf32>
    %slice3A_1400 = vector.extract_strided_slice %dot_general3A_61 {offsets = [3, 0], sizes = [24, 1280], strides = [1, 1]} : vector<32x1280xf32> to vector<24x1280xf32>
    %slice3A_1401 = vector.extract_strided_slice %add3A_65 {offsets = [126, 0], sizes = [1, 1280], strides = [1, 1]} : vector<288x1280xf32> to vector<1x1280xf32>
    %mul3A_1402 = vector.broadcast %slice3A_1401 : vector<1x1280xf32> to vector<24x1280xf32>
    %mul3A_1403 = arith.mulf %slice3A_1400, %mul3A_1402 : vector<24x1280xf32>
    %add3A_1404 = arith.addf %add3A_1399, %mul3A_1403 : vector<24x1280xf32>
    %slice3A_1405 = vector.extract_strided_slice %dot_general3A_61 {offsets = [4, 0], sizes = [24, 1280], strides = [1, 1]} : vector<32x1280xf32> to vector<24x1280xf32>
    %slice3A_1406 = vector.extract_strided_slice %add3A_65 {offsets = [158, 0], sizes = [1, 1280], strides = [1, 1]} : vector<288x1280xf32> to vector<1x1280xf32>
    %mul3A_1407 = vector.broadcast %slice3A_1406 : vector<1x1280xf32> to vector<24x1280xf32>
    %mul3A_1408 = arith.mulf %slice3A_1405, %mul3A_1407 : vector<24x1280xf32>
    %add3A_1409 = arith.addf %add3A_1404, %mul3A_1408 : vector<24x1280xf32>
    %slice3A_1410 = vector.extract_strided_slice %dot_general3A_61 {offsets = [5, 0], sizes = [24, 1280], strides = [1, 1]} : vector<32x1280xf32> to vector<24x1280xf32>
    %slice3A_1411 = vector.extract_strided_slice %add3A_65 {offsets = [190, 0], sizes = [1, 1280], strides = [1, 1]} : vector<288x1280xf32> to vector<1x1280xf32>
    %mul3A_1412 = vector.broadcast %slice3A_1411 : vector<1x1280xf32> to vector<24x1280xf32>
    %mul3A_1413 = arith.mulf %slice3A_1410, %mul3A_1412 : vector<24x1280xf32>
    %add3A_1414 = arith.addf %add3A_1409, %mul3A_1413 : vector<24x1280xf32>
    %slice3A_1415 = vector.extract_strided_slice %dot_general3A_61 {offsets = [6, 0], sizes = [24, 1280], strides = [1, 1]} : vector<32x1280xf32> to vector<24x1280xf32>
    %slice3A_1416 = vector.extract_strided_slice %add3A_65 {offsets = [222, 0], sizes = [1, 1280], strides = [1, 1]} : vector<288x1280xf32> to vector<1x1280xf32>
    %mul3A_1417 = vector.broadcast %slice3A_1416 : vector<1x1280xf32> to vector<24x1280xf32>
    %mul3A_1418 = arith.mulf %slice3A_1415, %mul3A_1417 : vector<24x1280xf32>
    %add3A_1419 = arith.addf %add3A_1414, %mul3A_1418 : vector<24x1280xf32>
    %slice3A_1420 = vector.extract_strided_slice %dot_general3A_61 {offsets = [7, 0], sizes = [24, 1280], strides = [1, 1]} : vector<32x1280xf32> to vector<24x1280xf32>
    %slice3A_1421 = vector.extract_strided_slice %add3A_65 {offsets = [254, 0], sizes = [1, 1280], strides = [1, 1]} : vector<288x1280xf32> to vector<1x1280xf32>
    %mul3A_1422 = vector.broadcast %slice3A_1421 : vector<1x1280xf32> to vector<24x1280xf32>
    %mul3A_1423 = arith.mulf %slice3A_1420, %mul3A_1422 : vector<24x1280xf32>
    %add3A_1424 = arith.addf %add3A_1419, %mul3A_1423 : vector<24x1280xf32>
    %slice3A_1425 = vector.extract_strided_slice %dot_general3A_61 {offsets = [8, 0], sizes = [24, 1280], strides = [1, 1]} : vector<32x1280xf32> to vector<24x1280xf32>
    %slice3A_1426 = vector.extract_strided_slice %add3A_65 {offsets = [286, 0], sizes = [1, 1280], strides = [1, 1]} : vector<288x1280xf32> to vector<1x1280xf32>
    %mul3A_1427 = vector.broadcast %slice3A_1426 : vector<1x1280xf32> to vector<24x1280xf32>
    %mul3A_1428 = arith.mulf %slice3A_1425, %mul3A_1427 : vector<24x1280xf32>
    %add3A_1429 = arith.addf %add3A_1424, %mul3A_1428 : vector<24x1280xf32>
    %slice3A_1430 = vector.extract_strided_slice %dot_general3A_61 {offsets = [0, 0], sizes = [24, 1280], strides = [1, 1]} : vector<32x1280xf32> to vector<24x1280xf32>
    %slice3A_1431 = vector.extract_strided_slice %add3A_65 {offsets = [31, 0], sizes = [1, 1280], strides = [1, 1]} : vector<288x1280xf32> to vector<1x1280xf32>
    %mul3A_1432 = vector.broadcast %slice3A_1431 : vector<1x1280xf32> to vector<24x1280xf32>
    %mul3A_1433 = arith.mulf %slice3A_1430, %mul3A_1432 : vector<24x1280xf32>
    %slice3A_1434 = vector.extract_strided_slice %dot_general3A_61 {offsets = [1, 0], sizes = [24, 1280], strides = [1, 1]} : vector<32x1280xf32> to vector<24x1280xf32>
    %slice3A_1435 = vector.extract_strided_slice %add3A_65 {offsets = [63, 0], sizes = [1, 1280], strides = [1, 1]} : vector<288x1280xf32> to vector<1x1280xf32>
    %mul3A_1436 = vector.broadcast %slice3A_1435 : vector<1x1280xf32> to vector<24x1280xf32>
    %mul3A_1437 = arith.mulf %slice3A_1434, %mul3A_1436 : vector<24x1280xf32>
    %add3A_1438 = arith.addf %mul3A_1433, %mul3A_1437 : vector<24x1280xf32>
    %slice3A_1439 = vector.extract_strided_slice %dot_general3A_61 {offsets = [2, 0], sizes = [24, 1280], strides = [1, 1]} : vector<32x1280xf32> to vector<24x1280xf32>
    %slice3A_1440 = vector.extract_strided_slice %add3A_65 {offsets = [95, 0], sizes = [1, 1280], strides = [1, 1]} : vector<288x1280xf32> to vector<1x1280xf32>
    %mul3A_1441 = vector.broadcast %slice3A_1440 : vector<1x1280xf32> to vector<24x1280xf32>
    %mul3A_1442 = arith.mulf %slice3A_1439, %mul3A_1441 : vector<24x1280xf32>
    %add3A_1443 = arith.addf %add3A_1438, %mul3A_1442 : vector<24x1280xf32>
    %slice3A_1444 = vector.extract_strided_slice %dot_general3A_61 {offsets = [3, 0], sizes = [24, 1280], strides = [1, 1]} : vector<32x1280xf32> to vector<24x1280xf32>
    %slice3A_1445 = vector.extract_strided_slice %add3A_65 {offsets = [127, 0], sizes = [1, 1280], strides = [1, 1]} : vector<288x1280xf32> to vector<1x1280xf32>
    %mul3A_1446 = vector.broadcast %slice3A_1445 : vector<1x1280xf32> to vector<24x1280xf32>
    %mul3A_1447 = arith.mulf %slice3A_1444, %mul3A_1446 : vector<24x1280xf32>
    %add3A_1448 = arith.addf %add3A_1443, %mul3A_1447 : vector<24x1280xf32>
    %slice3A_1449 = vector.extract_strided_slice %dot_general3A_61 {offsets = [4, 0], sizes = [24, 1280], strides = [1, 1]} : vector<32x1280xf32> to vector<24x1280xf32>
    %slice3A_1450 = vector.extract_strided_slice %add3A_65 {offsets = [159, 0], sizes = [1, 1280], strides = [1, 1]} : vector<288x1280xf32> to vector<1x1280xf32>
    %mul3A_1451 = vector.broadcast %slice3A_1450 : vector<1x1280xf32> to vector<24x1280xf32>
    %mul3A_1452 = arith.mulf %slice3A_1449, %mul3A_1451 : vector<24x1280xf32>
    %add3A_1453 = arith.addf %add3A_1448, %mul3A_1452 : vector<24x1280xf32>
    %slice3A_1454 = vector.extract_strided_slice %dot_general3A_61 {offsets = [5, 0], sizes = [24, 1280], strides = [1, 1]} : vector<32x1280xf32> to vector<24x1280xf32>
    %slice3A_1455 = vector.extract_strided_slice %add3A_65 {offsets = [191, 0], sizes = [1, 1280], strides = [1, 1]} : vector<288x1280xf32> to vector<1x1280xf32>
    %mul3A_1456 = vector.broadcast %slice3A_1455 : vector<1x1280xf32> to vector<24x1280xf32>
    %mul3A_1457 = arith.mulf %slice3A_1454, %mul3A_1456 : vector<24x1280xf32>
    %add3A_1458 = arith.addf %add3A_1453, %mul3A_1457 : vector<24x1280xf32>
    %slice3A_1459 = vector.extract_strided_slice %dot_general3A_61 {offsets = [6, 0], sizes = [24, 1280], strides = [1, 1]} : vector<32x1280xf32> to vector<24x1280xf32>
    %slice3A_1460 = vector.extract_strided_slice %add3A_65 {offsets = [223, 0], sizes = [1, 1280], strides = [1, 1]} : vector<288x1280xf32> to vector<1x1280xf32>
    %mul3A_1461 = vector.broadcast %slice3A_1460 : vector<1x1280xf32> to vector<24x1280xf32>
    %mul3A_1462 = arith.mulf %slice3A_1459, %mul3A_1461 : vector<24x1280xf32>
    %add3A_1463 = arith.addf %add3A_1458, %mul3A_1462 : vector<24x1280xf32>
    %slice3A_1464 = vector.extract_strided_slice %dot_general3A_61 {offsets = [7, 0], sizes = [24, 1280], strides = [1, 1]} : vector<32x1280xf32> to vector<24x1280xf32>
    %slice3A_1465 = vector.extract_strided_slice %add3A_65 {offsets = [255, 0], sizes = [1, 1280], strides = [1, 1]} : vector<288x1280xf32> to vector<1x1280xf32>
    %mul3A_1466 = vector.broadcast %slice3A_1465 : vector<1x1280xf32> to vector<24x1280xf32>
    %mul3A_1467 = arith.mulf %slice3A_1464, %mul3A_1466 : vector<24x1280xf32>
    %add3A_1468 = arith.addf %add3A_1463, %mul3A_1467 : vector<24x1280xf32>
    %slice3A_1469 = vector.extract_strided_slice %dot_general3A_61 {offsets = [8, 0], sizes = [24, 1280], strides = [1, 1]} : vector<32x1280xf32> to vector<24x1280xf32>
    %slice3A_1470 = vector.extract_strided_slice %add3A_65 {offsets = [287, 0], sizes = [1, 1280], strides = [1, 1]} : vector<288x1280xf32> to vector<1x1280xf32>
    %mul3A_1471 = vector.broadcast %slice3A_1470 : vector<1x1280xf32> to vector<24x1280xf32>
    %mul3A_1472 = arith.mulf %slice3A_1469, %mul3A_1471 : vector<24x1280xf32>
    %add3A_1473 = arith.addf %add3A_1468, %mul3A_1472 : vector<24x1280xf32>
    %concatenate3A_1474 = tpu.concatenate %add3A_109, %add3A_153, %add3A_197, %add3A_241, %add3A_285, %add3A_329, %add3A_373, %add3A_417, %add3A_461, %add3A_505, %add3A_549, %add3A_593, %add3A_637, %add3A_681, %add3A_725, %add3A_769, %add3A_813, %add3A_857, %add3A_901, %add3A_945, %add3A_989, %add3A_1033, %add3A_1077, %add3A_1121, %add3A_1165, %add3A_1209, %add3A_1253, %add3A_1297, %add3A_1341, %add3A_1385, %add3A_1429, %add3A_1473 in 0 : vector<24x1280xf32>, vector<24x1280xf32>, vector<24x1280xf32>, vector<24x1280xf32>, vector<24x1280xf32>, vector<24x1280xf32>, vector<24x1280xf32>, vector<24x1280xf32>, vector<24x1280xf32>, vector<24x1280xf32>, vector<24x1280xf32>, vector<24x1280xf32>, vector<24x1280xf32>, vector<24x1280xf32>, vector<24x1280xf32>, vector<24x1280xf32>, vector<24x1280xf32>, vector<24x1280xf32>, vector<24x1280xf32>, vector<24x1280xf32>, vector<24x1280xf32>, vector<24x1280xf32>, vector<24x1280xf32>, vector<24x1280xf32>, vector<24x1280xf32>, vector<24x1280xf32>, vector<24x1280xf32>, vector<24x1280xf32>, vector<24x1280xf32>, vector<24x1280xf32>, vector<24x1280xf32>, vector<24x1280xf32> -> vector<768x1280xf32>
    %get3A_1475 = arith.constant 0 : index
    %get3A_1476 = arith.constant 0 : index
    %get3A_1477 = vector.load %arg10[%get3A_1475, %get3A_1476] : memref<32x768xf32, #tpu.memory_space<vmem>>, vector<32x768xf32>
    %dot_general3A_1478 = arith.constant dense<0.000000e+00> : vector<32x1280xf32>
    %dot_general3A_1479 = tpu.matmul %get3A_1477, %concatenate3A_1474, %dot_general3A_1478 {dimension_numbers = #tpu.dot_dimension_numbers<[1], [0], [0], [1], [0, 0, 1, 1], [], []>, transpose_lhs_hint = false} : vector<32x768xf32>, vector<768x1280xf32>, vector<32x1280xf32> -> vector<32x1280xf32>
    %broadcast_in_dim3A_1480 = arith.constant 0.000000e+00 : f32
    %broadcast_in_dim3A_1481 = vector.broadcast %broadcast_in_dim3A_1480 : f32 to vector<32x1280xf32>
    %slice3A_1482 = vector.extract_strided_slice %add3A_65 {offsets = [0, 0], sizes = [32, 1280], strides = [1, 1]} : vector<288x1280xf32> to vector<32x1280xf32>
    %add3A_1483 = arith.addf %broadcast_in_dim3A_1481, %slice3A_1482 : vector<32x1280xf32>
    %slice3A_1484 = vector.extract_strided_slice %add3A_65 {offsets = [32, 0], sizes = [32, 1280], strides = [1, 1]} : vector<288x1280xf32> to vector<32x1280xf32>
    %add3A_1485 = arith.addf %add3A_1483, %slice3A_1484 : vector<32x1280xf32>
    %slice3A_1486 = vector.extract_strided_slice %add3A_65 {offsets = [64, 0], sizes = [32, 1280], strides = [1, 1]} : vector<288x1280xf32> to vector<32x1280xf32>
    %add3A_1487 = arith.addf %add3A_1485, %slice3A_1486 : vector<32x1280xf32>
    %slice3A_1488 = vector.extract_strided_slice %add3A_65 {offsets = [96, 0], sizes = [32, 1280], strides = [1, 1]} : vector<288x1280xf32> to vector<32x1280xf32>
    %add3A_1489 = arith.addf %add3A_1487, %slice3A_1488 : vector<32x1280xf32>
    %slice3A_1490 = vector.extract_strided_slice %add3A_65 {offsets = [128, 0], sizes = [32, 1280], strides = [1, 1]} : vector<288x1280xf32> to vector<32x1280xf32>
    %add3A_1491 = arith.addf %add3A_1489, %slice3A_1490 : vector<32x1280xf32>
    %slice3A_1492 = vector.extract_strided_slice %add3A_65 {offsets = [160, 0], sizes = [32, 1280], strides = [1, 1]} : vector<288x1280xf32> to vector<32x1280xf32>
    %add3A_1493 = arith.addf %add3A_1491, %slice3A_1492 : vector<32x1280xf32>
    %slice3A_1494 = vector.extract_strided_slice %add3A_65 {offsets = [192, 0], sizes = [32, 1280], strides = [1, 1]} : vector<288x1280xf32> to vector<32x1280xf32>
    %add3A_1495 = arith.addf %add3A_1493, %slice3A_1494 : vector<32x1280xf32>
    %slice3A_1496 = vector.extract_strided_slice %add3A_65 {offsets = [224, 0], sizes = [32, 1280], strides = [1, 1]} : vector<288x1280xf32> to vector<32x1280xf32>
    %add3A_1497 = arith.addf %add3A_1495, %slice3A_1496 : vector<32x1280xf32>
    %slice3A_1498 = vector.extract_strided_slice %add3A_65 {offsets = [256, 0], sizes = [32, 1280], strides = [1, 1]} : vector<288x1280xf32> to vector<32x1280xf32>
    %add3A_1499 = arith.addf %add3A_1497, %slice3A_1498 : vector<32x1280xf32>
    %reduce_sum3A = arith.constant dense<0.000000e+00> : vector<32xf32>
    %reduce_sum3A_1500 = vector.multi_reduction <add>, %dot_general3A_1479, %reduce_sum3A [1] : vector<32x1280xf32> to vector<32xf32>
    %broadcast_in_dim3A_1501 = vector.shape_cast %reduce_sum3A_1500 : vector<32xf32> to vector<32x1xf32>
    %mul3A_1502 = arith.mulf %concatenate3A_1474, %concatenate3A_1474 : vector<768x1280xf32>
    %reduce_sum3A_1503 = arith.constant dense<0.000000e+00> : vector<768xf32>
    %reduce_sum3A_1504 = vector.multi_reduction <add>, %mul3A_1502, %reduce_sum3A_1503 [1] : vector<768x1280xf32> to vector<768xf32>
    %broadcast_in_dim3A_1505 = vector.shape_cast %reduce_sum3A_1504 : vector<768xf32> to vector<768x1xf32>
    %mul3A_1506 = arith.mulf %dot_general3A_1479, %add3A_1499 : vector<32x1280xf32>
    %reduce_sum3A_1507 = arith.constant dense<0.000000e+00> : vector<32xf32>
    %reduce_sum3A_1508 = vector.multi_reduction <add>, %mul3A_1506, %reduce_sum3A_1507 [1] : vector<32x1280xf32> to vector<32xf32>
    %broadcast_in_dim3A_1509 = vector.shape_cast %reduce_sum3A_1508 : vector<32xf32> to vector<32x1xf32>
    %reduce_sum3A_1510 = arith.constant dense<0.000000e+00> : vector<32xf32>
    %reduce_sum3A_1511 = vector.multi_reduction <add>, %add3A_1499, %reduce_sum3A_1510 [1] : vector<32x1280xf32> to vector<32xf32>
    %broadcast_in_dim3A_1512 = vector.shape_cast %reduce_sum3A_1511 : vector<32xf32> to vector<32x1xf32>
    %mul3A_1513 = arith.mulf %add3A_1499, %add3A_1499 : vector<32x1280xf32>
    %reduce_sum3A_1514 = arith.constant dense<0.000000e+00> : vector<32xf32>
    %reduce_sum3A_1515 = vector.multi_reduction <add>, %mul3A_1513, %reduce_sum3A_1514 [1] : vector<32x1280xf32> to vector<32xf32>
    %broadcast_in_dim3A_1516 = vector.shape_cast %reduce_sum3A_1515 : vector<32xf32> to vector<32x1xf32>
    %reduce_sum3A_1517 = vector.shape_cast %dot_general3A_61 : vector<32x1280xf32> to vector<1x32x1280xf32>
    %reduce_sum3A_1518 = arith.constant dense<0.000000e+00> : vector<1xf32>
    %reduce_sum3A_1519 = vector.multi_reduction <add>, %reduce_sum3A_1517, %reduce_sum3A_1518 [1, 2] : vector<1x32x1280xf32> to vector<1xf32>
    %reduce_sum3A_1520 = vector.shape_cast %reduce_sum3A_1519 : vector<1xf32> to vector<1x1x1xf32>
    %reduce_sum3A_1521 = vector.extract %reduce_sum3A_1520[0, 0, 0] : f32 from vector<1x1x1xf32>
    %mul3A_1522 = arith.mulf %dot_general3A_61, %dot_general3A_61 : vector<32x1280xf32>
    %reduce_sum3A_1523 = vector.shape_cast %mul3A_1522 : vector<32x1280xf32> to vector<1x32x1280xf32>
    %reduce_sum3A_1524 = arith.constant dense<0.000000e+00> : vector<1xf32>
    %reduce_sum3A_1525 = vector.multi_reduction <add>, %reduce_sum3A_1523, %reduce_sum3A_1524 [1, 2] : vector<1x32x1280xf32> to vector<1xf32>
    %reduce_sum3A_1526 = vector.shape_cast %reduce_sum3A_1525 : vector<1xf32> to vector<1x1x1xf32>
    %reduce_sum3A_1527 = vector.extract %reduce_sum3A_1526[0, 0, 0] : f32 from vector<1x1x1xf32>
    %iota3A_1528 = tpu.iota {dimensions = array<i32: 0>} : vector<32x1xi32>
    %eq3A_1529 = arith.constant 0 : i32
    %eq3A_1530 = vector.broadcast %eq3A_1529 : i32 to vector<32x1xi32>
    %eq3A_1531 = arith.cmpi eq, %iota3A_1528, %eq3A_1530 : vector<32x1xi32>
    %eq3A_1532 = arith.constant 1 : i32
    %eq3A_1533 = vector.broadcast %eq3A_1532 : i32 to vector<32x1xi32>
    %eq3A_1534 = arith.cmpi eq, %iota3A_1528, %eq3A_1533 : vector<32x1xi32>
    %jit3A_1535 = arith.constant 0.000000e+00 : f32
    %broadcast_in_dim3A_1536 = vector.broadcast %reduce_sum3A_1527 : f32 to vector<32x1xf32>
    %broadcast_in_dim3A_1537 = vector.broadcast %jit3A_1535 : f32 to vector<32x1xf32>
    %select_n3A_1538 = arith.select %eq3A_1534, %broadcast_in_dim3A_1536, %broadcast_in_dim3A_1537 : vector<32x1xi1>, vector<32x1xf32>
    %broadcast_in_dim3A_1539 = vector.broadcast %reduce_sum3A_1521 : f32 to vector<32x1xf32>
    %select_n3A_1540 = arith.select %eq3A_1531, %broadcast_in_dim3A_1539, %select_n3A_1538 : vector<32x1xi1>, vector<32x1xf32>
    %get3A_1541 = arith.constant 0 : index
    %get3A_1542 = arith.constant 0 : index
    %get3A_1543 = vector.load %arg15[%get3A_1541, %get3A_1542] : memref<768x2xf32, #tpu.memory_space<vmem>>, vector<768x2xf32>
    %broadcast_in_dim3A_1544 = arith.constant 0.000000e+00 : f32
    %broadcast_in_dim3A_1545 = vector.broadcast %broadcast_in_dim3A_1544 : f32 to vector<768x1xf32>
    %concatenate3A_1546 = tpu.concatenate %broadcast_in_dim3A_1545, %broadcast_in_dim3A_1505 in 1 : vector<768x1xf32>, vector<768x1xf32> -> vector<768x2xf32>
    %add3A_1547 = arith.addf %get3A_1543, %concatenate3A_1546 : vector<768x2xf32>
    %swap3A_1548 = arith.constant 0 : index
    %swap3A_1549 = arith.constant 0 : index
    %swap3A_1550 = vector.load %arg15[%swap3A_1548, %swap3A_1549] : memref<768x2xf32, #tpu.memory_space<vmem>>, vector<768x2xf32>
    tpu.vector_store %arg15[%swap3A_1548, %swap3A_1549], %add3A_1547 {strides = array<i32>} : memref<768x2xf32, #tpu.memory_space<vmem>>, vector<768x2xf32>,
    %get3A_1551 = arith.constant 0 : index
    %get3A_1552 = arith.constant 0 : index
    %get3A_1553 = vector.load %arg16[%get3A_1551, %get3A_1552] : memref<32x5xf32, #tpu.memory_space<vmem>>, vector<32x5xf32>
    %concatenate3A_1554 = tpu.concatenate %broadcast_in_dim3A_1501, %broadcast_in_dim3A_1509, %broadcast_in_dim3A_1512, %broadcast_in_dim3A_1516, %select_n3A_1540 in 1 : vector<32x1xf32>, vector<32x1xf32>, vector<32x1xf32>, vector<32x1xf32>, vector<32x1xf32> -> vector<32x5xf32>
    %add3A_1555 = arith.addf %get3A_1553, %concatenate3A_1554 : vector<32x5xf32>
    %swap3A_1556 = arith.constant 0 : index
    %swap3A_1557 = arith.constant 0 : index
    %swap3A_1558 = vector.load %arg16[%swap3A_1556, %swap3A_1557] : memref<32x5xf32, #tpu.memory_space<vmem>>, vector<32x5xf32>
    tpu.vector_store %arg16[%swap3A_1556, %swap3A_1557], %add3A_1555 {strides = array<i32>} : memref<32x5xf32, #tpu.memory_space<vmem>>, vector<32x5xf32>,
    %eq3A_1559 = arith.constant 124 : i32
    %eq3A_1560 = arith.cmpi eq, %arg0, %eq3A_1559 : i32
    %convert_element_type3A_1561 = arith.extui %eq3A_1560 : i1 to i32
    %cond3A_1562 = arith.constant 0 : i32
    %cond3A_1563 = arith.cmpi ne, %convert_element_type3A_1561, %cond3A_1562 : i32
    scf.if %cond3A_1563 {
      %get3A_1564 = arith.constant 0 : index
      %get3A_1565 = arith.constant 0 : index
      %get3A_1566 = vector.load %arg15[%get3A_1564, %get3A_1565] : memref<768x2xf32, #tpu.memory_space<vmem>>, vector<768x2xf32>
      %swap3A_1567 = arith.constant 0 : index
      %swap3A_1568 = arith.constant 0 : index
      %swap3A_1569 = vector.load %arg13[%swap3A_1567, %swap3A_1568] : memref<768x2xf32, #tpu.memory_space<vmem>>, vector<768x2xf32>
      tpu.vector_store %arg13[%swap3A_1567, %swap3A_1568], %get3A_1566 {strides = array<i32>} : memref<768x2xf32, #tpu.memory_space<vmem>>, vector<768x2xf32>,
      %get3A_1570 = arith.constant 0 : index
      %get3A_1571 = arith.constant 0 : index
      %get3A_1572 = vector.load %arg16[%get3A_1570, %get3A_1571] : memref<32x5xf32, #tpu.memory_space<vmem>>, vector<32x5xf32>
      %swap3A_1573 = arith.constant 0 : index
      %swap3A_1574 = arith.constant 0 : index
      %swap3A_1575 = vector.load %arg14[%swap3A_1573, %swap3A_1574] : memref<32x5xf32, #tpu.memory_space<vmem>>, vector<32x5xf32>
      tpu.vector_store %arg14[%swap3A_1573, %swap3A_1574], %get3A_1572 {strides = array<i32>} : memref<32x5xf32, #tpu.memory_space<vmem>>, vector<32x5xf32>,
    } else {
    }
    return
  }
  func.func @transform_0(%arg0: i32) -> (i32, i32) {
    %c0_i32 = arith.constant 0 : i32
    %c0_i32_0 = arith.constant 0 : i32
    return %arg0, %c0_i32 : i32, i32
  }
  func.func @transform_1(%arg0: i32) -> (i32, i32) {
    %c0_i32 = arith.constant 0 : i32
    %c0_i32_0 = arith.constant 0 : i32
    return %arg0, %c0_i32 : i32, i32
  }
  func.func @transform_2(%arg0: i32) -> (i32, i32) {
    %c0_i32 = arith.constant 0 : i32
    %c0_i32_0 = arith.constant 0 : i32
    return %arg0, %c0_i32 : i32, i32
  }
  func.func @transform_3(%arg0: i32) -> (i32, i32) {
    %c0_i32 = arith.constant 0 : i32
    %c0_i32_0 = arith.constant 0 : i32
    %c0_i32_1 = arith.constant 0 : i32
    return %c0_i32, %c0_i32_0 : i32, i32
  }
  func.func @transform_4(%arg0: i32) -> (i32, i32) {
    %c0_i32 = arith.constant 0 : i32
    %c0_i32_0 = arith.constant 0 : i32
    %c0_i32_1 = arith.constant 0 : i32
    return %c0_i32, %c0_i32_0 : i32, i32
  }
  func.func @transform_5(%arg0: i32) -> (i32, i32) {
    %c0_i32 = arith.constant 0 : i32
    %c0_i32_0 = arith.constant 0 : i32
    %c0_i32_1 = arith.constant 0 : i32
    return %c0_i32, %c0_i32_0 : i32, i32
  }
  func.func @transform_6(%arg0: i32) -> (i32, i32) {
    %c0_i32 = arith.constant 0 : i32
    %c0_i32_0 = arith.constant 0 : i32
    %c0_i32_1 = arith.constant 0 : i32
    return %c0_i32, %c0_i32_0 : i32, i32
  }
  func.func @transform_7(%arg0: i32) -> (i32, i32) {
    %c0_i32 = arith.constant 0 : i32
    %c0_i32_0 = arith.constant 0 : i32
    %c0_i32_1 = arith.constant 0 : i32
    return %c0_i32, %c0_i32_0 : i32, i32
  }
  func.func @transform_8(%arg0: i32) -> (i32, i32) {
    %c0_i32 = arith.constant 0 : i32
    %c0_i32_0 = arith.constant 0 : i32
    %c0_i32_1 = arith.constant 0 : i32
    return %c0_i32, %c0_i32_0 : i32, i32
  }
  func.func @transform_9(%arg0: i32) -> (i32, i32) {
    %c0_i32 = arith.constant 0 : i32
    %c0_i32_0 = arith.constant 0 : i32
    %c0_i32_1 = arith.constant 0 : i32
    return %c0_i32, %c0_i32_0 : i32, i32
  }
  func.func @transform_10(%arg0: i32) -> (i32, i32) {
    %c0_i32 = arith.constant 0 : i32
    %c0_i32_0 = arith.constant 0 : i32
    return %arg0, %c0_i32 : i32, i32
  }
  func.func @transform_11(%arg0: i32) -> (i32, i32) {
    %c0_i32 = arith.constant 0 : i32
    %c0_i32_0 = arith.constant 0 : i32
    return %arg0, %c0_i32 : i32, i32
  }
  func.func @transform_12(%arg0: i32) -> (i32, i32) {
    %c0_i32 = arith.constant 0 : i32
    %c0_i32_0 = arith.constant 0 : i32
    %c0_i32_1 = arith.constant 0 : i32
    return %c0_i32, %c0_i32_0 : i32, i32
  }
  func.func @transform_13(%arg0: i32) -> (i32, i32) {
    %c0_i32 = arith.constant 0 : i32
    %c0_i32_0 = arith.constant 0 : i32
    %c0_i32_1 = arith.constant 0 : i32
    return %c0_i32, %c0_i32_0 : i32, i32
  }
}

module attributes {stable_mosaic.version = 14 : i64} {
  func.func @_k4_body(%arg0: memref<2x10240x128xf32, #tpu.memory_space<vmem>>, %arg1: memref<32x32xf32, #tpu.memory_space<vmem>>, %arg2: memref<32x32xf32, #tpu.memory_space<vmem>>, %arg3: memref<10240x128xf32, #tpu.memory_space<vmem>>, %arg4: memref<10240x128xf32, #tpu.memory_space<vmem>>) attributes {dimension_semantics = [], scalar_prefetch = 0 : i64, scratch_operands = 0 : i64, tpu.core_type = #tpu.core_type<tc>} {
    %get3A = arith.constant 0 : index
    %get3A_0 = arith.constant 0 : index
    %get3A_1 = arith.constant 0 : index
    %get3A_2 = vector.load %arg0[%get3A, %get3A_0, %get3A_1] : memref<2x10240x128xf32, #tpu.memory_space<vmem>>, vector<1x10240x128xf32>
    %get3A_3 = vector.shape_cast %get3A_2 : vector<1x10240x128xf32> to vector<10240x128xf32>
    %get3A_4 = arith.constant 1 : index
    %get3A_5 = arith.constant 0 : index
    %get3A_6 = arith.constant 0 : index
    %get3A_7 = vector.load %arg0[%get3A_4, %get3A_5, %get3A_6] : memref<2x10240x128xf32, #tpu.memory_space<vmem>>, vector<1x10240x128xf32>
    %get3A_8 = vector.shape_cast %get3A_7 : vector<1x10240x128xf32> to vector<10240x128xf32>
    %add3A = arith.addf %get3A_3, %get3A_8 : vector<10240x128xf32>
    %slice3A = vector.extract_strided_slice %add3A {offsets = [0, 0], sizes = [10240, 16], strides = [1, 1]} : vector<10240x128xf32> to vector<10240x16xf32>
    %slice3A_9 = vector.extract_strided_slice %add3A {offsets = [0, 32], sizes = [10240, 1], strides = [1, 1]} : vector<10240x128xf32> to vector<10240x1xf32>
    %add3A_10 = arith.constant 9.99999996E-13 : f32
    %add3A_11 = vector.broadcast %add3A_10 : f32 to vector<10240x1xf32>
    %add3A_12 = arith.addf %slice3A_9, %add3A_11 : vector<10240x1xf32>
    %div3A = vector.broadcast %add3A_12 : vector<10240x1xf32> to vector<10240x16xf32>
    %div3A_13 = arith.divf %slice3A, %div3A : vector<10240x16xf32>
    %slice3A_14 = vector.extract_strided_slice %add3A {offsets = [0, 16], sizes = [10240, 16], strides = [1, 1]} : vector<10240x128xf32> to vector<10240x16xf32>
    %slice3A_15 = vector.extract_strided_slice %add3A {offsets = [0, 33], sizes = [10240, 1], strides = [1, 1]} : vector<10240x128xf32> to vector<10240x1xf32>
    %add3A_16 = arith.constant 9.99999996E-13 : f32
    %add3A_17 = vector.broadcast %add3A_16 : f32 to vector<10240x1xf32>
    %add3A_18 = arith.addf %slice3A_15, %add3A_17 : vector<10240x1xf32>
    %div3A_19 = vector.broadcast %add3A_18 : vector<10240x1xf32> to vector<10240x16xf32>
    %div3A_20 = arith.divf %slice3A_14, %div3A_19 : vector<10240x16xf32>
    %concatenate3A = tpu.concatenate %div3A_13, %div3A_20 in 1 : vector<10240x16xf32>, vector<10240x16xf32> -> vector<10240x32xf32>
    %gt3A = arith.constant 0.000000e+00 : f32
    %gt3A_21 = vector.broadcast %gt3A : f32 to vector<10240x32xf32>
    %gt3A_22 = arith.cmpf ogt, %concatenate3A, %gt3A_21 : vector<10240x32xf32>
    %min3A = arith.constant 0.000000e+00 : f32
    %min3A_23 = vector.broadcast %min3A : f32 to vector<10240x32xf32>
    %min3A_24 = arith.minimumf %concatenate3A, %min3A_23 : vector<10240x32xf32>
    %exp3A = math.exp %min3A_24 : vector<10240x32xf32>
    %sub3A = arith.constant 1.000000e+00 : f32
    %sub3A_25 = vector.broadcast %sub3A : f32 to vector<10240x32xf32>
    %sub3A_26 = arith.subf %exp3A, %sub3A_25 : vector<10240x32xf32>
    %select_n3A = arith.select %gt3A_22, %concatenate3A, %sub3A_26 : vector<10240x32xi1>, vector<10240x32xf32>
    %broadcast_in_dim3A = arith.constant 0.000000e+00 : f32
    %broadcast_in_dim3A_27 = vector.broadcast %broadcast_in_dim3A : f32 to vector<10240x96xf32>
    %get3A_28 = arith.constant 0 : index
    %get3A_29 = arith.constant 0 : index
    %get3A_30 = vector.load %arg1[%get3A_28, %get3A_29] : memref<32x32xf32, #tpu.memory_space<vmem>>, vector<32x32xf32>
    %dot_general3A = arith.constant dense<0.000000e+00> : vector<10240x32xf32>
    %dot_general3A_31 = tpu.matmul %select_n3A, %get3A_30, %dot_general3A {dimension_numbers = #tpu.dot_dimension_numbers<[1], [0], [0], [1], [0, 0, 1, 1], [], []>, transpose_lhs_hint = false} : vector<10240x32xf32>, vector<32x32xf32>, vector<10240x32xf32> -> vector<10240x32xf32>
    %concatenate3A_32 = tpu.concatenate %dot_general3A_31, %broadcast_in_dim3A_27 in 1 : vector<10240x32xf32>, vector<10240x96xf32> -> vector<10240x128xf32>
    %swap3A = arith.constant 0 : index
    %swap3A_33 = arith.constant 0 : index
    %swap3A_34 = vector.load %arg3[%swap3A, %swap3A_33] : memref<10240x128xf32, #tpu.memory_space<vmem>>, vector<10240x128xf32>
    tpu.vector_store %arg3[%swap3A, %swap3A_33], %concatenate3A_32 {strides = array<i32>} : memref<10240x128xf32, #tpu.memory_space<vmem>>, vector<10240x128xf32>,
    %get3A_35 = arith.constant 0 : index
    %get3A_36 = arith.constant 0 : index
    %get3A_37 = vector.load %arg2[%get3A_35, %get3A_36] : memref<32x32xf32, #tpu.memory_space<vmem>>, vector<32x32xf32>
    %dot_general3A_38 = arith.constant dense<0.000000e+00> : vector<10240x32xf32>
    %dot_general3A_39 = tpu.matmul %select_n3A, %get3A_37, %dot_general3A_38 {dimension_numbers = #tpu.dot_dimension_numbers<[1], [0], [0], [1], [0, 0, 1, 1], [], []>, transpose_lhs_hint = false} : vector<10240x32xf32>, vector<32x32xf32>, vector<10240x32xf32> -> vector<10240x32xf32>
    %concatenate3A_40 = tpu.concatenate %dot_general3A_39, %broadcast_in_dim3A_27 in 1 : vector<10240x32xf32>, vector<10240x96xf32> -> vector<10240x128xf32>
    %swap3A_41 = arith.constant 0 : index
    %swap3A_42 = arith.constant 0 : index
    %swap3A_43 = vector.load %arg4[%swap3A_41, %swap3A_42] : memref<10240x128xf32, #tpu.memory_space<vmem>>, vector<10240x128xf32>
    tpu.vector_store %arg4[%swap3A_41, %swap3A_42], %concatenate3A_40 {strides = array<i32>} : memref<10240x128xf32, #tpu.memory_space<vmem>>, vector<10240x128xf32>,
    return
  }
}

module attributes {stable_mosaic.version = 14 : i64} {
  func.func @_att_edge_body(%arg0: i32, %arg1: memref<1280x128xf32, #tpu.memory_space<vmem>>, %arg2: memref<1280x128xf32, #tpu.memory_space<vmem>>, %arg3: memref<1280x1xf32, #tpu.memory_space<vmem>>, %arg4: memref<64x32xf32, #tpu.memory_space<vmem>>, %arg5: memref<32x1xf32, #tpu.memory_space<vmem>>, %arg6: memref<1x32xf32, #tpu.memory_space<vmem>>, %arg7: memref<1280x128xf32, #tpu.memory_space<vmem>>) attributes {dimension_semantics = [#tpu.dimension_semantics<arbitrary>], iteration_bounds = array<i64: 125>, scalar_prefetch = 0 : i64, scratch_operands = 0 : i64, tpu.core_type = #tpu.core_type<tc>, window_params = [{transform_indices = @transform_0, window_bounds = array<i64: 1280, 128>}, {transform_indices = @transform_1, window_bounds = array<i64: 1280, 128>}, {transform_indices = @transform_2, window_bounds = array<i64: 1280, 1>}, {pipeline_mode = #tpu.pipeline_mode<synchronous>, transform_indices = @transform_3, window_bounds = array<i64: 64, 32>}, {pipeline_mode = #tpu.pipeline_mode<synchronous>, transform_indices = @transform_4, window_bounds = array<i64: 32, 1>}, {pipeline_mode = #tpu.pipeline_mode<synchronous>, transform_indices = @transform_5, window_bounds = array<i64: 1, 32>}, {transform_indices = @transform_6, window_bounds = array<i64: 1280, 128>}]} {
    %get3A = arith.constant 0 : index
    %get3A_0 = arith.constant 0 : index
    %get3A_1 = vector.load %arg1[%get3A, %get3A_0] : memref<1280x128xf32, #tpu.memory_space<vmem>>, vector<1280x32xf32>
    %get3A_2 = arith.constant 0 : index
    %get3A_3 = arith.constant 0 : index
    %get3A_4 = vector.load %arg2[%get3A_2, %get3A_3] : memref<1280x128xf32, #tpu.memory_space<vmem>>, vector<1280x32xf32>
    %add3A = arith.addf %get3A_1, %get3A_4 : vector<1280x32xf32>
    %get3A_5 = arith.constant 0 : index
    %get3A_6 = arith.constant 0 : index
    %get3A_7 = vector.load %arg3[%get3A_5, %get3A_6] : memref<1280x1xf32, #tpu.memory_space<vmem>>, vector<1280x1xf32>
    %iota3A = tpu.iota {dimensions = array<i32: 1>} : vector<1280x64xi32>
    %convert_element_type3A = arith.sitofp %iota3A : vector<1280x64xi32> to vector<1280x64xf32>
    %eq3A = vector.broadcast %get3A_7 : vector<1280x1xf32> to vector<1280x64xf32>
    %eq3A_8 = arith.cmpf oeq, %eq3A, %convert_element_type3A : vector<1280x64xf32>
    %jit3A = arith.constant 1.000000e+00 : f32
    %jit3A_9 = arith.constant 0.000000e+00 : f32
    %broadcast_in_dim3A = vector.broadcast %jit3A : f32 to vector<1280x64xf32>
    %broadcast_in_dim3A_10 = vector.broadcast %jit3A_9 : f32 to vector<1280x64xf32>
    %select_n3A = arith.select %eq3A_8, %broadcast_in_dim3A, %broadcast_in_dim3A_10 : vector<1280x64xi1>, vector<1280x64xf32>
    %get3A_11 = arith.constant 0 : index
    %get3A_12 = arith.constant 0 : index
    %get3A_13 = vector.load %arg4[%get3A_11, %get3A_12] : memref<64x32xf32, #tpu.memory_space<vmem>>, vector<64x32xf32>
    %dot_general3A = arith.constant dense<0.000000e+00> : vector<1280x32xf32>
    %dot_general3A_14 = tpu.matmul %select_n3A, %get3A_13, %dot_general3A {dimension_numbers = #tpu.dot_dimension_numbers<[1], [0], [0], [1], [0, 0, 1, 1], [], []>, transpose_lhs_hint = false} : vector<1280x64xf32>, vector<64x32xf32>, vector<1280x32xf32> -> vector<1280x32xf32>
    %add3A_15 = arith.addf %add3A, %dot_general3A_14 : vector<1280x32xf32>
    %get3A_16 = arith.constant 0 : index
    %get3A_17 = arith.constant 0 : index
    %get3A_18 = vector.load %arg5[%get3A_16, %get3A_17] : memref<32x1xf32, #tpu.memory_space<vmem>>, vector<32x1xf32>
    %dot_general3A_19 = arith.constant dense<0.000000e+00> : vector<1280x1xf32>
    %dot_general3A_20 = tpu.matmul %add3A_15, %get3A_18, %dot_general3A_19 {dimension_numbers = #tpu.dot_dimension_numbers<[1], [0], [0], [1], [0, 0, 1, 1], [], []>, transpose_lhs_hint = false} : vector<1280x32xf32>, vector<32x1xf32>, vector<1280x1xf32> -> vector<1280x1xf32>
    %gt3A = arith.constant 0.000000e+00 : f32
    %gt3A_21 = vector.broadcast %gt3A : f32 to vector<1280x1xf32>
    %gt3A_22 = arith.cmpf ogt, %dot_general3A_20, %gt3A_21 : vector<1280x1xf32>
    %mul3A = arith.constant 2.000000e-01 : f32
    %mul3A_23 = vector.broadcast %mul3A : f32 to vector<1280x1xf32>
    %mul3A_24 = arith.mulf %mul3A_23, %dot_general3A_20 : vector<1280x1xf32>
    %select_n3A_25 = arith.select %gt3A_22, %dot_general3A_20, %mul3A_24 : vector<1280x1xi1>, vector<1280x1xf32>
    %neg3A = arith.constant 0.000000e+00 : f32
    %neg3A_26 = vector.broadcast %neg3A : f32 to vector<1280x1xf32>
    %neg3A_27 = arith.subf %neg3A_26, %select_n3A_25 : vector<1280x1xf32>
    %exp3A = math.exp %neg3A_27 : vector<1280x1xf32>
    %get3A_28 = arith.constant 0 : index
    %get3A_29 = arith.constant 0 : index
    %get3A_30 = vector.load %arg6[%get3A_28, %get3A_29] : memref<1x32xf32, #tpu.memory_space<vmem>>, vector<1x32xf32>
    %dot_general3A_31 = arith.constant dense<0.000000e+00> : vector<1280x32xf32>
    %dot_general3A_32 = tpu.matmul %exp3A, %get3A_30, %dot_general3A_31 {dimension_numbers = #tpu.dot_dimension_numbers<[1], [0], [0], [1], [0, 0, 1, 1], [], []>, transpose_lhs_hint = false} : vector<1280x1xf32>, vector<1x32xf32>, vector<1280x32xf32> -> vector<1280x32xf32>
    %mul3A_33 = arith.mulf %add3A_15, %dot_general3A_32 : vector<1280x32xf32>
    %broadcast_in_dim3A_34 = arith.constant 0.000000e+00 : f32
    %broadcast_in_dim3A_35 = vector.broadcast %broadcast_in_dim3A_34 : f32 to vector<1280x95xf32>
    %concatenate3A = tpu.concatenate %mul3A_33, %exp3A, %broadcast_in_dim3A_35 in 1 : vector<1280x32xf32>, vector<1280x1xf32>, vector<1280x95xf32> -> vector<1280x128xf32>
    %swap3A = arith.constant 0 : index
    %swap3A_36 = arith.constant 0 : index
    %swap3A_37 = vector.load %arg7[%swap3A, %swap3A_36] : memref<1280x128xf32, #tpu.memory_space<vmem>>, vector<1280x128xf32>
    tpu.vector_store %arg7[%swap3A, %swap3A_36], %concatenate3A {strides = array<i32>} : memref<1280x128xf32, #tpu.memory_space<vmem>>, vector<1280x128xf32>,
    return
  }
  func.func @transform_0(%arg0: i32) -> (i32, i32) {
    %c0_i32 = arith.constant 0 : i32
    %c0_i32_0 = arith.constant 0 : i32
    return %arg0, %c0_i32 : i32, i32
  }
  func.func @transform_1(%arg0: i32) -> (i32, i32) {
    %c0_i32 = arith.constant 0 : i32
    %c0_i32_0 = arith.constant 0 : i32
    return %arg0, %c0_i32 : i32, i32
  }
  func.func @transform_2(%arg0: i32) -> (i32, i32) {
    %c0_i32 = arith.constant 0 : i32
    %c0_i32_0 = arith.constant 0 : i32
    return %arg0, %c0_i32 : i32, i32
  }
  func.func @transform_3(%arg0: i32) -> (i32, i32) {
    %c0_i32 = arith.constant 0 : i32
    %c0_i32_0 = arith.constant 0 : i32
    %c0_i32_1 = arith.constant 0 : i32
    return %c0_i32, %c0_i32_0 : i32, i32
  }
  func.func @transform_4(%arg0: i32) -> (i32, i32) {
    %c0_i32 = arith.constant 0 : i32
    %c0_i32_0 = arith.constant 0 : i32
    %c0_i32_1 = arith.constant 0 : i32
    return %c0_i32, %c0_i32_0 : i32, i32
  }
  func.func @transform_5(%arg0: i32) -> (i32, i32) {
    %c0_i32 = arith.constant 0 : i32
    %c0_i32_0 = arith.constant 0 : i32
    %c0_i32_1 = arith.constant 0 : i32
    return %c0_i32, %c0_i32_0 : i32, i32
  }
  func.func @transform_6(%arg0: i32) -> (i32, i32) {
    %c0_i32 = arith.constant 0 : i32
    %c0_i32_0 = arith.constant 0 : i32
    return %arg0, %c0_i32 : i32, i32
  }
}

module attributes {stable_mosaic.version = 14 : i64} {
  func.func @_kh0_body(%arg0: memref<768x2xf32, #tpu.memory_space<vmem>>, %arg1: memref<32x5xf32, #tpu.memory_space<vmem>>, %arg2: memref<32x768xf32, #tpu.memory_space<vmem>>, %arg3: memref<32x768xf32, #tpu.memory_space<vmem>>, %arg4: memref<297x32xf32, #tpu.memory_space<vmem>>, %arg5: memref<768x32xf32, #tpu.memory_space<vmem>>, %arg6: memref<1x32xf32, #tpu.memory_space<vmem>>, %arg7: memref<32x4xf32, #tpu.memory_space<vmem>>, %arg8: memref<33x1056xf32, #tpu.memory_space<vmem>>) attributes {dimension_semantics = [], scalar_prefetch = 0 : i64, scratch_operands = 0 : i64, tpu.core_type = #tpu.core_type<tc>} {
    %get3A = arith.constant 0 : index
    %get3A_0 = arith.constant 0 : index
    %get3A_1 = vector.load %arg2[%get3A, %get3A_0] : memref<32x768xf32, #tpu.memory_space<vmem>>, vector<32x768xf32>
    %get3A_2 = arith.constant 0 : index
    %get3A_3 = arith.constant 1 : index
    %get3A_4 = vector.load %arg0[%get3A_2, %get3A_3] : memref<768x2xf32, #tpu.memory_space<vmem>>, vector<768x1xf32>
    %dot_general3A = arith.constant dense<0.000000e+00> : vector<32x1xf32>
    %dot_general3A_5 = tpu.matmul %get3A_1, %get3A_4, %dot_general3A {dimension_numbers = #tpu.dot_dimension_numbers<[1], [0], [0], [1], [0, 0, 1, 1], [], []>, transpose_lhs_hint = false} : vector<32x768xf32>, vector<768x1xf32>, vector<32x1xf32> -> vector<32x1xf32>
    %get3A_6 = arith.constant 0 : index
    %get3A_7 = arith.constant 0 : index
    %get3A_8 = vector.load %arg1[%get3A_6, %get3A_7] : memref<32x5xf32, #tpu.memory_space<vmem>>, vector<32x5xf32>
    %slice3A = vector.extract_strided_slice %get3A_8 {offsets = [0, 0], sizes = [32, 1], strides = [1, 1]} : vector<32x5xf32> to vector<32x1xf32>
    %slice3A_9 = vector.extract_strided_slice %get3A_8 {offsets = [0, 1], sizes = [32, 1], strides = [1, 1]} : vector<32x5xf32> to vector<32x1xf32>
    %slice3A_10 = vector.extract_strided_slice %get3A_8 {offsets = [0, 2], sizes = [32, 1], strides = [1, 1]} : vector<32x5xf32> to vector<32x1xf32>
    %slice3A_11 = vector.extract_strided_slice %get3A_8 {offsets = [0, 3], sizes = [32, 1], strides = [1, 1]} : vector<32x5xf32> to vector<32x1xf32>
    %iota3A = tpu.iota {dimensions = array<i32: 0>} : vector<32x1xi32>
    %eq3A = arith.constant 0 : i32
    %eq3A_12 = vector.broadcast %eq3A : i32 to vector<32x1xi32>
    %eq3A_13 = arith.cmpi eq, %iota3A, %eq3A_12 : vector<32x1xi32>
    %slice3A_14 = vector.extract_strided_slice %get3A_8 {offsets = [0, 4], sizes = [32, 1], strides = [1, 1]} : vector<32x5xf32> to vector<32x1xf32>
    %jit3A = arith.constant 0.000000e+00 : f32
    %broadcast_in_dim3A = vector.broadcast %jit3A : f32 to vector<32x1xf32>
    %select_n3A = arith.select %eq3A_13, %slice3A_14, %broadcast_in_dim3A : vector<32x1xi1>, vector<32x1xf32>
    %reduce_sum3A = vector.shape_cast %select_n3A : vector<32x1xf32> to vector<1x32x1xf32>
    %reduce_sum3A_15 = arith.constant dense<0.000000e+00> : vector<1xf32>
    %reduce_sum3A_16 = vector.multi_reduction <add>, %reduce_sum3A, %reduce_sum3A_15 [1, 2] : vector<1x32x1xf32> to vector<1xf32>
    %reduce_sum3A_17 = vector.shape_cast %reduce_sum3A_16 : vector<1xf32> to vector<1x1x1xf32>
    %reduce_sum3A_18 = vector.extract %reduce_sum3A_17[0, 0, 0] : f32 from vector<1x1x1xf32>
    %eq3A_19 = arith.constant 1 : i32
    %eq3A_20 = vector.broadcast %eq3A_19 : i32 to vector<32x1xi32>
    %eq3A_21 = arith.cmpi eq, %iota3A, %eq3A_20 : vector<32x1xi32>
    %slice3A_22 = vector.extract_strided_slice %get3A_8 {offsets = [0, 4], sizes = [32, 1], strides = [1, 1]} : vector<32x5xf32> to vector<32x1xf32>
    %jit3A_23 = arith.constant 0.000000e+00 : f32
    %broadcast_in_dim3A_24 = vector.broadcast %jit3A_23 : f32 to vector<32x1xf32>
    %select_n3A_25 = arith.select %eq3A_21, %slice3A_22, %broadcast_in_dim3A_24 : vector<32x1xi1>, vector<32x1xf32>
    %reduce_sum3A_26 = vector.shape_cast %select_n3A_25 : vector<32x1xf32> to vector<1x32x1xf32>
    %reduce_sum3A_27 = arith.constant dense<0.000000e+00> : vector<1xf32>
    %reduce_sum3A_28 = vector.multi_reduction <add>, %reduce_sum3A_26, %reduce_sum3A_27 [1, 2] : vector<1x32x1xf32> to vector<1xf32>
    %reduce_sum3A_29 = vector.shape_cast %reduce_sum3A_28 : vector<1xf32> to vector<1x1x1xf32>
    %reduce_sum3A_30 = vector.extract %reduce_sum3A_29[0, 0, 0] : f32 from vector<1x1x1xf32>
    %div3A = arith.constant 5.120000e+06 : f32
    %div3A_31 = arith.divf %reduce_sum3A_18, %div3A : f32
    %div3A_32 = arith.constant 5.120000e+06 : f32
    %div3A_33 = arith.divf %reduce_sum3A_30, %div3A_32 : f32
    %mul3A = arith.mulf %div3A_31, %div3A_31 : f32
    %sub3A = arith.subf %div3A_33, %mul3A : f32
    %get3A_34 = arith.constant 0 : index
    %get3A_35 = arith.constant 0 : index
    %get3A_36 = vector.load %arg7[%get3A_34, %get3A_35] : memref<32x4xf32, #tpu.memory_space<vmem>>, vector<32x4xf32>
    %slice3A_37 = vector.extract_strided_slice %get3A_36 {offsets = [0, 0], sizes = [32, 1], strides = [1, 1]} : vector<32x4xf32> to vector<32x1xf32>
    %slice3A_38 = vector.extract_strided_slice %get3A_36 {offsets = [0, 1], sizes = [32, 1], strides = [1, 1]} : vector<32x4xf32> to vector<32x1xf32>
    %eq3A_39 = arith.constant 0 : i32
    %eq3A_40 = vector.broadcast %eq3A_39 : i32 to vector<32x1xi32>
    %eq3A_41 = arith.cmpi eq, %iota3A, %eq3A_40 : vector<32x1xi32>
    %slice3A_42 = vector.extract_strided_slice %get3A_36 {offsets = [0, 2], sizes = [32, 1], strides = [1, 1]} : vector<32x4xf32> to vector<32x1xf32>
    %jit3A_43 = arith.constant 0.000000e+00 : f32
    %broadcast_in_dim3A_44 = vector.broadcast %jit3A_43 : f32 to vector<32x1xf32>
    %select_n3A_45 = arith.select %eq3A_41, %slice3A_42, %broadcast_in_dim3A_44 : vector<32x1xi1>, vector<32x1xf32>
    %reduce_sum3A_46 = vector.shape_cast %select_n3A_45 : vector<32x1xf32> to vector<1x32x1xf32>
    %reduce_sum3A_47 = arith.constant dense<0.000000e+00> : vector<1xf32>
    %reduce_sum3A_48 = vector.multi_reduction <add>, %reduce_sum3A_46, %reduce_sum3A_47 [1, 2] : vector<1x32x1xf32> to vector<1xf32>
    %reduce_sum3A_49 = vector.shape_cast %reduce_sum3A_48 : vector<1xf32> to vector<1x1x1xf32>
    %reduce_sum3A_50 = vector.extract %reduce_sum3A_49[0, 0, 0] : f32 from vector<1x1x1xf32>
    %eq3A_51 = arith.constant 0 : i32
    %eq3A_52 = vector.broadcast %eq3A_51 : i32 to vector<32x1xi32>
    %eq3A_53 = arith.cmpi eq, %iota3A, %eq3A_52 : vector<32x1xi32>
    %slice3A_54 = vector.extract_strided_slice %get3A_36 {offsets = [0, 3], sizes = [32, 1], strides = [1, 1]} : vector<32x4xf32> to vector<32x1xf32>
    %jit3A_55 = arith.constant 0.000000e+00 : f32
    %broadcast_in_dim3A_56 = vector.broadcast %jit3A_55 : f32 to vector<32x1xf32>
    %select_n3A_57 = arith.select %eq3A_53, %slice3A_54, %broadcast_in_dim3A_56 : vector<32x1xi1>, vector<32x1xf32>
    %reduce_sum3A_58 = vector.shape_cast %select_n3A_57 : vector<32x1xf32> to vector<1x32x1xf32>
    %reduce_sum3A_59 = arith.constant dense<0.000000e+00> : vector<1xf32>
    %reduce_sum3A_60 = vector.multi_reduction <add>, %reduce_sum3A_58, %reduce_sum3A_59 [1, 2] : vector<1x32x1xf32> to vector<1xf32>
    %reduce_sum3A_61 = vector.shape_cast %reduce_sum3A_60 : vector<1xf32> to vector<1x1x1xf32>
    %reduce_sum3A_62 = vector.extract %reduce_sum3A_61[0, 0, 0] : f32 from vector<1x1x1xf32>
    %add3A = arith.constant 9.99999974E-6 : f32
    %add3A_63 = arith.addf %sub3A, %add3A : f32
    %sqrt3A = math.sqrt %add3A_63 : f32
    %div3A_64 = arith.divf %reduce_sum3A_50, %sqrt3A : f32
    %mul3A_65 = arith.mulf %div3A_64, %div3A_31 : f32
    %sub3A_66 = arith.subf %reduce_sum3A_62, %mul3A_65 : f32
    %mul3A_67 = vector.broadcast %div3A_64 : f32 to vector<32x1xf32>
    %mul3A_68 = arith.mulf %mul3A_67, %slice3A : vector<32x1xf32>
    %mul3A_69 = arith.constant 2.400000e+01 : f32
    %mul3A_70 = arith.mulf %mul3A_69, %sub3A_66 : f32
    %mul3A_71 = vector.broadcast %mul3A_70 : f32 to vector<32x1xf32>
    %mul3A_72 = arith.mulf %mul3A_71, %slice3A_10 : vector<32x1xf32>
    %add3A_73 = arith.addf %mul3A_68, %mul3A_72 : vector<32x1xf32>
    %mul3A_74 = arith.mulf %div3A_64, %div3A_64 : f32
    %mul3A_75 = vector.broadcast %mul3A_74 : f32 to vector<32x1xf32>
    %mul3A_76 = arith.mulf %mul3A_75, %dot_general3A_5 : vector<32x1xf32>
    %mul3A_77 = arith.constant 2.000000e+00 : f32
    %mul3A_78 = arith.mulf %mul3A_77, %div3A_64 : f32
    %mul3A_79 = arith.mulf %mul3A_78, %sub3A_66 : f32
    %mul3A_80 = vector.broadcast %mul3A_79 : f32 to vector<32x1xf32>
    %mul3A_81 = arith.mulf %mul3A_80, %slice3A_9 : vector<32x1xf32>
    %add3A_82 = arith.addf %mul3A_76, %mul3A_81 : vector<32x1xf32>
    %mul3A_83 = arith.constant 2.400000e+01 : f32
    %mul3A_84 = arith.mulf %mul3A_83, %sub3A_66 : f32
    %mul3A_85 = arith.mulf %mul3A_84, %sub3A_66 : f32
    %mul3A_86 = vector.broadcast %mul3A_85 : f32 to vector<32x1xf32>
    %mul3A_87 = arith.mulf %mul3A_86, %slice3A_11 : vector<32x1xf32>
    %add3A_88 = arith.addf %add3A_82, %mul3A_87 : vector<32x1xf32>
    %div3A_89 = arith.constant 3.840000e+06 : f32
    %div3A_90 = vector.broadcast %div3A_89 : f32 to vector<32x1xf32>
    %div3A_91 = arith.divf %add3A_73, %div3A_90 : vector<32x1xf32>
    %div3A_92 = arith.constant 3.840000e+06 : f32
    %div3A_93 = vector.broadcast %div3A_92 : f32 to vector<32x1xf32>
    %div3A_94 = arith.divf %add3A_88, %div3A_93 : vector<32x1xf32>
    %mul3A_95 = arith.mulf %div3A_91, %div3A_91 : vector<32x1xf32>
    %sub3A_96 = arith.subf %div3A_94, %mul3A_95 : vector<32x1xf32>
    %add3A_97 = arith.constant 9.99999974E-6 : f32
    %add3A_98 = vector.broadcast %add3A_97 : f32 to vector<32x1xf32>
    %add3A_99 = arith.addf %sub3A_96, %add3A_98 : vector<32x1xf32>
    %sqrt3A_100 = math.sqrt %add3A_99 : vector<32x1xf32>
    %div3A_101 = arith.divf %slice3A_37, %sqrt3A_100 : vector<32x1xf32>
    %mul3A_102 = arith.mulf %div3A_101, %div3A_91 : vector<32x1xf32>
    %sub3A_103 = arith.subf %slice3A_38, %mul3A_102 : vector<32x1xf32>
    %get3A_104 = arith.constant 0 : index
    %get3A_105 = arith.constant 0 : index
    %get3A_106 = vector.load %arg3[%get3A_104, %get3A_105] : memref<32x768xf32, #tpu.memory_space<vmem>>, vector<32x768xf32>
    %mul3A_107 = vector.broadcast %div3A_101 : vector<32x1xf32> to vector<32x768xf32>
    %mul3A_108 = arith.mulf %get3A_106, %mul3A_107 : vector<32x768xf32>
    %broadcast_in_dim3A_109 = arith.constant 0.000000e+00 : f32
    %broadcast_in_dim3A_110 = vector.broadcast %broadcast_in_dim3A_109 : f32 to vector<33x1024xf32>
    %broadcast_in_dim3A_111 = arith.constant 0.000000e+00 : f32
    %broadcast_in_dim3A_112 = vector.broadcast %broadcast_in_dim3A_111 : f32 to vector<33x768xf32>
    %get3A_113 = arith.constant 0 : index
    %get3A_114 = arith.constant 0 : index
    %get3A_115 = vector.load %arg4[%get3A_113, %get3A_114] : memref<297x32xf32, #tpu.memory_space<vmem>>, vector<33x32xf32>
    %dot_general3A_116 = arith.constant dense<0.000000e+00> : vector<33x768xf32>
    %dot_general3A_117 = tpu.matmul %get3A_115, %mul3A_108, %dot_general3A_116 {dimension_numbers = #tpu.dot_dimension_numbers<[1], [0], [0], [1], [0, 0, 1, 1], [], []>, transpose_lhs_hint = false} : vector<33x32xf32>, vector<32x768xf32>, vector<33x768xf32> -> vector<33x768xf32>
    %add3A_118 = arith.addf %broadcast_in_dim3A_112, %dot_general3A_117 : vector<33x768xf32>
    %jit3A_119 = arith.constant 0 : i32
    %convert_element_type3A = arith.sitofp %jit3A_119 : i32 to f32
    %pad3A = vector.broadcast %convert_element_type3A : f32 to vector<33x256xf32>
    %pad3A_120 = tpu.concatenate %dot_general3A_117, %pad3A in 1 : vector<33x768xf32>, vector<33x256xf32> -> vector<33x1024xf32>
    %add3A_121 = arith.addf %broadcast_in_dim3A_110, %pad3A_120 : vector<33x1024xf32>
    %get3A_122 = arith.constant 33 : index
    %get3A_123 = arith.constant 0 : index
    %get3A_124 = vector.load %arg4[%get3A_122, %get3A_123] : memref<297x32xf32, #tpu.memory_space<vmem>>, vector<33x32xf32>
    %dot_general3A_125 = arith.constant dense<0.000000e+00> : vector<33x768xf32>
    %dot_general3A_126 = tpu.matmul %get3A_124, %mul3A_108, %dot_general3A_125 {dimension_numbers = #tpu.dot_dimension_numbers<[1], [0], [0], [1], [0, 0, 1, 1], [], []>, transpose_lhs_hint = false} : vector<33x32xf32>, vector<32x768xf32>, vector<33x768xf32> -> vector<33x768xf32>
    %add3A_127 = arith.addf %add3A_118, %dot_general3A_126 : vector<33x768xf32>
    %jit3A_128 = arith.constant 0 : i32
    %convert_element_type3A_129 = arith.sitofp %jit3A_128 : i32 to f32
    %pad3A_130 = vector.broadcast %convert_element_type3A_129 : f32 to vector<33x32xf32>
    %pad3A_131 = tpu.concatenate %pad3A_130, %dot_general3A_126 in 1 : vector<33x32xf32>, vector<33x768xf32> -> vector<33x800xf32>
    %pad3A_132 = vector.broadcast %convert_element_type3A_129 : f32 to vector<33x224xf32>
    %pad3A_133 = tpu.concatenate %pad3A_131, %pad3A_132 in 1 : vector<33x800xf32>, vector<33x224xf32> -> vector<33x1024xf32>
    %add3A_134 = arith.addf %add3A_121, %pad3A_133 : vector<33x1024xf32>
    %get3A_135 = arith.constant 66 : index
    %get3A_136 = arith.constant 0 : index
    %get3A_137 = vector.load %arg4[%get3A_135, %get3A_136] : memref<297x32xf32, #tpu.memory_space<vmem>>, vector<33x32xf32>
    %dot_general3A_138 = arith.constant dense<0.000000e+00> : vector<33x768xf32>
    %dot_general3A_139 = tpu.matmul %get3A_137, %mul3A_108, %dot_general3A_138 {dimension_numbers = #tpu.dot_dimension_numbers<[1], [0], [0], [1], [0, 0, 1, 1], [], []>, transpose_lhs_hint = false} : vector<33x32xf32>, vector<32x768xf32>, vector<33x768xf32> -> vector<33x768xf32>
    %add3A_140 = arith.addf %add3A_127, %dot_general3A_139 : vector<33x768xf32>
    %jit3A_141 = arith.constant 0 : i32
    %convert_element_type3A_142 = arith.sitofp %jit3A_141 : i32 to f32
    %pad3A_143 = vector.broadcast %convert_element_type3A_142 : f32 to vector<33x64xf32>
    %pad3A_144 = tpu.concatenate %pad3A_143, %dot_general3A_139 in 1 : vector<33x64xf32>, vector<33x768xf32> -> vector<33x832xf32>
    %pad3A_145 = vector.broadcast %convert_element_type3A_142 : f32 to vector<33x192xf32>
    %pad3A_146 = tpu.concatenate %pad3A_144, %pad3A_145 in 1 : vector<33x832xf32>, vector<33x192xf32> -> vector<33x1024xf32>
    %add3A_147 = arith.addf %add3A_134, %pad3A_146 : vector<33x1024xf32>
    %get3A_148 = arith.constant 99 : index
    %get3A_149 = arith.constant 0 : index
    %get3A_150 = vector.load %arg4[%get3A_148, %get3A_149] : memref<297x32xf32, #tpu.memory_space<vmem>>, vector<33x32xf32>
    %dot_general3A_151 = arith.constant dense<0.000000e+00> : vector<33x768xf32>
    %dot_general3A_152 = tpu.matmul %get3A_150, %mul3A_108, %dot_general3A_151 {dimension_numbers = #tpu.dot_dimension_numbers<[1], [0], [0], [1], [0, 0, 1, 1], [], []>, transpose_lhs_hint = false} : vector<33x32xf32>, vector<32x768xf32>, vector<33x768xf32> -> vector<33x768xf32>
    %add3A_153 = arith.addf %add3A_140, %dot_general3A_152 : vector<33x768xf32>
    %jit3A_154 = arith.constant 0 : i32
    %convert_element_type3A_155 = arith.sitofp %jit3A_154 : i32 to f32
    %pad3A_156 = vector.broadcast %convert_element_type3A_155 : f32 to vector<33x96xf32>
    %pad3A_157 = tpu.concatenate %pad3A_156, %dot_general3A_152 in 1 : vector<33x96xf32>, vector<33x768xf32> -> vector<33x864xf32>
    %pad3A_158 = vector.broadcast %convert_element_type3A_155 : f32 to vector<33x160xf32>
    %pad3A_159 = tpu.concatenate %pad3A_157, %pad3A_158 in 1 : vector<33x864xf32>, vector<33x160xf32> -> vector<33x1024xf32>
    %add3A_160 = arith.addf %add3A_147, %pad3A_159 : vector<33x1024xf32>
    %get3A_161 = arith.constant 132 : index
    %get3A_162 = arith.constant 0 : index
    %get3A_163 = vector.load %arg4[%get3A_161, %get3A_162] : memref<297x32xf32, #tpu.memory_space<vmem>>, vector<33x32xf32>
    %dot_general3A_164 = arith.constant dense<0.000000e+00> : vector<33x768xf32>
    %dot_general3A_165 = tpu.matmul %get3A_163, %mul3A_108, %dot_general3A_164 {dimension_numbers = #tpu.dot_dimension_numbers<[1], [0], [0], [1], [0, 0, 1, 1], [], []>, transpose_lhs_hint = false} : vector<33x32xf32>, vector<32x768xf32>, vector<33x768xf32> -> vector<33x768xf32>
    %add3A_166 = arith.addf %add3A_153, %dot_general3A_165 : vector<33x768xf32>
    %jit3A_167 = arith.constant 0 : i32
    %convert_element_type3A_168 = arith.sitofp %jit3A_167 : i32 to f32
    %pad3A_169 = vector.broadcast %convert_element_type3A_168 : f32 to vector<33x128xf32>
    %pad3A_170 = tpu.concatenate %pad3A_169, %dot_general3A_165 in 1 : vector<33x128xf32>, vector<33x768xf32> -> vector<33x896xf32>
    %pad3A_171 = vector.broadcast %convert_element_type3A_168 : f32 to vector<33x128xf32>
    %pad3A_172 = tpu.concatenate %pad3A_170, %pad3A_171 in 1 : vector<33x896xf32>, vector<33x128xf32> -> vector<33x1024xf32>
    %add3A_173 = arith.addf %add3A_160, %pad3A_172 : vector<33x1024xf32>
    %get3A_174 = arith.constant 165 : index
    %get3A_175 = arith.constant 0 : index
    %get3A_176 = vector.load %arg4[%get3A_174, %get3A_175] : memref<297x32xf32, #tpu.memory_space<vmem>>, vector<33x32xf32>
    %dot_general3A_177 = arith.constant dense<0.000000e+00> : vector<33x768xf32>
    %dot_general3A_178 = tpu.matmul %get3A_176, %mul3A_108, %dot_general3A_177 {dimension_numbers = #tpu.dot_dimension_numbers<[1], [0], [0], [1], [0, 0, 1, 1], [], []>, transpose_lhs_hint = false} : vector<33x32xf32>, vector<32x768xf32>, vector<33x768xf32> -> vector<33x768xf32>
    %add3A_179 = arith.addf %add3A_166, %dot_general3A_178 : vector<33x768xf32>
    %jit3A_180 = arith.constant 0 : i32
    %convert_element_type3A_181 = arith.sitofp %jit3A_180 : i32 to f32
    %pad3A_182 = vector.broadcast %convert_element_type3A_181 : f32 to vector<33x160xf32>
    %pad3A_183 = tpu.concatenate %pad3A_182, %dot_general3A_178 in 1 : vector<33x160xf32>, vector<33x768xf32> -> vector<33x928xf32>
    %pad3A_184 = vector.broadcast %convert_element_type3A_181 : f32 to vector<33x96xf32>
    %pad3A_185 = tpu.concatenate %pad3A_183, %pad3A_184 in 1 : vector<33x928xf32>, vector<33x96xf32> -> vector<33x1024xf32>
    %add3A_186 = arith.addf %add3A_173, %pad3A_185 : vector<33x1024xf32>
    %get3A_187 = arith.constant 198 : index
    %get3A_188 = arith.constant 0 : index
    %get3A_189 = vector.load %arg4[%get3A_187, %get3A_188] : memref<297x32xf32, #tpu.memory_space<vmem>>, vector<33x32xf32>
    %dot_general3A_190 = arith.constant dense<0.000000e+00> : vector<33x768xf32>
    %dot_general3A_191 = tpu.matmul %get3A_189, %mul3A_108, %dot_general3A_190 {dimension_numbers = #tpu.dot_dimension_numbers<[1], [0], [0], [1], [0, 0, 1, 1], [], []>, transpose_lhs_hint = false} : vector<33x32xf32>, vector<32x768xf32>, vector<33x768xf32> -> vector<33x768xf32>
    %add3A_192 = arith.addf %add3A_179, %dot_general3A_191 : vector<33x768xf32>
    %jit3A_193 = arith.constant 0 : i32
    %convert_element_type3A_194 = arith.sitofp %jit3A_193 : i32 to f32
    %pad3A_195 = vector.broadcast %convert_element_type3A_194 : f32 to vector<33x192xf32>
    %pad3A_196 = tpu.concatenate %pad3A_195, %dot_general3A_191 in 1 : vector<33x192xf32>, vector<33x768xf32> -> vector<33x960xf32>
    %pad3A_197 = vector.broadcast %convert_element_type3A_194 : f32 to vector<33x64xf32>
    %pad3A_198 = tpu.concatenate %pad3A_196, %pad3A_197 in 1 : vector<33x960xf32>, vector<33x64xf32> -> vector<33x1024xf32>
    %add3A_199 = arith.addf %add3A_186, %pad3A_198 : vector<33x1024xf32>
    %get3A_200 = arith.constant 231 : index
    %get3A_201 = arith.constant 0 : index
    %get3A_202 = vector.load %arg4[%get3A_200, %get3A_201] : memref<297x32xf32, #tpu.memory_space<vmem>>, vector<33x32xf32>
    %dot_general3A_203 = arith.constant dense<0.000000e+00> : vector<33x768xf32>
    %dot_general3A_204 = tpu.matmul %get3A_202, %mul3A_108, %dot_general3A_203 {dimension_numbers = #tpu.dot_dimension_numbers<[1], [0], [0], [1], [0, 0, 1, 1], [], []>, transpose_lhs_hint = false} : vector<33x32xf32>, vector<32x768xf32>, vector<33x768xf32> -> vector<33x768xf32>
    %add3A_205 = arith.addf %add3A_192, %dot_general3A_204 : vector<33x768xf32>
    %jit3A_206 = arith.constant 0 : i32
    %convert_element_type3A_207 = arith.sitofp %jit3A_206 : i32 to f32
    %pad3A_208 = vector.broadcast %convert_element_type3A_207 : f32 to vector<33x224xf32>
    %pad3A_209 = tpu.concatenate %pad3A_208, %dot_general3A_204 in 1 : vector<33x224xf32>, vector<33x768xf32> -> vector<33x992xf32>
    %pad3A_210 = vector.broadcast %convert_element_type3A_207 : f32 to vector<33x32xf32>
    %pad3A_211 = tpu.concatenate %pad3A_209, %pad3A_210 in 1 : vector<33x992xf32>, vector<33x32xf32> -> vector<33x1024xf32>
    %add3A_212 = arith.addf %add3A_199, %pad3A_211 : vector<33x1024xf32>
    %get3A_213 = arith.constant 264 : index
    %get3A_214 = arith.constant 0 : index
    %get3A_215 = vector.load %arg4[%get3A_213, %get3A_214] : memref<297x32xf32, #tpu.memory_space<vmem>>, vector<33x32xf32>
    %dot_general3A_216 = arith.constant dense<0.000000e+00> : vector<33x768xf32>
    %dot_general3A_217 = tpu.matmul %get3A_215, %mul3A_108, %dot_general3A_216 {dimension_numbers = #tpu.dot_dimension_numbers<[1], [0], [0], [1], [0, 0, 1, 1], [], []>, transpose_lhs_hint = false} : vector<33x32xf32>, vector<32x768xf32>, vector<33x768xf32> -> vector<33x768xf32>
    %add3A_218 = arith.addf %add3A_205, %dot_general3A_217 : vector<33x768xf32>
    %jit3A_219 = arith.constant 0 : i32
    %convert_element_type3A_220 = arith.sitofp %jit3A_219 : i32 to f32
    %pad3A_221 = vector.broadcast %convert_element_type3A_220 : f32 to vector<33x256xf32>
    %pad3A_222 = tpu.concatenate %pad3A_221, %dot_general3A_217 in 1 : vector<33x256xf32>, vector<33x768xf32> -> vector<33x1024xf32>
    %add3A_223 = arith.addf %add3A_212, %pad3A_222 : vector<33x1024xf32>
    %get3A_224 = arith.constant 0 : index
    %get3A_225 = arith.constant 0 : index
    %get3A_226 = vector.load %arg5[%get3A_224, %get3A_225] : memref<768x32xf32, #tpu.memory_space<vmem>>, vector<768x32xf32>
    %dot_general3A_227 = arith.constant dense<0.000000e+00> : vector<33x32xf32>
    %dot_general3A_228 = tpu.matmul %add3A_218, %get3A_226, %dot_general3A_227 {dimension_numbers = #tpu.dot_dimension_numbers<[1], [0], [0], [1], [0, 0, 1, 1], [], []>, transpose_lhs_hint = false} : vector<33x768xf32>, vector<768x32xf32>, vector<33x32xf32> -> vector<33x32xf32>
    %get3A_229 = arith.constant 0 : index
    %get3A_230 = arith.constant 0 : index
    %get3A_231 = vector.load %arg3[%get3A_229, %get3A_230] : memref<32x768xf32, #tpu.memory_space<vmem>>, vector<32x768xf32>
    %get3A_232 = arith.constant 0 : index
    %get3A_233 = arith.constant 0 : index
    %get3A_234 = vector.load %arg5[%get3A_232, %get3A_233] : memref<768x32xf32, #tpu.memory_space<vmem>>, vector<768x32xf32>
    %dot_general3A_235 = arith.constant dense<0.000000e+00> : vector<32x32xf32>
    %dot_general3A_236 = tpu.matmul %get3A_231, %get3A_234, %dot_general3A_235 {dimension_numbers = #tpu.dot_dimension_numbers<[1], [0], [0], [1], [0, 0, 1, 1], [], []>, transpose_lhs_hint = false} : vector<32x768xf32>, vector<768x32xf32>, vector<32x32xf32> -> vector<32x32xf32>
    %dot_general3A_237 = arith.constant dense<0.000000e+00> : vector<1x32xf32>
    %dot_general3A_238 = tpu.matmul %sub3A_103, %dot_general3A_236, %dot_general3A_237 {dimension_numbers = #tpu.dot_dimension_numbers<[0], [0], [1], [1], [0, 1, 1, 1], [], []>, transpose_lhs_hint = false} : vector<32x1xf32>, vector<32x32xf32>, vector<1x32xf32> -> vector<1x32xf32>
    %get3A_239 = arith.constant 0 : index
    %get3A_240 = arith.constant 0 : index
    %get3A_241 = vector.load %arg6[%get3A_239, %get3A_240] : memref<1x32xf32, #tpu.memory_space<vmem>>, vector<1x32xf32>
    %add3A_242 = arith.addf %dot_general3A_238, %get3A_241 : vector<1x32xf32>
    %iota3A_243 = tpu.iota {dimensions = array<i32: 0>} : vector<33x1xi32>
    %eq3A_244 = arith.constant 32 : i32
    %eq3A_245 = vector.broadcast %eq3A_244 : i32 to vector<33x1xi32>
    %eq3A_246 = arith.cmpi eq, %iota3A_243, %eq3A_245 : vector<33x1xi32>
    %jit3A_247 = arith.constant 1.000000e+00 : f32
    %jit3A_248 = arith.constant 0.000000e+00 : f32
    %broadcast_in_dim3A_249 = vector.broadcast %jit3A_247 : f32 to vector<33x1xf32>
    %broadcast_in_dim3A_250 = vector.broadcast %jit3A_248 : f32 to vector<33x1xf32>
    %select_n3A_251 = arith.select %eq3A_246, %broadcast_in_dim3A_249, %broadcast_in_dim3A_250 : vector<33x1xi1>, vector<33x1xf32>
    %mul3A_252 = vector.broadcast %select_n3A_251 : vector<33x1xf32> to vector<33x32xf32>
    %mul3A_253 = vector.broadcast %add3A_242 : vector<1x32xf32> to vector<33x32xf32>
    %mul3A_254 = arith.mulf %mul3A_252, %mul3A_253 : vector<33x32xf32>
    %mul3A_255 = vector.broadcast %div3A_64 : f32 to vector<33x1024xf32>
    %mul3A_256 = arith.mulf %mul3A_255, %add3A_223 : vector<33x1024xf32>
    %mul3A_257 = vector.broadcast %sub3A_66 : f32 to vector<33x32xf32>
    %mul3A_258 = arith.mulf %mul3A_257, %dot_general3A_228 : vector<33x32xf32>
    %add3A_259 = arith.addf %mul3A_258, %mul3A_254 : vector<33x32xf32>
    %concatenate3A = tpu.concatenate %mul3A_256, %add3A_259 in 1 : vector<33x1024xf32>, vector<33x32xf32> -> vector<33x1056xf32>
    %swap3A = arith.constant 0 : index
    %swap3A_260 = arith.constant 0 : index
    %swap3A_261 = vector.load %arg8[%swap3A, %swap3A_260] : memref<33x1056xf32, #tpu.memory_space<vmem>>, vector<33x1056xf32>
    tpu.vector_store %arg8[%swap3A, %swap3A_260], %concatenate3A {strides = array<i32>} : memref<33x1056xf32, #tpu.memory_space<vmem>>, vector<33x1056xf32>,
    return
  }
}

module attributes {stable_mosaic.version = 14 : i64} {
  func.func @_h23_body(%arg0: i32, %arg1: memref<1280x64xf32, #tpu.memory_space<vmem>>, %arg2: memref<32x32xf32, #tpu.memory_space<vmem>>, %arg3: memref<1089x32xf32, #tpu.memory_space<vmem>>, %arg4: memref<1280x1xf32, #tpu.memory_space<vmem>>, %arg5: memref<32x2xf32, #tpu.memory_space<vmem>>, %arg6: memref<64x64xf32, #tpu.memory_space<vmem>>, %arg7: memref<64x32xf32, #tpu.memory_space<vmem>>, %arg8: memref<32x160000xf32, #tpu.memory_space<vmem>>, %arg9: memref<32x2xf32, #tpu.memory_space<vmem>>, %arg10: memref<32x64xf32, #tpu.memory_space<vmem>>, %arg11: memref<8x64xf32, #tpu.memory_space<vmem>>) attributes {dimension_semantics = [#tpu.dimension_semantics<arbitrary>], iteration_bounds = array<i64: 250>, scalar_prefetch = 0 : i64, scratch_operands = 4 : i64, tpu.core_type = #tpu.core_type<tc>, window_params = [{transform_indices = @transform_0, window_bounds = array<i64: 1280, 64>}, {pipeline_mode = #tpu.pipeline_mode<synchronous>, transform_indices = @transform_1, window_bounds = array<i64: 32, 32>}, {pipeline_mode = #tpu.pipeline_mode<synchronous>, transform_indices = @transform_2, window_bounds = array<i64: 1089, 32>}, {transform_indices = @transform_3, window_bounds = array<i64: 1280, 1>}, {pipeline_mode = #tpu.pipeline_mode<synchronous>, transform_indices = @transform_4, window_bounds = array<i64: 32, 2>}, {pipeline_mode = #tpu.pipeline_mode<synchronous>, transform_indices = @transform_5, window_bounds = array<i64: 64, 64>}, {pipeline_mode = #tpu.pipeline_mode<synchronous>, transform_indices = @transform_6, window_bounds = array<i64: 64, 32>}]} {
    %eq3A = arith.constant 0 : i32
    %eq3A_0 = arith.cmpi eq, %arg0, %eq3A : i32
    %convert_element_type3A = arith.extui %eq3A_0 : i1 to i32
    %cond3A = arith.constant 0 : i32
    %cond3A_1 = arith.cmpi ne, %convert_element_type3A, %cond3A : i32
    scf.if %cond3A_1 {
      %broadcast_in_dim3A = arith.constant 0.000000e+00 : f32
      %broadcast_in_dim3A_15 = vector.broadcast %broadcast_in_dim3A : f32 to vector<32x2xf32>
      %swap3A = arith.constant 0 : index
      %swap3A_16 = arith.constant 0 : index
      %swap3A_17 = vector.load %arg9[%swap3A, %swap3A_16] : memref<32x2xf32, #tpu.memory_space<vmem>>, vector<32x2xf32>
      tpu.vector_store %arg9[%swap3A, %swap3A_16], %broadcast_in_dim3A_15 {strides = array<i32>} : memref<32x2xf32, #tpu.memory_space<vmem>>, vector<32x2xf32>,
      %broadcast_in_dim3A_18 = arith.constant 0.000000e+00 : f32
      %broadcast_in_dim3A_19 = vector.broadcast %broadcast_in_dim3A_18 : f32 to vector<32x64xf32>
      %swap3A_20 = arith.constant 0 : index
      %swap3A_21 = arith.constant 0 : index
      %swap3A_22 = vector.load %arg10[%swap3A_20, %swap3A_21] : memref<32x64xf32, #tpu.memory_space<vmem>>, vector<32x64xf32>
      tpu.vector_store %arg10[%swap3A_20, %swap3A_21], %broadcast_in_dim3A_19 {strides = array<i32>} : memref<32x64xf32, #tpu.memory_space<vmem>>, vector<32x64xf32>,
      %broadcast_in_dim3A_23 = arith.constant 0.000000e+00 : f32
      %broadcast_in_dim3A_24 = vector.broadcast %broadcast_in_dim3A_23 : f32 to vector<8x64xf32>
      %swap3A_25 = arith.constant 0 : index
      %swap3A_26 = arith.constant 0 : index
      %swap3A_27 = vector.load %arg11[%swap3A_25, %swap3A_26] : memref<8x64xf32, #tpu.memory_space<vmem>>, vector<8x64xf32>
      tpu.vector_store %arg11[%swap3A_25, %swap3A_26], %broadcast_in_dim3A_24 {strides = array<i32>} : memref<8x64xf32, #tpu.memory_space<vmem>>, vector<8x64xf32>,
    } else {
    }
    %lt3A = arith.constant 125 : i32
    %lt3A_2 = arith.cmpi slt, %arg0, %lt3A : i32
    %convert_element_type3A_3 = arith.extui %lt3A_2 : i1 to i32
    %cond3A_4 = arith.constant 0 : i32
    %cond3A_5 = arith.cmpi ne, %convert_element_type3A_3, %cond3A_4 : i32
    scf.if %cond3A_5 {
      %get3A = arith.constant 0 : index
      %get3A_15 = arith.constant 0 : index
      %get3A_16 = vector.load %arg1[%get3A, %get3A_15] : memref<1280x64xf32, #tpu.memory_space<vmem>>, vector<1280x64xf32>
      %get3A_17 = arith.constant 0 : index
      %get3A_18 = arith.constant 0 : index
      %get3A_19 = vector.load %arg2[%get3A_17, %get3A_18] : memref<32x32xf32, #tpu.memory_space<vmem>>, vector<32x32xf32>
      %slice3A = vector.extract_strided_slice %get3A_16 {offsets = [0, 0], sizes = [1280, 32], strides = [1, 1]} : vector<1280x64xf32> to vector<1280x32xf32>
      %dot_general3A = arith.constant dense<0.000000e+00> : vector<32x1280xf32>
      %dot_general3A_20 = tpu.matmul %get3A_19, %slice3A, %dot_general3A {dimension_numbers = #tpu.dot_dimension_numbers<[1], [1], [0], [0], [0, 0, 1, 0], [], []>, transpose_lhs_hint = false} : vector<32x32xf32>, vector<1280x32xf32>, vector<32x1280xf32> -> vector<32x1280xf32>
      %slice3A_21 = vector.extract_strided_slice %get3A_16 {offsets = [0, 32], sizes = [1280, 32], strides = [1, 1]} : vector<1280x64xf32> to vector<1280x32xf32>
      %dot_general3A_22 = arith.constant dense<0.000000e+00> : vector<32x1280xf32>
      %dot_general3A_23 = tpu.matmul %get3A_19, %slice3A_21, %dot_general3A_22 {dimension_numbers = #tpu.dot_dimension_numbers<[1], [1], [0], [0], [0, 0, 1, 0], [], []>, transpose_lhs_hint = false} : vector<32x32xf32>, vector<1280x32xf32>, vector<32x1280xf32> -> vector<32x1280xf32>
      %broadcast_in_dim3A = arith.constant 1.000000e+00 : f32
      %broadcast_in_dim3A_24 = vector.broadcast %broadcast_in_dim3A : f32 to vector<1x1280xf32>
      %concatenate3A = tpu.concatenate %dot_general3A_20, %broadcast_in_dim3A_24 in 0 : vector<32x1280xf32>, vector<1x1280xf32> -> vector<33x1280xf32>
      %concatenate3A_25 = tpu.concatenate %dot_general3A_23, %broadcast_in_dim3A_24 in 0 : vector<32x1280xf32>, vector<1x1280xf32> -> vector<33x1280xf32>
      %slice3A_26 = vector.extract_strided_slice %concatenate3A {offsets = [0, 0], sizes = [1, 1280], strides = [1, 1]} : vector<33x1280xf32> to vector<1x1280xf32>
      %mul3A = vector.broadcast %slice3A_26 : vector<1x1280xf32> to vector<33x1280xf32>
      %mul3A_27 = arith.mulf %concatenate3A_25, %mul3A : vector<33x1280xf32>
      %slice3A_28 = vector.extract_strided_slice %concatenate3A {offsets = [1, 0], sizes = [1, 1280], strides = [1, 1]} : vector<33x1280xf32> to vector<1x1280xf32>
      %mul3A_29 = vector.broadcast %slice3A_28 : vector<1x1280xf32> to vector<33x1280xf32>
      %mul3A_30 = arith.mulf %concatenate3A_25, %mul3A_29 : vector<33x1280xf32>
      %slice3A_31 = vector.extract_strided_slice %concatenate3A {offsets = [2, 0], sizes = [1, 1280], strides = [1, 1]} : vector<33x1280xf32> to vector<1x1280xf32>
      %mul3A_32 = vector.broadcast %slice3A_31 : vector<1x1280xf32> to vector<33x1280xf32>
      %mul3A_33 = arith.mulf %concatenate3A_25, %mul3A_32 : vector<33x1280xf32>
      %slice3A_34 = vector.extract_strided_slice %concatenate3A {offsets = [3, 0], sizes = [1, 1280], strides = [1, 1]} : vector<33x1280xf32> to vector<1x1280xf32>
      %mul3A_35 = vector.broadcast %slice3A_34 : vector<1x1280xf32> to vector<33x1280xf32>
      %mul3A_36 = arith.mulf %concatenate3A_25, %mul3A_35 : vector<33x1280xf32>
      %slice3A_37 = vector.extract_strided_slice %concatenate3A {offsets = [4, 0], sizes = [1, 1280], strides = [1, 1]} : vector<33x1280xf32> to vector<1x1280xf32>
      %mul3A_38 = vector.broadcast %slice3A_37 : vector<1x1280xf32> to vector<33x1280xf32>
      %mul3A_39 = arith.mulf %concatenate3A_25, %mul3A_38 : vector<33x1280xf32>
      %slice3A_40 = vector.extract_strided_slice %concatenate3A {offsets = [5, 0], sizes = [1, 1280], strides = [1, 1]} : vector<33x1280xf32> to vector<1x1280xf32>
      %mul3A_41 = vector.broadcast %slice3A_40 : vector<1x1280xf32> to vector<33x1280xf32>
      %mul3A_42 = arith.mulf %concatenate3A_25, %mul3A_41 : vector<33x1280xf32>
      %slice3A_43 = vector.extract_strided_slice %concatenate3A {offsets = [6, 0], sizes = [1, 1280], strides = [1, 1]} : vector<33x1280xf32> to vector<1x1280xf32>
      %mul3A_44 = vector.broadcast %slice3A_43 : vector<1x1280xf32> to vector<33x1280xf32>
      %mul3A_45 = arith.mulf %concatenate3A_25, %mul3A_44 : vector<33x1280xf32>
      %slice3A_46 = vector.extract_strided_slice %concatenate3A {offsets = [7, 0], sizes = [1, 1280], strides = [1, 1]} : vector<33x1280xf32> to vector<1x1280xf32>
      %mul3A_47 = vector.broadcast %slice3A_46 : vector<1x1280xf32> to vector<33x1280xf32>
      %mul3A_48 = arith.mulf %concatenate3A_25, %mul3A_47 : vector<33x1280xf32>
      %slice3A_49 = vector.extract_strided_slice %concatenate3A {offsets = [8, 0], sizes = [1, 1280], strides = [1, 1]} : vector<33x1280xf32> to vector<1x1280xf32>
      %mul3A_50 = vector.broadcast %slice3A_49 : vector<1x1280xf32> to vector<33x1280xf32>
      %mul3A_51 = arith.mulf %concatenate3A_25, %mul3A_50 : vector<33x1280xf32>
      %slice3A_52 = vector.extract_strided_slice %concatenate3A {offsets = [9, 0], sizes = [1, 1280], strides = [1, 1]} : vector<33x1280xf32> to vector<1x1280xf32>
      %mul3A_53 = vector.broadcast %slice3A_52 : vector<1x1280xf32> to vector<33x1280xf32>
      %mul3A_54 = arith.mulf %concatenate3A_25, %mul3A_53 : vector<33x1280xf32>
      %slice3A_55 = vector.extract_strided_slice %concatenate3A {offsets = [10, 0], sizes = [1, 1280], strides = [1, 1]} : vector<33x1280xf32> to vector<1x1280xf32>
      %mul3A_56 = vector.broadcast %slice3A_55 : vector<1x1280xf32> to vector<33x1280xf32>
      %mul3A_57 = arith.mulf %concatenate3A_25, %mul3A_56 : vector<33x1280xf32>
      %slice3A_58 = vector.extract_strided_slice %concatenate3A {offsets = [11, 0], sizes = [1, 1280], strides = [1, 1]} : vector<33x1280xf32> to vector<1x1280xf32>
      %mul3A_59 = vector.broadcast %slice3A_58 : vector<1x1280xf32> to vector<33x1280xf32>
      %mul3A_60 = arith.mulf %concatenate3A_25, %mul3A_59 : vector<33x1280xf32>
      %slice3A_61 = vector.extract_strided_slice %concatenate3A {offsets = [12, 0], sizes = [1, 1280], strides = [1, 1]} : vector<33x1280xf32> to vector<1x1280xf32>
      %mul3A_62 = vector.broadcast %slice3A_61 : vector<1x1280xf32> to vector<33x1280xf32>
      %mul3A_63 = arith.mulf %concatenate3A_25, %mul3A_62 : vector<33x1280xf32>
      %slice3A_64 = vector.extract_strided_slice %concatenate3A {offsets = [13, 0], sizes = [1, 1280], strides = [1, 1]} : vector<33x1280xf32> to vector<1x1280xf32>
      %mul3A_65 = vector.broadcast %slice3A_64 : vector<1x1280xf32> to vector<33x1280xf32>
      %mul3A_66 = arith.mulf %concatenate3A_25, %mul3A_65 : vector<33x1280xf32>
      %slice3A_67 = vector.extract_strided_slice %concatenate3A {offsets = [14, 0], sizes = [1, 1280], strides = [1, 1]} : vector<33x1280xf32> to vector<1x1280xf32>
      %mul3A_68 = vector.broadcast %slice3A_67 : vector<1x1280xf32> to vector<33x1280xf32>
      %mul3A_69 = arith.mulf %concatenate3A_25, %mul3A_68 : vector<33x1280xf32>
      %slice3A_70 = vector.extract_strided_slice %concatenate3A {offsets = [15, 0], sizes = [1, 1280], strides = [1, 1]} : vector<33x1280xf32> to vector<1x1280xf32>
      %mul3A_71 = vector.broadcast %slice3A_70 : vector<1x1280xf32> to vector<33x1280xf32>
      %mul3A_72 = arith.mulf %concatenate3A_25, %mul3A_71 : vector<33x1280xf32>
      %slice3A_73 = vector.extract_strided_slice %concatenate3A {offsets = [16, 0], sizes = [1, 1280], strides = [1, 1]} : vector<33x1280xf32> to vector<1x1280xf32>
      %mul3A_74 = vector.broadcast %slice3A_73 : vector<1x1280xf32> to vector<33x1280xf32>
      %mul3A_75 = arith.mulf %concatenate3A_25, %mul3A_74 : vector<33x1280xf32>
      %slice3A_76 = vector.extract_strided_slice %concatenate3A {offsets = [17, 0], sizes = [1, 1280], strides = [1, 1]} : vector<33x1280xf32> to vector<1x1280xf32>
      %mul3A_77 = vector.broadcast %slice3A_76 : vector<1x1280xf32> to vector<33x1280xf32>
      %mul3A_78 = arith.mulf %concatenate3A_25, %mul3A_77 : vector<33x1280xf32>
      %slice3A_79 = vector.extract_strided_slice %concatenate3A {offsets = [18, 0], sizes = [1, 1280], strides = [1, 1]} : vector<33x1280xf32> to vector<1x1280xf32>
      %mul3A_80 = vector.broadcast %slice3A_79 : vector<1x1280xf32> to vector<33x1280xf32>
      %mul3A_81 = arith.mulf %concatenate3A_25, %mul3A_80 : vector<33x1280xf32>
      %slice3A_82 = vector.extract_strided_slice %concatenate3A {offsets = [19, 0], sizes = [1, 1280], strides = [1, 1]} : vector<33x1280xf32> to vector<1x1280xf32>
      %mul3A_83 = vector.broadcast %slice3A_82 : vector<1x1280xf32> to vector<33x1280xf32>
      %mul3A_84 = arith.mulf %concatenate3A_25, %mul3A_83 : vector<33x1280xf32>
      %slice3A_85 = vector.extract_strided_slice %concatenate3A {offsets = [20, 0], sizes = [1, 1280], strides = [1, 1]} : vector<33x1280xf32> to vector<1x1280xf32>
      %mul3A_86 = vector.broadcast %slice3A_85 : vector<1x1280xf32> to vector<33x1280xf32>
      %mul3A_87 = arith.mulf %concatenate3A_25, %mul3A_86 : vector<33x1280xf32>
      %slice3A_88 = vector.extract_strided_slice %concatenate3A {offsets = [21, 0], sizes = [1, 1280], strides = [1, 1]} : vector<33x1280xf32> to vector<1x1280xf32>
      %mul3A_89 = vector.broadcast %slice3A_88 : vector<1x1280xf32> to vector<33x1280xf32>
      %mul3A_90 = arith.mulf %concatenate3A_25, %mul3A_89 : vector<33x1280xf32>
      %slice3A_91 = vector.extract_strided_slice %concatenate3A {offsets = [22, 0], sizes = [1, 1280], strides = [1, 1]} : vector<33x1280xf32> to vector<1x1280xf32>
      %mul3A_92 = vector.broadcast %slice3A_91 : vector<1x1280xf32> to vector<33x1280xf32>
      %mul3A_93 = arith.mulf %concatenate3A_25, %mul3A_92 : vector<33x1280xf32>
      %slice3A_94 = vector.extract_strided_slice %concatenate3A {offsets = [23, 0], sizes = [1, 1280], strides = [1, 1]} : vector<33x1280xf32> to vector<1x1280xf32>
      %mul3A_95 = vector.broadcast %slice3A_94 : vector<1x1280xf32> to vector<33x1280xf32>
      %mul3A_96 = arith.mulf %concatenate3A_25, %mul3A_95 : vector<33x1280xf32>
      %slice3A_97 = vector.extract_strided_slice %concatenate3A {offsets = [24, 0], sizes = [1, 1280], strides = [1, 1]} : vector<33x1280xf32> to vector<1x1280xf32>
      %mul3A_98 = vector.broadcast %slice3A_97 : vector<1x1280xf32> to vector<33x1280xf32>
      %mul3A_99 = arith.mulf %concatenate3A_25, %mul3A_98 : vector<33x1280xf32>
      %slice3A_100 = vector.extract_strided_slice %concatenate3A {offsets = [25, 0], sizes = [1, 1280], strides = [1, 1]} : vector<33x1280xf32> to vector<1x1280xf32>
      %mul3A_101 = vector.broadcast %slice3A_100 : vector<1x1280xf32> to vector<33x1280xf32>
      %mul3A_102 = arith.mulf %concatenate3A_25, %mul3A_101 : vector<33x1280xf32>
      %slice3A_103 = vector.extract_strided_slice %concatenate3A {offsets = [26, 0], sizes = [1, 1280], strides = [1, 1]} : vector<33x1280xf32> to vector<1x1280xf32>
      %mul3A_104 = vector.broadcast %slice3A_103 : vector<1x1280xf32> to vector<33x1280xf32>
      %mul3A_105 = arith.mulf %concatenate3A_25, %mul3A_104 : vector<33x1280xf32>
      %slice3A_106 = vector.extract_strided_slice %concatenate3A {offsets = [27, 0], sizes = [1, 1280], strides = [1, 1]} : vector<33x1280xf32> to vector<1x1280xf32>
      %mul3A_107 = vector.broadcast %slice3A_106 : vector<1x1280xf32> to vector<33x1280xf32>
      %mul3A_108 = arith.mulf %concatenate3A_25, %mul3A_107 : vector<33x1280xf32>
      %slice3A_109 = vector.extract_strided_slice %concatenate3A {offsets = [28, 0], sizes = [1, 1280], strides = [1, 1]} : vector<33x1280xf32> to vector<1x1280xf32>
      %mul3A_110 = vector.broadcast %slice3A_109 : vector<1x1280xf32> to vector<33x1280xf32>
      %mul3A_111 = arith.mulf %concatenate3A_25, %mul3A_110 : vector<33x1280xf32>
      %slice3A_112 = vector.extract_strided_slice %concatenate3A {offsets = [29, 0], sizes = [1, 1280], strides = [1, 1]} : vector<33x1280xf32> to vector<1x1280xf32>
      %mul3A_113 = vector.broadcast %slice3A_112 : vector<1x1280xf32> to vector<33x1280xf32>
      %mul3A_114 = arith.mulf %concatenate3A_25, %mul3A_113 : vector<33x1280xf32>
      %slice3A_115 = vector.extract_strided_slice %concatenate3A {offsets = [30, 0], sizes = [1, 1280], strides = [1, 1]} : vector<33x1280xf32> to vector<1x1280xf32>
      %mul3A_116 = vector.broadcast %slice3A_115 : vector<1x1280xf32> to vector<33x1280xf32>
      %mul3A_117 = arith.mulf %concatenate3A_25, %mul3A_116 : vector<33x1280xf32>
      %slice3A_118 = vector.extract_strided_slice %concatenate3A {offsets = [31, 0], sizes = [1, 1280], strides = [1, 1]} : vector<33x1280xf32> to vector<1x1280xf32>
      %mul3A_119 = vector.broadcast %slice3A_118 : vector<1x1280xf32> to vector<33x1280xf32>
      %mul3A_120 = arith.mulf %concatenate3A_25, %mul3A_119 : vector<33x1280xf32>
      %slice3A_121 = vector.extract_strided_slice %concatenate3A {offsets = [32, 0], sizes = [1, 1280], strides = [1, 1]} : vector<33x1280xf32> to vector<1x1280xf32>
      %mul3A_122 = vector.broadcast %slice3A_121 : vector<1x1280xf32> to vector<33x1280xf32>
      %mul3A_123 = arith.mulf %concatenate3A_25, %mul3A_122 : vector<33x1280xf32>
      %concatenate3A_124 = tpu.concatenate %mul3A_27, %mul3A_30, %mul3A_33, %mul3A_36, %mul3A_39, %mul3A_42, %mul3A_45, %mul3A_48, %mul3A_51, %mul3A_54, %mul3A_57, %mul3A_60, %mul3A_63, %mul3A_66, %mul3A_69, %mul3A_72, %mul3A_75, %mul3A_78, %mul3A_81, %mul3A_84, %mul3A_87, %mul3A_90, %mul3A_93, %mul3A_96, %mul3A_99, %mul3A_102, %mul3A_105, %mul3A_108, %mul3A_111, %mul3A_114, %mul3A_117, %mul3A_120, %mul3A_123 in 0 : vector<33x1280xf32>, vector<33x1280xf32>, vector<33x1280xf32>, vector<33x1280xf32>, vector<33x1280xf32>, vector<33x1280xf32>, vector<33x1280xf32>, vector<33x1280xf32>, vector<33x1280xf32>, vector<33x1280xf32>, vector<33x1280xf32>, vector<33x1280xf32>, vector<33x1280xf32>, vector<33x1280xf32>, vector<33x1280xf32>, vector<33x1280xf32>, vector<33x1280xf32>, vector<33x1280xf32>, vector<33x1280xf32>, vector<33x1280xf32>, vector<33x1280xf32>, vector<33x1280xf32>, vector<33x1280xf32>, vector<33x1280xf32>, vector<33x1280xf32>, vector<33x1280xf32>, vector<33x1280xf32>, vector<33x1280xf32>, vector<33x1280xf32>, vector<33x1280xf32>, vector<33x1280xf32>, vector<33x1280xf32>, vector<33x1280xf32> -> vector<1089x1280xf32>
      %get3A_125 = arith.constant 0 : index
      %get3A_126 = arith.constant 0 : index
      %get3A_127 = vector.load %arg3[%get3A_125, %get3A_126] : memref<1089x32xf32, #tpu.memory_space<vmem>>, vector<1089x32xf32>
      %dot_general3A_128 = arith.constant dense<0.000000e+00> : vector<32x1280xf32>
      %dot_general3A_129 = tpu.matmul %get3A_127, %concatenate3A_124, %dot_general3A_128 {dimension_numbers = #tpu.dot_dimension_numbers<[0], [0], [1], [1], [0, 1, 1, 1], [], []>, transpose_lhs_hint = false} : vector<1089x32xf32>, vector<1089x1280xf32>, vector<32x1280xf32> -> vector<32x1280xf32>
      %mul3A_130 = arith.constant 1280 : i32
      %mul3A_131 = arith.muli %arg0, %mul3A_130 : i32
      %swap3A = arith.constant 0 : index
      %swap3A_132 = arith.index_cast %mul3A_131 : i32 to index
      %swap3A_133 = vector.load %arg8[%swap3A, %swap3A_132] : memref<32x160000xf32, #tpu.memory_space<vmem>>, vector<32x1280xf32>
      tpu.vector_store %arg8[%swap3A, %swap3A_132], %dot_general3A_129 {strides = array<i32>} : memref<32x160000xf32, #tpu.memory_space<vmem>>, vector<32x1280xf32>,
      %reduce_sum3A = arith.constant dense<0.000000e+00> : vector<32xf32>
      %reduce_sum3A_134 = vector.multi_reduction <add>, %dot_general3A_129, %reduce_sum3A [1] : vector<32x1280xf32> to vector<32xf32>
      %broadcast_in_dim3A_135 = vector.shape_cast %reduce_sum3A_134 : vector<32xf32> to vector<32x1xf32>
      %mul3A_136 = arith.mulf %dot_general3A_129, %dot_general3A_129 : vector<32x1280xf32>
      %reduce_sum3A_137 = arith.constant dense<0.000000e+00> : vector<32xf32>
      %reduce_sum3A_138 = vector.multi_reduction <add>, %mul3A_136, %reduce_sum3A_137 [1] : vector<32x1280xf32> to vector<32xf32>
      %broadcast_in_dim3A_139 = vector.shape_cast %reduce_sum3A_138 : vector<32xf32> to vector<32x1xf32>
      %get3A_140 = arith.constant 0 : index
      %get3A_141 = arith.constant 0 : index
      %get3A_142 = vector.load %arg9[%get3A_140, %get3A_141] : memref<32x2xf32, #tpu.memory_space<vmem>>, vector<32x2xf32>
      %concatenate3A_143 = tpu.concatenate %broadcast_in_dim3A_135, %broadcast_in_dim3A_139 in 1 : vector<32x1xf32>, vector<32x1xf32> -> vector<32x2xf32>
      %add3A = arith.addf %get3A_142, %concatenate3A_143 : vector<32x2xf32>
      %swap3A_144 = arith.constant 0 : index
      %swap3A_145 = arith.constant 0 : index
      %swap3A_146 = vector.load %arg9[%swap3A_144, %swap3A_145] : memref<32x2xf32, #tpu.memory_space<vmem>>, vector<32x2xf32>
      tpu.vector_store %arg9[%swap3A_144, %swap3A_145], %add3A {strides = array<i32>} : memref<32x2xf32, #tpu.memory_space<vmem>>, vector<32x2xf32>,
    } else {
    }
    %ge3A = arith.constant 125 : i32
    %ge3A_6 = arith.cmpi sge, %arg0, %ge3A : i32
    %convert_element_type3A_7 = arith.extui %ge3A_6 : i1 to i32
    %cond3A_8 = arith.constant 0 : i32
    %cond3A_9 = arith.cmpi ne, %convert_element_type3A_7, %cond3A_8 : i32
    scf.if %cond3A_9 {
      %sub3A = arith.constant 125 : i32
      %sub3A_15 = arith.subi %arg0, %sub3A : i32
      %get3A = arith.constant 0 : index
      %get3A_16 = arith.constant 0 : index
      %get3A_17 = vector.load %arg9[%get3A, %get3A_16] : memref<32x2xf32, #tpu.memory_space<vmem>>, vector<32x2xf32>
      %slice3A = vector.extract_strided_slice %get3A_17 {offsets = [0, 0], sizes = [32, 1], strides = [1, 1]} : vector<32x2xf32> to vector<32x1xf32>
      %div3A = arith.constant 1.600000e+05 : f32
      %div3A_18 = vector.broadcast %div3A : f32 to vector<32x1xf32>
      %div3A_19 = arith.divf %slice3A, %div3A_18 : vector<32x1xf32>
      %slice3A_20 = vector.extract_strided_slice %get3A_17 {offsets = [0, 1], sizes = [32, 1], strides = [1, 1]} : vector<32x2xf32> to vector<32x1xf32>
      %div3A_21 = arith.constant 1.600000e+05 : f32
      %div3A_22 = vector.broadcast %div3A_21 : f32 to vector<32x1xf32>
      %div3A_23 = arith.divf %slice3A_20, %div3A_22 : vector<32x1xf32>
      %mul3A = arith.mulf %div3A_19, %div3A_19 : vector<32x1xf32>
      %sub3A_24 = arith.subf %div3A_23, %mul3A : vector<32x1xf32>
      %get3A_25 = arith.constant 0 : index
      %get3A_26 = arith.constant 0 : index
      %get3A_27 = vector.load %arg5[%get3A_25, %get3A_26] : memref<32x2xf32, #tpu.memory_space<vmem>>, vector<32x1xf32>
      %add3A = arith.constant 9.99999974E-6 : f32
      %add3A_28 = vector.broadcast %add3A : f32 to vector<32x1xf32>
      %add3A_29 = arith.addf %sub3A_24, %add3A_28 : vector<32x1xf32>
      %sqrt3A = math.sqrt %add3A_29 : vector<32x1xf32>
      %div3A_30 = arith.divf %get3A_27, %sqrt3A : vector<32x1xf32>
      %get3A_31 = arith.constant 0 : index
      %get3A_32 = arith.constant 1 : index
      %get3A_33 = vector.load %arg5[%get3A_31, %get3A_32] : memref<32x2xf32, #tpu.memory_space<vmem>>, vector<32x1xf32>
      %mul3A_34 = arith.constant 1280 : i32
      %mul3A_35 = arith.muli %sub3A_15, %mul3A_34 : i32
      %get3A_36 = arith.constant 0 : index
      %get3A_37 = arith.index_cast %mul3A_35 : i32 to index
      %get3A_38 = vector.load %arg8[%get3A_36, %get3A_37] : memref<32x160000xf32, #tpu.memory_space<vmem>>, vector<32x1280xf32>
      %sub3A_39 = vector.broadcast %div3A_19 : vector<32x1xf32> to vector<32x1280xf32>
      %sub3A_40 = arith.subf %get3A_38, %sub3A_39 : vector<32x1280xf32>
      %mul3A_41 = vector.broadcast %div3A_30 : vector<32x1xf32> to vector<32x1280xf32>
      %mul3A_42 = arith.mulf %sub3A_40, %mul3A_41 : vector<32x1280xf32>
      %add3A_43 = vector.broadcast %get3A_33 : vector<32x1xf32> to vector<32x1280xf32>
      %add3A_44 = arith.addf %mul3A_42, %add3A_43 : vector<32x1280xf32>
      %max3A = arith.constant 0.000000e+00 : f32
      %max3A_45 = vector.broadcast %max3A : f32 to vector<32x1280xf32>
      %max3A_46 = arith.maximumf %add3A_44, %max3A_45 : vector<32x1280xf32>
      %get3A_47 = arith.constant 0 : index
      %get3A_48 = arith.constant 0 : index
      %get3A_49 = vector.load %arg4[%get3A_47, %get3A_48] : memref<1280x1xf32, #tpu.memory_space<vmem>>, vector<1280x1xf32>
      %iota3A = tpu.iota {dimensions = array<i32: 1>} : vector<1280x64xi32>
      %convert_element_type3A_50 = arith.sitofp %iota3A : vector<1280x64xi32> to vector<1280x64xf32>
      %eq3A_51 = vector.broadcast %get3A_49 : vector<1280x1xf32> to vector<1280x64xf32>
      %eq3A_52 = arith.cmpf oeq, %eq3A_51, %convert_element_type3A_50 : vector<1280x64xf32>
      %jit3A = arith.constant 1.000000e+00 : f32
      %jit3A_53 = arith.constant 0.000000e+00 : f32
      %broadcast_in_dim3A = vector.broadcast %jit3A : f32 to vector<1280x64xf32>
      %broadcast_in_dim3A_54 = vector.broadcast %jit3A_53 : f32 to vector<1280x64xf32>
      %select_n3A = arith.select %eq3A_52, %broadcast_in_dim3A, %broadcast_in_dim3A_54 : vector<1280x64xi1>, vector<1280x64xf32>
      %get3A_55 = arith.constant 0 : index
      %get3A_56 = arith.constant 0 : index
      %get3A_57 = vector.load %arg10[%get3A_55, %get3A_56] : memref<32x64xf32, #tpu.memory_space<vmem>>, vector<32x64xf32>
      %dot_general3A = arith.constant dense<0.000000e+00> : vector<32x64xf32>
      %dot_general3A_58 = tpu.matmul %max3A_46, %select_n3A, %dot_general3A {dimension_numbers = #tpu.dot_dimension_numbers<[1], [0], [0], [1], [0, 0, 1, 1], [], []>, transpose_lhs_hint = false} : vector<32x1280xf32>, vector<1280x64xf32>, vector<32x64xf32> -> vector<32x64xf32>
      %add3A_59 = arith.addf %get3A_57, %dot_general3A_58 : vector<32x64xf32>
      %swap3A = arith.constant 0 : index
      %swap3A_60 = arith.constant 0 : index
      %swap3A_61 = vector.load %arg10[%swap3A, %swap3A_60] : memref<32x64xf32, #tpu.memory_space<vmem>>, vector<32x64xf32>
      tpu.vector_store %arg10[%swap3A, %swap3A_60], %add3A_59 {strides = array<i32>} : memref<32x64xf32, #tpu.memory_space<vmem>>, vector<32x64xf32>,
      %get3A_62 = arith.constant 0 : index
      %get3A_63 = arith.constant 0 : index
      %get3A_64 = vector.load %arg11[%get3A_62, %get3A_63] : memref<8x64xf32, #tpu.memory_space<vmem>>, vector<1x64xf32>
      %reduce_sum3A = arith.constant dense<0.000000e+00> : vector<64xf32>
      %reduce_sum3A_65 = vector.multi_reduction <add>, %select_n3A, %reduce_sum3A [0] : vector<1280x64xf32> to vector<64xf32>
      %broadcast_in_dim3A_66 = vector.shape_cast %reduce_sum3A_65 : vector<64xf32> to vector<1x64xf32>
      %add3A_67 = arith.addf %get3A_64, %broadcast_in_dim3A_66 : vector<1x64xf32>
      %swap3A_68 = arith.constant 0 : index
      %swap3A_69 = arith.constant 0 : index
      %swap3A_70 = vector.load %arg11[%swap3A_68, %swap3A_69] : memref<8x64xf32, #tpu.memory_space<vmem>>, vector<1x64xf32>
      tpu.vector_store %arg11[%swap3A_68, %swap3A_69], %add3A_67 {strides = array<i32>} : memref<8x64xf32, #tpu.memory_space<vmem>>, vector<1x64xf32>,
    } else {
    }
    %eq3A_10 = arith.constant 249 : i32
    %eq3A_11 = arith.cmpi eq, %arg0, %eq3A_10 : i32
    %convert_element_type3A_12 = arith.extui %eq3A_11 : i1 to i32
    %cond3A_13 = arith.constant 0 : i32
    %cond3A_14 = arith.cmpi ne, %convert_element_type3A_12, %cond3A_13 : i32
    scf.if %cond3A_14 {
      %get3A = arith.constant 0 : index
      %get3A_15 = arith.constant 0 : index
      %get3A_16 = vector.load %arg11[%get3A, %get3A_15] : memref<8x64xf32, #tpu.memory_space<vmem>>, vector<1x64xf32>
      %max3A = arith.constant 1.000000e+00 : f32
      %max3A_17 = vector.broadcast %max3A : f32 to vector<1x64xf32>
      %max3A_18 = arith.maximumf %get3A_16, %max3A_17 : vector<1x64xf32>
      %get3A_19 = arith.constant 0 : index
      %get3A_20 = arith.constant 0 : index
      %get3A_21 = vector.load %arg10[%get3A_19, %get3A_20] : memref<32x64xf32, #tpu.memory_space<vmem>>, vector<32x64xf32>
      %div3A = vector.broadcast %max3A_18 : vector<1x64xf32> to vector<32x64xf32>
      %div3A_22 = arith.divf %get3A_21, %div3A : vector<32x64xf32>
      %mul3A = arith.mulf %div3A_22, %div3A_22 : vector<32x64xf32>
      %reduce_sum3A = arith.constant dense<0.000000e+00> : vector<64xf32>
      %reduce_sum3A_23 = vector.multi_reduction <add>, %mul3A, %reduce_sum3A [0] : vector<32x64xf32> to vector<64xf32>
      %broadcast_in_dim3A = vector.shape_cast %reduce_sum3A_23 : vector<64xf32> to vector<1x64xf32>
      %sqrt3A = math.sqrt %broadcast_in_dim3A : vector<1x64xf32>
      %max3A_24 = arith.constant 9.99999996E-13 : f32
      %max3A_25 = vector.broadcast %max3A_24 : f32 to vector<1x64xf32>
      %max3A_26 = arith.maximumf %sqrt3A, %max3A_25 : vector<1x64xf32>
      %div3A_27 = vector.broadcast %max3A_26 : vector<1x64xf32> to vector<32x64xf32>
      %div3A_28 = arith.divf %div3A_22, %div3A_27 : vector<32x64xf32>
      %get3A_29 = arith.constant 0 : index
      %get3A_30 = arith.constant 0 : index
      %get3A_31 = vector.load %arg6[%get3A_29, %get3A_30] : memref<64x64xf32, #tpu.memory_space<vmem>>, vector<64x64xf32>
      %dot_general3A = arith.constant dense<0.000000e+00> : vector<64x32xf32>
      %dot_general3A_32 = tpu.matmul %get3A_31, %div3A_28, %dot_general3A {dimension_numbers = #tpu.dot_dimension_numbers<[1], [1], [0], [0], [0, 0, 1, 0], [], []>, transpose_lhs_hint = false} : vector<64x64xf32>, vector<32x64xf32>, vector<64x32xf32> -> vector<64x32xf32>
      %swap3A = arith.constant 0 : index
      %swap3A_33 = arith.constant 0 : index
      %swap3A_34 = vector.load %arg7[%swap3A, %swap3A_33] : memref<64x32xf32, #tpu.memory_space<vmem>>, vector<64x32xf32>
      tpu.vector_store %arg7[%swap3A, %swap3A_33], %dot_general3A_32 {strides = array<i32>} : memref<64x32xf32, #tpu.memory_space<vmem>>, vector<64x32xf32>,
    } else {
    }
    return
  }
  func.func @transform_0(%arg0: i32) -> (i32, i32) {
    %min3A = arith.constant 124 : i32
    %min3A_0 = arith.minsi %arg0, %min3A : i32
    %c0_i32 = arith.constant 0 : i32
    %c0_i32_1 = arith.constant 0 : i32
    return %min3A_0, %c0_i32 : i32, i32
  }
  func.func @transform_1(%arg0: i32) -> (i32, i32) {
    %c0_i32 = arith.constant 0 : i32
    %c0_i32_0 = arith.constant 0 : i32
    %c0_i32_1 = arith.constant 0 : i32
    return %c0_i32, %c0_i32_0 : i32, i32
  }
  func.func @transform_2(%arg0: i32) -> (i32, i32) {
    %c0_i32 = arith.constant 0 : i32
    %c0_i32_0 = arith.constant 0 : i32
    %c0_i32_1 = arith.constant 0 : i32
    return %c0_i32, %c0_i32_0 : i32, i32
  }
  func.func @transform_3(%arg0: i32) -> (i32, i32) {
    %sub3A = arith.constant 125 : i32
    %sub3A_0 = arith.subi %arg0, %sub3A : i32
    %max3A = arith.constant 0 : i32
    %max3A_1 = arith.maxsi %sub3A_0, %max3A : i32
    %c0_i32 = arith.constant 0 : i32
    %c0_i32_2 = arith.constant 0 : i32
    return %max3A_1, %c0_i32 : i32, i32
  }
  func.func @transform_4(%arg0: i32) -> (i32, i32) {
    %c0_i32 = arith.constant 0 : i32
    %c0_i32_0 = arith.constant 0 : i32
    %c0_i32_1 = arith.constant 0 : i32
    return %c0_i32, %c0_i32_0 : i32, i32
  }
  func.func @transform_5(%arg0: i32) -> (i32, i32) {
    %c0_i32 = arith.constant 0 : i32
    %c0_i32_0 = arith.constant 0 : i32
    %c0_i32_1 = arith.constant 0 : i32
    return %c0_i32, %c0_i32_0 : i32, i32
  }
  func.func @transform_6(%arg0: i32) -> (i32, i32) {
    %c0_i32 = arith.constant 0 : i32
    %c0_i32_0 = arith.constant 0 : i32
    %c0_i32_1 = arith.constant 0 : i32
    return %c0_i32, %c0_i32_0 : i32, i32
  }
}

module attributes {stable_mosaic.version = 14 : i64} {
  func.func @_k8_body(%arg0: memref<2x10240x128xf32, #tpu.memory_space<vmem>>, %arg1: memref<10000x32xf32, #tpu.memory_space<vmem>>, %arg2: memref<10000x32xf32, #tpu.memory_space<vmem>>) attributes {dimension_semantics = [], scalar_prefetch = 0 : i64, scratch_operands = 0 : i64, tpu.core_type = #tpu.core_type<tc>} {
    %get3A = arith.constant 0 : index
    %get3A_0 = arith.constant 0 : index
    %get3A_1 = arith.constant 0 : index
    %get3A_2 = vector.load %arg0[%get3A, %get3A_0, %get3A_1] : memref<2x10240x128xf32, #tpu.memory_space<vmem>>, vector<1x10240x128xf32>
    %get3A_3 = vector.shape_cast %get3A_2 : vector<1x10240x128xf32> to vector<10240x128xf32>
    %get3A_4 = arith.constant 1 : index
    %get3A_5 = arith.constant 0 : index
    %get3A_6 = arith.constant 0 : index
    %get3A_7 = vector.load %arg0[%get3A_4, %get3A_5, %get3A_6] : memref<2x10240x128xf32, #tpu.memory_space<vmem>>, vector<1x10240x128xf32>
    %get3A_8 = vector.shape_cast %get3A_7 : vector<1x10240x128xf32> to vector<10240x128xf32>
    %add3A = arith.addf %get3A_3, %get3A_8 : vector<10240x128xf32>
    %slice3A = vector.extract_strided_slice %add3A {offsets = [0, 0], sizes = [10000, 128], strides = [1, 1]} : vector<10240x128xf32> to vector<10000x128xf32>
    %slice3A_9 = vector.extract_strided_slice %slice3A {offsets = [0, 0], sizes = [10000, 32], strides = [1, 1]} : vector<10000x128xf32> to vector<10000x32xf32>
    %slice3A_10 = vector.extract_strided_slice %slice3A {offsets = [0, 32], sizes = [10000, 1], strides = [1, 1]} : vector<10000x128xf32> to vector<10000x1xf32>
    %add3A_11 = arith.constant 9.99999996E-13 : f32
    %add3A_12 = vector.broadcast %add3A_11 : f32 to vector<10000x1xf32>
    %add3A_13 = arith.addf %slice3A_10, %add3A_12 : vector<10000x1xf32>
    %div3A = vector.broadcast %add3A_13 : vector<10000x1xf32> to vector<10000x32xf32>
    %div3A_14 = arith.divf %slice3A_9, %div3A : vector<10000x32xf32>
    %slice3A_15 = vector.extract_strided_slice %slice3A {offsets = [0, 64], sizes = [10000, 1], strides = [1, 1]} : vector<10000x128xf32> to vector<10000x1xf32>
    %min3A = arith.constant 1.000000e+00 : f32
    %min3A_16 = vector.broadcast %min3A : f32 to vector<10000x1xf32>
    %min3A_17 = arith.minimumf %slice3A_15, %min3A_16 : vector<10000x1xf32>
    %get3A_18 = arith.constant 0 : index
    %get3A_19 = arith.constant 0 : index
    %get3A_20 = vector.load %arg1[%get3A_18, %get3A_19] : memref<10000x32xf32, #tpu.memory_space<vmem>>, vector<10000x32xf32>
    %gt3A = arith.constant 0.000000e+00 : f32
    %gt3A_21 = vector.broadcast %gt3A : f32 to vector<10000x32xf32>
    %gt3A_22 = arith.cmpf ogt, %div3A_14, %gt3A_21 : vector<10000x32xf32>
    %min3A_23 = arith.constant 0.000000e+00 : f32
    %min3A_24 = vector.broadcast %min3A_23 : f32 to vector<10000x32xf32>
    %min3A_25 = arith.minimumf %div3A_14, %min3A_24 : vector<10000x32xf32>
    %exp3A = math.exp %min3A_25 : vector<10000x32xf32>
    %sub3A = arith.constant 1.000000e+00 : f32
    %sub3A_26 = vector.broadcast %sub3A : f32 to vector<10000x32xf32>
    %sub3A_27 = arith.subf %exp3A, %sub3A_26 : vector<10000x32xf32>
    %select_n3A = arith.select %gt3A_22, %div3A_14, %sub3A_27 : vector<10000x32xi1>, vector<10000x32xf32>
    %mul3A = vector.broadcast %min3A_17 : vector<10000x1xf32> to vector<10000x32xf32>
    %mul3A_28 = arith.mulf %mul3A, %select_n3A : vector<10000x32xf32>
    %add3A_29 = arith.addf %get3A_20, %mul3A_28 : vector<10000x32xf32>
    %mul3A_30 = arith.mulf %add3A_29, %add3A_29 : vector<10000x32xf32>
    %reduce_sum3A = arith.constant dense<0.000000e+00> : vector<10000xf32>
    %reduce_sum3A_31 = vector.multi_reduction <add>, %mul3A_30, %reduce_sum3A [1] : vector<10000x32xf32> to vector<10000xf32>
    %broadcast_in_dim3A = vector.shape_cast %reduce_sum3A_31 : vector<10000xf32> to vector<10000x1xf32>
    %sqrt3A = math.sqrt %broadcast_in_dim3A : vector<10000x1xf32>
    %max3A = arith.constant 9.99999996E-13 : f32
    %max3A_32 = vector.broadcast %max3A : f32 to vector<10000x1xf32>
    %max3A_33 = arith.maximumf %sqrt3A, %max3A_32 : vector<10000x1xf32>
    %div3A_34 = vector.broadcast %max3A_33 : vector<10000x1xf32> to vector<10000x32xf32>
    %div3A_35 = arith.divf %add3A_29, %div3A_34 : vector<10000x32xf32>
    %swap3A = arith.constant 0 : index
    %swap3A_36 = arith.constant 0 : index
    %swap3A_37 = vector.load %arg2[%swap3A, %swap3A_36] : memref<10000x32xf32, #tpu.memory_space<vmem>>, vector<10000x32xf32>
    tpu.vector_store %arg2[%swap3A, %swap3A_36], %div3A_35 {strides = array<i32>} : memref<10000x32xf32, #tpu.memory_space<vmem>>, vector<10000x32xf32>,
    return
  }
}

</mosaic_0001>

<sc_bundles>
// kernel: kernel.13.cloned.1.call-start
scs
__scs_entry_jumppad:
0x0: {  	(pc) =	sbr.rel $0x88, $3  }
0x1: {  	(tag) =	ssettag $0x0;
	lr =	simm.s32 $0x1  }
0x2: {  	[smem:$0x3F8B] =	sst lr;
	_ =	strace $0xD0000000  }
0x3: {  	_ = 	snop  }
0x4: {  	_ = 	snop  }
0x5: {  	_ = 	snop  }
0x6: {  	_ = 	snop  }
0x7: {  	_ = 	snop  }
__scs_overlays_trampoline_lowered:
0x8: {  	[smem:$0x3F9A] =	sst s0  }
0x9: {  	[smem:$0x3F9B] =	sst s1  }
0xa: {  	[smem:$0x3F9C] =	sst s2  }
0xb: {  	[smem:$0x3F9D] =	sst s3  }
0xc: {  	[smem:$0x3F9E] =	sst s4  }
0xd: {  	[smem:$0x3F9F] =	sst s5  }
0xe: {  	[smem:$0x3FA0] =	sst s6  }
0xf: {  	[smem:$0x3FA1] =	sst s7  }
0x10: {  	[smem:$0x3FA2] =	sst s8  }
0x11: {  	[smem:$0x3FA3] =	sst s9;
	s0 =	simm.s32 @!p0 $0x0  }
0x12: {  	s1 =	sld [smem:$0x3F89];
	s0 =	simm.s32 @p0 $0x1  }
0x13: {  	[smem:$0x3FA4] =	sst s0;
	s0 =	simm.s32 @!p1 $0x0  }
0x14: {  	s2 =	sld [smem:$0x3F88];
	s0 =	simm.s32 @p1 $0x1  }
0x15: {  	[smem:$0x3FA5] =	sst s0;
	s0 =	simm.s32 @!p2 $0x0  }
0x16: {  	s3 =	sld [smem:$0x3FDB];
	s0 =	simm.s32 @p2 $0x1  }
0x17: {  	s4 =	simm.s32 $0x1BF5;
	[smem:$0x3FA7] =	sst s0  }
0x18: {  	s0 =	sld [smem:$0x3F8A];
	_ =	swait.ge [sflag:s4], $0x0  }
0x19: {  	s7 =	sld [smem:$0x3F8B]  }
0x1a: {  	s8 =	sadd.s32 $0xFFFFE003, lr  }
0x1b: {  	s9 =	sadd.s32 $0xFFFFFEF7, lr;
	s5 =	simm.s32 $0xFFFFFFFF;
	p2 =	slt.u32 s8, $0xFFFFF086  }
0x1c: {  	p1 =	slt.u32 s9, $0xF7A;
	s5 =	simm.s32 @!p2 $0x0  }
0x1d: {  	s5 =	simm.s32 @p1 $0x1;
	p0 =	seq.s32 s7, s2  }
0x1e: {  	s7 =	smul.u32 @!p0 $0xF7A, s2;
	p2 =	seq.s32 @!p0 s5, $0x0  }
0x1f: {  	s9 =	smul.u32 $0xF7A, s1;
	s8 =	simm.s32 @!p0 $0x1BF5;
	p2 =	por !p2, p0  }
0x20: {  	[sflag:s8] =	ssyncset.s32 @!p0 $0xFFFFF086;
	s6 =	sadd.s32 @!p0 s3, s7;
	s7 =	simm.s32 @!p0 $0x108  }
0x21: {  	s3 =	sadd.s32 s3, s9;
	s6 =	sadd.s32 @!p0 $0x88, s6;
	s7 =	simm.s32 @p2 $0x1082  }
0x22: {  	[simem:s7], [sflag:s8] =	dma.local @!p0 [hbm:s6], $0xF7A  }
0x23: {  	s9 =	sor.u32 $0xD0000000, s2;
	s6 =	simm.s32 $0x108;
	_ =	swait.ge @!p0 [sflag:s8], $0x0  }
0x24: {  	s3 =	sadd.s32 $0x88, s3;
	s6 =	simm.s32 @!p1 $0x1082;
	[sflag:s4] =	ssyncset.s32 $0xFFFFF086  }
0x25: {  	[simem:s6], [sflag:s4] =	dma.local [hbm:s3], $0xF7A  }
0x26: {  	[smem:$0x3F8B] =	sst s1;
	(tag) =	ssettag s2;
	_ =	strace s9  }
0x27: {  	s1 =	sld [smem:$0x3F9B]  }
0x28: {  	s2 =	sld [smem:$0x3F9C]  }
0x29: {  	s4 =	sld [smem:$0x3F9E]  }
0x2a: {  	p0 =	seq.s32 s5, $0x0;
	s5 =	sld [smem:$0x3F9F]  }
0x2b: {  	s6 =	sld [smem:$0x3FA0]  }
0x2c: {  	s7 =	sld [smem:$0x3FA1]  }
0x2d: {  	s3 =	simm.s32 $0x108;
	s8 =	sld [smem:$0x3FA2]  }
0x2e: {  	s3 =	simm.s32 @!p0 $0x1082;
	s9 =	sld [smem:$0x3FA3]  }
0x2f: {  	lr =	sadd.s32 s0, s3;
	s0 =	sld [smem:$0x3F9A]  }
0x30: {  	s3 =	sld [smem:$0x3F9D]  }
0x31: {  	[smem:$0x3FA6] =	sst s10  }
0x32: {  	s10 =	sld [smem:$0x3FA4];
	_ =	sdelay $0x3  }
0x33: {  	p0 =	seq.s32 s10, $0x1;
	s10 =	sld [smem:$0x3FA6];
	_ =	sdelay $0x3  }
0x34: {  	[smem:$0x3FA6] =	sst s10  }
0x35: {  	s10 =	sld [smem:$0x3FA5];
	_ =	sdelay $0x3  }
0x36: {  	p1 =	seq.s32 s10, $0x1;
	s10 =	sld [smem:$0x3FA6];
	_ =	sdelay $0x3  }
0x37: {  	[smem:$0x3FA6] =	sst s10  }
0x38: {  	s10 =	sld [smem:$0x3FA7]  }
0x39: {  	_ = 	snop;
	(pc) =	sbr.ind lr, $3  }
0x3a: {  	_ = 	snop  }
0x3b: {  	_ = 	snop  }
0x3c: {  	p2 =	seq.s32 s10, $0x1;
	s10 =	sld [smem:$0x3FA6]  }
0x3d: {  	_ =	shalt  }
0x3e: {  	_ =	shalt  }
0x3f: {  	_ =	shalt  }
0x40: {  	_ =	shalt  }
0x41: {  	_ =	shalt  }
0x42: {  	_ =	shalt  }
0x43: {  	_ =	shalt  }
0x44: {  	_ =	shalt  }
0x45: {  	_ =	shalt  }
0x46: {  	_ =	shalt  }
0x47: {  	_ =	shalt  }
0x48: {  	_ =	shalt  }
0x49: {  	_ =	shalt  }
0x4a: {  	_ =	shalt  }
0x4b: {  	_ =	shalt  }
0x4c: {  	_ =	shalt  }
0x4d: {  	_ =	shalt  }
0x4e: {  	_ =	shalt  }
0x4f: {  	_ =	shalt  }
0x50: {  	_ =	shalt  }
0x51: {  	_ =	shalt  }
0x52: {  	_ =	shalt  }
0x53: {  	_ =	shalt  }
0x54: {  	_ =	shalt  }
0x55: {  	_ =	shalt  }
0x56: {  	_ =	shalt  }
0x57: {  	_ =	shalt  }
0x58: {  	_ =	shalt  }
0x59: {  	_ =	shalt  }
0x5a: {  	_ =	shalt  }
0x5b: {  	_ =	shalt  }
0x5c: {  	_ =	shalt  }
0x5d: {  	_ =	shalt  }
0x5e: {  	_ =	shalt  }
0x5f: {  	_ =	shalt  }
0x60: {  	_ =	shalt  }
0x61: {  	_ =	shalt  }
0x62: {  	_ =	shalt  }
0x63: {  	_ =	shalt  }
0x64: {  	_ =	shalt  }
0x65: {  	_ =	shalt  }
0x66: {  	_ =	shalt  }
0x67: {  	_ =	shalt  }
0x68: {  	_ =	shalt  }
0x69: {  	_ =	shalt  }
0x6a: {  	_ =	shalt  }
0x6b: {  	_ =	shalt  }
0x6c: {  	_ =	shalt  }
0x6d: {  	_ =	shalt  }
0x6e: {  	_ =	shalt  }
0x6f: {  	_ =	shalt  }
0x70: {  	_ =	shalt  }
0x71: {  	_ =	shalt  }
0x72: {  	_ =	shalt  }
0x73: {  	_ =	shalt  }
0x74: {  	_ =	shalt  }
0x75: {  	_ =	shalt  }
0x76: {  	_ =	shalt  }
0x77: {  	_ =	shalt  }
0x78: {  	_ =	shalt  }
0x79: {  	_ =	shalt  }
0x7a: {  	_ =	shalt  }
0x7b: {  	_ =	shalt  }
0x7c: {  	_ =	shalt  }
0x7d: {  	_ =	shalt  }
0x7e: {  	_ =	shalt  }
0x7f: {  	_ =	shalt  }
0x80: {  	_ =	shalt  }
0x81: {  	_ =	shalt  }
0x82: {  	_ =	shalt  }
0x83: {  	_ =	shalt  }
0x84: {  	_ =	shalt  }
0x85: {  	_ =	shalt  }
0x86: {  	_ =	shalt  }
0x87: {  	_ =	shalt  }
.Lfunc_end0:
.L_simem_size_0:
called_computation_lowered:
.L_overlay_start_0:
0x88: {  	s2 =	sld [smem:$0x3FD9]  }
0x89: {  	s3 =	sld [smem:$0x3FFE];
	_ =	sdelay $0x1  }
0x8a: {  	s1 =	srdreg.scid  }
0x8b: {  	s0 =	sand.u32 $0x1, s1  }
0x8c: {  	s14 =	sshll.u32 s0, $0xA;
	s2 =	sadd.s32 s3, s2  }
0x8d: {  	s2 =	sadd.s32 s2, s14  }
0x8e: {  	[smem:$0x3FB2] =	sst s2  }
0x8f: {  	_ = 	snop  }
0x90: {  	s2 =	sld [smem:$0x3FD0];
	_ =	sdelay $0x2  }
0x91: {  	s15 =	simm.s32 $0xA;
	s4 =	simm.s32 $0x10  }
0x92: {  	[smem:s4], [sflag:s15] =	dma.local [hbm:s2], $0x1  }
0x93: {  	_ =	swait.eq [sflag:s15], $0x1  }
0x94: {  	[sflag:s15] =	ssyncset.done $0x0  }
0x95: {  	[sflag:s15] =	ssyncadd.s32 $0xFFFFFFFF  }
0x96: {  	s16 =	sld [smem:$0x10];
	(tm) =	ssettm $0x1  }
0x97: {  	s17 =	sld [smem:$0x3FFB];
	_ =	sdelay $0x3  }
0x98: {  	_ =	strace s17  }
0x99: {  	s3 =	sld [smem:$0x3FFC];
	_ =	sdelay $0x3  }
0x9a: {  	_ =	strace s3  }
0x9b: {  	s3 =	sld [smem:$0x3FFD];
	_ =	sdelay $0x3  }
0x9c: {  	_ =	strace s3  }
0x9d: {  	_ =	strace $0x8FFFFFFF  }
0x9e: {  	s18 =	sld [smem:$0x3FDB];
	_ =	sdelay $0x1  }
0x9f: {  	s19 =	simm.s32 $_scs_section_size  }
0xa0: {  	s5 =	simm.s32 $_size__tile_overlayer_lowered;
	s6 =	simm.s32 $_tile_overlayer_lowered  }
0xa1: {  	s22 =	simm.s32 $0x1BFF;
	s21 =	sshll.u32 s6, $0x1;
	s3 =	sadd.s32 s19, s18  }
0xa2: {  	s7 =	simm.s32 $0x0;
	s20 =	sshll.u32 s5, $0x1;
	s5 =	sadd.s32 s21, s3  }
0xa3: {  	[timem:s7], [sflag:s22] =	dma.local [hbm:s5], s20  }
0xa4: {  	_ =	swait.ge [sflag:s22], s20  }
0xa5: {  	s4 =	ssub.s32 $0x0, s20;
	[sflag:s22] =	ssyncset.done $0x0  }
0xa6: {  	[sflag:s22] =	ssyncadd.s32 s4;
	_ =	sdelay $0x1  }
0xa7: {  	s23 =	simm.s32 $0x1B8B  }
0xa8: {  	_ =	swait.ge [sflag:s23], $0x1  }
0xa9: {  	[sflag:s23] =	ssyncset.done $0x0  }
0xaa: {  	s25 =	simm.s32 $0x1B8E;
	s24 =	sld [smem:$0x3FFE];
	[sflag:s23] =	ssyncadd.s32 $0xFFFFFFFF  }
0xab: {  	s26 =	simm.s32 $execute0_lowered;
	[smem:$0x3FD2] =	sst s25  }
0xac: {  	s5 =	sshll.u32 s26, $0x1;
	_ =	strace $0x80000046;
	[dreg:$0x1] =	wrdreg $0xFFFFFFFF  }
0xad: {  	s28 =	simm.s32 $_size_execute0_lowered;
	s3 =	sadd.s32 s3, s5;
	[dreg:$0x0] =	wrdreg $0x0  }
0xae: {  	s5 =	sshll.u32 s28, $0x1;
	[dreg:$0x2] =	wrdreg s3  }
0xaf: {  	[dreg:$0x3] =	wrdreg s5  }
0xb0: {  	[dreg:$0x4] =	wrdreg $0xC0  }
0xb1: {  	_ =	task [dreg:s7], $0x5FFFF  }
0xb2: {  	[dreg:$0x1] =	wrdreg $0xFFFFFFFF  }
0xb3: {  	[dreg:$0x0] =	wrdreg $0x60  }
0xb4: {  	[dreg:$0x2] =	wrdreg s24  }
0xb5: {  	[dreg:$0x3] =	wrdreg s16  }
0xb6: {  	[dreg:$0x4] =	wrdreg $0x9  }
0xb7: {  	_ =	task.clear_ibuf [dreg:s7], $0x5FFFF;
	_ =	strace $0x90000046  }
0xb8: {  	s29 =	simm.s32 $0x9;
	_ =	strace $0x80000048  }
0xb9: {  	_ =	swait.ge [sflag:s29], $0x1  }
0xba: {  	[sflag:s29] =	ssyncadd.s32 $0xFFFFFFFF  }
0xbb: {  	_ =	strace $0x90000048  }
0xbc: {  	_ =	sfence  }
0xbd: {  	s30 =	sld [smem:$0x0];
	_ =	sdelay $0x2  }
0xbe: {  	s31 =	sshll.u32 s1, $0xD;
	s1 =	sshrl.u32 s1, $0x2  }
0xbf: {  	s3 =	sand.u32 $0x4000, s31;
	s1 =	sadd.s32 s1, s30  }
0xc0: {  	s0 =	sor.u32 s3, s0;
	s1 =	sshll.u32 s1, $0x11  }
0xc1: {  	s0 =	sor.u32 s1, s0  }
0xc2: {  	s0 =	sadd.s32 $0x8F2B, s0  }
0xc3: {  	[sflag:s0] =	ssyncadd.remote.s32 $0x1  }
0xc4: {  	_ =	sfence.sel $0xFFFF  }
0xc5: {  	[dreg:$0x0] =	wrdreg $0xFFFFFFFF;
	(pc) =	sbr.abs _section_cstart, $3  }
0xc6: {  	[dreg:$0x1] =	wrdreg $0xFFFFFFFF  }
0xc7: {  	_ =	task.clear_ibuf [dreg:s7], $0x2FFFF;
	_ =	strace $0x9FFFFFFF  }
0xc8: {  	(tm) =	ssettm $0x7FFFFFFF  }
0xc9: {  	_ =	shalt  }
tec
execute0_lowered:
.L_overlay_start_1:
0x0: {  	(tag) =	ssettag $0x1  }
0x1: {  	s4 =	rddreg [dreg:$0x0]  }
0x2: {  	s11 =	rddreg [dreg:$0x1]  }
0x3: {  	s0 =	rddreg [dreg:$0x2]  }
0x4: {  	s1 =	simm.s32 $0x0;
	s5 =	srdreg.scid;
	s16 =	stileid.u32  }
0x5: {  	[smem:$0x7FF] =	sst s1;
	s2 =	sadd.s32 $0xB800, s4;
	s12 =	sadd.s32 $0x6800, s4  }
0x6: {  	s3 =	sadd.s32 $0x32A00, s4;
	s9 =	sadd.s32 $0x81200, s4;
	s10 =	sand.u32 $0x1, s5  }
0x7: {  	s13 =	sadd.s32 $0x2F2200, s4;
	s17 =	sshll.u32 s16, $0x8;
	s31 =	sshll.u32 s16, $0xC  }
0x8: {  	p0 =	sne.s32 s16, $0x0;
	s16 =	simm.s32 $0x0;
	_ =	strace $0x80000047  }
0x9: {  	s29 =	ssub.s32 $0x2, s10;
	s14 =	sshll.u32 s10, $0x7;
	s10 =	sshll.u32 s10, $0xB  }
0xa: {  	s30 =	sshrl.u32 s29, $0x1;
	s6 =	sor.u32 $0x27000, s14;
	s14 =	sor.u32 s14, s17  }
0xb: {  	s8 =	ssub.s32 s29, s30;
	s7 =	sshrl.u32 s6, $0x3;
	s15 =	sshll.u32 s6, $0x4  }
0xc: {  	s14 =	sshrl.u32 s14, $0x3;
	s4 =	sadd.s32 s12, s7;
	s5 =	sadd.s32 s9, s15  }
0xd: {  	s6 =	sadd.s32 s11, s7;
	s7 =	sadd.s32 s13, s15;
	s8 =	smax.u32 s8, $0x1  }
0xe: {  	s9 =	sadd.s32 s31, s9;
	s13 =	sadd.s32 s31, s13;
	s11 =	sadd.s32 s14, s11  }
0xf: {  	s12 =	sadd.s32 s14, s12;
	s14 =	simm.s32 $0x80;
	s15 =	simm.s32 $0x1  }
0x10: {  	s9 =	sadd.s32 s10, s9;
	s10 =	sadd.s32 s10, s13;
	s13 =	simm.s32 $0x2  }
.LBB2_1:
0x11: {  	s17 =	sadd.s32 $0x0, s12  }
0x12: {  	[tilespmem:s1], [sflag:$0x2] =	stream.linear.gather [hbm4b:s17+s1], $0x80, $0x38;
	[tilespmem:$0x4080] =	vst v63  }
0x13: {  	_ =	swait.ge [sflag:s13], $0x80  }
0x14: {  	[sflag:s13] =	ssyncset.done $0x0  }
0x15: {  	[sflag:s13] =	ssyncadd.s32 $0xFFFFFF80  }
0x16: {  	[tilespmem:s14], [sflag:$0x1] =	stream.indirect.gather [hbm4b:s2+s14], $0x80, s1, s14, $0xb8;
	[tilespmem:$0x4080] =	vst v63  }
0x17: {  	_ =	swait.ge [sflag:s15], $0x4000  }
0x18: {  	[sflag:s15] =	ssyncset.done $0x0  }
0x19: {  	[sflag:s15] =	ssyncadd.s32 $0xFFFFC000  }
0x1a: {  	[hbm4b:s9+s1] =	stream.linear.scatter [tilespmem:s14], [sflag:$0x2], $0x4000, $0x38;
	[tilespmem:$0x4080] =	vst v63  }
0x1b: {  	_ =	swait.ge [sflag:s13], $0x4000  }
0x1c: {  	[sflag:s13] =	ssyncset.done $0x0  }
0x1d: {  	s31 =	sadd.s32 $0x0, s11;
	[sflag:s13] =	ssyncadd.s32 $0xFFFFC000  }
0x1e: {  	[tilespmem:s1], [sflag:$0x2] =	stream.linear.gather [hbm4b:s31+s1], $0x80, $0x38;
	[tilespmem:$0x4080] =	vst v63  }
0x1f: {  	_ =	swait.ge [sflag:s13], $0x80  }
0x20: {  	[sflag:s13] =	ssyncset.done $0x0  }
0x21: {  	[sflag:s13] =	ssyncadd.s32 $0xFFFFFF80  }
0x22: {  	[tilespmem:s14], [sflag:$0x1] =	stream.indirect.gather [hbm4b:s3+s14], $0x80, s1, s14, $0xb8;
	[tilespmem:$0x4080] =	vst v63  }
0x23: {  	_ =	swait.ge [sflag:s15], $0x4000  }
0x24: {  	[sflag:s15] =	ssyncset.done $0x0  }
0x25: {  	[sflag:s15] =	ssyncadd.s32 $0xFFFFC000  }
0x26: {  	[hbm4b:s10+s1] =	stream.linear.scatter [tilespmem:s14], [sflag:$0x2], $0x4000, $0x38;
	[tilespmem:$0x4080] =	vst v63  }
0x27: {  	s18 =	simm.s32 $0x200;
	s20 =	simm.s32 $0x400;
	_ =	swait.ge [sflag:s13], $0x4000  }
0x28: {  	s19 =	sadd.s32 $0x10000, s9;
	s17 =	sadd.s32 $0x10000, s10;
	[sflag:s13] =	ssyncset.done $0x0  }
.LBB2_2:
0x29: {  	s21 =	sadd.s32 s18, s12  }
0x2a: {  	[sflag:s13] =	ssyncadd.s32 $0xFFFFC000;
	s22 =	smov.u32 s20;
	s23 =	sadd.s32 $0x200, s20  }
0x2b: {  	[tilespmem:s1], [sflag:$0x2] =	stream.linear.gather [hbm4b:s21+s1], $0x80, $0x38;
	[tilespmem:$0x4080] =	vst v63  }
0x2c: {  	p1 =	sne.s32 s20, $0x4C00;
	_ =	swait.ge [sflag:s13], $0x80  }
0x2d: {  	[sflag:s13] =	ssyncset.done $0x0  }
0x2e: {  	[sflag:s13] =	ssyncadd.s32 $0xFFFFFF80  }
0x2f: {  	[tilespmem:s14], [sflag:$0x1] =	stream.indirect.gather [hbm4b:s2+s14], $0x80, s1, s14, $0xb8;
	[tilespmem:$0x4080] =	vst v63  }
0x30: {  	_ =	swait.ge [sflag:s15], $0x4000  }
0x31: {  	[sflag:s15] =	ssyncset.done $0x0  }
0x32: {  	[sflag:s15] =	ssyncadd.s32 $0xFFFFC000  }
0x33: {  	[hbm4b:s19+s1] =	stream.linear.scatter [tilespmem:s14], [sflag:$0x2], $0x4000, $0x38;
	[tilespmem:$0x4080] =	vst v63  }
0x34: {  	_ =	swait.ge [sflag:s13], $0x4000  }
0x35: {  	[sflag:s13] =	ssyncset.done $0x0  }
0x36: {  	s20 =	sadd.s32 s18, s11;
	s18 =	smov.u32 s22;
	[sflag:s13] =	ssyncadd.s32 $0xFFFFC000  }
0x37: {  	[tilespmem:s1], [sflag:$0x2] =	stream.linear.gather [hbm4b:s20+s1], $0x80, $0x38;
	[tilespmem:$0x4080] =	vst v63  }
0x38: {  	_ =	swait.ge [sflag:s13], $0x80  }
0x39: {  	[sflag:s13] =	ssyncset.done $0x0  }
0x3a: {  	[sflag:s13] =	ssyncadd.s32 $0xFFFFFF80  }
0x3b: {  	[tilespmem:s14], [sflag:$0x1] =	stream.indirect.gather [hbm4b:s3+s14], $0x80, s1, s14, $0xb8;
	[tilespmem:$0x4080] =	vst v63  }
0x3c: {  	_ =	swait.ge [sflag:s15], $0x4000  }
.Ltmp0:
0x3d: {  	[sflag:s15] =	ssyncset.done $0x0;
	(pc) =	sbr.rel @p1 .LBB2_2-.Ltmp0, $4  }
0x3e: {  	[sflag:s15] =	ssyncadd.s32 $0xFFFFC000  }
0x3f: {  	[hbm4b:s17+s1] =	stream.linear.scatter [tilespmem:s14], [sflag:$0x2], $0x4000, $0x38;
	[tilespmem:$0x4080] =	vst v63  }
0x40: {  	s19 =	sadd.s32 $0x10000, s19;
	_ =	swait.ge [sflag:s13], $0x4000  }
0x41: {  	s20 =	smov.u32 s23;
	s17 =	sadd.s32 $0x10000, s17;
	[sflag:s13] =	ssyncset.done $0x0  }
0x42: {  	s20 =	sadd.s32 s18, s12;
	[sflag:s13] =	ssyncadd.s32 $0xFFFFC000  }
0x43: {  	[tilespmem:s1], [sflag:$0x2] =	stream.linear.gather [hbm4b:s20+s1], $0x80, $0x38;
	[tilespmem:$0x4080] =	vst v63  }
0x44: {  	_ =	swait.ge [sflag:s13], $0x80  }
0x45: {  	[sflag:s13] =	ssyncset.done $0x0  }
0x46: {  	[sflag:s13] =	ssyncadd.s32 $0xFFFFFF80  }
0x47: {  	[tilespmem:s14], [sflag:$0x1] =	stream.indirect.gather [hbm4b:s2+s14], $0x80, s1, s14, $0xb8;
	[tilespmem:$0x4080] =	vst v63  }
0x48: {  	_ =	swait.ge [sflag:s15], $0x4000  }
0x49: {  	[sflag:s15] =	ssyncset.done $0x0  }
0x4a: {  	[sflag:s15] =	ssyncadd.s32 $0xFFFFC000  }
0x4b: {  	[hbm4b:s19+s1] =	stream.linear.scatter [tilespmem:s14], [sflag:$0x2], $0x4000, $0x38;
	[tilespmem:$0x4080] =	vst v63  }
0x4c: {  	_ =	swait.ge [sflag:s13], $0x4000  }
0x4d: {  	[sflag:s13] =	ssyncset.done $0x0  }
0x4e: {  	s31 =	sadd.s32 s18, s11;
	[sflag:s13] =	ssyncadd.s32 $0xFFFFC000  }
0x4f: {  	[tilespmem:s1], [sflag:$0x2] =	stream.linear.gather [hbm4b:s31+s1], $0x80, $0x38;
	[tilespmem:$0x4080] =	vst v63  }
0x50: {  	_ =	swait.ge [sflag:s13], $0x80  }
0x51: {  	[sflag:s13] =	ssyncset.done $0x0  }
0x52: {  	[sflag:s13] =	ssyncadd.s32 $0xFFFFFF80  }
0x53: {  	[tilespmem:s14], [sflag:$0x1] =	stream.indirect.gather [hbm4b:s3+s14], $0x80, s1, s14, $0xb8;
	[tilespmem:$0x4080] =	vst v63  }
0x54: {  	_ =	swait.ge [sflag:s15], $0x4000  }
0x55: {  	[sflag:s15] =	ssyncset.done $0x0  }
0x56: {  	[sflag:s15] =	ssyncadd.s32 $0xFFFFC000  }
0x57: {  	[hbm4b:s17+s1] =	stream.linear.scatter [tilespmem:s14], [sflag:$0x2], $0x4000, $0x38;
	[tilespmem:$0x4080] =	vst v63  }
0x58: {  	_ =	swait.ge [sflag:s13], $0x4000  }
0x59: {  	[sflag:s13] =	ssyncset.done $0x0  }
0x5a: {  	s18 =	simm.s32 @!p0 $0x2;
	s17 =	simm.s32 @!p0 $0x0;
	[sflag:s13] =	ssyncadd.s32 $0xFFFFC000  }
0x5b: {  	[tilespmem:s17], [sflag:$0x2] =	stream.linear.gather @!p0 [hbm4b:s4+s17], $0x80, $0x38;
	[tilespmem:$0x4080] =	vst v63  }
0x5c: {  	_ =	swait.ge @!p0 [sflag:s18], $0x80  }
0x5d: {  	[sflag:s18] =	ssyncset.done @!p0 $0x0  }
0x5e: {  	s20 =	simm.s32 @!p0 $0x1;
	s19 =	simm.s32 @!p0 $0x80;
	[sflag:s18] =	ssyncadd.s32 @!p0 $0xFFFFFF80  }
0x5f: {  	[tilespmem:s19], [sflag:$0x1] =	stream.indirect.gather @!p0 [hbm4b:s2+s19], $0x80, s17, s19, $0xb8;
	[tilespmem:$0x4080] =	vst v63  }
0x60: {  	_ =	swait.ge @!p0 [sflag:s20], $0x4000  }
0x61: {  	[sflag:s20] =	ssyncset.done @!p0 $0x0  }
0x62: {  	[sflag:s20] =	ssyncadd.s32 @!p0 $0xFFFFC000  }
0x63: {  	[hbm4b:s5+s17] =	stream.linear.scatter @!p0 [tilespmem:s19], [sflag:$0x2], $0x4000, $0x38;
	[tilespmem:$0x4080] =	vst v63  }
0x64: {  	_ =	swait.ge @!p0 [sflag:s18], $0x4000  }
0x65: {  	[sflag:s18] =	ssyncset.done @!p0 $0x0  }
0x66: {  	[sflag:s18] =	ssyncadd.s32 @!p0 $0xFFFFC000  }
0x67: {  	[tilespmem:s17], [sflag:$0x2] =	stream.linear.gather @!p0 [hbm4b:s6+s17], $0x80, $0x38;
	[tilespmem:$0x4080] =	vst v63  }
0x68: {  	_ =	swait.ge @!p0 [sflag:s18], $0x80  }
0x69: {  	[sflag:s18] =	ssyncset.done @!p0 $0x0  }
0x6a: {  	[sflag:s18] =	ssyncadd.s32 @!p0 $0xFFFFFF80  }
0x6b: {  	[tilespmem:s19], [sflag:$0x1] =	stream.indirect.gather @!p0 [hbm4b:s3+s19], $0x80, s17, s19, $0xb8;
	[tilespmem:$0x4080] =	vst v63  }
0x6c: {  	s16 =	sadd.s32 $0x1, s16;
	_ =	swait.ge @!p0 [sflag:s20], $0x4000  }
0x6d: {  	p1 =	sne.s32 s16, s8;
	[sflag:s20] =	ssyncset.done @!p0 $0x0  }
.Ltmp1:
0x6e: {  	[sflag:s20] =	ssyncadd.s32 @!p0 $0xFFFFC000;
	(pc) =	sbr.rel @p1 .LBB2_1-.Ltmp1, $4  }
0x6f: {  	[hbm4b:s7+s17] =	stream.linear.scatter @!p0 [tilespmem:s19], [sflag:$0x2], $0x4000, $0x38;
	[tilespmem:$0x4080] =	vst v63  }
0x70: {  	_ =	swait.ge @!p0 [sflag:s18], $0x4000  }
0x71: {  	[sflag:s18] =	ssyncset.done @!p0 $0x0  }
0x72: {  	[sflag:s18] =	ssyncadd.s32 @!p0 $0xFFFFC000  }
0x73: {  	_ =	sfence.sel $0x180000  }
0x74: {  	[bflag:$0x0] =	sbarrier.arrive $0xFFFF  }
0x75: {  	_ =	strace $0x90000047  }
0x76: {  	s0 =	sadd.s32 @!p0 $0x100000, s0;
	[bflag:$0x2] =	sbarrier.arrive $0xFFFF  }
0x77: {  	[sflag:s0] =	ssyncadd.tile.s32 @!p0 $0x1;
	_ =	shalt  }
.Lfunc_end2:
_tile_overlayer_lowered:
.L_overlay_start_2:
0x78: {  	(tag) =	ssettag $0x2  }
0x79: {  	s0 =	rddreg [dreg:$0x0];
	s2 =	stileid.u32  }
0x7a: {  	s1 =	rddreg [dreg:$0x1];
	p0 =	sne.s32 s2, $0x0  }
0x7b: {  	s3 =	rddreg [dreg:$0x2];
	[bflag:$0x3] =	sbarrier.arrive $0xFFFF;
	s2 =	simm.s32 @!p0 $0x1C02  }
0x7c: {  	[timem:s3], [sflag:s2] =	dma.local @!p0 [hbm:s0], s1  }
0x7d: {  	s0 =	simm.s32 @!p0 $0x2  }
0x7e: {  	_ =	swait.ge @!p0 [sflag:s0], s1  }
0x7f: {  	s1 =	ssub.s32 @!p0 $0x0, s1;
	[sflag:s0] =	ssyncset.done @!p0 $0x0  }
0x80: {  	[sflag:s0] =	ssyncadd.s32 @!p0 s1  }
0x81: {  	[bflag:$0x3] =	sbarrier.arrive $0xFFFF  }
0x82: {  	_ =	shalt  }

// kernel: kernel.16.cloned.1.call-start
scs
__scs_entry_jumppad:
0x0: {  	(pc) =	sbr.rel $0x88, $3  }
0x1: {  	(tag) =	ssettag $0x0;
	lr =	simm.s32 $0x1  }
0x2: {  	[smem:$0x3F8B] =	sst lr;
	_ =	strace $0xD0000000  }
0x3: {  	_ = 	snop  }
0x4: {  	_ = 	snop  }
0x5: {  	_ = 	snop  }
0x6: {  	_ = 	snop  }
0x7: {  	_ = 	snop  }
__scs_overlays_trampoline_lowered:
0x8: {  	[smem:$0x3F9A] =	sst s0  }
0x9: {  	[smem:$0x3F9B] =	sst s1  }
0xa: {  	[smem:$0x3F9C] =	sst s2  }
0xb: {  	[smem:$0x3F9D] =	sst s3  }
0xc: {  	[smem:$0x3F9E] =	sst s4  }
0xd: {  	[smem:$0x3F9F] =	sst s5  }
0xe: {  	[smem:$0x3FA0] =	sst s6  }
0xf: {  	[smem:$0x3FA1] =	sst s7  }
0x10: {  	[smem:$0x3FA2] =	sst s8  }
0x11: {  	[smem:$0x3FA3] =	sst s9;
	s0 =	simm.s32 @!p0 $0x0  }
0x12: {  	s1 =	sld [smem:$0x3F89];
	s0 =	simm.s32 @p0 $0x1  }
0x13: {  	[smem:$0x3FA4] =	sst s0;
	s0 =	simm.s32 @!p1 $0x0  }
0x14: {  	s2 =	sld [smem:$0x3F88];
	s0 =	simm.s32 @p1 $0x1  }
0x15: {  	[smem:$0x3FA5] =	sst s0;
	s0 =	simm.s32 @!p2 $0x0  }
0x16: {  	s3 =	sld [smem:$0x3FDB];
	s0 =	simm.s32 @p2 $0x1  }
0x17: {  	s4 =	simm.s32 $0x1BF5;
	[smem:$0x3FA7] =	sst s0  }
0x18: {  	s0 =	sld [smem:$0x3F8A];
	_ =	swait.ge [sflag:s4], $0x0  }
0x19: {  	s7 =	sld [smem:$0x3F8B]  }
0x1a: {  	s8 =	sadd.s32 $0xFFFFE003, lr  }
0x1b: {  	s9 =	sadd.s32 $0xFFFFFEF7, lr;
	s5 =	simm.s32 $0xFFFFFFFF;
	p2 =	slt.u32 s8, $0xFFFFF086  }
0x1c: {  	p1 =	slt.u32 s9, $0xF7A;
	s5 =	simm.s32 @!p2 $0x0  }
0x1d: {  	s5 =	simm.s32 @p1 $0x1;
	p0 =	seq.s32 s7, s2  }
0x1e: {  	s7 =	smul.u32 @!p0 $0xF7A, s2;
	p2 =	seq.s32 @!p0 s5, $0x0  }
0x1f: {  	s9 =	smul.u32 $0xF7A, s1;
	s8 =	simm.s32 @!p0 $0x1BF5;
	p2 =	por !p2, p0  }
0x20: {  	[sflag:s8] =	ssyncset.s32 @!p0 $0xFFFFF086;
	s6 =	sadd.s32 @!p0 s3, s7;
	s7 =	simm.s32 @!p0 $0x108  }
0x21: {  	s3 =	sadd.s32 s3, s9;
	s6 =	sadd.s32 @!p0 $0x88, s6;
	s7 =	simm.s32 @p2 $0x1082  }
0x22: {  	[simem:s7], [sflag:s8] =	dma.local @!p0 [hbm:s6], $0xF7A  }
0x23: {  	s9 =	sor.u32 $0xD0000000, s2;
	s6 =	simm.s32 $0x108;
	_ =	swait.ge @!p0 [sflag:s8], $0x0  }
0x24: {  	s3 =	sadd.s32 $0x88, s3;
	s6 =	simm.s32 @!p1 $0x1082;
	[sflag:s4] =	ssyncset.s32 $0xFFFFF086  }
0x25: {  	[simem:s6], [sflag:s4] =	dma.local [hbm:s3], $0xF7A  }
0x26: {  	[smem:$0x3F8B] =	sst s1;
	(tag) =	ssettag s2;
	_ =	strace s9  }
0x27: {  	s1 =	sld [smem:$0x3F9B]  }
0x28: {  	s2 =	sld [smem:$0x3F9C]  }
0x29: {  	s4 =	sld [smem:$0x3F9E]  }
0x2a: {  	p0 =	seq.s32 s5, $0x0;
	s5 =	sld [smem:$0x3F9F]  }
0x2b: {  	s6 =	sld [smem:$0x3FA0]  }
0x2c: {  	s7 =	sld [smem:$0x3FA1]  }
0x2d: {  	s3 =	simm.s32 $0x108;
	s8 =	sld [smem:$0x3FA2]  }
0x2e: {  	s3 =	simm.s32 @!p0 $0x1082;
	s9 =	sld [smem:$0x3FA3]  }
0x2f: {  	lr =	sadd.s32 s0, s3;
	s0 =	sld [smem:$0x3F9A]  }
0x30: {  	s3 =	sld [smem:$0x3F9D]  }
0x31: {  	[smem:$0x3FA6] =	sst s10  }
0x32: {  	s10 =	sld [smem:$0x3FA4];
	_ =	sdelay $0x3  }
0x33: {  	p0 =	seq.s32 s10, $0x1;
	s10 =	sld [smem:$0x3FA6];
	_ =	sdelay $0x3  }
0x34: {  	[smem:$0x3FA6] =	sst s10  }
0x35: {  	s10 =	sld [smem:$0x3FA5];
	_ =	sdelay $0x3  }
0x36: {  	p1 =	seq.s32 s10, $0x1;
	s10 =	sld [smem:$0x3FA6];
	_ =	sdelay $0x3  }
0x37: {  	[smem:$0x3FA6] =	sst s10  }
0x38: {  	s10 =	sld [smem:$0x3FA7]  }
0x39: {  	_ = 	snop;
	(pc) =	sbr.ind lr, $3  }
0x3a: {  	_ = 	snop  }
0x3b: {  	_ = 	snop  }
0x3c: {  	p2 =	seq.s32 s10, $0x1;
	s10 =	sld [smem:$0x3FA6]  }
0x3d: {  	_ =	shalt  }
0x3e: {  	_ =	shalt  }
0x3f: {  	_ =	shalt  }
0x40: {  	_ =	shalt  }
0x41: {  	_ =	shalt  }
0x42: {  	_ =	shalt  }
0x43: {  	_ =	shalt  }
0x44: {  	_ =	shalt  }
0x45: {  	_ =	shalt  }
0x46: {  	_ =	shalt  }
0x47: {  	_ =	shalt  }
0x48: {  	_ =	shalt  }
0x49: {  	_ =	shalt  }
0x4a: {  	_ =	shalt  }
0x4b: {  	_ =	shalt  }
0x4c: {  	_ =	shalt  }
0x4d: {  	_ =	shalt  }
0x4e: {  	_ =	shalt  }
0x4f: {  	_ =	shalt  }
0x50: {  	_ =	shalt  }
0x51: {  	_ =	shalt  }
0x52: {  	_ =	shalt  }
0x53: {  	_ =	shalt  }
0x54: {  	_ =	shalt  }
0x55: {  	_ =	shalt  }
0x56: {  	_ =	shalt  }
0x57: {  	_ =	shalt  }
0x58: {  	_ =	shalt  }
0x59: {  	_ =	shalt  }
0x5a: {  	_ =	shalt  }
0x5b: {  	_ =	shalt  }
0x5c: {  	_ =	shalt  }
0x5d: {  	_ =	shalt  }
0x5e: {  	_ =	shalt  }
0x5f: {  	_ =	shalt  }
0x60: {  	_ =	shalt  }
0x61: {  	_ =	shalt  }
0x62: {  	_ =	shalt  }
0x63: {  	_ =	shalt  }
0x64: {  	_ =	shalt  }
0x65: {  	_ =	shalt  }
0x66: {  	_ =	shalt  }
0x67: {  	_ =	shalt  }
0x68: {  	_ =	shalt  }
0x69: {  	_ =	shalt  }
0x6a: {  	_ =	shalt  }
0x6b: {  	_ =	shalt  }
0x6c: {  	_ =	shalt  }
0x6d: {  	_ =	shalt  }
0x6e: {  	_ =	shalt  }
0x6f: {  	_ =	shalt  }
0x70: {  	_ =	shalt  }
0x71: {  	_ =	shalt  }
0x72: {  	_ =	shalt  }
0x73: {  	_ =	shalt  }
0x74: {  	_ =	shalt  }
0x75: {  	_ =	shalt  }
0x76: {  	_ =	shalt  }
0x77: {  	_ =	shalt  }
0x78: {  	_ =	shalt  }
0x79: {  	_ =	shalt  }
0x7a: {  	_ =	shalt  }
0x7b: {  	_ =	shalt  }
0x7c: {  	_ =	shalt  }
0x7d: {  	_ =	shalt  }
0x7e: {  	_ =	shalt  }
0x7f: {  	_ =	shalt  }
0x80: {  	_ =	shalt  }
0x81: {  	_ =	shalt  }
0x82: {  	_ =	shalt  }
0x83: {  	_ =	shalt  }
0x84: {  	_ =	shalt  }
0x85: {  	_ =	shalt  }
0x86: {  	_ =	shalt  }
0x87: {  	_ =	shalt  }
.Lfunc_end0:
.L_simem_size_0:
called_computation.1_lowered:
.L_overlay_start_0:
0x88: {  	s2 =	sld [smem:$0x3FD9]  }
0x89: {  	s3 =	sld [smem:$0x3FFE];
	_ =	sdelay $0x1  }
0x8a: {  	s1 =	srdreg.scid  }
0x8b: {  	s0 =	sand.u32 $0x1, s1  }
0x8c: {  	s16 =	sshll.u32 s0, $0xA;
	s2 =	sadd.s32 s3, s2  }
0x8d: {  	s2 =	sadd.s32 s2, s16  }
0x8e: {  	[smem:$0x3FB2] =	sst s2  }
0x8f: {  	_ = 	snop  }
0x90: {  	(tm) =	ssettm $0x1  }
0x91: {  	s17 =	sld [smem:$0x3FFB];
	_ =	sdelay $0x3  }
0x92: {  	_ =	strace s17  }
0x93: {  	s2 =	sld [smem:$0x3FFC];
	_ =	sdelay $0x3  }
0x94: {  	_ =	strace s2  }
0x95: {  	s2 =	sld [smem:$0x3FFD];
	_ =	sdelay $0x3  }
0x96: {  	_ =	strace s2  }
0x97: {  	_ =	strace $0x8FFFFFFF  }
0x98: {  	s18 =	sld [smem:$0x3FDB];
	_ =	sdelay $0x1  }
0x99: {  	s19 =	simm.s32 $_scs_section_size  }
0x9a: {  	s4 =	simm.s32 $_size__tile_overlayer_lowered;
	s5 =	simm.s32 $_tile_overlayer_lowered  }
0x9b: {  	s22 =	simm.s32 $0x1BFF;
	s21 =	sshll.u32 s5, $0x1;
	s2 =	sadd.s32 s19, s18  }
0x9c: {  	s6 =	simm.s32 $0x0;
	s20 =	sshll.u32 s4, $0x1;
	s4 =	sadd.s32 s21, s2  }
0x9d: {  	[timem:s6], [sflag:s22] =	dma.local [hbm:s4], s20  }
0x9e: {  	_ =	swait.ge [sflag:s22], s20  }
0x9f: {  	s3 =	ssub.s32 $0x0, s20;
	[sflag:s22] =	ssyncset.done $0x0  }
0xa0: {  	[sflag:s22] =	ssyncadd.s32 s3;
	_ =	sdelay $0x1  }
0xa1: {  	s23 =	simm.s32 $0x1B8B  }
0xa2: {  	_ =	swait.ge [sflag:s23], $0x1  }
0xa3: {  	[sflag:s23] =	ssyncset.done $0x0  }
0xa4: {  	s25 =	simm.s32 $0x1B8E;
	s24 =	sld [smem:$0x3FFE];
	[sflag:s23] =	ssyncadd.s32 $0xFFFFFFFF  }
0xa5: {  	s26 =	simm.s32 $execute0_lowered;
	[smem:$0x3FD2] =	sst s25  }
0xa6: {  	s4 =	sshll.u32 s26, $0x1;
	_ =	strace $0x80000049;
	[dreg:$0x1] =	wrdreg $0xFFFFFFFF  }
0xa7: {  	s28 =	simm.s32 $_size_execute0_lowered;
	s2 =	sadd.s32 s2, s4;
	[dreg:$0x0] =	wrdreg $0x0  }
0xa8: {  	s4 =	sshll.u32 s28, $0x1;
	[dreg:$0x2] =	wrdreg s2  }
0xa9: {  	[dreg:$0x3] =	wrdreg s4  }
0xaa: {  	[dreg:$0x4] =	wrdreg $0xC0  }
0xab: {  	_ =	task [dreg:s6], $0x5FFFF  }
0xac: {  	[dreg:$0x1] =	wrdreg $0xFFFFFFFF  }
0xad: {  	[dreg:$0x0] =	wrdreg $0x60  }
0xae: {  	[dreg:$0x2] =	wrdreg s24  }
0xaf: {  	[dreg:$0x3] =	wrdreg $0x40800  }
0xb0: {  	[dreg:$0x4] =	wrdreg $0x9  }
0xb1: {  	_ =	task.clear_ibuf [dreg:s6], $0x5FFFF;
	_ =	strace $0x90000049  }
0xb2: {  	s29 =	simm.s32 $0x9;
	_ =	strace $0x8000004B  }
0xb3: {  	_ =	swait.ge [sflag:s29], $0x1  }
0xb4: {  	[sflag:s29] =	ssyncadd.s32 $0xFFFFFFFF  }
0xb5: {  	_ =	strace $0x9000004B  }
0xb6: {  	_ =	sfence  }
0xb7: {  	s30 =	sld [smem:$0x0];
	_ =	sdelay $0x2  }
0xb8: {  	s31 =	sshll.u32 s1, $0xD;
	s1 =	sshrl.u32 s1, $0x2  }
0xb9: {  	s3 =	sand.u32 $0x4000, s31;
	s1 =	sadd.s32 s1, s30  }
0xba: {  	s0 =	sor.u32 s3, s0;
	s1 =	sshll.u32 s1, $0x11  }
0xbb: {  	s0 =	sor.u32 s1, s0  }
0xbc: {  	s0 =	sadd.s32 $0x8F2B, s0  }
0xbd: {  	[sflag:s0] =	ssyncadd.remote.s32 $0x1  }
0xbe: {  	_ =	sfence.sel $0xFFFF  }
0xbf: {  	[dreg:$0x0] =	wrdreg $0xFFFFFFFF;
	(pc) =	sbr.abs _section_cstart, $3  }
0xc0: {  	[dreg:$0x1] =	wrdreg $0xFFFFFFFF  }
0xc1: {  	_ =	task.clear_ibuf [dreg:s6], $0x2FFFF;
	_ =	strace $0x9FFFFFFF  }
0xc2: {  	(tm) =	ssettm $0x7FFFFFFF  }
0xc3: {  	_ =	shalt  }
tec
execute0_lowered:
.L_overlay_start_1:
0x0: {  	(tag) =	ssettag $0x1  }
0x1: {  	s3 =	rddreg [dreg:$0x0]  }
0x2: {  	s1 =	rddreg [dreg:$0x1]  }
0x3: {  	s0 =	rddreg [dreg:$0x2];
	s13 =	stileid.u32  }
0x4: {  	s4 =	srdreg.scid;
	s2 =	simm.s32 $0x0;
	s14 =	smul.u32 $0x2800, s13  }
0x5: {  	s7 =	sand.u32 $0x1, s4;
	[smem:$0x7FF] =	sst s2;
	s8 =	sadd.s32 $0x7D5000, s3  }
0x6: {  	s5 =	smul.u32 $0x50000, s13;
	s9 =	sadd.s32 $0x6800, s3;
	s24 =	sshll.u32 s13, $0x6  }
0x7: {  	s17 =	sshll.u32 s13, $0x8;
	s30 =	sshll.u32 s13, $0xC;
	p0 =	sne.s32 s13, $0x0  }
0x8: {  	s4 =	smul.u32 $0x28000, s7;
	_ =	strace $0x8000004A;
	s10 =	ssub.s32 $0x2, s7  }
0x9: {  	s15 =	sshll.u32 s7, $0x7;
	s31 =	sshll.u32 s7, $0xB;
	s6 =	sadd.s32 s14, s3  }
0xa: {  	s22 =	sshrl.u32 s10, $0x1;
	s23 =	sshrl.u32 s5, $0x2;
	s25 =	sor.u32 $0x27000, s15  }
0xb: {  	s29 =	sor.u32 s15, s17;
	s15 =	sadd.s32 s30, s8;
	s11 =	sadd.s32 s4, s3  }
0xc: {  	s10 =	ssub.s32 s10, s22;
	s12 =	sadd.s32 s23, s1;
	s3 =	sadd.s32 $0xEA00, s6  }
0xd: {  	s4 =	sor.u32 $0x1C01, s24;
	s26 =	sshrl.u32 s25, $0x3;
	s16 =	sshll.u32 s25, $0x4  }
0xe: {  	s5 =	sadd.s32 s9, s26;
	s6 =	sadd.s32 s8, s16;
	s28 =	sadd.s32 $0x81200, s11  }
0xf: {  	s11 =	sshrl.u32 s29, $0x3;
	s7 =	smax.u32 s10, $0x1;
	s10 =	sshrl.u32 s12, $0x3  }
0x10: {  	s12 =	simm.s32 $0x80;
	s8 =	sadd.s32 s11, s9;
	s9 =	sadd.s32 s31, s15  }
0x11: {  	s11 =	simm.s32 $0x1;
	s13 =	sadd.s32 s14, s28;
	s14 =	simm.s32 $0x0  }
.LBB2_1:
0x12: {  	[spmem:s10], [sflag:s4] =	dma.local [hbm:s3], $0x2800  }
0x13: {  	_ =	swait.ge [sflag:s11], $0x2800  }
0x14: {  	[sflag:s11] =	ssyncset.done $0x0  }
0x15: {  	[sflag:s11] =	ssyncadd.s32 $0xFFFFD800  }
0x16: {  	s15 =	sadd.s32 $0x0, s8;
	[bflag:$0x0] =	sbarrier.arrive $0xFFFF  }
0x17: {  	[tilespmem:s2], [sflag:$0x1] =	stream.linear.gather [hbm4b:s15+s2], $0x80, $0x38;
	[tilespmem:$0x18080] =	vst v63  }
0x18: {  	_ =	swait.ge [sflag:s11], $0x80  }
0x19: {  	[sflag:s11] =	ssyncset.done $0x0  }
0x1a: {  	[sflag:s11] =	ssyncadd.s32 $0xFFFFFF80  }
0x1b: {  	[tilespmem:s12], [sflag:$0x1] =	stream.linear.gather [hbm4b:s9+s2], $0x4000, $0x38;
	[tilespmem:$0x18080] =	vst v63  }
0x1c: {  	_ =	swait.ge [sflag:s11], $0x4000  }
0x1d: {  	[sflag:s11] =	ssyncset.done $0x0  }
0x1e: {  	[sflag:s11] =	ssyncadd.s32 $0xFFFFC000  }
0x1f: {  	[spmem:s1] =	stream.indirect.scatter.add.f32 [tilespmem:s12], [sflag:$0x1], $0x80, s2, s12, $0xb8;
	[tilespmem:$0x18080] =	vst v63  }
0x20: {  	s16 =	simm.s32 $0x200;
	_ =	swait.ge [sflag:s11], $0x4000  }
0x21: {  	s17 =	simm.s32 $0x400;
	s15 =	sadd.s32 $0x10000, s9;
	[sflag:s11] =	ssyncset.done $0x0  }
.LBB2_2:
0x22: {  	s18 =	sadd.s32 s16, s8  }
0x23: {  	[sflag:s11] =	ssyncadd.s32 $0xFFFFC000;
	s16 =	smov.u32 s17;
	s19 =	sadd.s32 $0x200, s17  }
0x24: {  	[tilespmem:s2], [sflag:$0x1] =	stream.linear.gather [hbm4b:s18+s2], $0x80, $0x38;
	[tilespmem:$0x18080] =	vst v63  }
0x25: {  	p1 =	sne.s32 s17, $0x4C00;
	_ =	swait.ge [sflag:s11], $0x80  }
0x26: {  	[sflag:s11] =	ssyncset.done $0x0  }
0x27: {  	[sflag:s11] =	ssyncadd.s32 $0xFFFFFF80  }
0x28: {  	[tilespmem:s12], [sflag:$0x1] =	stream.linear.gather [hbm4b:s15+s2], $0x4000, $0x38;
	[tilespmem:$0x18080] =	vst v63  }
0x29: {  	_ =	swait.ge [sflag:s11], $0x4000  }
.Ltmp0:
0x2a: {  	[sflag:s11] =	ssyncset.done $0x0;
	(pc) =	sbr.rel @p1 .LBB2_2-.Ltmp0, $4  }
0x2b: {  	[sflag:s11] =	ssyncadd.s32 $0xFFFFC000  }
0x2c: {  	[spmem:s1] =	stream.indirect.scatter.add.f32 [tilespmem:s12], [sflag:$0x1], $0x80, s2, s12, $0xb8;
	[tilespmem:$0x18080] =	vst v63  }
0x2d: {  	_ =	swait.ge [sflag:s11], $0x4000  }
0x2e: {  	s17 =	smov.u32 s19;
	s15 =	sadd.s32 $0x10000, s15;
	[sflag:s11] =	ssyncset.done $0x0  }
0x2f: {  	s16 =	sadd.s32 s16, s8;
	[sflag:s11] =	ssyncadd.s32 $0xFFFFC000  }
0x30: {  	[tilespmem:s2], [sflag:$0x1] =	stream.linear.gather [hbm4b:s16+s2], $0x80, $0x38;
	[tilespmem:$0x18080] =	vst v63  }
0x31: {  	_ =	swait.ge [sflag:s11], $0x80  }
0x32: {  	[sflag:s11] =	ssyncset.done $0x0  }
0x33: {  	[sflag:s11] =	ssyncadd.s32 $0xFFFFFF80  }
0x34: {  	[tilespmem:s12], [sflag:$0x1] =	stream.linear.gather [hbm4b:s15+s2], $0x4000, $0x38;
	[tilespmem:$0x18080] =	vst v63  }
0x35: {  	_ =	swait.ge [sflag:s11], $0x4000  }
0x36: {  	[sflag:s11] =	ssyncset.done $0x0  }
0x37: {  	[sflag:s11] =	ssyncadd.s32 $0xFFFFC000  }
0x38: {  	[spmem:s1] =	stream.indirect.scatter.add.f32 [tilespmem:s12], [sflag:$0x1], $0x80, s2, s12, $0xb8;
	[tilespmem:$0x18080] =	vst v63  }
0x39: {  	_ =	swait.ge [sflag:s11], $0x4000  }
0x3a: {  	[sflag:s11] =	ssyncset.done $0x0  }
0x3b: {  	s16 =	simm.s32 @!p0 $0x1;
	s15 =	simm.s32 @!p0 $0x0;
	[sflag:s11] =	ssyncadd.s32 $0xFFFFC000  }
0x3c: {  	[tilespmem:s15], [sflag:$0x1] =	stream.linear.gather @!p0 [hbm4b:s5+s15], $0x80, $0x38;
	[tilespmem:$0x18080] =	vst v63  }
0x3d: {  	_ =	swait.ge @!p0 [sflag:s16], $0x80  }
0x3e: {  	[sflag:s16] =	ssyncset.done @!p0 $0x0  }
0x3f: {  	s17 =	simm.s32 @!p0 $0x80;
	[sflag:s16] =	ssyncadd.s32 @!p0 $0xFFFFFF80  }
0x40: {  	[tilespmem:s17], [sflag:$0x1] =	stream.linear.gather @!p0 [hbm4b:s6+s15], $0x4000, $0x38;
	[tilespmem:$0x18080] =	vst v63  }
0x41: {  	_ =	swait.ge @!p0 [sflag:s16], $0x4000  }
0x42: {  	[sflag:s16] =	ssyncset.done @!p0 $0x0  }
0x43: {  	[sflag:s16] =	ssyncadd.s32 @!p0 $0xFFFFC000  }
0x44: {  	[spmem:s1] =	stream.indirect.scatter.add.f32 @!p0 [tilespmem:s17], [sflag:$0x1], $0x80, s15, s17, $0xb8;
	[tilespmem:$0x18080] =	vst v63  }
0x45: {  	_ =	swait.ge @!p0 [sflag:s16], $0x4000  }
0x46: {  	s14 =	sadd.s32 $0x1, s14;
	[sflag:s16] =	ssyncset.done @!p0 $0x0  }
0x47: {  	p1 =	sne.s32 s14, s7;
	[sflag:s16] =	ssyncadd.s32 @!p0 $0xFFFFC000  }
.Ltmp1:
0x48: {  	[bflag:$0x0] =	sbarrier.arrive $0xFFFF;
	(pc) =	sbr.rel @p1 .LBB2_1-.Ltmp1, $4  }
0x49: {  	[hbm:s13], [sflag:s4] =	dma.local [spmem:s10], $0x2800  }
0x4a: {  	_ =	swait.ge [sflag:s11], $0x2800  }
0x4b: {  	[sflag:s11] =	ssyncset.done $0x0  }
0x4c: {  	[sflag:s11] =	ssyncadd.s32 $0xFFFFD800  }
0x4d: {  	_ =	sfence.sel $0x180000  }
0x4e: {  	[bflag:$0x0] =	sbarrier.arrive $0xFFFF  }
0x4f: {  	_ =	strace $0x9000004A  }
0x50: {  	s0 =	sadd.s32 @!p0 $0x100000, s0;
	[bflag:$0x2] =	sbarrier.arrive $0xFFFF  }
0x51: {  	[sflag:s0] =	ssyncadd.tile.s32 @!p0 $0x1;
	_ =	shalt  }
.Lfunc_end2:
_tile_overlayer_lowered:
.L_overlay_start_2:
0x52: {  	(tag) =	ssettag $0x2  }
0x53: {  	s0 =	rddreg [dreg:$0x0];
	s2 =	stileid.u32  }
0x54: {  	s1 =	rddreg [dreg:$0x1];
	p0 =	sne.s32 s2, $0x0  }
0x55: {  	s3 =	rddreg [dreg:$0x2];
	[bflag:$0x3] =	sbarrier.arrive $0xFFFF;
	s2 =	simm.s32 @!p0 $0x1C01  }
0x56: {  	[timem:s3], [sflag:s2] =	dma.local @!p0 [hbm:s0], s1  }
0x57: {  	s0 =	simm.s32 @!p0 $0x1  }
0x58: {  	_ =	swait.ge @!p0 [sflag:s0], s1  }
0x59: {  	s1 =	ssub.s32 @!p0 $0x0, s1;
	[sflag:s0] =	ssyncset.done @!p0 $0x0  }
0x5a: {  	[sflag:s0] =	ssyncadd.s32 @!p0 s1  }
0x5b: {  	[bflag:$0x3] =	sbarrier.arrive $0xFFFF  }
0x5c: {  	_ =	shalt  }

// kernel: kernel.19.cloned.1.call-start
scs
__scs_entry_jumppad:
0x0: {  	(pc) =	sbr.rel $0x88, $3  }
0x1: {  	(tag) =	ssettag $0x0;
	lr =	simm.s32 $0x1  }
0x2: {  	[smem:$0x3F8B] =	sst lr;
	_ =	strace $0xD0000000  }
0x3: {  	_ = 	snop  }
0x4: {  	_ = 	snop  }
0x5: {  	_ = 	snop  }
0x6: {  	_ = 	snop  }
0x7: {  	_ = 	snop  }
__scs_overlays_trampoline_lowered:
0x8: {  	[smem:$0x3F9A] =	sst s0  }
0x9: {  	[smem:$0x3F9B] =	sst s1  }
0xa: {  	[smem:$0x3F9C] =	sst s2  }
0xb: {  	[smem:$0x3F9D] =	sst s3  }
0xc: {  	[smem:$0x3F9E] =	sst s4  }
0xd: {  	[smem:$0x3F9F] =	sst s5  }
0xe: {  	[smem:$0x3FA0] =	sst s6  }
0xf: {  	[smem:$0x3FA1] =	sst s7  }
0x10: {  	[smem:$0x3FA2] =	sst s8  }
0x11: {  	[smem:$0x3FA3] =	sst s9;
	s0 =	simm.s32 @!p0 $0x0  }
0x12: {  	s1 =	sld [smem:$0x3F89];
	s0 =	simm.s32 @p0 $0x1  }
0x13: {  	[smem:$0x3FA4] =	sst s0;
	s0 =	simm.s32 @!p1 $0x0  }
0x14: {  	s2 =	sld [smem:$0x3F88];
	s0 =	simm.s32 @p1 $0x1  }
0x15: {  	[smem:$0x3FA5] =	sst s0;
	s0 =	simm.s32 @!p2 $0x0  }
0x16: {  	s3 =	sld [smem:$0x3FDB];
	s0 =	simm.s32 @p2 $0x1  }
0x17: {  	s4 =	simm.s32 $0x1BF5;
	[smem:$0x3FA7] =	sst s0  }
0x18: {  	s0 =	sld [smem:$0x3F8A];
	_ =	swait.ge [sflag:s4], $0x0  }
0x19: {  	s7 =	sld [smem:$0x3F8B]  }
0x1a: {  	s8 =	sadd.s32 $0xFFFFE003, lr  }
0x1b: {  	s9 =	sadd.s32 $0xFFFFFEF7, lr;
	s5 =	simm.s32 $0xFFFFFFFF;
	p2 =	slt.u32 s8, $0xFFFFF086  }
0x1c: {  	p1 =	slt.u32 s9, $0xF7A;
	s5 =	simm.s32 @!p2 $0x0  }
0x1d: {  	s5 =	simm.s32 @p1 $0x1;
	p0 =	seq.s32 s7, s2  }
0x1e: {  	s7 =	smul.u32 @!p0 $0xF7A, s2;
	p2 =	seq.s32 @!p0 s5, $0x0  }
0x1f: {  	s9 =	smul.u32 $0xF7A, s1;
	s8 =	simm.s32 @!p0 $0x1BF5;
	p2 =	por !p2, p0  }
0x20: {  	[sflag:s8] =	ssyncset.s32 @!p0 $0xFFFFF086;
	s6 =	sadd.s32 @!p0 s3, s7;
	s7 =	simm.s32 @!p0 $0x108  }
0x21: {  	s3 =	sadd.s32 s3, s9;
	s6 =	sadd.s32 @!p0 $0x88, s6;
	s7 =	simm.s32 @p2 $0x1082  }
0x22: {  	[simem:s7], [sflag:s8] =	dma.local @!p0 [hbm:s6], $0xF7A  }
0x23: {  	s9 =	sor.u32 $0xD0000000, s2;
	s6 =	simm.s32 $0x108;
	_ =	swait.ge @!p0 [sflag:s8], $0x0  }
0x24: {  	s3 =	sadd.s32 $0x88, s3;
	s6 =	simm.s32 @!p1 $0x1082;
	[sflag:s4] =	ssyncset.s32 $0xFFFFF086  }
0x25: {  	[simem:s6], [sflag:s4] =	dma.local [hbm:s3], $0xF7A  }
0x26: {  	[smem:$0x3F8B] =	sst s1;
	(tag) =	ssettag s2;
	_ =	strace s9  }
0x27: {  	s1 =	sld [smem:$0x3F9B]  }
0x28: {  	s2 =	sld [smem:$0x3F9C]  }
0x29: {  	s4 =	sld [smem:$0x3F9E]  }
0x2a: {  	p0 =	seq.s32 s5, $0x0;
	s5 =	sld [smem:$0x3F9F]  }
0x2b: {  	s6 =	sld [smem:$0x3FA0]  }
0x2c: {  	s7 =	sld [smem:$0x3FA1]  }
0x2d: {  	s3 =	simm.s32 $0x108;
	s8 =	sld [smem:$0x3FA2]  }
0x2e: {  	s3 =	simm.s32 @!p0 $0x1082;
	s9 =	sld [smem:$0x3FA3]  }
0x2f: {  	lr =	sadd.s32 s0, s3;
	s0 =	sld [smem:$0x3F9A]  }
0x30: {  	s3 =	sld [smem:$0x3F9D]  }
0x31: {  	[smem:$0x3FA6] =	sst s10  }
0x32: {  	s10 =	sld [smem:$0x3FA4];
	_ =	sdelay $0x3  }
0x33: {  	p0 =	seq.s32 s10, $0x1;
	s10 =	sld [smem:$0x3FA6];
	_ =	sdelay $0x3  }
0x34: {  	[smem:$0x3FA6] =	sst s10  }
0x35: {  	s10 =	sld [smem:$0x3FA5];
	_ =	sdelay $0x3  }
0x36: {  	p1 =	seq.s32 s10, $0x1;
	s10 =	sld [smem:$0x3FA6];
	_ =	sdelay $0x3  }
0x37: {  	[smem:$0x3FA6] =	sst s10  }
0x38: {  	s10 =	sld [smem:$0x3FA7]  }
0x39: {  	_ = 	snop;
	(pc) =	sbr.ind lr, $3  }
0x3a: {  	_ = 	snop  }
0x3b: {  	_ = 	snop  }
0x3c: {  	p2 =	seq.s32 s10, $0x1;
	s10 =	sld [smem:$0x3FA6]  }
0x3d: {  	_ =	shalt  }
0x3e: {  	_ =	shalt  }
0x3f: {  	_ =	shalt  }
0x40: {  	_ =	shalt  }
0x41: {  	_ =	shalt  }
0x42: {  	_ =	shalt  }
0x43: {  	_ =	shalt  }
0x44: {  	_ =	shalt  }
0x45: {  	_ =	shalt  }
0x46: {  	_ =	shalt  }
0x47: {  	_ =	shalt  }
0x48: {  	_ =	shalt  }
0x49: {  	_ =	shalt  }
0x4a: {  	_ =	shalt  }
0x4b: {  	_ =	shalt  }
0x4c: {  	_ =	shalt  }
0x4d: {  	_ =	shalt  }
0x4e: {  	_ =	shalt  }
0x4f: {  	_ =	shalt  }
0x50: {  	_ =	shalt  }
0x51: {  	_ =	shalt  }
0x52: {  	_ =	shalt  }
0x53: {  	_ =	shalt  }
0x54: {  	_ =	shalt  }
0x55: {  	_ =	shalt  }
0x56: {  	_ =	shalt  }
0x57: {  	_ =	shalt  }
0x58: {  	_ =	shalt  }
0x59: {  	_ =	shalt  }
0x5a: {  	_ =	shalt  }
0x5b: {  	_ =	shalt  }
0x5c: {  	_ =	shalt  }
0x5d: {  	_ =	shalt  }
0x5e: {  	_ =	shalt  }
0x5f: {  	_ =	shalt  }
0x60: {  	_ =	shalt  }
0x61: {  	_ =	shalt  }
0x62: {  	_ =	shalt  }
0x63: {  	_ =	shalt  }
0x64: {  	_ =	shalt  }
0x65: {  	_ =	shalt  }
0x66: {  	_ =	shalt  }
0x67: {  	_ =	shalt  }
0x68: {  	_ =	shalt  }
0x69: {  	_ =	shalt  }
0x6a: {  	_ =	shalt  }
0x6b: {  	_ =	shalt  }
0x6c: {  	_ =	shalt  }
0x6d: {  	_ =	shalt  }
0x6e: {  	_ =	shalt  }
0x6f: {  	_ =	shalt  }
0x70: {  	_ =	shalt  }
0x71: {  	_ =	shalt  }
0x72: {  	_ =	shalt  }
0x73: {  	_ =	shalt  }
0x74: {  	_ =	shalt  }
0x75: {  	_ =	shalt  }
0x76: {  	_ =	shalt  }
0x77: {  	_ =	shalt  }
0x78: {  	_ =	shalt  }
0x79: {  	_ =	shalt  }
0x7a: {  	_ =	shalt  }
0x7b: {  	_ =	shalt  }
0x7c: {  	_ =	shalt  }
0x7d: {  	_ =	shalt  }
0x7e: {  	_ =	shalt  }
0x7f: {  	_ =	shalt  }
0x80: {  	_ =	shalt  }
0x81: {  	_ =	shalt  }
0x82: {  	_ =	shalt  }
0x83: {  	_ =	shalt  }
0x84: {  	_ =	shalt  }
0x85: {  	_ =	shalt  }
0x86: {  	_ =	shalt  }
0x87: {  	_ =	shalt  }
.Lfunc_end0:
.L_simem_size_0:
called_computation.2_lowered:
.L_overlay_start_0:
0x88: {  	s2 =	sld [smem:$0x3FD9]  }
0x89: {  	s3 =	sld [smem:$0x3FFE];
	_ =	sdelay $0x1  }
0x8a: {  	s1 =	srdreg.scid  }
0x8b: {  	s0 =	sand.u32 $0x1, s1  }
0x8c: {  	s14 =	sshll.u32 s0, $0xA;
	s2 =	sadd.s32 s3, s2  }
0x8d: {  	s2 =	sadd.s32 s2, s14  }
0x8e: {  	[smem:$0x3FB2] =	sst s2  }
0x8f: {  	_ = 	snop  }
0x90: {  	s2 =	sld [smem:$0x3FD0];
	_ =	sdelay $0x2  }
0x91: {  	s15 =	simm.s32 $0xA;
	s4 =	simm.s32 $0x10  }
0x92: {  	[smem:s4], [sflag:s15] =	dma.local [hbm:s2], $0x1  }
0x93: {  	_ =	swait.eq [sflag:s15], $0x1  }
0x94: {  	[sflag:s15] =	ssyncset.done $0x0  }
0x95: {  	[sflag:s15] =	ssyncadd.s32 $0xFFFFFFFF  }
0x96: {  	s16 =	sld [smem:$0x10];
	(tm) =	ssettm $0x1  }
0x97: {  	s17 =	sld [smem:$0x3FFB];
	_ =	sdelay $0x3  }
0x98: {  	_ =	strace s17  }
0x99: {  	s3 =	sld [smem:$0x3FFC];
	_ =	sdelay $0x3  }
0x9a: {  	_ =	strace s3  }
0x9b: {  	s3 =	sld [smem:$0x3FFD];
	_ =	sdelay $0x3  }
0x9c: {  	_ =	strace s3  }
0x9d: {  	_ =	strace $0x8FFFFFFF  }
0x9e: {  	s18 =	sld [smem:$0x3FDB];
	_ =	sdelay $0x1  }
0x9f: {  	s19 =	simm.s32 $_scs_section_size  }
0xa0: {  	s5 =	simm.s32 $_size__tile_overlayer_lowered;
	s6 =	simm.s32 $_tile_overlayer_lowered  }
0xa1: {  	s22 =	simm.s32 $0x1BFF;
	s21 =	sshll.u32 s6, $0x1;
	s3 =	sadd.s32 s19, s18  }
0xa2: {  	s7 =	simm.s32 $0x0;
	s20 =	sshll.u32 s5, $0x1;
	s5 =	sadd.s32 s21, s3  }
0xa3: {  	[timem:s7], [sflag:s22] =	dma.local [hbm:s5], s20  }
0xa4: {  	_ =	swait.ge [sflag:s22], s20  }
0xa5: {  	s4 =	ssub.s32 $0x0, s20;
	[sflag:s22] =	ssyncset.done $0x0  }
0xa6: {  	[sflag:s22] =	ssyncadd.s32 s4;
	_ =	sdelay $0x1  }
0xa7: {  	s23 =	simm.s32 $0x1B8B  }
0xa8: {  	_ =	swait.ge [sflag:s23], $0x1  }
0xa9: {  	[sflag:s23] =	ssyncset.done $0x0  }
0xaa: {  	s25 =	simm.s32 $0x1B8E;
	s24 =	sld [smem:$0x3FFE];
	[sflag:s23] =	ssyncadd.s32 $0xFFFFFFFF  }
0xab: {  	s26 =	simm.s32 $execute0_lowered;
	[smem:$0x3FD2] =	sst s25  }
0xac: {  	s5 =	sshll.u32 s26, $0x1;
	_ =	strace $0x8000004C;
	[dreg:$0x1] =	wrdreg $0xFFFFFFFF  }
0xad: {  	s28 =	simm.s32 $_size_execute0_lowered;
	s3 =	sadd.s32 s3, s5;
	[dreg:$0x0] =	wrdreg $0x0  }
0xae: {  	s5 =	sshll.u32 s28, $0x1;
	[dreg:$0x2] =	wrdreg s3  }
0xaf: {  	[dreg:$0x3] =	wrdreg s5  }
0xb0: {  	[dreg:$0x4] =	wrdreg $0xC0  }
0xb1: {  	_ =	task [dreg:s7], $0x5FFFF  }
0xb2: {  	[dreg:$0x1] =	wrdreg $0xFFFFFFFF  }
0xb3: {  	[dreg:$0x0] =	wrdreg $0x60  }
0xb4: {  	[dreg:$0x2] =	wrdreg s24  }
0xb5: {  	[dreg:$0x3] =	wrdreg s16  }
0xb6: {  	[dreg:$0x4] =	wrdreg $0x9  }
0xb7: {  	_ =	task.clear_ibuf [dreg:s7], $0x5FFFF;
	_ =	strace $0x9000004C  }
0xb8: {  	s29 =	simm.s32 $0x9;
	_ =	strace $0x8000004E  }
0xb9: {  	_ =	swait.ge [sflag:s29], $0x1  }
0xba: {  	[sflag:s29] =	ssyncadd.s32 $0xFFFFFFFF  }
0xbb: {  	_ =	strace $0x9000004E  }
0xbc: {  	_ =	sfence  }
0xbd: {  	s30 =	sld [smem:$0x0];
	_ =	sdelay $0x2  }
0xbe: {  	s31 =	sshll.u32 s1, $0xD;
	s1 =	sshrl.u32 s1, $0x2  }
0xbf: {  	s3 =	sand.u32 $0x4000, s31;
	s1 =	sadd.s32 s1, s30  }
0xc0: {  	s0 =	sor.u32 s3, s0;
	s1 =	sshll.u32 s1, $0x11  }
0xc1: {  	s0 =	sor.u32 s1, s0  }
0xc2: {  	s0 =	sadd.s32 $0x8F2B, s0  }
0xc3: {  	[sflag:s0] =	ssyncadd.remote.s32 $0x1  }
0xc4: {  	_ =	sfence.sel $0xFFFF  }
0xc5: {  	[dreg:$0x0] =	wrdreg $0xFFFFFFFF;
	(pc) =	sbr.abs _section_cstart, $3  }
0xc6: {  	[dreg:$0x1] =	wrdreg $0xFFFFFFFF  }
0xc7: {  	_ =	task.clear_ibuf [dreg:s7], $0x2FFFF;
	_ =	strace $0x9FFFFFFF  }
0xc8: {  	(tm) =	ssettm $0x7FFFFFFF  }
0xc9: {  	_ =	shalt  }
tec
execute0_lowered:
.L_overlay_start_1:
0x0: {  	(tag) =	ssettag $0x1  }
0x1: {  	s4 =	rddreg [dreg:$0x0]  }
0x2: {  	s11 =	rddreg [dreg:$0x1]  }
0x3: {  	s0 =	rddreg [dreg:$0x2]  }
0x4: {  	s1 =	simm.s32 $0x0;
	s5 =	srdreg.scid;
	s16 =	stileid.u32  }
0x5: {  	[smem:$0x7FF] =	sst s1;
	s2 =	sadd.s32 $0x7D5000, s4;
	s12 =	sadd.s32 $0x6800, s4  }
0x6: {  	s3 =	sadd.s32 $0x7FD000, s4;
	s9 =	sadd.s32 $0x81200, s4;
	s10 =	sand.u32 $0x1, s5  }
0x7: {  	s13 =	sadd.s32 $0x2F2200, s4;
	s17 =	sshll.u32 s16, $0x8;
	s31 =	sshll.u32 s16, $0xC  }
0x8: {  	p0 =	sne.s32 s16, $0x0;
	s16 =	simm.s32 $0x0;
	_ =	strace $0x8000004D  }
0x9: {  	s29 =	ssub.s32 $0x2, s10;
	s14 =	sshll.u32 s10, $0x7;
	s10 =	sshll.u32 s10, $0xB  }
0xa: {  	s30 =	sshrl.u32 s29, $0x1;
	s6 =	sor.u32 $0x27000, s14;
	s14 =	sor.u32 s14, s17  }
0xb: {  	s8 =	ssub.s32 s29, s30;
	s7 =	sshrl.u32 s6, $0x3;
	s15 =	sshll.u32 s6, $0x4  }
0xc: {  	s14 =	sshrl.u32 s14, $0x3;
	s4 =	sadd.s32 s12, s7;
	s5 =	sadd.s32 s9, s15  }
0xd: {  	s6 =	sadd.s32 s11, s7;
	s7 =	sadd.s32 s13, s15;
	s8 =	smax.u32 s8, $0x1  }
0xe: {  	s9 =	sadd.s32 s31, s9;
	s13 =	sadd.s32 s31, s13;
	s11 =	sadd.s32 s14, s11  }
0xf: {  	s12 =	sadd.s32 s14, s12;
	s14 =	simm.s32 $0x80;
	s15 =	simm.s32 $0x1  }
0x10: {  	s9 =	sadd.s32 s10, s9;
	s10 =	sadd.s32 s10, s13;
	s13 =	simm.s32 $0x2  }
.LBB2_1:
0x11: {  	s17 =	sadd.s32 $0x0, s12  }
0x12: {  	[tilespmem:s1], [sflag:$0x2] =	stream.linear.gather [hbm4b:s17+s1], $0x80, $0x38;
	[tilespmem:$0x4080] =	vst v63  }
0x13: {  	_ =	swait.ge [sflag:s13], $0x80  }
0x14: {  	[sflag:s13] =	ssyncset.done $0x0  }
0x15: {  	[sflag:s13] =	ssyncadd.s32 $0xFFFFFF80  }
0x16: {  	[tilespmem:s14], [sflag:$0x1] =	stream.indirect.gather [hbm4b:s2+s14], $0x80, s1, s14, $0xb8;
	[tilespmem:$0x4080] =	vst v63  }
0x17: {  	_ =	swait.ge [sflag:s15], $0x4000  }
0x18: {  	[sflag:s15] =	ssyncset.done $0x0  }
0x19: {  	[sflag:s15] =	ssyncadd.s32 $0xFFFFC000  }
0x1a: {  	[hbm4b:s9+s1] =	stream.linear.scatter [tilespmem:s14], [sflag:$0x2], $0x4000, $0x38;
	[tilespmem:$0x4080] =	vst v63  }
0x1b: {  	_ =	swait.ge [sflag:s13], $0x4000  }
0x1c: {  	[sflag:s13] =	ssyncset.done $0x0  }
0x1d: {  	s31 =	sadd.s32 $0x0, s11;
	[sflag:s13] =	ssyncadd.s32 $0xFFFFC000  }
0x1e: {  	[tilespmem:s1], [sflag:$0x2] =	stream.linear.gather [hbm4b:s31+s1], $0x80, $0x38;
	[tilespmem:$0x4080] =	vst v63  }
0x1f: {  	_ =	swait.ge [sflag:s13], $0x80  }
0x20: {  	[sflag:s13] =	ssyncset.done $0x0  }
0x21: {  	[sflag:s13] =	ssyncadd.s32 $0xFFFFFF80  }
0x22: {  	[tilespmem:s14], [sflag:$0x1] =	stream.indirect.gather [hbm4b:s3+s14], $0x80, s1, s14, $0xb8;
	[tilespmem:$0x4080] =	vst v63  }
0x23: {  	_ =	swait.ge [sflag:s15], $0x4000  }
0x24: {  	[sflag:s15] =	ssyncset.done $0x0  }
0x25: {  	[sflag:s15] =	ssyncadd.s32 $0xFFFFC000  }
0x26: {  	[hbm4b:s10+s1] =	stream.linear.scatter [tilespmem:s14], [sflag:$0x2], $0x4000, $0x38;
	[tilespmem:$0x4080] =	vst v63  }
0x27: {  	s18 =	simm.s32 $0x200;
	s20 =	simm.s32 $0x400;
	_ =	swait.ge [sflag:s13], $0x4000  }
0x28: {  	s19 =	sadd.s32 $0x10000, s9;
	s17 =	sadd.s32 $0x10000, s10;
	[sflag:s13] =	ssyncset.done $0x0  }
.LBB2_2:
0x29: {  	s21 =	sadd.s32 s18, s12  }
0x2a: {  	[sflag:s13] =	ssyncadd.s32 $0xFFFFC000;
	s22 =	smov.u32 s20;
	s23 =	sadd.s32 $0x200, s20  }
0x2b: {  	[tilespmem:s1], [sflag:$0x2] =	stream.linear.gather [hbm4b:s21+s1], $0x80, $0x38;
	[tilespmem:$0x4080] =	vst v63  }
0x2c: {  	p1 =	sne.s32 s20, $0x4C00;
	_ =	swait.ge [sflag:s13], $0x80  }
0x2d: {  	[sflag:s13] =	ssyncset.done $0x0  }
0x2e: {  	[sflag:s13] =	ssyncadd.s32 $0xFFFFFF80  }
0x2f: {  	[tilespmem:s14], [sflag:$0x1] =	stream.indirect.gather [hbm4b:s2+s14], $0x80, s1, s14, $0xb8;
	[tilespmem:$0x4080] =	vst v63  }
0x30: {  	_ =	swait.ge [sflag:s15], $0x4000  }
0x31: {  	[sflag:s15] =	ssyncset.done $0x0  }
0x32: {  	[sflag:s15] =	ssyncadd.s32 $0xFFFFC000  }
0x33: {  	[hbm4b:s19+s1] =	stream.linear.scatter [tilespmem:s14], [sflag:$0x2], $0x4000, $0x38;
	[tilespmem:$0x4080] =	vst v63  }
0x34: {  	_ =	swait.ge [sflag:s13], $0x4000  }
0x35: {  	[sflag:s13] =	ssyncset.done $0x0  }
0x36: {  	s20 =	sadd.s32 s18, s11;
	s18 =	smov.u32 s22;
	[sflag:s13] =	ssyncadd.s32 $0xFFFFC000  }
0x37: {  	[tilespmem:s1], [sflag:$0x2] =	stream.linear.gather [hbm4b:s20+s1], $0x80, $0x38;
	[tilespmem:$0x4080] =	vst v63  }
0x38: {  	_ =	swait.ge [sflag:s13], $0x80  }
0x39: {  	[sflag:s13] =	ssyncset.done $0x0  }
0x3a: {  	[sflag:s13] =	ssyncadd.s32 $0xFFFFFF80  }
0x3b: {  	[tilespmem:s14], [sflag:$0x1] =	stream.indirect.gather [hbm4b:s3+s14], $0x80, s1, s14, $0xb8;
	[tilespmem:$0x4080] =	vst v63  }
0x3c: {  	_ =	swait.ge [sflag:s15], $0x4000  }
.Ltmp0:
0x3d: {  	[sflag:s15] =	ssyncset.done $0x0;
	(pc) =	sbr.rel @p1 .LBB2_2-.Ltmp0, $4  }
0x3e: {  	[sflag:s15] =	ssyncadd.s32 $0xFFFFC000  }
0x3f: {  	[hbm4b:s17+s1] =	stream.linear.scatter [tilespmem:s14], [sflag:$0x2], $0x4000, $0x38;
	[tilespmem:$0x4080] =	vst v63  }
0x40: {  	s19 =	sadd.s32 $0x10000, s19;
	_ =	swait.ge [sflag:s13], $0x4000  }
0x41: {  	s20 =	smov.u32 s23;
	s17 =	sadd.s32 $0x10000, s17;
	[sflag:s13] =	ssyncset.done $0x0  }
0x42: {  	s20 =	sadd.s32 s18, s12;
	[sflag:s13] =	ssyncadd.s32 $0xFFFFC000  }
0x43: {  	[tilespmem:s1], [sflag:$0x2] =	stream.linear.gather [hbm4b:s20+s1], $0x80, $0x38;
	[tilespmem:$0x4080] =	vst v63  }
0x44: {  	_ =	swait.ge [sflag:s13], $0x80  }
0x45: {  	[sflag:s13] =	ssyncset.done $0x0  }
0x46: {  	[sflag:s13] =	ssyncadd.s32 $0xFFFFFF80  }
0x47: {  	[tilespmem:s14], [sflag:$0x1] =	stream.indirect.gather [hbm4b:s2+s14], $0x80, s1, s14, $0xb8;
	[tilespmem:$0x4080] =	vst v63  }
0x48: {  	_ =	swait.ge [sflag:s15], $0x4000  }
0x49: {  	[sflag:s15] =	ssyncset.done $0x0  }
0x4a: {  	[sflag:s15] =	ssyncadd.s32 $0xFFFFC000  }
0x4b: {  	[hbm4b:s19+s1] =	stream.linear.scatter [tilespmem:s14], [sflag:$0x2], $0x4000, $0x38;
	[tilespmem:$0x4080] =	vst v63  }
0x4c: {  	_ =	swait.ge [sflag:s13], $0x4000  }
0x4d: {  	[sflag:s13] =	ssyncset.done $0x0  }
0x4e: {  	s31 =	sadd.s32 s18, s11;
	[sflag:s13] =	ssyncadd.s32 $0xFFFFC000  }
0x4f: {  	[tilespmem:s1], [sflag:$0x2] =	stream.linear.gather [hbm4b:s31+s1], $0x80, $0x38;
	[tilespmem:$0x4080] =	vst v63  }
0x50: {  	_ =	swait.ge [sflag:s13], $0x80  }
0x51: {  	[sflag:s13] =	ssyncset.done $0x0  }
0x52: {  	[sflag:s13] =	ssyncadd.s32 $0xFFFFFF80  }
0x53: {  	[tilespmem:s14], [sflag:$0x1] =	stream.indirect.gather [hbm4b:s3+s14], $0x80, s1, s14, $0xb8;
	[tilespmem:$0x4080] =	vst v63  }
0x54: {  	_ =	swait.ge [sflag:s15], $0x4000  }
0x55: {  	[sflag:s15] =	ssyncset.done $0x0  }
0x56: {  	[sflag:s15] =	ssyncadd.s32 $0xFFFFC000  }
0x57: {  	[hbm4b:s17+s1] =	stream.linear.scatter [tilespmem:s14], [sflag:$0x2], $0x4000, $0x38;
	[tilespmem:$0x4080] =	vst v63  }
0x58: {  	_ =	swait.ge [sflag:s13], $0x4000  }
0x59: {  	[sflag:s13] =	ssyncset.done $0x0  }
0x5a: {  	s18 =	simm.s32 @!p0 $0x2;
	s17 =	simm.s32 @!p0 $0x0;
	[sflag:s13] =	ssyncadd.s32 $0xFFFFC000  }
0x5b: {  	[tilespmem:s17], [sflag:$0x2] =	stream.linear.gather @!p0 [hbm4b:s4+s17], $0x80, $0x38;
	[tilespmem:$0x4080] =	vst v63  }
0x5c: {  	_ =	swait.ge @!p0 [sflag:s18], $0x80  }
0x5d: {  	[sflag:s18] =	ssyncset.done @!p0 $0x0  }
0x5e: {  	s20 =	simm.s32 @!p0 $0x1;
	s19 =	simm.s32 @!p0 $0x80;
	[sflag:s18] =	ssyncadd.s32 @!p0 $0xFFFFFF80  }
0x5f: {  	[tilespmem:s19], [sflag:$0x1] =	stream.indirect.gather @!p0 [hbm4b:s2+s19], $0x80, s17, s19, $0xb8;
	[tilespmem:$0x4080] =	vst v63  }
0x60: {  	_ =	swait.ge @!p0 [sflag:s20], $0x4000  }
0x61: {  	[sflag:s20] =	ssyncset.done @!p0 $0x0  }
0x62: {  	[sflag:s20] =	ssyncadd.s32 @!p0 $0xFFFFC000  }
0x63: {  	[hbm4b:s5+s17] =	stream.linear.scatter @!p0 [tilespmem:s19], [sflag:$0x2], $0x4000, $0x38;
	[tilespmem:$0x4080] =	vst v63  }
0x64: {  	_ =	swait.ge @!p0 [sflag:s18], $0x4000  }
0x65: {  	[sflag:s18] =	ssyncset.done @!p0 $0x0  }
0x66: {  	[sflag:s18] =	ssyncadd.s32 @!p0 $0xFFFFC000  }
0x67: {  	[tilespmem:s17], [sflag:$0x2] =	stream.linear.gather @!p0 [hbm4b:s6+s17], $0x80, $0x38;
	[tilespmem:$0x4080] =	vst v63  }
0x68: {  	_ =	swait.ge @!p0 [sflag:s18], $0x80  }
0x69: {  	[sflag:s18] =	ssyncset.done @!p0 $0x0  }
0x6a: {  	[sflag:s18] =	ssyncadd.s32 @!p0 $0xFFFFFF80  }
0x6b: {  	[tilespmem:s19], [sflag:$0x1] =	stream.indirect.gather @!p0 [hbm4b:s3+s19], $0x80, s17, s19, $0xb8;
	[tilespmem:$0x4080] =	vst v63  }
0x6c: {  	s16 =	sadd.s32 $0x1, s16;
	_ =	swait.ge @!p0 [sflag:s20], $0x4000  }
0x6d: {  	p1 =	sne.s32 s16, s8;
	[sflag:s20] =	ssyncset.done @!p0 $0x0  }
.Ltmp1:
0x6e: {  	[sflag:s20] =	ssyncadd.s32 @!p0 $0xFFFFC000;
	(pc) =	sbr.rel @p1 .LBB2_1-.Ltmp1, $4  }
0x6f: {  	[hbm4b:s7+s17] =	stream.linear.scatter @!p0 [tilespmem:s19], [sflag:$0x2], $0x4000, $0x38;
	[tilespmem:$0x4080] =	vst v63  }
0x70: {  	_ =	swait.ge @!p0 [sflag:s18], $0x4000  }
0x71: {  	[sflag:s18] =	ssyncset.done @!p0 $0x0  }
0x72: {  	[sflag:s18] =	ssyncadd.s32 @!p0 $0xFFFFC000  }
0x73: {  	_ =	sfence.sel $0x180000  }
0x74: {  	[bflag:$0x0] =	sbarrier.arrive $0xFFFF  }
0x75: {  	_ =	strace $0x9000004D  }
0x76: {  	s0 =	sadd.s32 @!p0 $0x100000, s0;
	[bflag:$0x2] =	sbarrier.arrive $0xFFFF  }
0x77: {  	[sflag:s0] =	ssyncadd.tile.s32 @!p0 $0x1;
	_ =	shalt  }
.Lfunc_end2:
_tile_overlayer_lowered:
.L_overlay_start_2:
0x78: {  	(tag) =	ssettag $0x2  }
0x79: {  	s0 =	rddreg [dreg:$0x0];
	s2 =	stileid.u32  }
0x7a: {  	s1 =	rddreg [dreg:$0x1];
	p0 =	sne.s32 s2, $0x0  }
0x7b: {  	s3 =	rddreg [dreg:$0x2];
	[bflag:$0x3] =	sbarrier.arrive $0xFFFF;
	s2 =	simm.s32 @!p0 $0x1C02  }
0x7c: {  	[timem:s3], [sflag:s2] =	dma.local @!p0 [hbm:s0], s1  }
0x7d: {  	s0 =	simm.s32 @!p0 $0x2  }
0x7e: {  	_ =	swait.ge @!p0 [sflag:s0], s1  }
0x7f: {  	s1 =	ssub.s32 @!p0 $0x0, s1;
	[sflag:s0] =	ssyncset.done @!p0 $0x0  }
0x80: {  	[sflag:s0] =	ssyncadd.s32 @!p0 s1  }
0x81: {  	[bflag:$0x3] =	sbarrier.arrive $0xFFFF  }
0x82: {  	_ =	shalt  }

// kernel: kernel.22.cloned.1.call-start
scs
__scs_entry_jumppad:
0x0: {  	(pc) =	sbr.rel $0x88, $3  }
0x1: {  	(tag) =	ssettag $0x0;
	lr =	simm.s32 $0x1  }
0x2: {  	[smem:$0x3F8B] =	sst lr;
	_ =	strace $0xD0000000  }
0x3: {  	_ = 	snop  }
0x4: {  	_ = 	snop  }
0x5: {  	_ = 	snop  }
0x6: {  	_ = 	snop  }
0x7: {  	_ = 	snop  }
__scs_overlays_trampoline_lowered:
0x8: {  	[smem:$0x3F9A] =	sst s0  }
0x9: {  	[smem:$0x3F9B] =	sst s1  }
0xa: {  	[smem:$0x3F9C] =	sst s2  }
0xb: {  	[smem:$0x3F9D] =	sst s3  }
0xc: {  	[smem:$0x3F9E] =	sst s4  }
0xd: {  	[smem:$0x3F9F] =	sst s5  }
0xe: {  	[smem:$0x3FA0] =	sst s6  }
0xf: {  	[smem:$0x3FA1] =	sst s7  }
0x10: {  	[smem:$0x3FA2] =	sst s8  }
0x11: {  	[smem:$0x3FA3] =	sst s9;
	s0 =	simm.s32 @!p0 $0x0  }
0x12: {  	s1 =	sld [smem:$0x3F89];
	s0 =	simm.s32 @p0 $0x1  }
0x13: {  	[smem:$0x3FA4] =	sst s0;
	s0 =	simm.s32 @!p1 $0x0  }
0x14: {  	s2 =	sld [smem:$0x3F88];
	s0 =	simm.s32 @p1 $0x1  }
0x15: {  	[smem:$0x3FA5] =	sst s0;
	s0 =	simm.s32 @!p2 $0x0  }
0x16: {  	s3 =	sld [smem:$0x3FDB];
	s0 =	simm.s32 @p2 $0x1  }
0x17: {  	s4 =	simm.s32 $0x1BF5;
	[smem:$0x3FA7] =	sst s0  }
0x18: {  	s0 =	sld [smem:$0x3F8A];
	_ =	swait.ge [sflag:s4], $0x0  }
0x19: {  	s7 =	sld [smem:$0x3F8B]  }
0x1a: {  	s8 =	sadd.s32 $0xFFFFE003, lr  }
0x1b: {  	s9 =	sadd.s32 $0xFFFFFEF7, lr;
	s5 =	simm.s32 $0xFFFFFFFF;
	p2 =	slt.u32 s8, $0xFFFFF086  }
0x1c: {  	p1 =	slt.u32 s9, $0xF7A;
	s5 =	simm.s32 @!p2 $0x0  }
0x1d: {  	s5 =	simm.s32 @p1 $0x1;
	p0 =	seq.s32 s7, s2  }
0x1e: {  	s7 =	smul.u32 @!p0 $0xF7A, s2;
	p2 =	seq.s32 @!p0 s5, $0x0  }
0x1f: {  	s9 =	smul.u32 $0xF7A, s1;
	s8 =	simm.s32 @!p0 $0x1BF5;
	p2 =	por !p2, p0  }
0x20: {  	[sflag:s8] =	ssyncset.s32 @!p0 $0xFFFFF086;
	s6 =	sadd.s32 @!p0 s3, s7;
	s7 =	simm.s32 @!p0 $0x108  }
0x21: {  	s3 =	sadd.s32 s3, s9;
	s6 =	sadd.s32 @!p0 $0x88, s6;
	s7 =	simm.s32 @p2 $0x1082  }
0x22: {  	[simem:s7], [sflag:s8] =	dma.local @!p0 [hbm:s6], $0xF7A  }
0x23: {  	s9 =	sor.u32 $0xD0000000, s2;
	s6 =	simm.s32 $0x108;
	_ =	swait.ge @!p0 [sflag:s8], $0x0  }
0x24: {  	s3 =	sadd.s32 $0x88, s3;
	s6 =	simm.s32 @!p1 $0x1082;
	[sflag:s4] =	ssyncset.s32 $0xFFFFF086  }
0x25: {  	[simem:s6], [sflag:s4] =	dma.local [hbm:s3], $0xF7A  }
0x26: {  	[smem:$0x3F8B] =	sst s1;
	(tag) =	ssettag s2;
	_ =	strace s9  }
0x27: {  	s1 =	sld [smem:$0x3F9B]  }
0x28: {  	s2 =	sld [smem:$0x3F9C]  }
0x29: {  	s4 =	sld [smem:$0x3F9E]  }
0x2a: {  	p0 =	seq.s32 s5, $0x0;
	s5 =	sld [smem:$0x3F9F]  }
0x2b: {  	s6 =	sld [smem:$0x3FA0]  }
0x2c: {  	s7 =	sld [smem:$0x3FA1]  }
0x2d: {  	s3 =	simm.s32 $0x108;
	s8 =	sld [smem:$0x3FA2]  }
0x2e: {  	s3 =	simm.s32 @!p0 $0x1082;
	s9 =	sld [smem:$0x3FA3]  }
0x2f: {  	lr =	sadd.s32 s0, s3;
	s0 =	sld [smem:$0x3F9A]  }
0x30: {  	s3 =	sld [smem:$0x3F9D]  }
0x31: {  	[smem:$0x3FA6] =	sst s10  }
0x32: {  	s10 =	sld [smem:$0x3FA4];
	_ =	sdelay $0x3  }
0x33: {  	p0 =	seq.s32 s10, $0x1;
	s10 =	sld [smem:$0x3FA6];
	_ =	sdelay $0x3  }
0x34: {  	[smem:$0x3FA6] =	sst s10  }
0x35: {  	s10 =	sld [smem:$0x3FA5];
	_ =	sdelay $0x3  }
0x36: {  	p1 =	seq.s32 s10, $0x1;
	s10 =	sld [smem:$0x3FA6];
	_ =	sdelay $0x3  }
0x37: {  	[smem:$0x3FA6] =	sst s10  }
0x38: {  	s10 =	sld [smem:$0x3FA7]  }
0x39: {  	_ = 	snop;
	(pc) =	sbr.ind lr, $3  }
0x3a: {  	_ = 	snop  }
0x3b: {  	_ = 	snop  }
0x3c: {  	p2 =	seq.s32 s10, $0x1;
	s10 =	sld [smem:$0x3FA6]  }
0x3d: {  	_ =	shalt  }
0x3e: {  	_ =	shalt  }
0x3f: {  	_ =	shalt  }
0x40: {  	_ =	shalt  }
0x41: {  	_ =	shalt  }
0x42: {  	_ =	shalt  }
0x43: {  	_ =	shalt  }
0x44: {  	_ =	shalt  }
0x45: {  	_ =	shalt  }
0x46: {  	_ =	shalt  }
0x47: {  	_ =	shalt  }
0x48: {  	_ =	shalt  }
0x49: {  	_ =	shalt  }
0x4a: {  	_ =	shalt  }
0x4b: {  	_ =	shalt  }
0x4c: {  	_ =	shalt  }
0x4d: {  	_ =	shalt  }
0x4e: {  	_ =	shalt  }
0x4f: {  	_ =	shalt  }
0x50: {  	_ =	shalt  }
0x51: {  	_ =	shalt  }
0x52: {  	_ =	shalt  }
0x53: {  	_ =	shalt  }
0x54: {  	_ =	shalt  }
0x55: {  	_ =	shalt  }
0x56: {  	_ =	shalt  }
0x57: {  	_ =	shalt  }
0x58: {  	_ =	shalt  }
0x59: {  	_ =	shalt  }
0x5a: {  	_ =	shalt  }
0x5b: {  	_ =	shalt  }
0x5c: {  	_ =	shalt  }
0x5d: {  	_ =	shalt  }
0x5e: {  	_ =	shalt  }
0x5f: {  	_ =	shalt  }
0x60: {  	_ =	shalt  }
0x61: {  	_ =	shalt  }
0x62: {  	_ =	shalt  }
0x63: {  	_ =	shalt  }
0x64: {  	_ =	shalt  }
0x65: {  	_ =	shalt  }
0x66: {  	_ =	shalt  }
0x67: {  	_ =	shalt  }
0x68: {  	_ =	shalt  }
0x69: {  	_ =	shalt  }
0x6a: {  	_ =	shalt  }
0x6b: {  	_ =	shalt  }
0x6c: {  	_ =	shalt  }
0x6d: {  	_ =	shalt  }
0x6e: {  	_ =	shalt  }
0x6f: {  	_ =	shalt  }
0x70: {  	_ =	shalt  }
0x71: {  	_ =	shalt  }
0x72: {  	_ =	shalt  }
0x73: {  	_ =	shalt  }
0x74: {  	_ =	shalt  }
0x75: {  	_ =	shalt  }
0x76: {  	_ =	shalt  }
0x77: {  	_ =	shalt  }
0x78: {  	_ =	shalt  }
0x79: {  	_ =	shalt  }
0x7a: {  	_ =	shalt  }
0x7b: {  	_ =	shalt  }
0x7c: {  	_ =	shalt  }
0x7d: {  	_ =	shalt  }
0x7e: {  	_ =	shalt  }
0x7f: {  	_ =	shalt  }
0x80: {  	_ =	shalt  }
0x81: {  	_ =	shalt  }
0x82: {  	_ =	shalt  }
0x83: {  	_ =	shalt  }
0x84: {  	_ =	shalt  }
0x85: {  	_ =	shalt  }
0x86: {  	_ =	shalt  }
0x87: {  	_ =	shalt  }
.Lfunc_end0:
.L_simem_size_0:
called_computation.3_lowered:
.L_overlay_start_0:
0x88: {  	s2 =	sld [smem:$0x3FD9]  }
0x89: {  	s3 =	sld [smem:$0x3FFE];
	_ =	sdelay $0x1  }
0x8a: {  	s1 =	srdreg.scid  }
0x8b: {  	s0 =	sand.u32 $0x1, s1  }
0x8c: {  	s16 =	sshll.u32 s0, $0xA;
	s2 =	sadd.s32 s3, s2  }
0x8d: {  	s2 =	sadd.s32 s2, s16  }
0x8e: {  	[smem:$0x3FB2] =	sst s2  }
0x8f: {  	_ = 	snop  }
0x90: {  	(tm) =	ssettm $0x1  }
0x91: {  	s17 =	sld [smem:$0x3FFB];
	_ =	sdelay $0x3  }
0x92: {  	_ =	strace s17  }
0x93: {  	s2 =	sld [smem:$0x3FFC];
	_ =	sdelay $0x3  }
0x94: {  	_ =	strace s2  }
0x95: {  	s2 =	sld [smem:$0x3FFD];
	_ =	sdelay $0x3  }
0x96: {  	_ =	strace s2  }
0x97: {  	_ =	strace $0x8FFFFFFF  }
0x98: {  	s18 =	sld [smem:$0x3FDB];
	_ =	sdelay $0x1  }
0x99: {  	s19 =	simm.s32 $_scs_section_size  }
0x9a: {  	s4 =	simm.s32 $_size__tile_overlayer_lowered;
	s5 =	simm.s32 $_tile_overlayer_lowered  }
0x9b: {  	s22 =	simm.s32 $0x1BFF;
	s21 =	sshll.u32 s5, $0x1;
	s2 =	sadd.s32 s19, s18  }
0x9c: {  	s6 =	simm.s32 $0x0;
	s20 =	sshll.u32 s4, $0x1;
	s4 =	sadd.s32 s21, s2  }
0x9d: {  	[timem:s6], [sflag:s22] =	dma.local [hbm:s4], s20  }
0x9e: {  	_ =	swait.ge [sflag:s22], s20  }
0x9f: {  	s3 =	ssub.s32 $0x0, s20;
	[sflag:s22] =	ssyncset.done $0x0  }
0xa0: {  	[sflag:s22] =	ssyncadd.s32 s3;
	_ =	sdelay $0x1  }
0xa1: {  	s23 =	simm.s32 $0x1B8B  }
0xa2: {  	_ =	swait.ge [sflag:s23], $0x1  }
0xa3: {  	[sflag:s23] =	ssyncset.done $0x0  }
0xa4: {  	s25 =	simm.s32 $0x1B8E;
	s24 =	sld [smem:$0x3FFE];
	[sflag:s23] =	ssyncadd.s32 $0xFFFFFFFF  }
0xa5: {  	s26 =	simm.s32 $execute0_lowered;
	[smem:$0x3FD2] =	sst s25  }
0xa6: {  	s4 =	sshll.u32 s26, $0x1;
	_ =	strace $0x8000004F;
	[dreg:$0x1] =	wrdreg $0xFFFFFFFF  }
0xa7: {  	s28 =	simm.s32 $_size_execute0_lowered;
	s2 =	sadd.s32 s2, s4;
	[dreg:$0x0] =	wrdreg $0x0  }
0xa8: {  	s4 =	sshll.u32 s28, $0x1;
	[dreg:$0x2] =	wrdreg s2  }
0xa9: {  	[dreg:$0x3] =	wrdreg s4  }
0xaa: {  	[dreg:$0x4] =	wrdreg $0xC0  }
0xab: {  	_ =	task [dreg:s6], $0x5FFFF  }
0xac: {  	[dreg:$0x1] =	wrdreg $0xFFFFFFFF  }
0xad: {  	[dreg:$0x0] =	wrdreg $0x60  }
0xae: {  	[dreg:$0x2] =	wrdreg s24  }
0xaf: {  	[dreg:$0x3] =	wrdreg $0x40800  }
0xb0: {  	[dreg:$0x4] =	wrdreg $0x9  }
0xb1: {  	_ =	task.clear_ibuf [dreg:s6], $0x5FFFF;
	_ =	strace $0x9000004F  }
0xb2: {  	s29 =	simm.s32 $0x9;
	_ =	strace $0x80000051  }
0xb3: {  	_ =	swait.ge [sflag:s29], $0x1  }
0xb4: {  	[sflag:s29] =	ssyncadd.s32 $0xFFFFFFFF  }
0xb5: {  	_ =	strace $0x90000051  }
0xb6: {  	_ =	sfence  }
0xb7: {  	s30 =	sld [smem:$0x0];
	_ =	sdelay $0x2  }
0xb8: {  	s31 =	sshll.u32 s1, $0xD;
	s1 =	sshrl.u32 s1, $0x2  }
0xb9: {  	s3 =	sand.u32 $0x4000, s31;
	s1 =	sadd.s32 s1, s30  }
0xba: {  	s0 =	sor.u32 s3, s0;
	s1 =	sshll.u32 s1, $0x11  }
0xbb: {  	s0 =	sor.u32 s1, s0  }
0xbc: {  	s0 =	sadd.s32 $0x8F2B, s0  }
0xbd: {  	[sflag:s0] =	ssyncadd.remote.s32 $0x1  }
0xbe: {  	_ =	sfence.sel $0xFFFF  }
0xbf: {  	[dreg:$0x0] =	wrdreg $0xFFFFFFFF;
	(pc) =	sbr.abs _section_cstart, $3  }
0xc0: {  	[dreg:$0x1] =	wrdreg $0xFFFFFFFF  }
0xc1: {  	_ =	task.clear_ibuf [dreg:s6], $0x2FFFF;
	_ =	strace $0x9FFFFFFF  }
0xc2: {  	(tm) =	ssettm $0x7FFFFFFF  }
0xc3: {  	_ =	shalt  }
tec
execute0_lowered:
.L_overlay_start_1:
0x0: {  	(tag) =	ssettag $0x1  }
0x1: {  	s3 =	rddreg [dreg:$0x0]  }
0x2: {  	s1 =	rddreg [dreg:$0x1]  }
0x3: {  	s0 =	rddreg [dreg:$0x2];
	s2 =	simm.s32 $0x0;
	s17 =	stileid.u32  }
0x4: {  	s4 =	srdreg.scid;
	[smem:$0x7FF] =	sst s2;
	s11 =	sadd.s32 $0x7D5000, s3  }
0x5: {  	s13 =	sadd.s32 $0x6800, s3;
	s18 =	smul.u32 $0x2800, s17;
	s12 =	sadd.s32 $0x36E00, s3  }
0x6: {  	s14 =	sand.u32 $0x1, s4;
	s21 =	smul.u32 $0x50000, s17;
	s10 =	sadd.s32 $0x36A00, s3  }
0x7: {  	s22 =	sshll.u32 s17, $0x6;
	s24 =	sshll.u32 s17, $0x8;
	s31 =	sshll.u32 s17, $0xC  }
0x8: {  	p0 =	sne.s32 s17, $0x0;
	_ =	strace $0x80000050;
	s5 =	smul.u32 $0x28000, s14  }
0x9: {  	s6 =	ssub.s32 $0x2, s14;
	s23 =	sshll.u32 s14, $0x7;
	s14 =	sshll.u32 s14, $0xB  }
0xa: {  	s7 =	sadd.s32 s18, s3;
	s8 =	sshrl.u32 s6, $0x1;
	s4 =	sshrl.u32 s21, $0x2  }
0xb: {  	s25 =	sor.u32 $0x27000, s23;
	s16 =	sor.u32 s23, s24;
	s9 =	sadd.s32 s5, s3  }
0xc: {  	s8 =	ssub.s32 s6, s8;
	s15 =	sadd.s32 s4, s1;
	s3 =	sadd.s32 $0xEA00, s7  }
0xd: {  	s4 =	sor.u32 $0x1C01, s22;
	s26 =	sshrl.u32 s25, $0x3;
	s28 =	sshll.u32 s25, $0x4  }
0xe: {  	s19 =	sshrl.u32 s16, $0x3;
	s21 =	sor.u32 $0x1000, s16;
	s29 =	sshll.u32 s16, $0x4  }
0xf: {  	s16 =	sadd.s32 s31, s11;
	s5 =	sadd.s32 s13, s26;
	s6 =	sadd.s32 s11, s28  }
0x10: {  	s20 =	sadd.s32 $0x80E00, s9;
	s7 =	sadd.s32 s10, s19;
	s8 =	smax.u32 s8, $0x1  }
0x11: {  	s30 =	sshrl.u32 s21, $0x3;
	s9 =	sadd.s32 s12, s29;
	s21 =	sshll.u32 s21, $0x4  }
0x12: {  	s13 =	sadd.s32 s19, s13;
	s10 =	sadd.s32 s10, s30;
	s11 =	sadd.s32 s12, s21  }
0x13: {  	s12 =	sadd.s32 s14, s16;
	s14 =	sshrl.u32 s15, $0x3;
	s15 =	simm.s32 $0x1  }
0x14: {  	s16 =	simm.s32 $0x80;
	s17 =	sadd.s32 s18, s20;
	s18 =	simm.s32 $0x0  }
.LBB2_1:
0x15: {  	[spmem:s14], [sflag:s4] =	dma.local [hbm:s3], $0x2800  }
0x16: {  	_ =	swait.ge [sflag:s15], $0x2800  }
0x17: {  	[sflag:s15] =	ssyncset.done $0x0  }
0x18: {  	[sflag:s15] =	ssyncadd.s32 $0xFFFFD800  }
0x19: {  	s19 =	sadd.s32 $0x0, s13;
	[bflag:$0x0] =	sbarrier.arrive $0xFFFF  }
0x1a: {  	[tilespmem:s2], [sflag:$0x1] =	stream.linear.gather [hbm4b:s19+s2], $0x80, $0x38;
	[tilespmem:$0x18080] =	vst v63  }
0x1b: {  	_ =	swait.ge [sflag:s15], $0x80  }
0x1c: {  	[sflag:s15] =	ssyncset.done $0x0  }
0x1d: {  	[sflag:s15] =	ssyncadd.s32 $0xFFFFFF80  }
0x1e: {  	[tilespmem:s16], [sflag:$0x1] =	stream.linear.gather [hbm4b:s12+s2], $0x4000, $0x38;
	[tilespmem:$0x18080] =	vst v63  }
0x1f: {  	_ =	swait.ge [sflag:s15], $0x4000  }
0x20: {  	[sflag:s15] =	ssyncset.done $0x0  }
0x21: {  	[sflag:s15] =	ssyncadd.s32 $0xFFFFC000  }
0x22: {  	[spmem:s1] =	stream.indirect.scatter.add.f32 [tilespmem:s16], [sflag:$0x1], $0x80, s2, s16, $0xb8;
	[tilespmem:$0x18080] =	vst v63  }
0x23: {  	s20 =	simm.s32 $0x200;
	_ =	swait.ge [sflag:s15], $0x4000  }
0x24: {  	s21 =	simm.s32 $0x400;
	s19 =	sadd.s32 $0x10000, s12;
	[sflag:s15] =	ssyncset.done $0x0  }
.LBB2_2:
0x25: {  	s22 =	sadd.s32 s20, s13  }
0x26: {  	[sflag:s15] =	ssyncadd.s32 $0xFFFFC000;
	s20 =	smov.u32 s21;
	s23 =	sadd.s32 $0x200, s21  }
0x27: {  	[tilespmem:s2], [sflag:$0x1] =	stream.linear.gather [hbm4b:s22+s2], $0x80, $0x38;
	[tilespmem:$0x18080] =	vst v63  }
0x28: {  	p1 =	sne.s32 s21, $0x4C00;
	_ =	swait.ge [sflag:s15], $0x80  }
0x29: {  	[sflag:s15] =	ssyncset.done $0x0  }
0x2a: {  	[sflag:s15] =	ssyncadd.s32 $0xFFFFFF80  }
0x2b: {  	[tilespmem:s16], [sflag:$0x1] =	stream.linear.gather [hbm4b:s19+s2], $0x4000, $0x38;
	[tilespmem:$0x18080] =	vst v63  }
0x2c: {  	_ =	swait.ge [sflag:s15], $0x4000  }
.Ltmp0:
0x2d: {  	[sflag:s15] =	ssyncset.done $0x0;
	(pc) =	sbr.rel @p1 .LBB2_2-.Ltmp0, $4  }
0x2e: {  	[sflag:s15] =	ssyncadd.s32 $0xFFFFC000  }
0x2f: {  	[spmem:s1] =	stream.indirect.scatter.add.f32 [tilespmem:s16], [sflag:$0x1], $0x80, s2, s16, $0xb8;
	[tilespmem:$0x18080] =	vst v63  }
0x30: {  	_ =	swait.ge [sflag:s15], $0x4000  }
0x31: {  	s21 =	smov.u32 s23;
	s19 =	sadd.s32 $0x10000, s19;
	[sflag:s15] =	ssyncset.done $0x0  }
0x32: {  	s20 =	sadd.s32 s20, s13;
	[sflag:s15] =	ssyncadd.s32 $0xFFFFC000  }
0x33: {  	[tilespmem:s2], [sflag:$0x1] =	stream.linear.gather [hbm4b:s20+s2], $0x80, $0x38;
	[tilespmem:$0x18080] =	vst v63  }
0x34: {  	_ =	swait.ge [sflag:s15], $0x80  }
0x35: {  	[sflag:s15] =	ssyncset.done $0x0  }
0x36: {  	[sflag:s15] =	ssyncadd.s32 $0xFFFFFF80  }
0x37: {  	[tilespmem:s16], [sflag:$0x1] =	stream.linear.gather [hbm4b:s19+s2], $0x4000, $0x38;
	[tilespmem:$0x18080] =	vst v63  }
0x38: {  	_ =	swait.ge [sflag:s15], $0x4000  }
0x39: {  	[sflag:s15] =	ssyncset.done $0x0  }
0x3a: {  	[sflag:s15] =	ssyncadd.s32 $0xFFFFC000  }
0x3b: {  	[spmem:s1] =	stream.indirect.scatter.add.f32 [tilespmem:s16], [sflag:$0x1], $0x80, s2, s16, $0xb8;
	[tilespmem:$0x18080] =	vst v63  }
0x3c: {  	_ =	swait.ge [sflag:s15], $0x4000  }
0x3d: {  	[sflag:s15] =	ssyncset.done $0x0  }
0x3e: {  	s20 =	simm.s32 @!p0 $0x1;
	s19 =	simm.s32 @!p0 $0x0;
	[sflag:s15] =	ssyncadd.s32 $0xFFFFC000  }
0x3f: {  	[tilespmem:s19], [sflag:$0x1] =	stream.linear.gather @!p0 [hbm4b:s5+s19], $0x80, $0x38;
	[tilespmem:$0x18080] =	vst v63  }
0x40: {  	_ =	swait.ge @!p0 [sflag:s20], $0x80  }
0x41: {  	[sflag:s20] =	ssyncset.done @!p0 $0x0  }
0x42: {  	s21 =	simm.s32 @!p0 $0x80;
	[sflag:s20] =	ssyncadd.s32 @!p0 $0xFFFFFF80  }
0x43: {  	[tilespmem:s21], [sflag:$0x1] =	stream.linear.gather @!p0 [hbm4b:s6+s19], $0x4000, $0x38;
	[tilespmem:$0x18080] =	vst v63  }
0x44: {  	_ =	swait.ge @!p0 [sflag:s20], $0x4000  }
0x45: {  	[sflag:s20] =	ssyncset.done @!p0 $0x0  }
0x46: {  	[sflag:s20] =	ssyncadd.s32 @!p0 $0xFFFFC000  }
0x47: {  	[spmem:s1] =	stream.indirect.scatter.add.f32 @!p0 [tilespmem:s21], [sflag:$0x1], $0x80, s19, s21, $0xb8;
	[tilespmem:$0x18080] =	vst v63  }
0x48: {  	_ =	swait.ge @!p0 [sflag:s20], $0x4000  }
0x49: {  	[sflag:s20] =	ssyncset.done @!p0 $0x0  }
0x4a: {  	[sflag:s20] =	ssyncadd.s32 @!p0 $0xFFFFC000  }
0x4b: {  	[tilespmem:s2], [sflag:$0x1] =	stream.linear.gather [hbm4b:s7+s2], $0x80, $0x38;
	[tilespmem:$0x18080] =	vst v63  }
0x4c: {  	_ =	swait.ge [sflag:s15], $0x80  }
0x4d: {  	[sflag:s15] =	ssyncset.done $0x0  }
0x4e: {  	[sflag:s15] =	ssyncadd.s32 $0xFFFFFF80  }
0x4f: {  	[tilespmem:s16], [sflag:$0x1] =	stream.linear.gather [hbm4b:s9+s2], $0x4000, $0x38;
	[tilespmem:$0x18080] =	vst v63  }
0x50: {  	_ =	swait.ge [sflag:s15], $0x4000  }
0x51: {  	[sflag:s15] =	ssyncset.done $0x0  }
0x52: {  	[sflag:s15] =	ssyncadd.s32 $0xFFFFC000  }
0x53: {  	[spmem:s1] =	stream.indirect.scatter.add.f32 [tilespmem:s16], [sflag:$0x1], $0x80, s2, s16, $0xb8;
	[tilespmem:$0x18080] =	vst v63  }
0x54: {  	_ =	swait.ge [sflag:s15], $0x4000  }
0x55: {  	[sflag:s15] =	ssyncset.done $0x0  }
0x56: {  	[sflag:s15] =	ssyncadd.s32 $0xFFFFC000  }
0x57: {  	[tilespmem:s2], [sflag:$0x1] =	stream.linear.gather [hbm4b:s10+s2], $0x80, $0x38;
	[tilespmem:$0x18080] =	vst v63  }
0x58: {  	_ =	swait.ge [sflag:s15], $0x80  }
0x59: {  	[sflag:s15] =	ssyncset.done $0x0  }
0x5a: {  	[sflag:s15] =	ssyncadd.s32 $0xFFFFFF80  }
0x5b: {  	[tilespmem:s16], [sflag:$0x1] =	stream.linear.gather [hbm4b:s11+s2], $0x4000, $0x38;
	[tilespmem:$0x18080] =	vst v63  }
0x5c: {  	_ =	swait.ge [sflag:s15], $0x4000  }
0x5d: {  	[sflag:s15] =	ssyncset.done $0x0  }
0x5e: {  	[sflag:s15] =	ssyncadd.s32 $0xFFFFC000  }
0x5f: {  	[spmem:s1] =	stream.indirect.scatter.add.f32 [tilespmem:s16], [sflag:$0x1], $0x80, s2, s16, $0xb8;
	[tilespmem:$0x18080] =	vst v63  }
0x60: {  	_ =	swait.ge [sflag:s15], $0x4000  }
0x61: {  	s18 =	sadd.s32 $0x1, s18;
	[sflag:s15] =	ssyncset.done $0x0  }
0x62: {  	p1 =	sne.s32 s18, s8;
	[sflag:s15] =	ssyncadd.s32 $0xFFFFC000  }
.Ltmp1:
0x63: {  	[bflag:$0x0] =	sbarrier.arrive $0xFFFF;
	(pc) =	sbr.rel @p1 .LBB2_1-.Ltmp1, $4  }
0x64: {  	[hbm:s17], [sflag:s4] =	dma.local [spmem:s14], $0x2800  }
0x65: {  	_ =	swait.ge [sflag:s15], $0x2800  }
0x66: {  	[sflag:s15] =	ssyncset.done $0x0  }
0x67: {  	[sflag:s15] =	ssyncadd.s32 $0xFFFFD800  }
0x68: {  	_ =	sfence.sel $0x180000  }
0x69: {  	[bflag:$0x0] =	sbarrier.arrive $0xFFFF  }
0x6a: {  	_ =	strace $0x90000050  }
0x6b: {  	s0 =	sadd.s32 @!p0 $0x100000, s0;
	[bflag:$0x2] =	sbarrier.arrive $0xFFFF  }
0x6c: {  	[sflag:s0] =	ssyncadd.tile.s32 @!p0 $0x1;
	_ =	shalt  }
.Lfunc_end2:
_tile_overlayer_lowered:
.L_overlay_start_2:
0x6d: {  	(tag) =	ssettag $0x2  }
0x6e: {  	s0 =	rddreg [dreg:$0x0];
	s2 =	stileid.u32  }
0x6f: {  	s1 =	rddreg [dreg:$0x1];
	p0 =	sne.s32 s2, $0x0  }
0x70: {  	s3 =	rddreg [dreg:$0x2];
	[bflag:$0x3] =	sbarrier.arrive $0xFFFF;
	s2 =	simm.s32 @!p0 $0x1C01  }
0x71: {  	[timem:s3], [sflag:s2] =	dma.local @!p0 [hbm:s0], s1  }
0x72: {  	s0 =	simm.s32 @!p0 $0x1  }
0x73: {  	_ =	swait.ge @!p0 [sflag:s0], s1  }
0x74: {  	s1 =	ssub.s32 @!p0 $0x0, s1;
	[sflag:s0] =	ssyncset.done @!p0 $0x0  }
0x75: {  	[sflag:s0] =	ssyncadd.s32 @!p0 s1  }
0x76: {  	[bflag:$0x3] =	sbarrier.arrive $0xFFFF  }
0x77: {  	_ =	shalt  }

</sc_bundles>
